<compile_context>
chip_gen: v7x
topology: tpu7x:2x2x1
jax: 0.10.2.dev20260603
libtpu: 0.0.44.dev20260713+nightly
codegen_flags: <defaults>
</compile_context>

<pallas_src>
import functools

import jax
import jax.numpy as jnp
from jax import lax
from jax.experimental import pallas as pl
from jax.experimental.pallas import tpu as pltpu
from jax.experimental.pallas import tpu_sc as plsc

N = 10000
NPAD = 10240
D = 128
E = 320000
G = 64

NT = 16
K = 128
EPT = E // NT
CH = 2 * (-(-EPT // (2 * K)))
EPTP = CH * K
RPT = NPAD // NT
DW = 16

BLK = 256
NB = NPAD // BLK

_mesh = plsc.VectorSubcoreMesh(core_axis_name="c", subcore_axis_name="s")
_F32 = jnp.float32
_HI = jax.lax.Precision.HIGHEST



@functools.partial(
    pl.kernel,
    out_type=(jax.ShapeDtypeStruct((NPAD, DW), _F32),
              jax.ShapeDtypeStruct((NPAD, DW), _F32)),
    scratch_types=[
        pltpu.VMEM((K,), jnp.int32),
        pltpu.VMEM((K, DW), _F32),
        pltpu.VMEM_SHARED((NPAD, DW), _F32),
    ],
    mesh=_mesh,
)
def _sc_degrees(rowp_h, colp_h, dout_h, din_h, idx_v, ones_v, acc):
    c = lax.axis_index("c")
    s = lax.axis_index("s")

    def direction(src_h, out_h):
        def zfill(j, _):
            ones_v[j, :] = jnp.zeros((DW,), _F32)
            return 0
        lax.fori_loop(0, K, zfill, 0)

        def zacc(i, _):
            pltpu.sync_copy(ones_v, acc.at[pl.ds(s * RPT + i * K, K)])
            return 0
        lax.fori_loop(0, RPT // K, zacc, 0)

        def ofill(j, _):
            ones_v[j, :] = jnp.ones((DW,), _F32)
            return 0
        lax.fori_loop(0, K, ofill, 0)

        plsc.subcore_barrier()

        def step(i, _):
            pltpu.sync_copy(src_h.at[s, i], idx_v)
            pltpu.sync_copy(ones_v, acc.at[idx_v], add=True)
            return 0
        lax.fori_loop(0, CH, step, 0)

        plsc.subcore_barrier()
        pltpu.sync_copy(acc.at[pl.ds(s * RPT, RPT)], out_h.at[pl.ds(s * RPT, RPT)])

    @pl.when(c == 0)
    def _():
        direction(rowp_h, dout_h)

    @pl.when(c == 1)
    def _():
        direction(colp_h, din_h)


@functools.partial(
    pl.kernel,
    out_type=(jax.ShapeDtypeStruct((NPAD, D), _F32),
              jax.ShapeDtypeStruct((NPAD, D), _F32)),
    scratch_types=[
        pltpu.VMEM((K,), jnp.int32),
        pltpu.VMEM((K,), jnp.int32),
        pltpu.VMEM((K,), jnp.int32),
        pltpu.VMEM((K,), jnp.int32),
        pltpu.VMEM((K, D), _F32),
        pltpu.VMEM((K, D), _F32),
        pltpu.VMEM_SHARED((NPAD, D), _F32),
        pltpu.SemaphoreType.DMA,
        pltpu.SemaphoreType.DMA,
        pltpu.SemaphoreType.DMA,
        pltpu.SemaphoreType.DMA,
    ],
    mesh=_mesh,
)
def _sc_spmm(u_h, v_h, rowp_h, colp_h, su_h, stv_h, g0, g1, s0, s1,
             rows0, rows1, acc, smg0, smg1, smi0, smi1):
    c = lax.axis_index("c")
    s = lax.axis_index("s")

    def direction(src_h, gidx_h, sidx_h, out_h):
        def widx(buf, sem):
            pltpu.make_async_copy(gidx_h.at[s, 0], buf, sem).wait()

        def zfill(i, _):
            for l in range(8):
                rows0[i, pl.ds(l * 16, 16)] = jnp.zeros((16,), _F32)
            return 0
        lax.fori_loop(0, K, zfill, 0)

        def zacc(i, _):
            pltpu.sync_copy(rows0, acc.at[pl.ds(s * RPT + i * K, K)])
            return 0
        lax.fori_loop(0, RPT // K, zacc, 0)

        plsc.subcore_barrier()

        pltpu.sync_copy(gidx_h.at[s, 0], g0)
        pltpu.sync_copy(sidx_h.at[s, 0], s0)
        pltpu.async_copy(src_h.at[g0], rows0, smg0)
        pltpu.async_copy(gidx_h.at[s, 1], g1, smi1)
        pltpu.async_copy(sidx_h.at[s, 1], s1, smi1)

        def step(j, _):
            i0 = 2 * j
            widx(g1, smi1)
            widx(s1, smi1)
            h1 = pltpu.async_copy(src_h.at[g1], rows1, smg1)
            pltpu.make_async_copy(src_h.at[pl.ds(0, K)], rows0, smg0).wait()
            pltpu.sync_copy(rows0, acc.at[s0], add=True)

            @pl.when(i0 + 2 < CH)
            def _():
                pltpu.async_copy(gidx_h.at[s, i0 + 2], g0, smi0)
                pltpu.async_copy(sidx_h.at[s, i0 + 2], s0, smi0)
                widx(g0, smi0)
                widx(s0, smi0)
                pltpu.async_copy(src_h.at[g0], rows0, smg0)

            h1.wait()
            pltpu.sync_copy(rows1, acc.at[s1], add=True)

            @pl.when(i0 + 3 < CH)
            def _():
                pltpu.async_copy(gidx_h.at[s, i0 + 3], g1, smi1)
                pltpu.async_copy(sidx_h.at[s, i0 + 3], s1, smi1)
            return 0
        lax.fori_loop(0, CH // 2, step, 0)

        plsc.subcore_barrier()
        pltpu.sync_copy(acc.at[pl.ds(s * RPT, RPT)], out_h.at[pl.ds(s * RPT, RPT)])

    @pl.when(c == 0)
    def _():
        direction(u_h, colp_h, rowp_h, su_h)

    @pl.when(c == 1)
    def _():
        direction(v_h, rowp_h, colp_h, stv_h)



def _prep_body(x_ref, do_ref, di_ref, u_ref, v_ref, io_ref, ii_ref):
    d_o = do_ref[:, 0:1]
    d_i = di_ref[:, 0:1]
    io = jnp.where(d_o > 0, lax.rsqrt(d_o), 0.0)
    ii = jnp.where(d_i > 0, lax.rsqrt(d_i), 0.0)
    xb = x_ref[...]
    u_ref[...] = ii * xb
    v_ref[...] = io * xb
    io_ref[...] = jnp.broadcast_to(io, (BLK, DW))
    ii_ref[...] = jnp.broadcast_to(ii, (BLK, DW))


def _tc_prep(x_p, dout, din):
    bs_d = pl.BlockSpec((BLK, D), lambda i: (i, 0))
    bs_w = pl.BlockSpec((BLK, DW), lambda i: (i, 0))
    return pl.pallas_call(
        _prep_body,
        grid=(NB,),
        in_specs=[bs_d, bs_w, bs_w],
        out_specs=[bs_d, bs_d, bs_w, bs_w],
        out_shape=[jax.ShapeDtypeStruct((NPAD, D), _F32),
                   jax.ShapeDtypeStruct((NPAD, D), _F32),
                   jax.ShapeDtypeStruct((NPAD, DW), _F32),
                   jax.ShapeDtypeStruct((NPAD, DW), _F32)],
    )(x_p, dout, din)


def _combine_h(su_ref, st_ref, io_ref, ii_ref, ws_ref, bs_ref, wd_ref, bd_ref):
    io = io_ref[:, 0:1]
    ii = ii_ref[:, 0:1]
    a = io * su_ref[...]
    b = ii * st_ref[...]
    h = 0.5 * (jnp.dot(a, ws_ref[...], precision=_HI, preferred_element_type=_F32)
               + bs_ref[0:1, :])
    h += 0.5 * (jnp.dot(b, wd_ref[...], precision=_HI, preferred_element_type=_F32)
                + bd_ref[0:1, :])
    return jnp.maximum(h, 0.0)


def _combine_body(su_ref, st_ref, io_ref, ii_ref, ws_ref, bs_ref, wd_ref, bd_ref,
                  u_ref, v_ref):
    h = _combine_h(su_ref, st_ref, io_ref, ii_ref, ws_ref, bs_ref, wd_ref, bd_ref)
    u_ref[...] = ii_ref[:, 0:1] * h
    v_ref[...] = io_ref[:, 0:1] * h


def _tc_combine(su, stv, io16, ii16, Ws, bsb, Wd, bdb):
    bs_d = pl.BlockSpec((BLK, D), lambda i: (i, 0))
    bs_w = pl.BlockSpec((BLK, DW), lambda i: (i, 0))
    bs_m = pl.BlockSpec((D, D), lambda i: (0, 0))
    bs_b = pl.BlockSpec((8, D), lambda i: (0, 0))
    return pl.pallas_call(
        _combine_body,
        grid=(NB,),
        in_specs=[bs_d, bs_d, bs_w, bs_w, bs_m, bs_b, bs_m, bs_b],
        out_specs=[bs_d, bs_d],
        out_shape=[jax.ShapeDtypeStruct((NPAD, D), _F32),
                   jax.ShapeDtypeStruct((NPAD, D), _F32)],
    )(su, stv, io16, ii16, Ws, bsb, Wd, bdb)


def _final_body(su_ref, st_ref, io_ref, ii_ref, ws_ref, bs_ref, wd_ref, bd_ref,
                batch_ref, wl1_ref, bl1_ref, wl2_ref, bl2_ref, out_ref, pool_scr):
    i = pl.program_id(0)

    @pl.when(i == 0)
    def _():
        pool_scr[...] = jnp.full((G, D), -jnp.inf, _F32)

    h = _combine_h(su_ref, st_ref, io_ref, ii_ref, ws_ref, bs_ref, wd_ref, bd_ref)
    b = batch_ref[:, 0:1]

    for g in range(G):
        m = (b == g)
        red = jnp.max(jnp.where(m, h, -jnp.inf), axis=0, keepdims=True)
        pool_scr[g:g + 1, :] = jnp.maximum(pool_scr[g:g + 1, :], red)

    @pl.when(i == NB - 1)
    def _():
        p = pool_scr[...]
        o1 = jnp.maximum(
            jnp.dot(p, wl1_ref[...], precision=_HI, preferred_element_type=_F32)
            + bl1_ref[0:1, :], 0.0)
        out_ref[...] = (jnp.dot(o1, wl2_ref[...], precision=_HI,
                                preferred_element_type=_F32) + bl2_ref[0:1, :])


def _tc_final(su, stv, io16, ii16, Ws, bsb, Wd, bdb, batch3, Wl1p, bl1b, Wl2p, bl2b):
    bs_d = pl.BlockSpec((BLK, D), lambda i: (i, 0))
    bs_w = pl.BlockSpec((BLK, DW), lambda i: (i, 0))
    bs_m = pl.BlockSpec((D, D), lambda i: (0, 0))
    bs_b = pl.BlockSpec((8, D), lambda i: (0, 0))
    bs_i = pl.BlockSpec((BLK, DW), lambda i: (i, 0))
    return pl.pallas_call(
        _final_body,
        grid=(NB,),
        in_specs=[bs_d, bs_d, bs_w, bs_w, bs_m, bs_b, bs_m, bs_b,
                  bs_i, bs_m, bs_b, bs_m, bs_b],
        out_specs=pl.BlockSpec((G, D), lambda i: (0, 0)),
        out_shape=jax.ShapeDtypeStruct((G, D), _F32),
        scratch_shapes=[pltpu.VMEM((G, D), _F32)],
    )(su, stv, io16, ii16, Ws, bsb, Wd, bdb, batch3, Wl1p, bl1b, Wl2p, bl2b)



def kernel(x, edge_index, batch, W1s, b1s, W1d, b1d, W2s, b2s, W2d, b2d,
           W3s, b3s, W3d, b3d, Wl1, bl1, Wl2, bl2):
    row, col = edge_index[0], edge_index[1]

    pad = jnp.full((NT, EPTP - EPT), NPAD - 1, jnp.int32)
    rowp = jnp.concatenate([row.reshape(NT, EPT), pad], axis=1).reshape(NT, CH, K)
    colp = jnp.concatenate([col.reshape(NT, EPT), pad], axis=1).reshape(NT, CH, K)

    x_p = jnp.pad(x, ((0, NPAD - N), (0, 0)))
    batch3 = jnp.broadcast_to(
        jnp.pad(batch, (0, NPAD - N), constant_values=G)[:, None], (NPAD, DW))

    bcast8 = lambda vec: jnp.broadcast_to(
        jnp.pad(vec, (0, D - vec.shape[0]))[None, :], (8, D))
    b1sb, b1db = bcast8(b1s), bcast8(b1d)
    b2sb, b2db = bcast8(b2s), bcast8(b2d)
    b3sb, b3db = bcast8(b3s), bcast8(b3d)
    Wl1p = jnp.zeros((D, D), _F32).at[:, :Wl1.shape[1]].set(Wl1)
    Wl2p = jnp.zeros((D, D), _F32).at[:Wl2.shape[0], :Wl2.shape[1]].set(Wl2)
    bl1b, bl2b = bcast8(bl1), bcast8(bl2)

    dout, din = _sc_degrees(rowp, colp)
    u, v, io16, ii16 = _tc_prep(x_p, dout, din)

    su, stv = _sc_spmm(u, v, rowp, colp)
    u, v = _tc_combine(su, stv, io16, ii16, W1s, b1sb, W1d, b1db)

    su, stv = _sc_spmm(u, v, rowp, colp)
    u, v = _tc_combine(su, stv, io16, ii16, W2s, b2sb, W2d, b2db)

    su, stv = _sc_spmm(u, v, rowp, colp)
    out128 = _tc_final(su, stv, io16, ii16, W3s, b3sb, W3d, b3db,
                       batch3, Wl1p, bl1b, Wl2p, bl2b)

    return out128[:, :1]

# --- scband reference (transcript-rebuilt; emitter-appended) ---
"""Pipeline reference for scband-gnn-33285996544495 (READ-ONLY COPY).

The authoritative reference and input builder live on the scoring server;
editing this copy changes nothing except your own understanding.
"""

import jax, jax.numpy as jnp
import numpy as np

N = 10000
E = 320000
D = 128
H = 128
G = 64


def _lin_init(key, fan_in, fan_out):
    k1, k2 = jax.random.split(key)
    bound = 1.0 / np.sqrt(fan_in)
    W = jax.random.uniform(k1, (fan_in, fan_out), minval=-bound, maxval=bound, dtype=jnp.float32)
    b = jax.random.uniform(k2, (fan_out,), minval=-bound, maxval=bound, dtype=jnp.float32)
    return W, b


def setup_inputs(seed: int = 0):
    key = jax.random.key(seed)
    ks = jax.random.split(key, 12)
    x = jax.random.normal(ks[0], (N, D), dtype=jnp.float32)
    edge_index = jax.random.randint(ks[1], (2, E), 0, N, dtype=jnp.int32)
    batch = jnp.sort(jax.random.randint(ks[2], (N,), 0, G, dtype=jnp.int32))
    W1s, b1s = _lin_init(ks[3], D, H)
    W1d, b1d = _lin_init(ks[4], D, H)
    W2s, b2s = _lin_init(ks[5], H, H)
    W2d, b2d = _lin_init(ks[6], H, H)
    W3s, b3s = _lin_init(ks[7], H, H)
    W3d, b3d = _lin_init(ks[8], H, H)
    Wl1, bl1 = _lin_init(ks[9], H, 5)
    Wl2, bl2 = _lin_init(ks[10], 5, 1)
    return {"x": x, "edge_index": edge_index, "batch": batch,
            "W1s": W1s, "b1s": b1s, "W1d": W1d, "b1d": b1d,
            "W2s": W2s, "b2s": b2s, "W2d": W2d, "b2d": b2d,
            "W3s": W3s, "b3s": b3s, "W3d": W3d, "b3d": b3d,
            "Wl1": Wl1, "bl1": bl1, "Wl2": Wl2, "bl2": bl2}


def _edge_weights(row, col, n):
    ones = jnp.ones(row.shape[0], dtype=jnp.float32)
    deg_out = jax.ops.segment_sum(ones, row, num_segments=n)
    deg_in = jax.ops.segment_sum(ones, col, num_segments=n)
    inv_out = jnp.where(deg_out > 0, deg_out ** -0.5, 0.0)
    inv_in = jnp.where(deg_in > 0, deg_in ** -0.5, 0.0)
    return inv_out[row] * inv_in[col]


def _dir_conv(x, row, col, w, Ws, bs, Wd, bd, alpha=0.5):
    n = x.shape[0]
    # adj_norm @ x : message x[col] -> row, weighted by dir norm
    agg_s = jax.ops.segment_sum(w[:, None] * x[col], row, num_segments=n)
    # adj_t_norm @ x : message x[row] -> col (transposed adjacency, same dir-norm weights)
    agg_t = jax.ops.segment_sum(w[:, None] * x[row], col, num_segments=n)
    return alpha * (agg_s @ Ws + bs) + (1.0 - alpha) * (agg_t @ Wd + bd)


def reference(x, edge_index, batch, W1s, b1s, W1d, b1d, W2s, b2s, W2d, b2d, W3s, b3s, W3d, b3d, Wl1, bl1, Wl2, bl2):
    row, col = edge_index[0], edge_index[1]
    w = _edge_weights(row, col, x.shape[0])
    h = jax.nn.relu(_dir_conv(x, row, col, w, W1s, b1s, W1d, b1d))
    h = jax.nn.relu(_dir_conv(h, row, col, w, W2s, b2s, W2d, b2d))
    h = jax.nn.relu(_dir_conv(h, row, col, w, W3s, b3s, W3d, b3d))
    pooled = jax.ops.segment_max(h, batch, num_segments=G)
    out = jax.nn.relu(pooled @ Wl1 + bl1)
    out = out @ Wl2 + bl2
    return out

if __name__ == "__main__":
    import jax
    _d = setup_inputs()
    print(jax.jit(kernel)(*tuple(_d.values())))

</pallas_src>

<mosaic_0001>
#map = affine_map<(d0, d1) -> (0, 0, 0)>
#map1 = affine_map<(d0, d1) -> (0, 0)>
module attributes {stable_mosaic.version = 14 : i64} {
  func.func @_sc_degrees(%arg0: i32, %arg1: i32, %arg2: memref<16x158x128xi32, #tpu.memory_space<hbm>>, %arg3: memref<16x158x128xi32, #tpu.memory_space<hbm>>, %arg4: memref<10240x16xf32, #tpu.memory_space<hbm>>, %arg5: memref<10240x16xf32, #tpu.memory_space<hbm>>, %arg6: memref<128xi32, #tpu.memory_space<vmem>>, %arg7: memref<128x16xf32, #tpu.memory_space<vmem>>, %arg8: memref<10240x16xf32, #tpu.memory_space<vmem_shared>>) attributes {dimension_semantics = [#tpu.dimension_semantics<core_parallel>, #tpu.dimension_semantics<subcore_parallel>], iteration_bounds = array<i64: 2, 16>, scalar_prefetch = 0 : i64, scratch_operands = 3 : i64, tpu.core_type = #tpu.core_type<sc_vector_subcore>, window_params = [{transform_indices = #map}, {transform_indices = #map}, {transform_indices = #map1}, {transform_indices = #map1}]} {
    %eq3A = arith.constant 0 : i32
    %eq3A_0 = arith.cmpi eq, %arg0, %eq3A : i32
    %convert_element_type3A = arith.extui %eq3A_0 : i1 to i32
    %cond3A = arith.constant 0 : i32
    %cond3A_1 = arith.cmpi ne, %convert_element_type3A, %cond3A : i32
    scf.if %cond3A_1 {
      %scan3A = arith.constant 0 : i32
      %scan3A_7 = arith.constant 0 : i32
      %scan3A_8 = arith.constant 128 : i32
      %scan3A_9 = arith.addi %scan3A_7, %scan3A_8 : i32
      %scan3A_10 = arith.constant 1 : i32
      %scan3A_11 = scf.for %scan3A_38 = %scan3A_7 to %scan3A_9 step %scan3A_10 iter_args(%scan3A_39 = %scan3A) -> (i32)  : i32 {
        %broadcast_in_dim3A = arith.constant 0.000000e+00 : f32
        %broadcast_in_dim3A_40 = vector.broadcast %broadcast_in_dim3A : f32 to vector<16xf32>
        %swap3A = arith.index_cast %scan3A_38 : i32 to index
        %swap3A_41 = arith.constant 0 : index
        %swap3A_42 = tpu.vector_load %arg7[%swap3A, %swap3A_41] {strides = array<i32>} : memref<128x16xf32, #tpu.memory_space<vmem>>, vector<1x16xf32>,
        %swap3A_43 = vector.shape_cast %swap3A_42 : vector<1x16xf32> to vector<16xf32>
        %swap3A_44 = vector.shape_cast %broadcast_in_dim3A_40 : vector<16xf32> to vector<1x16xf32>
        tpu.vector_store %arg7[%swap3A, %swap3A_41], %swap3A_44 {strides = array<i32>} : memref<128x16xf32, #tpu.memory_space<vmem>>, vector<1x16xf32>,
        %scan3A_45 = arith.constant 0 : i32
        scf.yield %scan3A_45 : i32
      }
      %scan3A_12 = arith.constant 128 : i32
      %scan3A_13 = arith.constant 0 : i32
      %scan3A_14 = arith.constant 0 : i32
      %scan3A_15 = arith.constant 5 : i32
      %scan3A_16 = arith.addi %scan3A_14, %scan3A_15 : i32
      %scan3A_17 = arith.constant 1 : i32
      %scan3A_18 = scf.for %scan3A_38 = %scan3A_14 to %scan3A_16 step %scan3A_17 iter_args(%scan3A_39 = %scan3A_13) -> (i32)  : i32 {
        %mul3A_40 = arith.constant 640 : i32
        %mul3A_41 = arith.muli %arg1, %mul3A_40 : i32
        %mul3A_42 = arith.constant 128 : i32
        %mul3A_43 = arith.muli %scan3A_38, %mul3A_42 : i32
        %add3A = arith.addi %mul3A_41, %mul3A_43 : i32
        "tpu.region"() ({
          %run_scoped3A = tpu.sem_alloc : memref<!tpu.dma_semaphore, #tpu.memory_space<semaphore_mem>>
          %dma_start3A = arith.constant 0 : i32
          %dma_start3A_45 = tpu.memref_slice %arg8[%add3A, %dma_start3A] : memref<10240x16xf32, #tpu.memory_space<vmem_shared>> -> memref<128x16xf32, #tpu.memory_space<vmem_shared>>
          %dma_start3A_46 = arith.constant 0 : i32
          %dma_start3A_47 = tpu.memref_slice %arg8[%add3A, %dma_start3A_46] : memref<10240x16xf32, #tpu.memory_space<vmem_shared>> -> memref<128x16xf32, #tpu.memory_space<vmem_shared>>
          tpu.enqueue_dma source(%arg7 : memref<128x16xf32, #tpu.memory_space<vmem>>) target(%dma_start3A_47 : memref<128x16xf32, #tpu.memory_space<vmem_shared>>) target_semaphore(%run_scoped3A : memref<!tpu.dma_semaphore, #tpu.memory_space<semaphore_mem>>)
          %dma_wait3A = arith.constant 0 : i32
          %dma_wait3A_48 = tpu.memref_slice %arg8[%add3A, %dma_wait3A] : memref<10240x16xf32, #tpu.memory_space<vmem_shared>> -> memref<128x16xf32, #tpu.memory_space<vmem_shared>>
          %dma_wait3A_49 = arith.constant 0 : i32
          %dma_wait3A_50 = tpu.memref_slice %arg8[%add3A, %dma_wait3A_49] : memref<10240x16xf32, #tpu.memory_space<vmem_shared>> -> memref<128x16xf32, #tpu.memory_space<vmem_shared>>
          tpu.wait_dma2 semaphore(%run_scoped3A : memref<!tpu.dma_semaphore, #tpu.memory_space<semaphore_mem>>) src(%arg7 : memref<128x16xf32, #tpu.memory_space<vmem>>) dst(%dma_wait3A_50 : memref<128x16xf32, #tpu.memory_space<vmem_shared>>)
          tpu.yield
        }) : () -> ()
        %scan3A_44 = arith.constant 0 : i32
        scf.yield %scan3A_44 : i32
      }
      %scan3A_19 = arith.constant 5 : i32
      %scan3A_20 = arith.constant 0 : i32
      %scan3A_21 = arith.constant 0 : i32
      %scan3A_22 = arith.constant 128 : i32
      %scan3A_23 = arith.addi %scan3A_21, %scan3A_22 : i32
      %scan3A_24 = arith.constant 1 : i32
      %scan3A_25 = scf.for %scan3A_38 = %scan3A_21 to %scan3A_23 step %scan3A_24 iter_args(%scan3A_39 = %scan3A_20) -> (i32)  : i32 {
        %broadcast_in_dim3A = arith.constant 1.000000e+00 : f32
        %broadcast_in_dim3A_40 = vector.broadcast %broadcast_in_dim3A : f32 to vector<16xf32>
        %swap3A = arith.index_cast %scan3A_38 : i32 to index
        %swap3A_41 = arith.constant 0 : index
        %swap3A_42 = tpu.vector_load %arg7[%swap3A, %swap3A_41] {strides = array<i32>} : memref<128x16xf32, #tpu.memory_space<vmem>>, vector<1x16xf32>,
        %swap3A_43 = vector.shape_cast %swap3A_42 : vector<1x16xf32> to vector<16xf32>
        %swap3A_44 = vector.shape_cast %broadcast_in_dim3A_40 : vector<16xf32> to vector<1x16xf32>
        tpu.vector_store %arg7[%swap3A, %swap3A_41], %swap3A_44 {strides = array<i32>} : memref<128x16xf32, #tpu.memory_space<vmem>>, vector<1x16xf32>,
        %scan3A_45 = arith.constant 0 : i32
        scf.yield %scan3A_45 : i32
      }
      %scan3A_26 = arith.constant 128 : i32
      %barrier3A = arith.constant 0 : index
      tpu.barrier barrier_id(%barrier3A)
      %scan3A_27 = arith.constant 0 : i32
      %scan3A_28 = arith.constant 0 : i32
      %scan3A_29 = arith.constant 158 : i32
      %scan3A_30 = arith.addi %scan3A_28, %scan3A_29 : i32
      %scan3A_31 = arith.constant 1 : i32
      %scan3A_32 = scf.for %scan3A_38 = %scan3A_28 to %scan3A_30 step %scan3A_31 iter_args(%scan3A_39 = %scan3A_27) -> (i32)  : i32 {
        "tpu.region"() ({
          %run_scoped3A = tpu.sem_alloc : memref<!tpu.dma_semaphore, #tpu.memory_space<semaphore_mem>>
          %dma_start3A = arith.constant 0 : i32
          %dma_start3A_41 = tpu.memref_slice %arg2[%arg1, %scan3A_38, %dma_start3A] : memref<16x158x128xi32, #tpu.memory_space<hbm>> -> memref<1x1x128xi32, #tpu.memory_space<hbm>>
          %dma_start3A_42 = tpu.memref_squeeze %dma_start3A_41 : memref<1x1x128xi32, #tpu.memory_space<hbm>> -> memref<128xi32, #tpu.memory_space<hbm>>
          %dma_start3A_43 = arith.constant 0 : i32
          %dma_start3A_44 = tpu.memref_slice %arg2[%arg1, %scan3A_38, %dma_start3A_43] : memref<16x158x128xi32, #tpu.memory_space<hbm>> -> memref<1x1x128xi32, #tpu.memory_space<hbm>>
          %dma_start3A_45 = tpu.memref_squeeze %dma_start3A_44 : memref<1x1x128xi32, #tpu.memory_space<hbm>> -> memref<128xi32, #tpu.memory_space<hbm>>
          tpu.enqueue_dma source(%dma_start3A_45 : memref<128xi32, #tpu.memory_space<hbm>>) target(%arg6 : memref<128xi32, #tpu.memory_space<vmem>>) target_semaphore(%run_scoped3A : memref<!tpu.dma_semaphore, #tpu.memory_space<semaphore_mem>>)
          %dma_wait3A = arith.constant 0 : i32
          %dma_wait3A_46 = tpu.memref_slice %arg2[%arg1, %scan3A_38, %dma_wait3A] : memref<16x158x128xi32, #tpu.memory_space<hbm>> -> memref<1x1x128xi32, #tpu.memory_space<hbm>>
          %dma_wait3A_47 = tpu.memref_squeeze %dma_wait3A_46 : memref<1x1x128xi32, #tpu.memory_space<hbm>> -> memref<128xi32, #tpu.memory_space<hbm>>
          %dma_wait3A_48 = arith.constant 0 : i32
          %dma_wait3A_49 = tpu.memref_slice %arg2[%arg1, %scan3A_38, %dma_wait3A_48] : memref<16x158x128xi32, #tpu.memory_space<hbm>> -> memref<1x1x128xi32, #tpu.memory_space<hbm>>
          %dma_wait3A_50 = tpu.memref_squeeze %dma_wait3A_49 : memref<1x1x128xi32, #tpu.memory_space<hbm>> -> memref<128xi32, #tpu.memory_space<hbm>>
          tpu.wait_dma2 semaphore(%run_scoped3A : memref<!tpu.dma_semaphore, #tpu.memory_space<semaphore_mem>>) src(%dma_wait3A_50 : memref<128xi32, #tpu.memory_space<hbm>>) dst(%arg6 : memref<128xi32, #tpu.memory_space<vmem>>)
          tpu.yield
        }) : () -> ()
        "tpu.region"() ({
          %run_scoped3A = tpu.sem_alloc : memref<!tpu.dma_semaphore, #tpu.memory_space<semaphore_mem>>
          %dma_start3A = arith.constant 0 : i32
          %dma_start3A_41 = arith.constant 0 : i32
          %dma_start3A_42 = tpu.memref_slice %arg8[%dma_start3A, %dma_start3A_41] : memref<10240x16xf32, #tpu.memory_space<vmem_shared>> -> memref<10240x16xf32, #tpu.memory_space<vmem_shared>>
          tpu.enqueue_indirect_dma source(%arg7 : memref<128x16xf32, #tpu.memory_space<vmem>>) target(%dma_start3A_42 : memref<10240x16xf32, #tpu.memory_space<vmem_shared>>) offsets(%arg6 : memref<128xi32, #tpu.memory_space<vmem>>) semaphore(%run_scoped3A : memref<!tpu.dma_semaphore, #tpu.memory_space<semaphore_mem>>) {add = true}
          %dma_wait3A = arith.constant 0 : i32
          %dma_wait3A_43 = arith.constant 0 : i32
          %dma_wait3A_44 = tpu.memref_slice %arg8[%dma_wait3A, %dma_wait3A_43] : memref<10240x16xf32, #tpu.memory_space<vmem_shared>> -> memref<10240x16xf32, #tpu.memory_space<vmem_shared>>
          tpu.wait_indirect_dma semaphore(%run_scoped3A : memref<!tpu.dma_semaphore, #tpu.memory_space<semaphore_mem>>) src(%arg7 : memref<128x16xf32, #tpu.memory_space<vmem>>) dst(%dma_wait3A_44 : memref<10240x16xf32, #tpu.memory_space<vmem_shared>>)
          tpu.yield
        }) : () -> ()
        %scan3A_40 = arith.constant 0 : i32
        scf.yield %scan3A_40 : i32
      }
      %scan3A_33 = arith.constant 158 : i32
      %barrier3A_34 = arith.constant 0 : index
      tpu.barrier barrier_id(%barrier3A_34)
      %mul3A = arith.constant 640 : i32
      %mul3A_35 = arith.muli %arg1, %mul3A : i32
      %mul3A_36 = arith.constant 640 : i32
      %mul3A_37 = arith.muli %arg1, %mul3A_36 : i32
      "tpu.region"() ({
        %run_scoped3A = tpu.sem_alloc : memref<!tpu.dma_semaphore, #tpu.memory_space<semaphore_mem>>
        %dma_start3A = arith.constant 0 : i32
        %dma_start3A_38 = tpu.memref_slice %arg4[%mul3A_37, %dma_start3A] : memref<10240x16xf32, #tpu.memory_space<hbm>> -> memref<640x16xf32, #tpu.memory_space<hbm>>
        %dma_start3A_39 = arith.constant 0 : i32
        %dma_start3A_40 = tpu.memref_slice %arg8[%mul3A_35, %dma_start3A_39] : memref<10240x16xf32, #tpu.memory_space<vmem_shared>> -> memref<640x16xf32, #tpu.memory_space<vmem_shared>>
        tpu.enqueue_dma source(%dma_start3A_40 : memref<640x16xf32, #tpu.memory_space<vmem_shared>>) target(%dma_start3A_38 : memref<640x16xf32, #tpu.memory_space<hbm>>) target_semaphore(%run_scoped3A : memref<!tpu.dma_semaphore, #tpu.memory_space<semaphore_mem>>)
        %dma_wait3A = arith.constant 0 : i32
        %dma_wait3A_41 = tpu.memref_slice %arg4[%mul3A_37, %dma_wait3A] : memref<10240x16xf32, #tpu.memory_space<hbm>> -> memref<640x16xf32, #tpu.memory_space<hbm>>
        %dma_wait3A_42 = arith.constant 0 : i32
        %dma_wait3A_43 = tpu.memref_slice %arg8[%mul3A_35, %dma_wait3A_42] : memref<10240x16xf32, #tpu.memory_space<vmem_shared>> -> memref<640x16xf32, #tpu.memory_space<vmem_shared>>
        tpu.wait_dma2 semaphore(%run_scoped3A : memref<!tpu.dma_semaphore, #tpu.memory_space<semaphore_mem>>) src(%dma_wait3A_43 : memref<640x16xf32, #tpu.memory_space<vmem_shared>>) dst(%dma_wait3A_41 : memref<640x16xf32, #tpu.memory_space<hbm>>)
        tpu.yield
      }) : () -> ()
    } else {
    }
    %eq3A_2 = arith.constant 1 : i32
    %eq3A_3 = arith.cmpi eq, %arg0, %eq3A_2 : i32
    %convert_element_type3A_4 = arith.extui %eq3A_3 : i1 to i32
    %cond3A_5 = arith.constant 0 : i32
    %cond3A_6 = arith.cmpi ne, %convert_element_type3A_4, %cond3A_5 : i32
    scf.if %cond3A_6 {
      %scan3A = arith.constant 0 : i32
      %scan3A_7 = arith.constant 0 : i32
      %scan3A_8 = arith.constant 128 : i32
      %scan3A_9 = arith.addi %scan3A_7, %scan3A_8 : i32
      %scan3A_10 = arith.constant 1 : i32
      %scan3A_11 = scf.for %scan3A_38 = %scan3A_7 to %scan3A_9 step %scan3A_10 iter_args(%scan3A_39 = %scan3A) -> (i32)  : i32 {
        %broadcast_in_dim3A = arith.constant 0.000000e+00 : f32
        %broadcast_in_dim3A_40 = vector.broadcast %broadcast_in_dim3A : f32 to vector<16xf32>
        %swap3A = arith.index_cast %scan3A_38 : i32 to index
        %swap3A_41 = arith.constant 0 : index
        %swap3A_42 = tpu.vector_load %arg7[%swap3A, %swap3A_41] {strides = array<i32>} : memref<128x16xf32, #tpu.memory_space<vmem>>, vector<1x16xf32>,
        %swap3A_43 = vector.shape_cast %swap3A_42 : vector<1x16xf32> to vector<16xf32>
        %swap3A_44 = vector.shape_cast %broadcast_in_dim3A_40 : vector<16xf32> to vector<1x16xf32>
        tpu.vector_store %arg7[%swap3A, %swap3A_41], %swap3A_44 {strides = array<i32>} : memref<128x16xf32, #tpu.memory_space<vmem>>, vector<1x16xf32>,
        %scan3A_45 = arith.constant 0 : i32
        scf.yield %scan3A_45 : i32
      }
      %scan3A_12 = arith.constant 128 : i32
      %scan3A_13 = arith.constant 0 : i32
      %scan3A_14 = arith.constant 0 : i32
      %scan3A_15 = arith.constant 5 : i32
      %scan3A_16 = arith.addi %scan3A_14, %scan3A_15 : i32
      %scan3A_17 = arith.constant 1 : i32
      %scan3A_18 = scf.for %scan3A_38 = %scan3A_14 to %scan3A_16 step %scan3A_17 iter_args(%scan3A_39 = %scan3A_13) -> (i32)  : i32 {
        %mul3A_40 = arith.constant 640 : i32
        %mul3A_41 = arith.muli %arg1, %mul3A_40 : i32
        %mul3A_42 = arith.constant 128 : i32
        %mul3A_43 = arith.muli %scan3A_38, %mul3A_42 : i32
        %add3A = arith.addi %mul3A_41, %mul3A_43 : i32
        "tpu.region"() ({
          %run_scoped3A = tpu.sem_alloc : memref<!tpu.dma_semaphore, #tpu.memory_space<semaphore_mem>>
          %dma_start3A = arith.constant 0 : i32
          %dma_start3A_45 = tpu.memref_slice %arg8[%add3A, %dma_start3A] : memref<10240x16xf32, #tpu.memory_space<vmem_shared>> -> memref<128x16xf32, #tpu.memory_space<vmem_shared>>
          %dma_start3A_46 = arith.constant 0 : i32
          %dma_start3A_47 = tpu.memref_slice %arg8[%add3A, %dma_start3A_46] : memref<10240x16xf32, #tpu.memory_space<vmem_shared>> -> memref<128x16xf32, #tpu.memory_space<vmem_shared>>
          tpu.enqueue_dma source(%arg7 : memref<128x16xf32, #tpu.memory_space<vmem>>) target(%dma_start3A_47 : memref<128x16xf32, #tpu.memory_space<vmem_shared>>) target_semaphore(%run_scoped3A : memref<!tpu.dma_semaphore, #tpu.memory_space<semaphore_mem>>)
          %dma_wait3A = arith.constant 0 : i32
          %dma_wait3A_48 = tpu.memref_slice %arg8[%add3A, %dma_wait3A] : memref<10240x16xf32, #tpu.memory_space<vmem_shared>> -> memref<128x16xf32, #tpu.memory_space<vmem_shared>>
          %dma_wait3A_49 = arith.constant 0 : i32
          %dma_wait3A_50 = tpu.memref_slice %arg8[%add3A, %dma_wait3A_49] : memref<10240x16xf32, #tpu.memory_space<vmem_shared>> -> memref<128x16xf32, #tpu.memory_space<vmem_shared>>
          tpu.wait_dma2 semaphore(%run_scoped3A : memref<!tpu.dma_semaphore, #tpu.memory_space<semaphore_mem>>) src(%arg7 : memref<128x16xf32, #tpu.memory_space<vmem>>) dst(%dma_wait3A_50 : memref<128x16xf32, #tpu.memory_space<vmem_shared>>)
          tpu.yield
        }) : () -> ()
        %scan3A_44 = arith.constant 0 : i32
        scf.yield %scan3A_44 : i32
      }
      %scan3A_19 = arith.constant 5 : i32
      %scan3A_20 = arith.constant 0 : i32
      %scan3A_21 = arith.constant 0 : i32
      %scan3A_22 = arith.constant 128 : i32
      %scan3A_23 = arith.addi %scan3A_21, %scan3A_22 : i32
      %scan3A_24 = arith.constant 1 : i32
      %scan3A_25 = scf.for %scan3A_38 = %scan3A_21 to %scan3A_23 step %scan3A_24 iter_args(%scan3A_39 = %scan3A_20) -> (i32)  : i32 {
        %broadcast_in_dim3A = arith.constant 1.000000e+00 : f32
        %broadcast_in_dim3A_40 = vector.broadcast %broadcast_in_dim3A : f32 to vector<16xf32>
        %swap3A = arith.index_cast %scan3A_38 : i32 to index
        %swap3A_41 = arith.constant 0 : index
        %swap3A_42 = tpu.vector_load %arg7[%swap3A, %swap3A_41] {strides = array<i32>} : memref<128x16xf32, #tpu.memory_space<vmem>>, vector<1x16xf32>,
        %swap3A_43 = vector.shape_cast %swap3A_42 : vector<1x16xf32> to vector<16xf32>
        %swap3A_44 = vector.shape_cast %broadcast_in_dim3A_40 : vector<16xf32> to vector<1x16xf32>
        tpu.vector_store %arg7[%swap3A, %swap3A_41], %swap3A_44 {strides = array<i32>} : memref<128x16xf32, #tpu.memory_space<vmem>>, vector<1x16xf32>,
        %scan3A_45 = arith.constant 0 : i32
        scf.yield %scan3A_45 : i32
      }
      %scan3A_26 = arith.constant 128 : i32
      %barrier3A = arith.constant 0 : index
      tpu.barrier barrier_id(%barrier3A)
      %scan3A_27 = arith.constant 0 : i32
      %scan3A_28 = arith.constant 0 : i32
      %scan3A_29 = arith.constant 158 : i32
      %scan3A_30 = arith.addi %scan3A_28, %scan3A_29 : i32
      %scan3A_31 = arith.constant 1 : i32
      %scan3A_32 = scf.for %scan3A_38 = %scan3A_28 to %scan3A_30 step %scan3A_31 iter_args(%scan3A_39 = %scan3A_27) -> (i32)  : i32 {
        "tpu.region"() ({
          %run_scoped3A = tpu.sem_alloc : memref<!tpu.dma_semaphore, #tpu.memory_space<semaphore_mem>>
          %dma_start3A = arith.constant 0 : i32
          %dma_start3A_41 = tpu.memref_slice %arg3[%arg1, %scan3A_38, %dma_start3A] : memref<16x158x128xi32, #tpu.memory_space<hbm>> -> memref<1x1x128xi32, #tpu.memory_space<hbm>>
          %dma_start3A_42 = tpu.memref_squeeze %dma_start3A_41 : memref<1x1x128xi32, #tpu.memory_space<hbm>> -> memref<128xi32, #tpu.memory_space<hbm>>
          %dma_start3A_43 = arith.constant 0 : i32
          %dma_start3A_44 = tpu.memref_slice %arg3[%arg1, %scan3A_38, %dma_start3A_43] : memref<16x158x128xi32, #tpu.memory_space<hbm>> -> memref<1x1x128xi32, #tpu.memory_space<hbm>>
          %dma_start3A_45 = tpu.memref_squeeze %dma_start3A_44 : memref<1x1x128xi32, #tpu.memory_space<hbm>> -> memref<128xi32, #tpu.memory_space<hbm>>
          tpu.enqueue_dma source(%dma_start3A_45 : memref<128xi32, #tpu.memory_space<hbm>>) target(%arg6 : memref<128xi32, #tpu.memory_space<vmem>>) target_semaphore(%run_scoped3A : memref<!tpu.dma_semaphore, #tpu.memory_space<semaphore_mem>>)
          %dma_wait3A = arith.constant 0 : i32
          %dma_wait3A_46 = tpu.memref_slice %arg3[%arg1, %scan3A_38, %dma_wait3A] : memref<16x158x128xi32, #tpu.memory_space<hbm>> -> memref<1x1x128xi32, #tpu.memory_space<hbm>>
          %dma_wait3A_47 = tpu.memref_squeeze %dma_wait3A_46 : memref<1x1x128xi32, #tpu.memory_space<hbm>> -> memref<128xi32, #tpu.memory_space<hbm>>
          %dma_wait3A_48 = arith.constant 0 : i32
          %dma_wait3A_49 = tpu.memref_slice %arg3[%arg1, %scan3A_38, %dma_wait3A_48] : memref<16x158x128xi32, #tpu.memory_space<hbm>> -> memref<1x1x128xi32, #tpu.memory_space<hbm>>
          %dma_wait3A_50 = tpu.memref_squeeze %dma_wait3A_49 : memref<1x1x128xi32, #tpu.memory_space<hbm>> -> memref<128xi32, #tpu.memory_space<hbm>>
          tpu.wait_dma2 semaphore(%run_scoped3A : memref<!tpu.dma_semaphore, #tpu.memory_space<semaphore_mem>>) src(%dma_wait3A_50 : memref<128xi32, #tpu.memory_space<hbm>>) dst(%arg6 : memref<128xi32, #tpu.memory_space<vmem>>)
          tpu.yield
        }) : () -> ()
        "tpu.region"() ({
          %run_scoped3A = tpu.sem_alloc : memref<!tpu.dma_semaphore, #tpu.memory_space<semaphore_mem>>
          %dma_start3A = arith.constant 0 : i32
          %dma_start3A_41 = arith.constant 0 : i32
          %dma_start3A_42 = tpu.memref_slice %arg8[%dma_start3A, %dma_start3A_41] : memref<10240x16xf32, #tpu.memory_space<vmem_shared>> -> memref<10240x16xf32, #tpu.memory_space<vmem_shared>>
          tpu.enqueue_indirect_dma source(%arg7 : memref<128x16xf32, #tpu.memory_space<vmem>>) target(%dma_start3A_42 : memref<10240x16xf32, #tpu.memory_space<vmem_shared>>) offsets(%arg6 : memref<128xi32, #tpu.memory_space<vmem>>) semaphore(%run_scoped3A : memref<!tpu.dma_semaphore, #tpu.memory_space<semaphore_mem>>) {add = true}
          %dma_wait3A = arith.constant 0 : i32
          %dma_wait3A_43 = arith.constant 0 : i32
          %dma_wait3A_44 = tpu.memref_slice %arg8[%dma_wait3A, %dma_wait3A_43] : memref<10240x16xf32, #tpu.memory_space<vmem_shared>> -> memref<10240x16xf32, #tpu.memory_space<vmem_shared>>
          tpu.wait_indirect_dma semaphore(%run_scoped3A : memref<!tpu.dma_semaphore, #tpu.memory_space<semaphore_mem>>) src(%arg7 : memref<128x16xf32, #tpu.memory_space<vmem>>) dst(%dma_wait3A_44 : memref<10240x16xf32, #tpu.memory_space<vmem_shared>>)
          tpu.yield
        }) : () -> ()
        %scan3A_40 = arith.constant 0 : i32
        scf.yield %scan3A_40 : i32
      }
      %scan3A_33 = arith.constant 158 : i32
      %barrier3A_34 = arith.constant 0 : index
      tpu.barrier barrier_id(%barrier3A_34)
      %mul3A = arith.constant 640 : i32
      %mul3A_35 = arith.muli %arg1, %mul3A : i32
      %mul3A_36 = arith.constant 640 : i32
      %mul3A_37 = arith.muli %arg1, %mul3A_36 : i32
      "tpu.region"() ({
        %run_scoped3A = tpu.sem_alloc : memref<!tpu.dma_semaphore, #tpu.memory_space<semaphore_mem>>
        %dma_start3A = arith.constant 0 : i32
        %dma_start3A_38 = tpu.memref_slice %arg5[%mul3A_37, %dma_start3A] : memref<10240x16xf32, #tpu.memory_space<hbm>> -> memref<640x16xf32, #tpu.memory_space<hbm>>
        %dma_start3A_39 = arith.constant 0 : i32
        %dma_start3A_40 = tpu.memref_slice %arg8[%mul3A_35, %dma_start3A_39] : memref<10240x16xf32, #tpu.memory_space<vmem_shared>> -> memref<640x16xf32, #tpu.memory_space<vmem_shared>>
        tpu.enqueue_dma source(%dma_start3A_40 : memref<640x16xf32, #tpu.memory_space<vmem_shared>>) target(%dma_start3A_38 : memref<640x16xf32, #tpu.memory_space<hbm>>) target_semaphore(%run_scoped3A : memref<!tpu.dma_semaphore, #tpu.memory_space<semaphore_mem>>)
        %dma_wait3A = arith.constant 0 : i32
        %dma_wait3A_41 = tpu.memref_slice %arg5[%mul3A_37, %dma_wait3A] : memref<10240x16xf32, #tpu.memory_space<hbm>> -> memref<640x16xf32, #tpu.memory_space<hbm>>
        %dma_wait3A_42 = arith.constant 0 : i32
        %dma_wait3A_43 = tpu.memref_slice %arg8[%mul3A_35, %dma_wait3A_42] : memref<10240x16xf32, #tpu.memory_space<vmem_shared>> -> memref<640x16xf32, #tpu.memory_space<vmem_shared>>
        tpu.wait_dma2 semaphore(%run_scoped3A : memref<!tpu.dma_semaphore, #tpu.memory_space<semaphore_mem>>) src(%dma_wait3A_43 : memref<640x16xf32, #tpu.memory_space<vmem_shared>>) dst(%dma_wait3A_41 : memref<640x16xf32, #tpu.memory_space<hbm>>)
        tpu.yield
      }) : () -> ()
    } else {
    }
    return
  }
}

#map = affine_map<(d0, d1) -> (0, 0)>
#map1 = affine_map<(d0, d1) -> (0, 0, 0)>
module attributes {stable_mosaic.version = 14 : i64} {
  func.func @_sc_spmm(%arg0: i32, %arg1: i32, %arg2: memref<10240x128xf32, #tpu.memory_space<hbm>>, %arg3: memref<10240x128xf32, #tpu.memory_space<hbm>>, %arg4: memref<16x158x128xi32, #tpu.memory_space<hbm>>, %arg5: memref<16x158x128xi32, #tpu.memory_space<hbm>>, %arg6: memref<10240x128xf32, #tpu.memory_space<hbm>>, %arg7: memref<10240x128xf32, #tpu.memory_space<hbm>>, %arg8: memref<128xi32, #tpu.memory_space<vmem>>, %arg9: memref<128xi32, #tpu.memory_space<vmem>>, %arg10: memref<128xi32, #tpu.memory_space<vmem>>, %arg11: memref<128xi32, #tpu.memory_space<vmem>>, %arg12: memref<128x128xf32, #tpu.memory_space<vmem>>, %arg13: memref<128x128xf32, #tpu.memory_space<vmem>>, %arg14: memref<10240x128xf32, #tpu.memory_space<vmem_shared>>, %arg15: memref<!tpu.dma_semaphore, #tpu.memory_space<semaphore_mem>>, %arg16: memref<!tpu.dma_semaphore, #tpu.memory_space<semaphore_mem>>, %arg17: memref<!tpu.dma_semaphore, #tpu.memory_space<semaphore_mem>>, %arg18: memref<!tpu.dma_semaphore, #tpu.memory_space<semaphore_mem>>) attributes {dimension_semantics = [#tpu.dimension_semantics<core_parallel>, #tpu.dimension_semantics<subcore_parallel>], iteration_bounds = array<i64: 2, 16>, scalar_prefetch = 0 : i64, scratch_operands = 11 : i64, tpu.core_type = #tpu.core_type<sc_vector_subcore>, window_params = [{transform_indices = #map}, {transform_indices = #map}, {transform_indices = #map1}, {transform_indices = #map1}, {transform_indices = #map}, {transform_indices = #map}]} {
    %eq3A = arith.constant 0 : i32
    %eq3A_0 = arith.cmpi eq, %arg0, %eq3A : i32
    %convert_element_type3A = arith.extui %eq3A_0 : i1 to i32
    %cond3A = arith.constant 0 : i32
    %cond3A_1 = arith.cmpi ne, %convert_element_type3A, %cond3A : i32
    scf.if %cond3A_1 {
      %scan3A = arith.constant 0 : i32
      %scan3A_7 = arith.constant 0 : i32
      %scan3A_8 = arith.constant 128 : i32
      %scan3A_9 = arith.addi %scan3A_7, %scan3A_8 : i32
      %scan3A_10 = arith.constant 1 : i32
      %scan3A_11 = scf.for %scan3A_48 = %scan3A_7 to %scan3A_9 step %scan3A_10 iter_args(%scan3A_49 = %scan3A) -> (i32)  : i32 {
        %broadcast_in_dim3A = arith.constant 0.000000e+00 : f32
        %broadcast_in_dim3A_50 = vector.broadcast %broadcast_in_dim3A : f32 to vector<16xf32>
        %swap3A = arith.index_cast %scan3A_48 : i32 to index
        %swap3A_51 = arith.constant 0 : index
        %swap3A_52 = tpu.vector_load %arg12[%swap3A, %swap3A_51] {strides = array<i32>} : memref<128x128xf32, #tpu.memory_space<vmem>>, vector<1x16xf32>,
        %swap3A_53 = vector.shape_cast %swap3A_52 : vector<1x16xf32> to vector<16xf32>
        %swap3A_54 = vector.shape_cast %broadcast_in_dim3A_50 : vector<16xf32> to vector<1x16xf32>
        tpu.vector_store %arg12[%swap3A, %swap3A_51], %swap3A_54 {strides = array<i32>} : memref<128x128xf32, #tpu.memory_space<vmem>>, vector<1x16xf32>,
        %broadcast_in_dim3A_55 = arith.constant 0.000000e+00 : f32
        %broadcast_in_dim3A_56 = vector.broadcast %broadcast_in_dim3A_55 : f32 to vector<16xf32>
        %swap3A_57 = arith.index_cast %scan3A_48 : i32 to index
        %swap3A_58 = arith.constant 16 : index
        %swap3A_59 = tpu.vector_load %arg12[%swap3A_57, %swap3A_58] {strides = array<i32>} : memref<128x128xf32, #tpu.memory_space<vmem>>, vector<1x16xf32>,
        %swap3A_60 = vector.shape_cast %swap3A_59 : vector<1x16xf32> to vector<16xf32>
        %swap3A_61 = vector.shape_cast %broadcast_in_dim3A_56 : vector<16xf32> to vector<1x16xf32>
        tpu.vector_store %arg12[%swap3A_57, %swap3A_58], %swap3A_61 {strides = array<i32>} : memref<128x128xf32, #tpu.memory_space<vmem>>, vector<1x16xf32>,
        %broadcast_in_dim3A_62 = arith.constant 0.000000e+00 : f32
        %broadcast_in_dim3A_63 = vector.broadcast %broadcast_in_dim3A_62 : f32 to vector<16xf32>
        %swap3A_64 = arith.index_cast %scan3A_48 : i32 to index
        %swap3A_65 = arith.constant 32 : index
        %swap3A_66 = tpu.vector_load %arg12[%swap3A_64, %swap3A_65] {strides = array<i32>} : memref<128x128xf32, #tpu.memory_space<vmem>>, vector<1x16xf32>,
        %swap3A_67 = vector.shape_cast %swap3A_66 : vector<1x16xf32> to vector<16xf32>
        %swap3A_68 = vector.shape_cast %broadcast_in_dim3A_63 : vector<16xf32> to vector<1x16xf32>
        tpu.vector_store %arg12[%swap3A_64, %swap3A_65], %swap3A_68 {strides = array<i32>} : memref<128x128xf32, #tpu.memory_space<vmem>>, vector<1x16xf32>,
        %broadcast_in_dim3A_69 = arith.constant 0.000000e+00 : f32
        %broadcast_in_dim3A_70 = vector.broadcast %broadcast_in_dim3A_69 : f32 to vector<16xf32>
        %swap3A_71 = arith.index_cast %scan3A_48 : i32 to index
        %swap3A_72 = arith.constant 48 : index
        %swap3A_73 = tpu.vector_load %arg12[%swap3A_71, %swap3A_72] {strides = array<i32>} : memref<128x128xf32, #tpu.memory_space<vmem>>, vector<1x16xf32>,
        %swap3A_74 = vector.shape_cast %swap3A_73 : vector<1x16xf32> to vector<16xf32>
        %swap3A_75 = vector.shape_cast %broadcast_in_dim3A_70 : vector<16xf32> to vector<1x16xf32>
        tpu.vector_store %arg12[%swap3A_71, %swap3A_72], %swap3A_75 {strides = array<i32>} : memref<128x128xf32, #tpu.memory_space<vmem>>, vector<1x16xf32>,
        %broadcast_in_dim3A_76 = arith.constant 0.000000e+00 : f32
        %broadcast_in_dim3A_77 = vector.broadcast %broadcast_in_dim3A_76 : f32 to vector<16xf32>
        %swap3A_78 = arith.index_cast %scan3A_48 : i32 to index
        %swap3A_79 = arith.constant 64 : index
        %swap3A_80 = tpu.vector_load %arg12[%swap3A_78, %swap3A_79] {strides = array<i32>} : memref<128x128xf32, #tpu.memory_space<vmem>>, vector<1x16xf32>,
        %swap3A_81 = vector.shape_cast %swap3A_80 : vector<1x16xf32> to vector<16xf32>
        %swap3A_82 = vector.shape_cast %broadcast_in_dim3A_77 : vector<16xf32> to vector<1x16xf32>
        tpu.vector_store %arg12[%swap3A_78, %swap3A_79], %swap3A_82 {strides = array<i32>} : memref<128x128xf32, #tpu.memory_space<vmem>>, vector<1x16xf32>,
        %broadcast_in_dim3A_83 = arith.constant 0.000000e+00 : f32
        %broadcast_in_dim3A_84 = vector.broadcast %broadcast_in_dim3A_83 : f32 to vector<16xf32>
        %swap3A_85 = arith.index_cast %scan3A_48 : i32 to index
        %swap3A_86 = arith.constant 80 : index
        %swap3A_87 = tpu.vector_load %arg12[%swap3A_85, %swap3A_86] {strides = array<i32>} : memref<128x128xf32, #tpu.memory_space<vmem>>, vector<1x16xf32>,
        %swap3A_88 = vector.shape_cast %swap3A_87 : vector<1x16xf32> to vector<16xf32>
        %swap3A_89 = vector.shape_cast %broadcast_in_dim3A_84 : vector<16xf32> to vector<1x16xf32>
        tpu.vector_store %arg12[%swap3A_85, %swap3A_86], %swap3A_89 {strides = array<i32>} : memref<128x128xf32, #tpu.memory_space<vmem>>, vector<1x16xf32>,
        %broadcast_in_dim3A_90 = arith.constant 0.000000e+00 : f32
        %broadcast_in_dim3A_91 = vector.broadcast %broadcast_in_dim3A_90 : f32 to vector<16xf32>
        %swap3A_92 = arith.index_cast %scan3A_48 : i32 to index
        %swap3A_93 = arith.constant 96 : index
        %swap3A_94 = tpu.vector_load %arg12[%swap3A_92, %swap3A_93] {strides = array<i32>} : memref<128x128xf32, #tpu.memory_space<vmem>>, vector<1x16xf32>,
        %swap3A_95 = vector.shape_cast %swap3A_94 : vector<1x16xf32> to vector<16xf32>
        %swap3A_96 = vector.shape_cast %broadcast_in_dim3A_91 : vector<16xf32> to vector<1x16xf32>
        tpu.vector_store %arg12[%swap3A_92, %swap3A_93], %swap3A_96 {strides = array<i32>} : memref<128x128xf32, #tpu.memory_space<vmem>>, vector<1x16xf32>,
        %broadcast_in_dim3A_97 = arith.constant 0.000000e+00 : f32
        %broadcast_in_dim3A_98 = vector.broadcast %broadcast_in_dim3A_97 : f32 to vector<16xf32>
        %swap3A_99 = arith.index_cast %scan3A_48 : i32 to index
        %swap3A_100 = arith.constant 112 : index
        %swap3A_101 = tpu.vector_load %arg12[%swap3A_99, %swap3A_100] {strides = array<i32>} : memref<128x128xf32, #tpu.memory_space<vmem>>, vector<1x16xf32>,
        %swap3A_102 = vector.shape_cast %swap3A_101 : vector<1x16xf32> to vector<16xf32>
        %swap3A_103 = vector.shape_cast %broadcast_in_dim3A_98 : vector<16xf32> to vector<1x16xf32>
        tpu.vector_store %arg12[%swap3A_99, %swap3A_100], %swap3A_103 {strides = array<i32>} : memref<128x128xf32, #tpu.memory_space<vmem>>, vector<1x16xf32>,
        %scan3A_104 = arith.constant 0 : i32
        scf.yield %scan3A_104 : i32
      }
      %scan3A_12 = arith.constant 128 : i32
      %scan3A_13 = arith.constant 0 : i32
      %scan3A_14 = arith.constant 0 : i32
      %scan3A_15 = arith.constant 5 : i32
      %scan3A_16 = arith.addi %scan3A_14, %scan3A_15 : i32
      %scan3A_17 = arith.constant 1 : i32
      %scan3A_18 = scf.for %scan3A_48 = %scan3A_14 to %scan3A_16 step %scan3A_17 iter_args(%scan3A_49 = %scan3A_13) -> (i32)  : i32 {
        %mul3A_50 = arith.constant 640 : i32
        %mul3A_51 = arith.muli %arg1, %mul3A_50 : i32
        %mul3A_52 = arith.constant 128 : i32
        %mul3A_53 = arith.muli %scan3A_48, %mul3A_52 : i32
        %add3A = arith.addi %mul3A_51, %mul3A_53 : i32
        "tpu.region"() ({
          %run_scoped3A_55 = tpu.sem_alloc : memref<!tpu.dma_semaphore, #tpu.memory_space<semaphore_mem>>
          %dma_start3A_56 = arith.constant 0 : i32
          %dma_start3A_57 = tpu.memref_slice %arg14[%add3A, %dma_start3A_56] : memref<10240x128xf32, #tpu.memory_space<vmem_shared>> -> memref<128x128xf32, #tpu.memory_space<vmem_shared>>
          %dma_start3A_58 = arith.constant 0 : i32
          %dma_start3A_59 = tpu.memref_slice %arg14[%add3A, %dma_start3A_58] : memref<10240x128xf32, #tpu.memory_space<vmem_shared>> -> memref<128x128xf32, #tpu.memory_space<vmem_shared>>
          tpu.enqueue_dma source(%arg12 : memref<128x128xf32, #tpu.memory_space<vmem>>) target(%dma_start3A_59 : memref<128x128xf32, #tpu.memory_space<vmem_shared>>) target_semaphore(%run_scoped3A_55 : memref<!tpu.dma_semaphore, #tpu.memory_space<semaphore_mem>>)
          %dma_wait3A = arith.constant 0 : i32
          %dma_wait3A_60 = tpu.memref_slice %arg14[%add3A, %dma_wait3A] : memref<10240x128xf32, #tpu.memory_space<vmem_shared>> -> memref<128x128xf32, #tpu.memory_space<vmem_shared>>
          %dma_wait3A_61 = arith.constant 0 : i32
          %dma_wait3A_62 = tpu.memref_slice %arg14[%add3A, %dma_wait3A_61] : memref<10240x128xf32, #tpu.memory_space<vmem_shared>> -> memref<128x128xf32, #tpu.memory_space<vmem_shared>>
          tpu.wait_dma2 semaphore(%run_scoped3A_55 : memref<!tpu.dma_semaphore, #tpu.memory_space<semaphore_mem>>) src(%arg12 : memref<128x128xf32, #tpu.memory_space<vmem>>) dst(%dma_wait3A_62 : memref<128x128xf32, #tpu.memory_space<vmem_shared>>)
          tpu.yield
        }) : () -> ()
        %scan3A_54 = arith.constant 0 : i32
        scf.yield %scan3A_54 : i32
      }
      %scan3A_19 = arith.constant 5 : i32
      %barrier3A = arith.constant 0 : index
      tpu.barrier barrier_id(%barrier3A)
      %run_scoped3A = arith.constant 0 : i32
      "tpu.region"() ({
        %run_scoped3A_48 = tpu.sem_alloc : memref<!tpu.dma_semaphore, #tpu.memory_space<semaphore_mem>>
        %dma_start3A_49 = arith.constant 0 : i32
        %dma_start3A_50 = tpu.memref_slice %arg5[%arg1, %run_scoped3A, %dma_start3A_49] : memref<16x158x128xi32, #tpu.memory_space<hbm>> -> memref<1x1x128xi32, #tpu.memory_space<hbm>>
        %dma_start3A_51 = tpu.memref_squeeze %dma_start3A_50 : memref<1x1x128xi32, #tpu.memory_space<hbm>> -> memref<128xi32, #tpu.memory_space<hbm>>
        %dma_start3A_52 = arith.constant 0 : i32
        %dma_start3A_53 = tpu.memref_slice %arg5[%arg1, %run_scoped3A, %dma_start3A_52] : memref<16x158x128xi32, #tpu.memory_space<hbm>> -> memref<1x1x128xi32, #tpu.memory_space<hbm>>
        %dma_start3A_54 = tpu.memref_squeeze %dma_start3A_53 : memref<1x1x128xi32, #tpu.memory_space<hbm>> -> memref<128xi32, #tpu.memory_space<hbm>>
        tpu.enqueue_dma source(%dma_start3A_54 : memref<128xi32, #tpu.memory_space<hbm>>) target(%arg8 : memref<128xi32, #tpu.memory_space<vmem>>) target_semaphore(%run_scoped3A_48 : memref<!tpu.dma_semaphore, #tpu.memory_space<semaphore_mem>>)
        %dma_wait3A = arith.constant 0 : i32
        %dma_wait3A_55 = tpu.memref_slice %arg5[%arg1, %run_scoped3A, %dma_wait3A] : memref<16x158x128xi32, #tpu.memory_space<hbm>> -> memref<1x1x128xi32, #tpu.memory_space<hbm>>
        %dma_wait3A_56 = tpu.memref_squeeze %dma_wait3A_55 : memref<1x1x128xi32, #tpu.memory_space<hbm>> -> memref<128xi32, #tpu.memory_space<hbm>>
        %dma_wait3A_57 = arith.constant 0 : i32
        %dma_wait3A_58 = tpu.memref_slice %arg5[%arg1, %run_scoped3A, %dma_wait3A_57] : memref<16x158x128xi32, #tpu.memory_space<hbm>> -> memref<1x1x128xi32, #tpu.memory_space<hbm>>
        %dma_wait3A_59 = tpu.memref_squeeze %dma_wait3A_58 : memref<1x1x128xi32, #tpu.memory_space<hbm>> -> memref<128xi32, #tpu.memory_space<hbm>>
        tpu.wait_dma2 semaphore(%run_scoped3A_48 : memref<!tpu.dma_semaphore, #tpu.memory_space<semaphore_mem>>) src(%dma_wait3A_59 : memref<128xi32, #tpu.memory_space<hbm>>) dst(%arg8 : memref<128xi32, #tpu.memory_space<vmem>>)
        tpu.yield
      }) : () -> ()
      %run_scoped3A_20 = arith.constant 0 : i32
      "tpu.region"() ({
        %run_scoped3A_48 = tpu.sem_alloc : memref<!tpu.dma_semaphore, #tpu.memory_space<semaphore_mem>>
        %dma_start3A_49 = arith.constant 0 : i32
        %dma_start3A_50 = tpu.memref_slice %arg4[%arg1, %run_scoped3A_20, %dma_start3A_49] : memref<16x158x128xi32, #tpu.memory_space<hbm>> -> memref<1x1x128xi32, #tpu.memory_space<hbm>>
        %dma_start3A_51 = tpu.memref_squeeze %dma_start3A_50 : memref<1x1x128xi32, #tpu.memory_space<hbm>> -> memref<128xi32, #tpu.memory_space<hbm>>
        %dma_start3A_52 = arith.constant 0 : i32
        %dma_start3A_53 = tpu.memref_slice %arg4[%arg1, %run_scoped3A_20, %dma_start3A_52] : memref<16x158x128xi32, #tpu.memory_space<hbm>> -> memref<1x1x128xi32, #tpu.memory_space<hbm>>
        %dma_start3A_54 = tpu.memref_squeeze %dma_start3A_53 : memref<1x1x128xi32, #tpu.memory_space<hbm>> -> memref<128xi32, #tpu.memory_space<hbm>>
        tpu.enqueue_dma source(%dma_start3A_54 : memref<128xi32, #tpu.memory_space<hbm>>) target(%arg10 : memref<128xi32, #tpu.memory_space<vmem>>) target_semaphore(%run_scoped3A_48 : memref<!tpu.dma_semaphore, #tpu.memory_space<semaphore_mem>>)
        %dma_wait3A = arith.constant 0 : i32
        %dma_wait3A_55 = tpu.memref_slice %arg4[%arg1, %run_scoped3A_20, %dma_wait3A] : memref<16x158x128xi32, #tpu.memory_space<hbm>> -> memref<1x1x128xi32, #tpu.memory_space<hbm>>
        %dma_wait3A_56 = tpu.memref_squeeze %dma_wait3A_55 : memref<1x1x128xi32, #tpu.memory_space<hbm>> -> memref<128xi32, #tpu.memory_space<hbm>>
        %dma_wait3A_57 = arith.constant 0 : i32
        %dma_wait3A_58 = tpu.memref_slice %arg4[%arg1, %run_scoped3A_20, %dma_wait3A_57] : memref<16x158x128xi32, #tpu.memory_space<hbm>> -> memref<1x1x128xi32, #tpu.memory_space<hbm>>
        %dma_wait3A_59 = tpu.memref_squeeze %dma_wait3A_58 : memref<1x1x128xi32, #tpu.memory_space<hbm>> -> memref<128xi32, #tpu.memory_space<hbm>>
        tpu.wait_dma2 semaphore(%run_scoped3A_48 : memref<!tpu.dma_semaphore, #tpu.memory_space<semaphore_mem>>) src(%dma_wait3A_59 : memref<128xi32, #tpu.memory_space<hbm>>) dst(%arg10 : memref<128xi32, #tpu.memory_space<vmem>>)
        tpu.yield
      }) : () -> ()
      %dma_start3A = arith.constant 0 : i32
      %dma_start3A_21 = arith.constant 0 : i32
      %dma_start3A_22 = tpu.memref_slice %arg2[%dma_start3A, %dma_start3A_21] : memref<10240x128xf32, #tpu.memory_space<hbm>> -> memref<10240x128xf32, #tpu.memory_space<hbm>>
      tpu.enqueue_indirect_dma source(%dma_start3A_22 : memref<10240x128xf32, #tpu.memory_space<hbm>>) target(%arg12 : memref<128x128xf32, #tpu.memory_space<vmem>>) offsets(%arg8 : memref<128xi32, #tpu.memory_space<vmem>>) semaphore(%arg15 : memref<!tpu.dma_semaphore, #tpu.memory_space<semaphore_mem>>)
      %dma_start3A_23 = arith.constant 1 : i32
      %dma_start3A_24 = arith.constant 0 : i32
      %dma_start3A_25 = tpu.memref_slice %arg5[%arg1, %dma_start3A_23, %dma_start3A_24] : memref<16x158x128xi32, #tpu.memory_space<hbm>> -> memref<1x1x128xi32, #tpu.memory_space<hbm>>
      %dma_start3A_26 = tpu.memref_squeeze %dma_start3A_25 : memref<1x1x128xi32, #tpu.memory_space<hbm>> -> memref<128xi32, #tpu.memory_space<hbm>>
      %dma_start3A_27 = arith.constant 0 : i32
      %dma_start3A_28 = tpu.memref_slice %arg5[%arg1, %dma_start3A_23, %dma_start3A_27] : memref<16x158x128xi32, #tpu.memory_space<hbm>> -> memref<1x1x128xi32, #tpu.memory_space<hbm>>
      %dma_start3A_29 = tpu.memref_squeeze %dma_start3A_28 : memref<1x1x128xi32, #tpu.memory_space<hbm>> -> memref<128xi32, #tpu.memory_space<hbm>>
      tpu.enqueue_dma source(%dma_start3A_29 : memref<128xi32, #tpu.memory_space<hbm>>) target(%arg9 : memref<128xi32, #tpu.memory_space<vmem>>) target_semaphore(%arg18 : memref<!tpu.dma_semaphore, #tpu.memory_space<semaphore_mem>>)
      %dma_start3A_30 = arith.constant 1 : i32
      %dma_start3A_31 = arith.constant 0 : i32
      %dma_start3A_32 = tpu.memref_slice %arg4[%arg1, %dma_start3A_30, %dma_start3A_31] : memref<16x158x128xi32, #tpu.memory_space<hbm>> -> memref<1x1x128xi32, #tpu.memory_space<hbm>>
      %dma_start3A_33 = tpu.memref_squeeze %dma_start3A_32 : memref<1x1x128xi32, #tpu.memory_space<hbm>> -> memref<128xi32, #tpu.memory_space<hbm>>
      %dma_start3A_34 = arith.constant 0 : i32
      %dma_start3A_35 = tpu.memref_slice %arg4[%arg1, %dma_start3A_30, %dma_start3A_34] : memref<16x158x128xi32, #tpu.memory_space<hbm>> -> memref<1x1x128xi32, #tpu.memory_space<hbm>>
      %dma_start3A_36 = tpu.memref_squeeze %dma_start3A_35 : memref<1x1x128xi32, #tpu.memory_space<hbm>> -> memref<128xi32, #tpu.memory_space<hbm>>
      tpu.enqueue_dma source(%dma_start3A_36 : memref<128xi32, #tpu.memory_space<hbm>>) target(%arg11 : memref<128xi32, #tpu.memory_space<vmem>>) target_semaphore(%arg18 : memref<!tpu.dma_semaphore, #tpu.memory_space<semaphore_mem>>)
      %scan3A_37 = arith.constant 0 : i32
      %scan3A_38 = arith.constant 0 : i32
      %scan3A_39 = arith.constant 79 : i32
      %scan3A_40 = arith.addi %scan3A_38, %scan3A_39 : i32
      %scan3A_41 = arith.constant 1 : i32
      %scan3A_42 = scf.for %scan3A_48 = %scan3A_38 to %scan3A_40 step %scan3A_41 iter_args(%scan3A_49 = %scan3A_37) -> (i32)  : i32 {
        %mul3A_50 = arith.constant 2 : i32
        %mul3A_51 = arith.muli %mul3A_50, %scan3A_48 : i32
        %dma_wait3A = arith.constant 0 : i32
        %dma_wait3A_52 = arith.constant 0 : i32
        %dma_wait3A_53 = tpu.memref_slice %arg5[%arg1, %dma_wait3A, %dma_wait3A_52] : memref<16x158x128xi32, #tpu.memory_space<hbm>> -> memref<1x1x128xi32, #tpu.memory_space<hbm>>
        %dma_wait3A_54 = tpu.memref_squeeze %dma_wait3A_53 : memref<1x1x128xi32, #tpu.memory_space<hbm>> -> memref<128xi32, #tpu.memory_space<hbm>>
        %dma_wait3A_55 = arith.constant 0 : i32
        %dma_wait3A_56 = tpu.memref_slice %arg5[%arg1, %dma_wait3A, %dma_wait3A_55] : memref<16x158x128xi32, #tpu.memory_space<hbm>> -> memref<1x1x128xi32, #tpu.memory_space<hbm>>
        %dma_wait3A_57 = tpu.memref_squeeze %dma_wait3A_56 : memref<1x1x128xi32, #tpu.memory_space<hbm>> -> memref<128xi32, #tpu.memory_space<hbm>>
        tpu.wait_dma2 semaphore(%arg18 : memref<!tpu.dma_semaphore, #tpu.memory_space<semaphore_mem>>) src(%dma_wait3A_57 : memref<128xi32, #tpu.memory_space<hbm>>) dst(%arg9 : memref<128xi32, #tpu.memory_space<vmem>>)
        %dma_wait3A_58 = arith.constant 0 : i32
        %dma_wait3A_59 = arith.constant 0 : i32
        %dma_wait3A_60 = tpu.memref_slice %arg5[%arg1, %dma_wait3A_58, %dma_wait3A_59] : memref<16x158x128xi32, #tpu.memory_space<hbm>> -> memref<1x1x128xi32, #tpu.memory_space<hbm>>
        %dma_wait3A_61 = tpu.memref_squeeze %dma_wait3A_60 : memref<1x1x128xi32, #tpu.memory_space<hbm>> -> memref<128xi32, #tpu.memory_space<hbm>>
        %dma_wait3A_62 = arith.constant 0 : i32
        %dma_wait3A_63 = tpu.memref_slice %arg5[%arg1, %dma_wait3A_58, %dma_wait3A_62] : memref<16x158x128xi32, #tpu.memory_space<hbm>> -> memref<1x1x128xi32, #tpu.memory_space<hbm>>
        %dma_wait3A_64 = tpu.memref_squeeze %dma_wait3A_63 : memref<1x1x128xi32, #tpu.memory_space<hbm>> -> memref<128xi32, #tpu.memory_space<hbm>>
        tpu.wait_dma2 semaphore(%arg18 : memref<!tpu.dma_semaphore, #tpu.memory_space<semaphore_mem>>) src(%dma_wait3A_64 : memref<128xi32, #tpu.memory_space<hbm>>) dst(%arg11 : memref<128xi32, #tpu.memory_space<vmem>>)
        %dma_start3A_65 = arith.constant 0 : i32
        %dma_start3A_66 = arith.constant 0 : i32
        %dma_start3A_67 = tpu.memref_slice %arg2[%dma_start3A_65, %dma_start3A_66] : memref<10240x128xf32, #tpu.memory_space<hbm>> -> memref<10240x128xf32, #tpu.memory_space<hbm>>
        tpu.enqueue_indirect_dma source(%dma_start3A_67 : memref<10240x128xf32, #tpu.memory_space<hbm>>) target(%arg13 : memref<128x128xf32, #tpu.memory_space<vmem>>) offsets(%arg9 : memref<128xi32, #tpu.memory_space<vmem>>) semaphore(%arg16 : memref<!tpu.dma_semaphore, #tpu.memory_space<semaphore_mem>>)
        %dma_wait3A_68 = arith.constant 0 : i32
        %dma_wait3A_69 = arith.constant 0 : i32
        %dma_wait3A_70 = tpu.memref_slice %arg2[%dma_wait3A_68, %dma_wait3A_69] : memref<10240x128xf32, #tpu.memory_space<hbm>> -> memref<128x128xf32, #tpu.memory_space<hbm>>
        %dma_wait3A_71 = arith.constant 0 : i32
        %dma_wait3A_72 = arith.constant 0 : i32
        %dma_wait3A_73 = tpu.memref_slice %arg2[%dma_wait3A_71, %dma_wait3A_72] : memref<10240x128xf32, #tpu.memory_space<hbm>> -> memref<128x128xf32, #tpu.memory_space<hbm>>
        tpu.wait_dma2 semaphore(%arg15 : memref<!tpu.dma_semaphore, #tpu.memory_space<semaphore_mem>>) src(%dma_wait3A_73 : memref<128x128xf32, #tpu.memory_space<hbm>>) dst(%arg12 : memref<128x128xf32, #tpu.memory_space<vmem>>)
        "tpu.region"() ({
          %run_scoped3A_90 = tpu.sem_alloc : memref<!tpu.dma_semaphore, #tpu.memory_space<semaphore_mem>>
          %dma_start3A_91 = arith.constant 0 : i32
          %dma_start3A_92 = arith.constant 0 : i32
          %dma_start3A_93 = tpu.memref_slice %arg14[%dma_start3A_91, %dma_start3A_92] : memref<10240x128xf32, #tpu.memory_space<vmem_shared>> -> memref<10240x128xf32, #tpu.memory_space<vmem_shared>>
          tpu.enqueue_indirect_dma source(%arg12 : memref<128x128xf32, #tpu.memory_space<vmem>>) target(%dma_start3A_93 : memref<10240x128xf32, #tpu.memory_space<vmem_shared>>) offsets(%arg10 : memref<128xi32, #tpu.memory_space<vmem>>) semaphore(%run_scoped3A_90 : memref<!tpu.dma_semaphore, #tpu.memory_space<semaphore_mem>>) {add = true}
          %dma_wait3A_94 = arith.constant 0 : i32
          %dma_wait3A_95 = arith.constant 0 : i32
          %dma_wait3A_96 = tpu.memref_slice %arg14[%dma_wait3A_94, %dma_wait3A_95] : memref<10240x128xf32, #tpu.memory_space<vmem_shared>> -> memref<10240x128xf32, #tpu.memory_space<vmem_shared>>
          tpu.wait_indirect_dma semaphore(%run_scoped3A_90 : memref<!tpu.dma_semaphore, #tpu.memory_space<semaphore_mem>>) src(%arg12 : memref<128x128xf32, #tpu.memory_space<vmem>>) dst(%dma_wait3A_96 : memref<10240x128xf32, #tpu.memory_space<vmem_shared>>)
          tpu.yield
        }) : () -> ()
        %add3A = arith.constant 2 : i32
        %add3A_74 = arith.addi %mul3A_51, %add3A : i32
        %lt3A = arith.constant 158 : i32
        %lt3A_75 = arith.cmpi slt, %add3A_74, %lt3A : i32
        %convert_element_type3A_76 = arith.extui %lt3A_75 : i1 to i32
        %cond3A_77 = arith.constant 0 : i32
        %cond3A_78 = arith.cmpi ne, %convert_element_type3A_76, %cond3A_77 : i32
        scf.if %cond3A_78 {
          %add3A_90 = arith.constant 2 : i32
          %add3A_91 = arith.addi %mul3A_51, %add3A_90 : i32
          %dma_start3A_92 = arith.constant 0 : i32
          %dma_start3A_93 = tpu.memref_slice %arg5[%arg1, %add3A_91, %dma_start3A_92] : memref<16x158x128xi32, #tpu.memory_space<hbm>> -> memref<1x1x128xi32, #tpu.memory_space<hbm>>
          %dma_start3A_94 = tpu.memref_squeeze %dma_start3A_93 : memref<1x1x128xi32, #tpu.memory_space<hbm>> -> memref<128xi32, #tpu.memory_space<hbm>>
          %dma_start3A_95 = arith.constant 0 : i32
          %dma_start3A_96 = tpu.memref_slice %arg5[%arg1, %add3A_91, %dma_start3A_95] : memref<16x158x128xi32, #tpu.memory_space<hbm>> -> memref<1x1x128xi32, #tpu.memory_space<hbm>>
          %dma_start3A_97 = tpu.memref_squeeze %dma_start3A_96 : memref<1x1x128xi32, #tpu.memory_space<hbm>> -> memref<128xi32, #tpu.memory_space<hbm>>
          tpu.enqueue_dma source(%dma_start3A_97 : memref<128xi32, #tpu.memory_space<hbm>>) target(%arg8 : memref<128xi32, #tpu.memory_space<vmem>>) target_semaphore(%arg17 : memref<!tpu.dma_semaphore, #tpu.memory_space<semaphore_mem>>)
          %add3A_98 = arith.constant 2 : i32
          %add3A_99 = arith.addi %mul3A_51, %add3A_98 : i32
          %dma_start3A_100 = arith.constant 0 : i32
          %dma_start3A_101 = tpu.memref_slice %arg4[%arg1, %add3A_99, %dma_start3A_100] : memref<16x158x128xi32, #tpu.memory_space<hbm>> -> memref<1x1x128xi32, #tpu.memory_space<hbm>>
          %dma_start3A_102 = tpu.memref_squeeze %dma_start3A_101 : memref<1x1x128xi32, #tpu.memory_space<hbm>> -> memref<128xi32, #tpu.memory_space<hbm>>
          %dma_start3A_103 = arith.constant 0 : i32
          %dma_start3A_104 = tpu.memref_slice %arg4[%arg1, %add3A_99, %dma_start3A_103] : memref<16x158x128xi32, #tpu.memory_space<hbm>> -> memref<1x1x128xi32, #tpu.memory_space<hbm>>
          %dma_start3A_105 = tpu.memref_squeeze %dma_start3A_104 : memref<1x1x128xi32, #tpu.memory_space<hbm>> -> memref<128xi32, #tpu.memory_space<hbm>>
          tpu.enqueue_dma source(%dma_start3A_105 : memref<128xi32, #tpu.memory_space<hbm>>) target(%arg10 : memref<128xi32, #tpu.memory_space<vmem>>) target_semaphore(%arg17 : memref<!tpu.dma_semaphore, #tpu.memory_space<semaphore_mem>>)
          %dma_wait3A_106 = arith.constant 0 : i32
          %dma_wait3A_107 = arith.constant 0 : i32
          %dma_wait3A_108 = tpu.memref_slice %arg5[%arg1, %dma_wait3A_106, %dma_wait3A_107] : memref<16x158x128xi32, #tpu.memory_space<hbm>> -> memref<1x1x128xi32, #tpu.memory_space<hbm>>
          %dma_wait3A_109 = tpu.memref_squeeze %dma_wait3A_108 : memref<1x1x128xi32, #tpu.memory_space<hbm>> -> memref<128xi32, #tpu.memory_space<hbm>>
          %dma_wait3A_110 = arith.constant 0 : i32
          %dma_wait3A_111 = tpu.memref_slice %arg5[%arg1, %dma_wait3A_106, %dma_wait3A_110] : memref<16x158x128xi32, #tpu.memory_space<hbm>> -> memref<1x1x128xi32, #tpu.memory_space<hbm>>
          %dma_wait3A_112 = tpu.memref_squeeze %dma_wait3A_111 : memref<1x1x128xi32, #tpu.memory_space<hbm>> -> memref<128xi32, #tpu.memory_space<hbm>>
          tpu.wait_dma2 semaphore(%arg17 : memref<!tpu.dma_semaphore, #tpu.memory_space<semaphore_mem>>) src(%dma_wait3A_112 : memref<128xi32, #tpu.memory_space<hbm>>) dst(%arg8 : memref<128xi32, #tpu.memory_space<vmem>>)
          %dma_wait3A_113 = arith.constant 0 : i32
          %dma_wait3A_114 = arith.constant 0 : i32
          %dma_wait3A_115 = tpu.memref_slice %arg5[%arg1, %dma_wait3A_113, %dma_wait3A_114] : memref<16x158x128xi32, #tpu.memory_space<hbm>> -> memref<1x1x128xi32, #tpu.memory_space<hbm>>
          %dma_wait3A_116 = tpu.memref_squeeze %dma_wait3A_115 : memref<1x1x128xi32, #tpu.memory_space<hbm>> -> memref<128xi32, #tpu.memory_space<hbm>>
          %dma_wait3A_117 = arith.constant 0 : i32
          %dma_wait3A_118 = tpu.memref_slice %arg5[%arg1, %dma_wait3A_113, %dma_wait3A_117] : memref<16x158x128xi32, #tpu.memory_space<hbm>> -> memref<1x1x128xi32, #tpu.memory_space<hbm>>
          %dma_wait3A_119 = tpu.memref_squeeze %dma_wait3A_118 : memref<1x1x128xi32, #tpu.memory_space<hbm>> -> memref<128xi32, #tpu.memory_space<hbm>>
          tpu.wait_dma2 semaphore(%arg17 : memref<!tpu.dma_semaphore, #tpu.memory_space<semaphore_mem>>) src(%dma_wait3A_119 : memref<128xi32, #tpu.memory_space<hbm>>) dst(%arg10 : memref<128xi32, #tpu.memory_space<vmem>>)
          %dma_start3A_120 = arith.constant 0 : i32
          %dma_start3A_121 = arith.constant 0 : i32
          %dma_start3A_122 = tpu.memref_slice %arg2[%dma_start3A_120, %dma_start3A_121] : memref<10240x128xf32, #tpu.memory_space<hbm>> -> memref<10240x128xf32, #tpu.memory_space<hbm>>
          tpu.enqueue_indirect_dma source(%dma_start3A_122 : memref<10240x128xf32, #tpu.memory_space<hbm>>) target(%arg12 : memref<128x128xf32, #tpu.memory_space<vmem>>) offsets(%arg8 : memref<128xi32, #tpu.memory_space<vmem>>) semaphore(%arg15 : memref<!tpu.dma_semaphore, #tpu.memory_space<semaphore_mem>>)
        } else {
        }
        %dma_wait3A_79 = arith.constant 0 : i32
        %dma_wait3A_80 = arith.constant 0 : i32
        %dma_wait3A_81 = tpu.memref_slice %arg2[%dma_wait3A_79, %dma_wait3A_80] : memref<10240x128xf32, #tpu.memory_space<hbm>> -> memref<10240x128xf32, #tpu.memory_space<hbm>>
        tpu.wait_indirect_dma semaphore(%arg16 : memref<!tpu.dma_semaphore, #tpu.memory_space<semaphore_mem>>) src(%dma_wait3A_81 : memref<10240x128xf32, #tpu.memory_space<hbm>>) dst(%arg13 : memref<128x128xf32, #tpu.memory_space<vmem>>)
        "tpu.region"() ({
          %run_scoped3A_90 = tpu.sem_alloc : memref<!tpu.dma_semaphore, #tpu.memory_space<semaphore_mem>>
          %dma_start3A_91 = arith.constant 0 : i32
          %dma_start3A_92 = arith.constant 0 : i32
          %dma_start3A_93 = tpu.memref_slice %arg14[%dma_start3A_91, %dma_start3A_92] : memref<10240x128xf32, #tpu.memory_space<vmem_shared>> -> memref<10240x128xf32, #tpu.memory_space<vmem_shared>>
          tpu.enqueue_indirect_dma source(%arg13 : memref<128x128xf32, #tpu.memory_space<vmem>>) target(%dma_start3A_93 : memref<10240x128xf32, #tpu.memory_space<vmem_shared>>) offsets(%arg11 : memref<128xi32, #tpu.memory_space<vmem>>) semaphore(%run_scoped3A_90 : memref<!tpu.dma_semaphore, #tpu.memory_space<semaphore_mem>>) {add = true}
          %dma_wait3A_94 = arith.constant 0 : i32
          %dma_wait3A_95 = arith.constant 0 : i32
          %dma_wait3A_96 = tpu.memref_slice %arg14[%dma_wait3A_94, %dma_wait3A_95] : memref<10240x128xf32, #tpu.memory_space<vmem_shared>> -> memref<10240x128xf32, #tpu.memory_space<vmem_shared>>
          tpu.wait_indirect_dma semaphore(%run_scoped3A_90 : memref<!tpu.dma_semaphore, #tpu.memory_space<semaphore_mem>>) src(%arg13 : memref<128x128xf32, #tpu.memory_space<vmem>>) dst(%dma_wait3A_96 : memref<10240x128xf32, #tpu.memory_space<vmem_shared>>)
          tpu.yield
        }) : () -> ()
        %add3A_82 = arith.constant 3 : i32
        %add3A_83 = arith.addi %mul3A_51, %add3A_82 : i32
        %lt3A_84 = arith.constant 158 : i32
        %lt3A_85 = arith.cmpi slt, %add3A_83, %lt3A_84 : i32
        %convert_element_type3A_86 = arith.extui %lt3A_85 : i1 to i32
        %cond3A_87 = arith.constant 0 : i32
        %cond3A_88 = arith.cmpi ne, %convert_element_type3A_86, %cond3A_87 : i32
        scf.if %cond3A_88 {
          %add3A_90 = arith.constant 3 : i32
          %add3A_91 = arith.addi %mul3A_51, %add3A_90 : i32
          %dma_start3A_92 = arith.constant 0 : i32
          %dma_start3A_93 = tpu.memref_slice %arg5[%arg1, %add3A_91, %dma_start3A_92] : memref<16x158x128xi32, #tpu.memory_space<hbm>> -> memref<1x1x128xi32, #tpu.memory_space<hbm>>
          %dma_start3A_94 = tpu.memref_squeeze %dma_start3A_93 : memref<1x1x128xi32, #tpu.memory_space<hbm>> -> memref<128xi32, #tpu.memory_space<hbm>>
          %dma_start3A_95 = arith.constant 0 : i32
          %dma_start3A_96 = tpu.memref_slice %arg5[%arg1, %add3A_91, %dma_start3A_95] : memref<16x158x128xi32, #tpu.memory_space<hbm>> -> memref<1x1x128xi32, #tpu.memory_space<hbm>>
          %dma_start3A_97 = tpu.memref_squeeze %dma_start3A_96 : memref<1x1x128xi32, #tpu.memory_space<hbm>> -> memref<128xi32, #tpu.memory_space<hbm>>
          tpu.enqueue_dma source(%dma_start3A_97 : memref<128xi32, #tpu.memory_space<hbm>>) target(%arg9 : memref<128xi32, #tpu.memory_space<vmem>>) target_semaphore(%arg18 : memref<!tpu.dma_semaphore, #tpu.memory_space<semaphore_mem>>)
          %add3A_98 = arith.constant 3 : i32
          %add3A_99 = arith.addi %mul3A_51, %add3A_98 : i32
          %dma_start3A_100 = arith.constant 0 : i32
          %dma_start3A_101 = tpu.memref_slice %arg4[%arg1, %add3A_99, %dma_start3A_100] : memref<16x158x128xi32, #tpu.memory_space<hbm>> -> memref<1x1x128xi32, #tpu.memory_space<hbm>>
          %dma_start3A_102 = tpu.memref_squeeze %dma_start3A_101 : memref<1x1x128xi32, #tpu.memory_space<hbm>> -> memref<128xi32, #tpu.memory_space<hbm>>
          %dma_start3A_103 = arith.constant 0 : i32
          %dma_start3A_104 = tpu.memref_slice %arg4[%arg1, %add3A_99, %dma_start3A_103] : memref<16x158x128xi32, #tpu.memory_space<hbm>> -> memref<1x1x128xi32, #tpu.memory_space<hbm>>
          %dma_start3A_105 = tpu.memref_squeeze %dma_start3A_104 : memref<1x1x128xi32, #tpu.memory_space<hbm>> -> memref<128xi32, #tpu.memory_space<hbm>>
          tpu.enqueue_dma source(%dma_start3A_105 : memref<128xi32, #tpu.memory_space<hbm>>) target(%arg11 : memref<128xi32, #tpu.memory_space<vmem>>) target_semaphore(%arg18 : memref<!tpu.dma_semaphore, #tpu.memory_space<semaphore_mem>>)
        } else {
        }
        %scan3A_89 = arith.constant 0 : i32
        scf.yield %scan3A_89 : i32
      }
      %scan3A_43 = arith.constant 79 : i32
      %barrier3A_44 = arith.constant 0 : index
      tpu.barrier barrier_id(%barrier3A_44)
      %mul3A = arith.constant 640 : i32
      %mul3A_45 = arith.muli %arg1, %mul3A : i32
      %mul3A_46 = arith.constant 640 : i32
      %mul3A_47 = arith.muli %arg1, %mul3A_46 : i32
      "tpu.region"() ({
        %run_scoped3A_48 = tpu.sem_alloc : memref<!tpu.dma_semaphore, #tpu.memory_space<semaphore_mem>>
        %dma_start3A_49 = arith.constant 0 : i32
        %dma_start3A_50 = tpu.memref_slice %arg6[%mul3A_47, %dma_start3A_49] : memref<10240x128xf32, #tpu.memory_space<hbm>> -> memref<640x128xf32, #tpu.memory_space<hbm>>
        %dma_start3A_51 = arith.constant 0 : i32
        %dma_start3A_52 = tpu.memref_slice %arg14[%mul3A_45, %dma_start3A_51] : memref<10240x128xf32, #tpu.memory_space<vmem_shared>> -> memref<640x128xf32, #tpu.memory_space<vmem_shared>>
        tpu.enqueue_dma source(%dma_start3A_52 : memref<640x128xf32, #tpu.memory_space<vmem_shared>>) target(%dma_start3A_50 : memref<640x128xf32, #tpu.memory_space<hbm>>) target_semaphore(%run_scoped3A_48 : memref<!tpu.dma_semaphore, #tpu.memory_space<semaphore_mem>>)
        %dma_wait3A = arith.constant 0 : i32
        %dma_wait3A_53 = tpu.memref_slice %arg6[%mul3A_47, %dma_wait3A] : memref<10240x128xf32, #tpu.memory_space<hbm>> -> memref<640x128xf32, #tpu.memory_space<hbm>>
        %dma_wait3A_54 = arith.constant 0 : i32
        %dma_wait3A_55 = tpu.memref_slice %arg14[%mul3A_45, %dma_wait3A_54] : memref<10240x128xf32, #tpu.memory_space<vmem_shared>> -> memref<640x128xf32, #tpu.memory_space<vmem_shared>>
        tpu.wait_dma2 semaphore(%run_scoped3A_48 : memref<!tpu.dma_semaphore, #tpu.memory_space<semaphore_mem>>) src(%dma_wait3A_55 : memref<640x128xf32, #tpu.memory_space<vmem_shared>>) dst(%dma_wait3A_53 : memref<640x128xf32, #tpu.memory_space<hbm>>)
        tpu.yield
      }) : () -> ()
    } else {
    }
    %eq3A_2 = arith.constant 1 : i32
    %eq3A_3 = arith.cmpi eq, %arg0, %eq3A_2 : i32
    %convert_element_type3A_4 = arith.extui %eq3A_3 : i1 to i32
    %cond3A_5 = arith.constant 0 : i32
    %cond3A_6 = arith.cmpi ne, %convert_element_type3A_4, %cond3A_5 : i32
    scf.if %cond3A_6 {
      %scan3A = arith.constant 0 : i32
      %scan3A_7 = arith.constant 0 : i32
      %scan3A_8 = arith.constant 128 : i32
      %scan3A_9 = arith.addi %scan3A_7, %scan3A_8 : i32
      %scan3A_10 = arith.constant 1 : i32
      %scan3A_11 = scf.for %scan3A_48 = %scan3A_7 to %scan3A_9 step %scan3A_10 iter_args(%scan3A_49 = %scan3A) -> (i32)  : i32 {
        %broadcast_in_dim3A = arith.constant 0.000000e+00 : f32
        %broadcast_in_dim3A_50 = vector.broadcast %broadcast_in_dim3A : f32 to vector<16xf32>
        %swap3A = arith.index_cast %scan3A_48 : i32 to index
        %swap3A_51 = arith.constant 0 : index
        %swap3A_52 = tpu.vector_load %arg12[%swap3A, %swap3A_51] {strides = array<i32>} : memref<128x128xf32, #tpu.memory_space<vmem>>, vector<1x16xf32>,
        %swap3A_53 = vector.shape_cast %swap3A_52 : vector<1x16xf32> to vector<16xf32>
        %swap3A_54 = vector.shape_cast %broadcast_in_dim3A_50 : vector<16xf32> to vector<1x16xf32>
        tpu.vector_store %arg12[%swap3A, %swap3A_51], %swap3A_54 {strides = array<i32>} : memref<128x128xf32, #tpu.memory_space<vmem>>, vector<1x16xf32>,
        %broadcast_in_dim3A_55 = arith.constant 0.000000e+00 : f32
        %broadcast_in_dim3A_56 = vector.broadcast %broadcast_in_dim3A_55 : f32 to vector<16xf32>
        %swap3A_57 = arith.index_cast %scan3A_48 : i32 to index
        %swap3A_58 = arith.constant 16 : index
        %swap3A_59 = tpu.vector_load %arg12[%swap3A_57, %swap3A_58] {strides = array<i32>} : memref<128x128xf32, #tpu.memory_space<vmem>>, vector<1x16xf32>,
        %swap3A_60 = vector.shape_cast %swap3A_59 : vector<1x16xf32> to vector<16xf32>
        %swap3A_61 = vector.shape_cast %broadcast_in_dim3A_56 : vector<16xf32> to vector<1x16xf32>
        tpu.vector_store %arg12[%swap3A_57, %swap3A_58], %swap3A_61 {strides = array<i32>} : memref<128x128xf32, #tpu.memory_space<vmem>>, vector<1x16xf32>,
        %broadcast_in_dim3A_62 = arith.constant 0.000000e+00 : f32
        %broadcast_in_dim3A_63 = vector.broadcast %broadcast_in_dim3A_62 : f32 to vector<16xf32>
        %swap3A_64 = arith.index_cast %scan3A_48 : i32 to index
        %swap3A_65 = arith.constant 32 : index
        %swap3A_66 = tpu.vector_load %arg12[%swap3A_64, %swap3A_65] {strides = array<i32>} : memref<128x128xf32, #tpu.memory_space<vmem>>, vector<1x16xf32>,
        %swap3A_67 = vector.shape_cast %swap3A_66 : vector<1x16xf32> to vector<16xf32>
        %swap3A_68 = vector.shape_cast %broadcast_in_dim3A_63 : vector<16xf32> to vector<1x16xf32>
        tpu.vector_store %arg12[%swap3A_64, %swap3A_65], %swap3A_68 {strides = array<i32>} : memref<128x128xf32, #tpu.memory_space<vmem>>, vector<1x16xf32>,
        %broadcast_in_dim3A_69 = arith.constant 0.000000e+00 : f32
        %broadcast_in_dim3A_70 = vector.broadcast %broadcast_in_dim3A_69 : f32 to vector<16xf32>
        %swap3A_71 = arith.index_cast %scan3A_48 : i32 to index
        %swap3A_72 = arith.constant 48 : index
        %swap3A_73 = tpu.vector_load %arg12[%swap3A_71, %swap3A_72] {strides = array<i32>} : memref<128x128xf32, #tpu.memory_space<vmem>>, vector<1x16xf32>,
        %swap3A_74 = vector.shape_cast %swap3A_73 : vector<1x16xf32> to vector<16xf32>
        %swap3A_75 = vector.shape_cast %broadcast_in_dim3A_70 : vector<16xf32> to vector<1x16xf32>
        tpu.vector_store %arg12[%swap3A_71, %swap3A_72], %swap3A_75 {strides = array<i32>} : memref<128x128xf32, #tpu.memory_space<vmem>>, vector<1x16xf32>,
        %broadcast_in_dim3A_76 = arith.constant 0.000000e+00 : f32
        %broadcast_in_dim3A_77 = vector.broadcast %broadcast_in_dim3A_76 : f32 to vector<16xf32>
        %swap3A_78 = arith.index_cast %scan3A_48 : i32 to index
        %swap3A_79 = arith.constant 64 : index
        %swap3A_80 = tpu.vector_load %arg12[%swap3A_78, %swap3A_79] {strides = array<i32>} : memref<128x128xf32, #tpu.memory_space<vmem>>, vector<1x16xf32>,
        %swap3A_81 = vector.shape_cast %swap3A_80 : vector<1x16xf32> to vector<16xf32>
        %swap3A_82 = vector.shape_cast %broadcast_in_dim3A_77 : vector<16xf32> to vector<1x16xf32>
        tpu.vector_store %arg12[%swap3A_78, %swap3A_79], %swap3A_82 {strides = array<i32>} : memref<128x128xf32, #tpu.memory_space<vmem>>, vector<1x16xf32>,
        %broadcast_in_dim3A_83 = arith.constant 0.000000e+00 : f32
        %broadcast_in_dim3A_84 = vector.broadcast %broadcast_in_dim3A_83 : f32 to vector<16xf32>
        %swap3A_85 = arith.index_cast %scan3A_48 : i32 to index
        %swap3A_86 = arith.constant 80 : index
        %swap3A_87 = tpu.vector_load %arg12[%swap3A_85, %swap3A_86] {strides = array<i32>} : memref<128x128xf32, #tpu.memory_space<vmem>>, vector<1x16xf32>,
        %swap3A_88 = vector.shape_cast %swap3A_87 : vector<1x16xf32> to vector<16xf32>
        %swap3A_89 = vector.shape_cast %broadcast_in_dim3A_84 : vector<16xf32> to vector<1x16xf32>
        tpu.vector_store %arg12[%swap3A_85, %swap3A_86], %swap3A_89 {strides = array<i32>} : memref<128x128xf32, #tpu.memory_space<vmem>>, vector<1x16xf32>,
        %broadcast_in_dim3A_90 = arith.constant 0.000000e+00 : f32
        %broadcast_in_dim3A_91 = vector.broadcast %broadcast_in_dim3A_90 : f32 to vector<16xf32>
        %swap3A_92 = arith.index_cast %scan3A_48 : i32 to index
        %swap3A_93 = arith.constant 96 : index
        %swap3A_94 = tpu.vector_load %arg12[%swap3A_92, %swap3A_93] {strides = array<i32>} : memref<128x128xf32, #tpu.memory_space<vmem>>, vector<1x16xf32>,
        %swap3A_95 = vector.shape_cast %swap3A_94 : vector<1x16xf32> to vector<16xf32>
        %swap3A_96 = vector.shape_cast %broadcast_in_dim3A_91 : vector<16xf32> to vector<1x16xf32>
        tpu.vector_store %arg12[%swap3A_92, %swap3A_93], %swap3A_96 {strides = array<i32>} : memref<128x128xf32, #tpu.memory_space<vmem>>, vector<1x16xf32>,
        %broadcast_in_dim3A_97 = arith.constant 0.000000e+00 : f32
        %broadcast_in_dim3A_98 = vector.broadcast %broadcast_in_dim3A_97 : f32 to vector<16xf32>
        %swap3A_99 = arith.index_cast %scan3A_48 : i32 to index
        %swap3A_100 = arith.constant 112 : index
        %swap3A_101 = tpu.vector_load %arg12[%swap3A_99, %swap3A_100] {strides = array<i32>} : memref<128x128xf32, #tpu.memory_space<vmem>>, vector<1x16xf32>,
        %swap3A_102 = vector.shape_cast %swap3A_101 : vector<1x16xf32> to vector<16xf32>
        %swap3A_103 = vector.shape_cast %broadcast_in_dim3A_98 : vector<16xf32> to vector<1x16xf32>
        tpu.vector_store %arg12[%swap3A_99, %swap3A_100], %swap3A_103 {strides = array<i32>} : memref<128x128xf32, #tpu.memory_space<vmem>>, vector<1x16xf32>,
        %scan3A_104 = arith.constant 0 : i32
        scf.yield %scan3A_104 : i32
      }
      %scan3A_12 = arith.constant 128 : i32
      %scan3A_13 = arith.constant 0 : i32
      %scan3A_14 = arith.constant 0 : i32
      %scan3A_15 = arith.constant 5 : i32
      %scan3A_16 = arith.addi %scan3A_14, %scan3A_15 : i32
      %scan3A_17 = arith.constant 1 : i32
      %scan3A_18 = scf.for %scan3A_48 = %scan3A_14 to %scan3A_16 step %scan3A_17 iter_args(%scan3A_49 = %scan3A_13) -> (i32)  : i32 {
        %mul3A_50 = arith.constant 640 : i32
        %mul3A_51 = arith.muli %arg1, %mul3A_50 : i32
        %mul3A_52 = arith.constant 128 : i32
        %mul3A_53 = arith.muli %scan3A_48, %mul3A_52 : i32
        %add3A = arith.addi %mul3A_51, %mul3A_53 : i32
        "tpu.region"() ({
          %run_scoped3A_55 = tpu.sem_alloc : memref<!tpu.dma_semaphore, #tpu.memory_space<semaphore_mem>>
          %dma_start3A_56 = arith.constant 0 : i32
          %dma_start3A_57 = tpu.memref_slice %arg14[%add3A, %dma_start3A_56] : memref<10240x128xf32, #tpu.memory_space<vmem_shared>> -> memref<128x128xf32, #tpu.memory_space<vmem_shared>>
          %dma_start3A_58 = arith.constant 0 : i32
          %dma_start3A_59 = tpu.memref_slice %arg14[%add3A, %dma_start3A_58] : memref<10240x128xf32, #tpu.memory_space<vmem_shared>> -> memref<128x128xf32, #tpu.memory_space<vmem_shared>>
          tpu.enqueue_dma source(%arg12 : memref<128x128xf32, #tpu.memory_space<vmem>>) target(%dma_start3A_59 : memref<128x128xf32, #tpu.memory_space<vmem_shared>>) target_semaphore(%run_scoped3A_55 : memref<!tpu.dma_semaphore, #tpu.memory_space<semaphore_mem>>)
          %dma_wait3A = arith.constant 0 : i32
          %dma_wait3A_60 = tpu.memref_slice %arg14[%add3A, %dma_wait3A] : memref<10240x128xf32, #tpu.memory_space<vmem_shared>> -> memref<128x128xf32, #tpu.memory_space<vmem_shared>>
          %dma_wait3A_61 = arith.constant 0 : i32
          %dma_wait3A_62 = tpu.memref_slice %arg14[%add3A, %dma_wait3A_61] : memref<10240x128xf32, #tpu.memory_space<vmem_shared>> -> memref<128x128xf32, #tpu.memory_space<vmem_shared>>
          tpu.wait_dma2 semaphore(%run_scoped3A_55 : memref<!tpu.dma_semaphore, #tpu.memory_space<semaphore_mem>>) src(%arg12 : memref<128x128xf32, #tpu.memory_space<vmem>>) dst(%dma_wait3A_62 : memref<128x128xf32, #tpu.memory_space<vmem_shared>>)
          tpu.yield
        }) : () -> ()
        %scan3A_54 = arith.constant 0 : i32
        scf.yield %scan3A_54 : i32
      }
      %scan3A_19 = arith.constant 5 : i32
      %barrier3A = arith.constant 0 : index
      tpu.barrier barrier_id(%barrier3A)
      %run_scoped3A = arith.constant 0 : i32
      "tpu.region"() ({
        %run_scoped3A_48 = tpu.sem_alloc : memref<!tpu.dma_semaphore, #tpu.memory_space<semaphore_mem>>
        %dma_start3A_49 = arith.constant 0 : i32
        %dma_start3A_50 = tpu.memref_slice %arg4[%arg1, %run_scoped3A, %dma_start3A_49] : memref<16x158x128xi32, #tpu.memory_space<hbm>> -> memref<1x1x128xi32, #tpu.memory_space<hbm>>
        %dma_start3A_51 = tpu.memref_squeeze %dma_start3A_50 : memref<1x1x128xi32, #tpu.memory_space<hbm>> -> memref<128xi32, #tpu.memory_space<hbm>>
        %dma_start3A_52 = arith.constant 0 : i32
        %dma_start3A_53 = tpu.memref_slice %arg4[%arg1, %run_scoped3A, %dma_start3A_52] : memref<16x158x128xi32, #tpu.memory_space<hbm>> -> memref<1x1x128xi32, #tpu.memory_space<hbm>>
        %dma_start3A_54 = tpu.memref_squeeze %dma_start3A_53 : memref<1x1x128xi32, #tpu.memory_space<hbm>> -> memref<128xi32, #tpu.memory_space<hbm>>
        tpu.enqueue_dma source(%dma_start3A_54 : memref<128xi32, #tpu.memory_space<hbm>>) target(%arg8 : memref<128xi32, #tpu.memory_space<vmem>>) target_semaphore(%run_scoped3A_48 : memref<!tpu.dma_semaphore, #tpu.memory_space<semaphore_mem>>)
        %dma_wait3A = arith.constant 0 : i32
        %dma_wait3A_55 = tpu.memref_slice %arg4[%arg1, %run_scoped3A, %dma_wait3A] : memref<16x158x128xi32, #tpu.memory_space<hbm>> -> memref<1x1x128xi32, #tpu.memory_space<hbm>>
        %dma_wait3A_56 = tpu.memref_squeeze %dma_wait3A_55 : memref<1x1x128xi32, #tpu.memory_space<hbm>> -> memref<128xi32, #tpu.memory_space<hbm>>
        %dma_wait3A_57 = arith.constant 0 : i32
        %dma_wait3A_58 = tpu.memref_slice %arg4[%arg1, %run_scoped3A, %dma_wait3A_57] : memref<16x158x128xi32, #tpu.memory_space<hbm>> -> memref<1x1x128xi32, #tpu.memory_space<hbm>>
        %dma_wait3A_59 = tpu.memref_squeeze %dma_wait3A_58 : memref<1x1x128xi32, #tpu.memory_space<hbm>> -> memref<128xi32, #tpu.memory_space<hbm>>
        tpu.wait_dma2 semaphore(%run_scoped3A_48 : memref<!tpu.dma_semaphore, #tpu.memory_space<semaphore_mem>>) src(%dma_wait3A_59 : memref<128xi32, #tpu.memory_space<hbm>>) dst(%arg8 : memref<128xi32, #tpu.memory_space<vmem>>)
        tpu.yield
      }) : () -> ()
      %run_scoped3A_20 = arith.constant 0 : i32
      "tpu.region"() ({
        %run_scoped3A_48 = tpu.sem_alloc : memref<!tpu.dma_semaphore, #tpu.memory_space<semaphore_mem>>
        %dma_start3A_49 = arith.constant 0 : i32
        %dma_start3A_50 = tpu.memref_slice %arg5[%arg1, %run_scoped3A_20, %dma_start3A_49] : memref<16x158x128xi32, #tpu.memory_space<hbm>> -> memref<1x1x128xi32, #tpu.memory_space<hbm>>
        %dma_start3A_51 = tpu.memref_squeeze %dma_start3A_50 : memref<1x1x128xi32, #tpu.memory_space<hbm>> -> memref<128xi32, #tpu.memory_space<hbm>>
        %dma_start3A_52 = arith.constant 0 : i32
        %dma_start3A_53 = tpu.memref_slice %arg5[%arg1, %run_scoped3A_20, %dma_start3A_52] : memref<16x158x128xi32, #tpu.memory_space<hbm>> -> memref<1x1x128xi32, #tpu.memory_space<hbm>>
        %dma_start3A_54 = tpu.memref_squeeze %dma_start3A_53 : memref<1x1x128xi32, #tpu.memory_space<hbm>> -> memref<128xi32, #tpu.memory_space<hbm>>
        tpu.enqueue_dma source(%dma_start3A_54 : memref<128xi32, #tpu.memory_space<hbm>>) target(%arg10 : memref<128xi32, #tpu.memory_space<vmem>>) target_semaphore(%run_scoped3A_48 : memref<!tpu.dma_semaphore, #tpu.memory_space<semaphore_mem>>)
        %dma_wait3A = arith.constant 0 : i32
        %dma_wait3A_55 = tpu.memref_slice %arg5[%arg1, %run_scoped3A_20, %dma_wait3A] : memref<16x158x128xi32, #tpu.memory_space<hbm>> -> memref<1x1x128xi32, #tpu.memory_space<hbm>>
        %dma_wait3A_56 = tpu.memref_squeeze %dma_wait3A_55 : memref<1x1x128xi32, #tpu.memory_space<hbm>> -> memref<128xi32, #tpu.memory_space<hbm>>
        %dma_wait3A_57 = arith.constant 0 : i32
        %dma_wait3A_58 = tpu.memref_slice %arg5[%arg1, %run_scoped3A_20, %dma_wait3A_57] : memref<16x158x128xi32, #tpu.memory_space<hbm>> -> memref<1x1x128xi32, #tpu.memory_space<hbm>>
        %dma_wait3A_59 = tpu.memref_squeeze %dma_wait3A_58 : memref<1x1x128xi32, #tpu.memory_space<hbm>> -> memref<128xi32, #tpu.memory_space<hbm>>
        tpu.wait_dma2 semaphore(%run_scoped3A_48 : memref<!tpu.dma_semaphore, #tpu.memory_space<semaphore_mem>>) src(%dma_wait3A_59 : memref<128xi32, #tpu.memory_space<hbm>>) dst(%arg10 : memref<128xi32, #tpu.memory_space<vmem>>)
        tpu.yield
      }) : () -> ()
      %dma_start3A = arith.constant 0 : i32
      %dma_start3A_21 = arith.constant 0 : i32
      %dma_start3A_22 = tpu.memref_slice %arg3[%dma_start3A, %dma_start3A_21] : memref<10240x128xf32, #tpu.memory_space<hbm>> -> memref<10240x128xf32, #tpu.memory_space<hbm>>
      tpu.enqueue_indirect_dma source(%dma_start3A_22 : memref<10240x128xf32, #tpu.memory_space<hbm>>) target(%arg12 : memref<128x128xf32, #tpu.memory_space<vmem>>) offsets(%arg8 : memref<128xi32, #tpu.memory_space<vmem>>) semaphore(%arg15 : memref<!tpu.dma_semaphore, #tpu.memory_space<semaphore_mem>>)
      %dma_start3A_23 = arith.constant 1 : i32
      %dma_start3A_24 = arith.constant 0 : i32
      %dma_start3A_25 = tpu.memref_slice %arg4[%arg1, %dma_start3A_23, %dma_start3A_24] : memref<16x158x128xi32, #tpu.memory_space<hbm>> -> memref<1x1x128xi32, #tpu.memory_space<hbm>>
      %dma_start3A_26 = tpu.memref_squeeze %dma_start3A_25 : memref<1x1x128xi32, #tpu.memory_space<hbm>> -> memref<128xi32, #tpu.memory_space<hbm>>
      %dma_start3A_27 = arith.constant 0 : i32
      %dma_start3A_28 = tpu.memref_slice %arg4[%arg1, %dma_start3A_23, %dma_start3A_27] : memref<16x158x128xi32, #tpu.memory_space<hbm>> -> memref<1x1x128xi32, #tpu.memory_space<hbm>>
      %dma_start3A_29 = tpu.memref_squeeze %dma_start3A_28 : memref<1x1x128xi32, #tpu.memory_space<hbm>> -> memref<128xi32, #tpu.memory_space<hbm>>
      tpu.enqueue_dma source(%dma_start3A_29 : memref<128xi32, #tpu.memory_space<hbm>>) target(%arg9 : memref<128xi32, #tpu.memory_space<vmem>>) target_semaphore(%arg18 : memref<!tpu.dma_semaphore, #tpu.memory_space<semaphore_mem>>)
      %dma_start3A_30 = arith.constant 1 : i32
      %dma_start3A_31 = arith.constant 0 : i32
      %dma_start3A_32 = tpu.memref_slice %arg5[%arg1, %dma_start3A_30, %dma_start3A_31] : memref<16x158x128xi32, #tpu.memory_space<hbm>> -> memref<1x1x128xi32, #tpu.memory_space<hbm>>
      %dma_start3A_33 = tpu.memref_squeeze %dma_start3A_32 : memref<1x1x128xi32, #tpu.memory_space<hbm>> -> memref<128xi32, #tpu.memory_space<hbm>>
      %dma_start3A_34 = arith.constant 0 : i32
      %dma_start3A_35 = tpu.memref_slice %arg5[%arg1, %dma_start3A_30, %dma_start3A_34] : memref<16x158x128xi32, #tpu.memory_space<hbm>> -> memref<1x1x128xi32, #tpu.memory_space<hbm>>
      %dma_start3A_36 = tpu.memref_squeeze %dma_start3A_35 : memref<1x1x128xi32, #tpu.memory_space<hbm>> -> memref<128xi32, #tpu.memory_space<hbm>>
      tpu.enqueue_dma source(%dma_start3A_36 : memref<128xi32, #tpu.memory_space<hbm>>) target(%arg11 : memref<128xi32, #tpu.memory_space<vmem>>) target_semaphore(%arg18 : memref<!tpu.dma_semaphore, #tpu.memory_space<semaphore_mem>>)
      %scan3A_37 = arith.constant 0 : i32
      %scan3A_38 = arith.constant 0 : i32
      %scan3A_39 = arith.constant 79 : i32
      %scan3A_40 = arith.addi %scan3A_38, %scan3A_39 : i32
      %scan3A_41 = arith.constant 1 : i32
      %scan3A_42 = scf.for %scan3A_48 = %scan3A_38 to %scan3A_40 step %scan3A_41 iter_args(%scan3A_49 = %scan3A_37) -> (i32)  : i32 {
        %mul3A_50 = arith.constant 2 : i32
        %mul3A_51 = arith.muli %mul3A_50, %scan3A_48 : i32
        %dma_wait3A = arith.constant 0 : i32
        %dma_wait3A_52 = arith.constant 0 : i32
        %dma_wait3A_53 = tpu.memref_slice %arg4[%arg1, %dma_wait3A, %dma_wait3A_52] : memref<16x158x128xi32, #tpu.memory_space<hbm>> -> memref<1x1x128xi32, #tpu.memory_space<hbm>>
        %dma_wait3A_54 = tpu.memref_squeeze %dma_wait3A_53 : memref<1x1x128xi32, #tpu.memory_space<hbm>> -> memref<128xi32, #tpu.memory_space<hbm>>
        %dma_wait3A_55 = arith.constant 0 : i32
        %dma_wait3A_56 = tpu.memref_slice %arg4[%arg1, %dma_wait3A, %dma_wait3A_55] : memref<16x158x128xi32, #tpu.memory_space<hbm>> -> memref<1x1x128xi32, #tpu.memory_space<hbm>>
        %dma_wait3A_57 = tpu.memref_squeeze %dma_wait3A_56 : memref<1x1x128xi32, #tpu.memory_space<hbm>> -> memref<128xi32, #tpu.memory_space<hbm>>
        tpu.wait_dma2 semaphore(%arg18 : memref<!tpu.dma_semaphore, #tpu.memory_space<semaphore_mem>>) src(%dma_wait3A_57 : memref<128xi32, #tpu.memory_space<hbm>>) dst(%arg9 : memref<128xi32, #tpu.memory_space<vmem>>)
        %dma_wait3A_58 = arith.constant 0 : i32
        %dma_wait3A_59 = arith.constant 0 : i32
        %dma_wait3A_60 = tpu.memref_slice %arg4[%arg1, %dma_wait3A_58, %dma_wait3A_59] : memref<16x158x128xi32, #tpu.memory_space<hbm>> -> memref<1x1x128xi32, #tpu.memory_space<hbm>>
        %dma_wait3A_61 = tpu.memref_squeeze %dma_wait3A_60 : memref<1x1x128xi32, #tpu.memory_space<hbm>> -> memref<128xi32, #tpu.memory_space<hbm>>
        %dma_wait3A_62 = arith.constant 0 : i32
        %dma_wait3A_63 = tpu.memref_slice %arg4[%arg1, %dma_wait3A_58, %dma_wait3A_62] : memref<16x158x128xi32, #tpu.memory_space<hbm>> -> memref<1x1x128xi32, #tpu.memory_space<hbm>>
        %dma_wait3A_64 = tpu.memref_squeeze %dma_wait3A_63 : memref<1x1x128xi32, #tpu.memory_space<hbm>> -> memref<128xi32, #tpu.memory_space<hbm>>
        tpu.wait_dma2 semaphore(%arg18 : memref<!tpu.dma_semaphore, #tpu.memory_space<semaphore_mem>>) src(%dma_wait3A_64 : memref<128xi32, #tpu.memory_space<hbm>>) dst(%arg11 : memref<128xi32, #tpu.memory_space<vmem>>)
        %dma_start3A_65 = arith.constant 0 : i32
        %dma_start3A_66 = arith.constant 0 : i32
        %dma_start3A_67 = tpu.memref_slice %arg3[%dma_start3A_65, %dma_start3A_66] : memref<10240x128xf32, #tpu.memory_space<hbm>> -> memref<10240x128xf32, #tpu.memory_space<hbm>>
        tpu.enqueue_indirect_dma source(%dma_start3A_67 : memref<10240x128xf32, #tpu.memory_space<hbm>>) target(%arg13 : memref<128x128xf32, #tpu.memory_space<vmem>>) offsets(%arg9 : memref<128xi32, #tpu.memory_space<vmem>>) semaphore(%arg16 : memref<!tpu.dma_semaphore, #tpu.memory_space<semaphore_mem>>)
        %dma_wait3A_68 = arith.constant 0 : i32
        %dma_wait3A_69 = arith.constant 0 : i32
        %dma_wait3A_70 = tpu.memref_slice %arg3[%dma_wait3A_68, %dma_wait3A_69] : memref<10240x128xf32, #tpu.memory_space<hbm>> -> memref<128x128xf32, #tpu.memory_space<hbm>>
        %dma_wait3A_71 = arith.constant 0 : i32
        %dma_wait3A_72 = arith.constant 0 : i32
        %dma_wait3A_73 = tpu.memref_slice %arg3[%dma_wait3A_71, %dma_wait3A_72] : memref<10240x128xf32, #tpu.memory_space<hbm>> -> memref<128x128xf32, #tpu.memory_space<hbm>>
        tpu.wait_dma2 semaphore(%arg15 : memref<!tpu.dma_semaphore, #tpu.memory_space<semaphore_mem>>) src(%dma_wait3A_73 : memref<128x128xf32, #tpu.memory_space<hbm>>) dst(%arg12 : memref<128x128xf32, #tpu.memory_space<vmem>>)
        "tpu.region"() ({
          %run_scoped3A_90 = tpu.sem_alloc : memref<!tpu.dma_semaphore, #tpu.memory_space<semaphore_mem>>
          %dma_start3A_91 = arith.constant 0 : i32
          %dma_start3A_92 = arith.constant 0 : i32
          %dma_start3A_93 = tpu.memref_slice %arg14[%dma_start3A_91, %dma_start3A_92] : memref<10240x128xf32, #tpu.memory_space<vmem_shared>> -> memref<10240x128xf32, #tpu.memory_space<vmem_shared>>
          tpu.enqueue_indirect_dma source(%arg12 : memref<128x128xf32, #tpu.memory_space<vmem>>) target(%dma_start3A_93 : memref<10240x128xf32, #tpu.memory_space<vmem_shared>>) offsets(%arg10 : memref<128xi32, #tpu.memory_space<vmem>>) semaphore(%run_scoped3A_90 : memref<!tpu.dma_semaphore, #tpu.memory_space<semaphore_mem>>) {add = true}
          %dma_wait3A_94 = arith.constant 0 : i32
          %dma_wait3A_95 = arith.constant 0 : i32
          %dma_wait3A_96 = tpu.memref_slice %arg14[%dma_wait3A_94, %dma_wait3A_95] : memref<10240x128xf32, #tpu.memory_space<vmem_shared>> -> memref<10240x128xf32, #tpu.memory_space<vmem_shared>>
          tpu.wait_indirect_dma semaphore(%run_scoped3A_90 : memref<!tpu.dma_semaphore, #tpu.memory_space<semaphore_mem>>) src(%arg12 : memref<128x128xf32, #tpu.memory_space<vmem>>) dst(%dma_wait3A_96 : memref<10240x128xf32, #tpu.memory_space<vmem_shared>>)
          tpu.yield
        }) : () -> ()
        %add3A = arith.constant 2 : i32
        %add3A_74 = arith.addi %mul3A_51, %add3A : i32
        %lt3A = arith.constant 158 : i32
        %lt3A_75 = arith.cmpi slt, %add3A_74, %lt3A : i32
        %convert_element_type3A_76 = arith.extui %lt3A_75 : i1 to i32
        %cond3A_77 = arith.constant 0 : i32
        %cond3A_78 = arith.cmpi ne, %convert_element_type3A_76, %cond3A_77 : i32
        scf.if %cond3A_78 {
          %add3A_90 = arith.constant 2 : i32
          %add3A_91 = arith.addi %mul3A_51, %add3A_90 : i32
          %dma_start3A_92 = arith.constant 0 : i32
          %dma_start3A_93 = tpu.memref_slice %arg4[%arg1, %add3A_91, %dma_start3A_92] : memref<16x158x128xi32, #tpu.memory_space<hbm>> -> memref<1x1x128xi32, #tpu.memory_space<hbm>>
          %dma_start3A_94 = tpu.memref_squeeze %dma_start3A_93 : memref<1x1x128xi32, #tpu.memory_space<hbm>> -> memref<128xi32, #tpu.memory_space<hbm>>
          %dma_start3A_95 = arith.constant 0 : i32
          %dma_start3A_96 = tpu.memref_slice %arg4[%arg1, %add3A_91, %dma_start3A_95] : memref<16x158x128xi32, #tpu.memory_space<hbm>> -> memref<1x1x128xi32, #tpu.memory_space<hbm>>
          %dma_start3A_97 = tpu.memref_squeeze %dma_start3A_96 : memref<1x1x128xi32, #tpu.memory_space<hbm>> -> memref<128xi32, #tpu.memory_space<hbm>>
          tpu.enqueue_dma source(%dma_start3A_97 : memref<128xi32, #tpu.memory_space<hbm>>) target(%arg8 : memref<128xi32, #tpu.memory_space<vmem>>) target_semaphore(%arg17 : memref<!tpu.dma_semaphore, #tpu.memory_space<semaphore_mem>>)
          %add3A_98 = arith.constant 2 : i32
          %add3A_99 = arith.addi %mul3A_51, %add3A_98 : i32
          %dma_start3A_100 = arith.constant 0 : i32
          %dma_start3A_101 = tpu.memref_slice %arg5[%arg1, %add3A_99, %dma_start3A_100] : memref<16x158x128xi32, #tpu.memory_space<hbm>> -> memref<1x1x128xi32, #tpu.memory_space<hbm>>
          %dma_start3A_102 = tpu.memref_squeeze %dma_start3A_101 : memref<1x1x128xi32, #tpu.memory_space<hbm>> -> memref<128xi32, #tpu.memory_space<hbm>>
          %dma_start3A_103 = arith.constant 0 : i32
          %dma_start3A_104 = tpu.memref_slice %arg5[%arg1, %add3A_99, %dma_start3A_103] : memref<16x158x128xi32, #tpu.memory_space<hbm>> -> memref<1x1x128xi32, #tpu.memory_space<hbm>>
          %dma_start3A_105 = tpu.memref_squeeze %dma_start3A_104 : memref<1x1x128xi32, #tpu.memory_space<hbm>> -> memref<128xi32, #tpu.memory_space<hbm>>
          tpu.enqueue_dma source(%dma_start3A_105 : memref<128xi32, #tpu.memory_space<hbm>>) target(%arg10 : memref<128xi32, #tpu.memory_space<vmem>>) target_semaphore(%arg17 : memref<!tpu.dma_semaphore, #tpu.memory_space<semaphore_mem>>)
          %dma_wait3A_106 = arith.constant 0 : i32
          %dma_wait3A_107 = arith.constant 0 : i32
          %dma_wait3A_108 = tpu.memref_slice %arg4[%arg1, %dma_wait3A_106, %dma_wait3A_107] : memref<16x158x128xi32, #tpu.memory_space<hbm>> -> memref<1x1x128xi32, #tpu.memory_space<hbm>>
          %dma_wait3A_109 = tpu.memref_squeeze %dma_wait3A_108 : memref<1x1x128xi32, #tpu.memory_space<hbm>> -> memref<128xi32, #tpu.memory_space<hbm>>
          %dma_wait3A_110 = arith.constant 0 : i32
          %dma_wait3A_111 = tpu.memref_slice %arg4[%arg1, %dma_wait3A_106, %dma_wait3A_110] : memref<16x158x128xi32, #tpu.memory_space<hbm>> -> memref<1x1x128xi32, #tpu.memory_space<hbm>>
          %dma_wait3A_112 = tpu.memref_squeeze %dma_wait3A_111 : memref<1x1x128xi32, #tpu.memory_space<hbm>> -> memref<128xi32, #tpu.memory_space<hbm>>
          tpu.wait_dma2 semaphore(%arg17 : memref<!tpu.dma_semaphore, #tpu.memory_space<semaphore_mem>>) src(%dma_wait3A_112 : memref<128xi32, #tpu.memory_space<hbm>>) dst(%arg8 : memref<128xi32, #tpu.memory_space<vmem>>)
          %dma_wait3A_113 = arith.constant 0 : i32
          %dma_wait3A_114 = arith.constant 0 : i32
          %dma_wait3A_115 = tpu.memref_slice %arg4[%arg1, %dma_wait3A_113, %dma_wait3A_114] : memref<16x158x128xi32, #tpu.memory_space<hbm>> -> memref<1x1x128xi32, #tpu.memory_space<hbm>>
          %dma_wait3A_116 = tpu.memref_squeeze %dma_wait3A_115 : memref<1x1x128xi32, #tpu.memory_space<hbm>> -> memref<128xi32, #tpu.memory_space<hbm>>
          %dma_wait3A_117 = arith.constant 0 : i32
          %dma_wait3A_118 = tpu.memref_slice %arg4[%arg1, %dma_wait3A_113, %dma_wait3A_117] : memref<16x158x128xi32, #tpu.memory_space<hbm>> -> memref<1x1x128xi32, #tpu.memory_space<hbm>>
          %dma_wait3A_119 = tpu.memref_squeeze %dma_wait3A_118 : memref<1x1x128xi32, #tpu.memory_space<hbm>> -> memref<128xi32, #tpu.memory_space<hbm>>
          tpu.wait_dma2 semaphore(%arg17 : memref<!tpu.dma_semaphore, #tpu.memory_space<semaphore_mem>>) src(%dma_wait3A_119 : memref<128xi32, #tpu.memory_space<hbm>>) dst(%arg10 : memref<128xi32, #tpu.memory_space<vmem>>)
          %dma_start3A_120 = arith.constant 0 : i32
          %dma_start3A_121 = arith.constant 0 : i32
          %dma_start3A_122 = tpu.memref_slice %arg3[%dma_start3A_120, %dma_start3A_121] : memref<10240x128xf32, #tpu.memory_space<hbm>> -> memref<10240x128xf32, #tpu.memory_space<hbm>>
          tpu.enqueue_indirect_dma source(%dma_start3A_122 : memref<10240x128xf32, #tpu.memory_space<hbm>>) target(%arg12 : memref<128x128xf32, #tpu.memory_space<vmem>>) offsets(%arg8 : memref<128xi32, #tpu.memory_space<vmem>>) semaphore(%arg15 : memref<!tpu.dma_semaphore, #tpu.memory_space<semaphore_mem>>)
        } else {
        }
        %dma_wait3A_79 = arith.constant 0 : i32
        %dma_wait3A_80 = arith.constant 0 : i32
        %dma_wait3A_81 = tpu.memref_slice %arg3[%dma_wait3A_79, %dma_wait3A_80] : memref<10240x128xf32, #tpu.memory_space<hbm>> -> memref<10240x128xf32, #tpu.memory_space<hbm>>
        tpu.wait_indirect_dma semaphore(%arg16 : memref<!tpu.dma_semaphore, #tpu.memory_space<semaphore_mem>>) src(%dma_wait3A_81 : memref<10240x128xf32, #tpu.memory_space<hbm>>) dst(%arg13 : memref<128x128xf32, #tpu.memory_space<vmem>>)
        "tpu.region"() ({
          %run_scoped3A_90 = tpu.sem_alloc : memref<!tpu.dma_semaphore, #tpu.memory_space<semaphore_mem>>
          %dma_start3A_91 = arith.constant 0 : i32
          %dma_start3A_92 = arith.constant 0 : i32
          %dma_start3A_93 = tpu.memref_slice %arg14[%dma_start3A_91, %dma_start3A_92] : memref<10240x128xf32, #tpu.memory_space<vmem_shared>> -> memref<10240x128xf32, #tpu.memory_space<vmem_shared>>
          tpu.enqueue_indirect_dma source(%arg13 : memref<128x128xf32, #tpu.memory_space<vmem>>) target(%dma_start3A_93 : memref<10240x128xf32, #tpu.memory_space<vmem_shared>>) offsets(%arg11 : memref<128xi32, #tpu.memory_space<vmem>>) semaphore(%run_scoped3A_90 : memref<!tpu.dma_semaphore, #tpu.memory_space<semaphore_mem>>) {add = true}
          %dma_wait3A_94 = arith.constant 0 : i32
          %dma_wait3A_95 = arith.constant 0 : i32
          %dma_wait3A_96 = tpu.memref_slice %arg14[%dma_wait3A_94, %dma_wait3A_95] : memref<10240x128xf32, #tpu.memory_space<vmem_shared>> -> memref<10240x128xf32, #tpu.memory_space<vmem_shared>>
          tpu.wait_indirect_dma semaphore(%run_scoped3A_90 : memref<!tpu.dma_semaphore, #tpu.memory_space<semaphore_mem>>) src(%arg13 : memref<128x128xf32, #tpu.memory_space<vmem>>) dst(%dma_wait3A_96 : memref<10240x128xf32, #tpu.memory_space<vmem_shared>>)
          tpu.yield
        }) : () -> ()
        %add3A_82 = arith.constant 3 : i32
        %add3A_83 = arith.addi %mul3A_51, %add3A_82 : i32
        %lt3A_84 = arith.constant 158 : i32
        %lt3A_85 = arith.cmpi slt, %add3A_83, %lt3A_84 : i32
        %convert_element_type3A_86 = arith.extui %lt3A_85 : i1 to i32
        %cond3A_87 = arith.constant 0 : i32
        %cond3A_88 = arith.cmpi ne, %convert_element_type3A_86, %cond3A_87 : i32
        scf.if %cond3A_88 {
          %add3A_90 = arith.constant 3 : i32
          %add3A_91 = arith.addi %mul3A_51, %add3A_90 : i32
          %dma_start3A_92 = arith.constant 0 : i32
          %dma_start3A_93 = tpu.memref_slice %arg4[%arg1, %add3A_91, %dma_start3A_92] : memref<16x158x128xi32, #tpu.memory_space<hbm>> -> memref<1x1x128xi32, #tpu.memory_space<hbm>>
          %dma_start3A_94 = tpu.memref_squeeze %dma_start3A_93 : memref<1x1x128xi32, #tpu.memory_space<hbm>> -> memref<128xi32, #tpu.memory_space<hbm>>
          %dma_start3A_95 = arith.constant 0 : i32
          %dma_start3A_96 = tpu.memref_slice %arg4[%arg1, %add3A_91, %dma_start3A_95] : memref<16x158x128xi32, #tpu.memory_space<hbm>> -> memref<1x1x128xi32, #tpu.memory_space<hbm>>
          %dma_start3A_97 = tpu.memref_squeeze %dma_start3A_96 : memref<1x1x128xi32, #tpu.memory_space<hbm>> -> memref<128xi32, #tpu.memory_space<hbm>>
          tpu.enqueue_dma source(%dma_start3A_97 : memref<128xi32, #tpu.memory_space<hbm>>) target(%arg9 : memref<128xi32, #tpu.memory_space<vmem>>) target_semaphore(%arg18 : memref<!tpu.dma_semaphore, #tpu.memory_space<semaphore_mem>>)
          %add3A_98 = arith.constant 3 : i32
          %add3A_99 = arith.addi %mul3A_51, %add3A_98 : i32
          %dma_start3A_100 = arith.constant 0 : i32
          %dma_start3A_101 = tpu.memref_slice %arg5[%arg1, %add3A_99, %dma_start3A_100] : memref<16x158x128xi32, #tpu.memory_space<hbm>> -> memref<1x1x128xi32, #tpu.memory_space<hbm>>
          %dma_start3A_102 = tpu.memref_squeeze %dma_start3A_101 : memref<1x1x128xi32, #tpu.memory_space<hbm>> -> memref<128xi32, #tpu.memory_space<hbm>>
          %dma_start3A_103 = arith.constant 0 : i32
          %dma_start3A_104 = tpu.memref_slice %arg5[%arg1, %add3A_99, %dma_start3A_103] : memref<16x158x128xi32, #tpu.memory_space<hbm>> -> memref<1x1x128xi32, #tpu.memory_space<hbm>>
          %dma_start3A_105 = tpu.memref_squeeze %dma_start3A_104 : memref<1x1x128xi32, #tpu.memory_space<hbm>> -> memref<128xi32, #tpu.memory_space<hbm>>
          tpu.enqueue_dma source(%dma_start3A_105 : memref<128xi32, #tpu.memory_space<hbm>>) target(%arg11 : memref<128xi32, #tpu.memory_space<vmem>>) target_semaphore(%arg18 : memref<!tpu.dma_semaphore, #tpu.memory_space<semaphore_mem>>)
        } else {
        }
        %scan3A_89 = arith.constant 0 : i32
        scf.yield %scan3A_89 : i32
      }
      %scan3A_43 = arith.constant 79 : i32
      %barrier3A_44 = arith.constant 0 : index
      tpu.barrier barrier_id(%barrier3A_44)
      %mul3A = arith.constant 640 : i32
      %mul3A_45 = arith.muli %arg1, %mul3A : i32
      %mul3A_46 = arith.constant 640 : i32
      %mul3A_47 = arith.muli %arg1, %mul3A_46 : i32
      "tpu.region"() ({
        %run_scoped3A_48 = tpu.sem_alloc : memref<!tpu.dma_semaphore, #tpu.memory_space<semaphore_mem>>
        %dma_start3A_49 = arith.constant 0 : i32
        %dma_start3A_50 = tpu.memref_slice %arg7[%mul3A_47, %dma_start3A_49] : memref<10240x128xf32, #tpu.memory_space<hbm>> -> memref<640x128xf32, #tpu.memory_space<hbm>>
        %dma_start3A_51 = arith.constant 0 : i32
        %dma_start3A_52 = tpu.memref_slice %arg14[%mul3A_45, %dma_start3A_51] : memref<10240x128xf32, #tpu.memory_space<vmem_shared>> -> memref<640x128xf32, #tpu.memory_space<vmem_shared>>
        tpu.enqueue_dma source(%dma_start3A_52 : memref<640x128xf32, #tpu.memory_space<vmem_shared>>) target(%dma_start3A_50 : memref<640x128xf32, #tpu.memory_space<hbm>>) target_semaphore(%run_scoped3A_48 : memref<!tpu.dma_semaphore, #tpu.memory_space<semaphore_mem>>)
        %dma_wait3A = arith.constant 0 : i32
        %dma_wait3A_53 = tpu.memref_slice %arg7[%mul3A_47, %dma_wait3A] : memref<10240x128xf32, #tpu.memory_space<hbm>> -> memref<640x128xf32, #tpu.memory_space<hbm>>
        %dma_wait3A_54 = arith.constant 0 : i32
        %dma_wait3A_55 = tpu.memref_slice %arg14[%mul3A_45, %dma_wait3A_54] : memref<10240x128xf32, #tpu.memory_space<vmem_shared>> -> memref<640x128xf32, #tpu.memory_space<vmem_shared>>
        tpu.wait_dma2 semaphore(%run_scoped3A_48 : memref<!tpu.dma_semaphore, #tpu.memory_space<semaphore_mem>>) src(%dma_wait3A_55 : memref<640x128xf32, #tpu.memory_space<vmem_shared>>) dst(%dma_wait3A_53 : memref<640x128xf32, #tpu.memory_space<hbm>>)
        tpu.yield
      }) : () -> ()
    } else {
    }
    return
  }
}

#map = affine_map<(d0, d1) -> (0, 0)>
#map1 = affine_map<(d0, d1) -> (0, 0, 0)>
module attributes {stable_mosaic.version = 14 : i64} {
  func.func @_sc_spmm(%arg0: i32, %arg1: i32, %arg2: memref<10240x128xf32, #tpu.memory_space<hbm>>, %arg3: memref<10240x128xf32, #tpu.memory_space<hbm>>, %arg4: memref<16x158x128xi32, #tpu.memory_space<hbm>>, %arg5: memref<16x158x128xi32, #tpu.memory_space<hbm>>, %arg6: memref<10240x128xf32, #tpu.memory_space<hbm>>, %arg7: memref<10240x128xf32, #tpu.memory_space<hbm>>, %arg8: memref<128xi32, #tpu.memory_space<vmem>>, %arg9: memref<128xi32, #tpu.memory_space<vmem>>, %arg10: memref<128xi32, #tpu.memory_space<vmem>>, %arg11: memref<128xi32, #tpu.memory_space<vmem>>, %arg12: memref<128x128xf32, #tpu.memory_space<vmem>>, %arg13: memref<128x128xf32, #tpu.memory_space<vmem>>, %arg14: memref<10240x128xf32, #tpu.memory_space<vmem_shared>>, %arg15: memref<!tpu.dma_semaphore, #tpu.memory_space<semaphore_mem>>, %arg16: memref<!tpu.dma_semaphore, #tpu.memory_space<semaphore_mem>>, %arg17: memref<!tpu.dma_semaphore, #tpu.memory_space<semaphore_mem>>, %arg18: memref<!tpu.dma_semaphore, #tpu.memory_space<semaphore_mem>>) attributes {dimension_semantics = [#tpu.dimension_semantics<core_parallel>, #tpu.dimension_semantics<subcore_parallel>], iteration_bounds = array<i64: 2, 16>, scalar_prefetch = 0 : i64, scratch_operands = 11 : i64, tpu.core_type = #tpu.core_type<sc_vector_subcore>, window_params = [{transform_indices = #map}, {transform_indices = #map}, {transform_indices = #map1}, {transform_indices = #map1}, {transform_indices = #map}, {transform_indices = #map}]} {
    %eq3A = arith.constant 0 : i32
    %eq3A_0 = arith.cmpi eq, %arg0, %eq3A : i32
    %convert_element_type3A = arith.extui %eq3A_0 : i1 to i32
    %cond3A = arith.constant 0 : i32
    %cond3A_1 = arith.cmpi ne, %convert_element_type3A, %cond3A : i32
    scf.if %cond3A_1 {
      %scan3A = arith.constant 0 : i32
      %scan3A_7 = arith.constant 0 : i32
      %scan3A_8 = arith.constant 128 : i32
      %scan3A_9 = arith.addi %scan3A_7, %scan3A_8 : i32
      %scan3A_10 = arith.constant 1 : i32
      %scan3A_11 = scf.for %scan3A_48 = %scan3A_7 to %scan3A_9 step %scan3A_10 iter_args(%scan3A_49 = %scan3A) -> (i32)  : i32 {
        %broadcast_in_dim3A = arith.constant 0.000000e+00 : f32
        %broadcast_in_dim3A_50 = vector.broadcast %broadcast_in_dim3A : f32 to vector<16xf32>
        %swap3A = arith.index_cast %scan3A_48 : i32 to index
        %swap3A_51 = arith.constant 0 : index
        %swap3A_52 = tpu.vector_load %arg12[%swap3A, %swap3A_51] {strides = array<i32>} : memref<128x128xf32, #tpu.memory_space<vmem>>, vector<1x16xf32>,
        %swap3A_53 = vector.shape_cast %swap3A_52 : vector<1x16xf32> to vector<16xf32>
        %swap3A_54 = vector.shape_cast %broadcast_in_dim3A_50 : vector<16xf32> to vector<1x16xf32>
        tpu.vector_store %arg12[%swap3A, %swap3A_51], %swap3A_54 {strides = array<i32>} : memref<128x128xf32, #tpu.memory_space<vmem>>, vector<1x16xf32>,
        %broadcast_in_dim3A_55 = arith.constant 0.000000e+00 : f32
        %broadcast_in_dim3A_56 = vector.broadcast %broadcast_in_dim3A_55 : f32 to vector<16xf32>
        %swap3A_57 = arith.index_cast %scan3A_48 : i32 to index
        %swap3A_58 = arith.constant 16 : index
        %swap3A_59 = tpu.vector_load %arg12[%swap3A_57, %swap3A_58] {strides = array<i32>} : memref<128x128xf32, #tpu.memory_space<vmem>>, vector<1x16xf32>,
        %swap3A_60 = vector.shape_cast %swap3A_59 : vector<1x16xf32> to vector<16xf32>
        %swap3A_61 = vector.shape_cast %broadcast_in_dim3A_56 : vector<16xf32> to vector<1x16xf32>
        tpu.vector_store %arg12[%swap3A_57, %swap3A_58], %swap3A_61 {strides = array<i32>} : memref<128x128xf32, #tpu.memory_space<vmem>>, vector<1x16xf32>,
        %broadcast_in_dim3A_62 = arith.constant 0.000000e+00 : f32
        %broadcast_in_dim3A_63 = vector.broadcast %broadcast_in_dim3A_62 : f32 to vector<16xf32>
        %swap3A_64 = arith.index_cast %scan3A_48 : i32 to index
        %swap3A_65 = arith.constant 32 : index
        %swap3A_66 = tpu.vector_load %arg12[%swap3A_64, %swap3A_65] {strides = array<i32>} : memref<128x128xf32, #tpu.memory_space<vmem>>, vector<1x16xf32>,
        %swap3A_67 = vector.shape_cast %swap3A_66 : vector<1x16xf32> to vector<16xf32>
        %swap3A_68 = vector.shape_cast %broadcast_in_dim3A_63 : vector<16xf32> to vector<1x16xf32>
        tpu.vector_store %arg12[%swap3A_64, %swap3A_65], %swap3A_68 {strides = array<i32>} : memref<128x128xf32, #tpu.memory_space<vmem>>, vector<1x16xf32>,
        %broadcast_in_dim3A_69 = arith.constant 0.000000e+00 : f32
        %broadcast_in_dim3A_70 = vector.broadcast %broadcast_in_dim3A_69 : f32 to vector<16xf32>
        %swap3A_71 = arith.index_cast %scan3A_48 : i32 to index
        %swap3A_72 = arith.constant 48 : index
        %swap3A_73 = tpu.vector_load %arg12[%swap3A_71, %swap3A_72] {strides = array<i32>} : memref<128x128xf32, #tpu.memory_space<vmem>>, vector<1x16xf32>,
        %swap3A_74 = vector.shape_cast %swap3A_73 : vector<1x16xf32> to vector<16xf32>
        %swap3A_75 = vector.shape_cast %broadcast_in_dim3A_70 : vector<16xf32> to vector<1x16xf32>
        tpu.vector_store %arg12[%swap3A_71, %swap3A_72], %swap3A_75 {strides = array<i32>} : memref<128x128xf32, #tpu.memory_space<vmem>>, vector<1x16xf32>,
        %broadcast_in_dim3A_76 = arith.constant 0.000000e+00 : f32
        %broadcast_in_dim3A_77 = vector.broadcast %broadcast_in_dim3A_76 : f32 to vector<16xf32>
        %swap3A_78 = arith.index_cast %scan3A_48 : i32 to index
        %swap3A_79 = arith.constant 64 : index
        %swap3A_80 = tpu.vector_load %arg12[%swap3A_78, %swap3A_79] {strides = array<i32>} : memref<128x128xf32, #tpu.memory_space<vmem>>, vector<1x16xf32>,
        %swap3A_81 = vector.shape_cast %swap3A_80 : vector<1x16xf32> to vector<16xf32>
        %swap3A_82 = vector.shape_cast %broadcast_in_dim3A_77 : vector<16xf32> to vector<1x16xf32>
        tpu.vector_store %arg12[%swap3A_78, %swap3A_79], %swap3A_82 {strides = array<i32>} : memref<128x128xf32, #tpu.memory_space<vmem>>, vector<1x16xf32>,
        %broadcast_in_dim3A_83 = arith.constant 0.000000e+00 : f32
        %broadcast_in_dim3A_84 = vector.broadcast %broadcast_in_dim3A_83 : f32 to vector<16xf32>
        %swap3A_85 = arith.index_cast %scan3A_48 : i32 to index
        %swap3A_86 = arith.constant 80 : index
        %swap3A_87 = tpu.vector_load %arg12[%swap3A_85, %swap3A_86] {strides = array<i32>} : memref<128x128xf32, #tpu.memory_space<vmem>>, vector<1x16xf32>,
        %swap3A_88 = vector.shape_cast %swap3A_87 : vector<1x16xf32> to vector<16xf32>
        %swap3A_89 = vector.shape_cast %broadcast_in_dim3A_84 : vector<16xf32> to vector<1x16xf32>
        tpu.vector_store %arg12[%swap3A_85, %swap3A_86], %swap3A_89 {strides = array<i32>} : memref<128x128xf32, #tpu.memory_space<vmem>>, vector<1x16xf32>,
        %broadcast_in_dim3A_90 = arith.constant 0.000000e+00 : f32
        %broadcast_in_dim3A_91 = vector.broadcast %broadcast_in_dim3A_90 : f32 to vector<16xf32>
        %swap3A_92 = arith.index_cast %scan3A_48 : i32 to index
        %swap3A_93 = arith.constant 96 : index
        %swap3A_94 = tpu.vector_load %arg12[%swap3A_92, %swap3A_93] {strides = array<i32>} : memref<128x128xf32, #tpu.memory_space<vmem>>, vector<1x16xf32>,
        %swap3A_95 = vector.shape_cast %swap3A_94 : vector<1x16xf32> to vector<16xf32>
        %swap3A_96 = vector.shape_cast %broadcast_in_dim3A_91 : vector<16xf32> to vector<1x16xf32>
        tpu.vector_store %arg12[%swap3A_92, %swap3A_93], %swap3A_96 {strides = array<i32>} : memref<128x128xf32, #tpu.memory_space<vmem>>, vector<1x16xf32>,
        %broadcast_in_dim3A_97 = arith.constant 0.000000e+00 : f32
        %broadcast_in_dim3A_98 = vector.broadcast %broadcast_in_dim3A_97 : f32 to vector<16xf32>
        %swap3A_99 = arith.index_cast %scan3A_48 : i32 to index
        %swap3A_100 = arith.constant 112 : index
        %swap3A_101 = tpu.vector_load %arg12[%swap3A_99, %swap3A_100] {strides = array<i32>} : memref<128x128xf32, #tpu.memory_space<vmem>>, vector<1x16xf32>,
        %swap3A_102 = vector.shape_cast %swap3A_101 : vector<1x16xf32> to vector<16xf32>
        %swap3A_103 = vector.shape_cast %broadcast_in_dim3A_98 : vector<16xf32> to vector<1x16xf32>
        tpu.vector_store %arg12[%swap3A_99, %swap3A_100], %swap3A_103 {strides = array<i32>} : memref<128x128xf32, #tpu.memory_space<vmem>>, vector<1x16xf32>,
        %scan3A_104 = arith.constant 0 : i32
        scf.yield %scan3A_104 : i32
      }
      %scan3A_12 = arith.constant 128 : i32
      %scan3A_13 = arith.constant 0 : i32
      %scan3A_14 = arith.constant 0 : i32
      %scan3A_15 = arith.constant 5 : i32
      %scan3A_16 = arith.addi %scan3A_14, %scan3A_15 : i32
      %scan3A_17 = arith.constant 1 : i32
      %scan3A_18 = scf.for %scan3A_48 = %scan3A_14 to %scan3A_16 step %scan3A_17 iter_args(%scan3A_49 = %scan3A_13) -> (i32)  : i32 {
        %mul3A_50 = arith.constant 640 : i32
        %mul3A_51 = arith.muli %arg1, %mul3A_50 : i32
        %mul3A_52 = arith.constant 128 : i32
        %mul3A_53 = arith.muli %scan3A_48, %mul3A_52 : i32
        %add3A = arith.addi %mul3A_51, %mul3A_53 : i32
        "tpu.region"() ({
          %run_scoped3A_55 = tpu.sem_alloc : memref<!tpu.dma_semaphore, #tpu.memory_space<semaphore_mem>>
          %dma_start3A_56 = arith.constant 0 : i32
          %dma_start3A_57 = tpu.memref_slice %arg14[%add3A, %dma_start3A_56] : memref<10240x128xf32, #tpu.memory_space<vmem_shared>> -> memref<128x128xf32, #tpu.memory_space<vmem_shared>>
          %dma_start3A_58 = arith.constant 0 : i32
          %dma_start3A_59 = tpu.memref_slice %arg14[%add3A, %dma_start3A_58] : memref<10240x128xf32, #tpu.memory_space<vmem_shared>> -> memref<128x128xf32, #tpu.memory_space<vmem_shared>>
          tpu.enqueue_dma source(%arg12 : memref<128x128xf32, #tpu.memory_space<vmem>>) target(%dma_start3A_59 : memref<128x128xf32, #tpu.memory_space<vmem_shared>>) target_semaphore(%run_scoped3A_55 : memref<!tpu.dma_semaphore, #tpu.memory_space<semaphore_mem>>)
          %dma_wait3A = arith.constant 0 : i32
          %dma_wait3A_60 = tpu.memref_slice %arg14[%add3A, %dma_wait3A] : memref<10240x128xf32, #tpu.memory_space<vmem_shared>> -> memref<128x128xf32, #tpu.memory_space<vmem_shared>>
          %dma_wait3A_61 = arith.constant 0 : i32
          %dma_wait3A_62 = tpu.memref_slice %arg14[%add3A, %dma_wait3A_61] : memref<10240x128xf32, #tpu.memory_space<vmem_shared>> -> memref<128x128xf32, #tpu.memory_space<vmem_shared>>
          tpu.wait_dma2 semaphore(%run_scoped3A_55 : memref<!tpu.dma_semaphore, #tpu.memory_space<semaphore_mem>>) src(%arg12 : memref<128x128xf32, #tpu.memory_space<vmem>>) dst(%dma_wait3A_62 : memref<128x128xf32, #tpu.memory_space<vmem_shared>>)
          tpu.yield
        }) : () -> ()
        %scan3A_54 = arith.constant 0 : i32
        scf.yield %scan3A_54 : i32
      }
      %scan3A_19 = arith.constant 5 : i32
      %barrier3A = arith.constant 0 : index
      tpu.barrier barrier_id(%barrier3A)
      %run_scoped3A = arith.constant 0 : i32
      "tpu.region"() ({
        %run_scoped3A_48 = tpu.sem_alloc : memref<!tpu.dma_semaphore, #tpu.memory_space<semaphore_mem>>
        %dma_start3A_49 = arith.constant 0 : i32
        %dma_start3A_50 = tpu.memref_slice %arg5[%arg1, %run_scoped3A, %dma_start3A_49] : memref<16x158x128xi32, #tpu.memory_space<hbm>> -> memref<1x1x128xi32, #tpu.memory_space<hbm>>
        %dma_start3A_51 = tpu.memref_squeeze %dma_start3A_50 : memref<1x1x128xi32, #tpu.memory_space<hbm>> -> memref<128xi32, #tpu.memory_space<hbm>>
        %dma_start3A_52 = arith.constant 0 : i32
        %dma_start3A_53 = tpu.memref_slice %arg5[%arg1, %run_scoped3A, %dma_start3A_52] : memref<16x158x128xi32, #tpu.memory_space<hbm>> -> memref<1x1x128xi32, #tpu.memory_space<hbm>>
        %dma_start3A_54 = tpu.memref_squeeze %dma_start3A_53 : memref<1x1x128xi32, #tpu.memory_space<hbm>> -> memref<128xi32, #tpu.memory_space<hbm>>
        tpu.enqueue_dma source(%dma_start3A_54 : memref<128xi32, #tpu.memory_space<hbm>>) target(%arg8 : memref<128xi32, #tpu.memory_space<vmem>>) target_semaphore(%run_scoped3A_48 : memref<!tpu.dma_semaphore, #tpu.memory_space<semaphore_mem>>)
        %dma_wait3A = arith.constant 0 : i32
        %dma_wait3A_55 = tpu.memref_slice %arg5[%arg1, %run_scoped3A, %dma_wait3A] : memref<16x158x128xi32, #tpu.memory_space<hbm>> -> memref<1x1x128xi32, #tpu.memory_space<hbm>>
        %dma_wait3A_56 = tpu.memref_squeeze %dma_wait3A_55 : memref<1x1x128xi32, #tpu.memory_space<hbm>> -> memref<128xi32, #tpu.memory_space<hbm>>
        %dma_wait3A_57 = arith.constant 0 : i32
        %dma_wait3A_58 = tpu.memref_slice %arg5[%arg1, %run_scoped3A, %dma_wait3A_57] : memref<16x158x128xi32, #tpu.memory_space<hbm>> -> memref<1x1x128xi32, #tpu.memory_space<hbm>>
        %dma_wait3A_59 = tpu.memref_squeeze %dma_wait3A_58 : memref<1x1x128xi32, #tpu.memory_space<hbm>> -> memref<128xi32, #tpu.memory_space<hbm>>
        tpu.wait_dma2 semaphore(%run_scoped3A_48 : memref<!tpu.dma_semaphore, #tpu.memory_space<semaphore_mem>>) src(%dma_wait3A_59 : memref<128xi32, #tpu.memory_space<hbm>>) dst(%arg8 : memref<128xi32, #tpu.memory_space<vmem>>)
        tpu.yield
      }) : () -> ()
      %run_scoped3A_20 = arith.constant 0 : i32
      "tpu.region"() ({
        %run_scoped3A_48 = tpu.sem_alloc : memref<!tpu.dma_semaphore, #tpu.memory_space<semaphore_mem>>
        %dma_start3A_49 = arith.constant 0 : i32
        %dma_start3A_50 = tpu.memref_slice %arg4[%arg1, %run_scoped3A_20, %dma_start3A_49] : memref<16x158x128xi32, #tpu.memory_space<hbm>> -> memref<1x1x128xi32, #tpu.memory_space<hbm>>
        %dma_start3A_51 = tpu.memref_squeeze %dma_start3A_50 : memref<1x1x128xi32, #tpu.memory_space<hbm>> -> memref<128xi32, #tpu.memory_space<hbm>>
        %dma_start3A_52 = arith.constant 0 : i32
        %dma_start3A_53 = tpu.memref_slice %arg4[%arg1, %run_scoped3A_20, %dma_start3A_52] : memref<16x158x128xi32, #tpu.memory_space<hbm>> -> memref<1x1x128xi32, #tpu.memory_space<hbm>>
        %dma_start3A_54 = tpu.memref_squeeze %dma_start3A_53 : memref<1x1x128xi32, #tpu.memory_space<hbm>> -> memref<128xi32, #tpu.memory_space<hbm>>
        tpu.enqueue_dma source(%dma_start3A_54 : memref<128xi32, #tpu.memory_space<hbm>>) target(%arg10 : memref<128xi32, #tpu.memory_space<vmem>>) target_semaphore(%run_scoped3A_48 : memref<!tpu.dma_semaphore, #tpu.memory_space<semaphore_mem>>)
        %dma_wait3A = arith.constant 0 : i32
        %dma_wait3A_55 = tpu.memref_slice %arg4[%arg1, %run_scoped3A_20, %dma_wait3A] : memref<16x158x128xi32, #tpu.memory_space<hbm>> -> memref<1x1x128xi32, #tpu.memory_space<hbm>>
        %dma_wait3A_56 = tpu.memref_squeeze %dma_wait3A_55 : memref<1x1x128xi32, #tpu.memory_space<hbm>> -> memref<128xi32, #tpu.memory_space<hbm>>
        %dma_wait3A_57 = arith.constant 0 : i32
        %dma_wait3A_58 = tpu.memref_slice %arg4[%arg1, %run_scoped3A_20, %dma_wait3A_57] : memref<16x158x128xi32, #tpu.memory_space<hbm>> -> memref<1x1x128xi32, #tpu.memory_space<hbm>>
        %dma_wait3A_59 = tpu.memref_squeeze %dma_wait3A_58 : memref<1x1x128xi32, #tpu.memory_space<hbm>> -> memref<128xi32, #tpu.memory_space<hbm>>
        tpu.wait_dma2 semaphore(%run_scoped3A_48 : memref<!tpu.dma_semaphore, #tpu.memory_space<semaphore_mem>>) src(%dma_wait3A_59 : memref<128xi32, #tpu.memory_space<hbm>>) dst(%arg10 : memref<128xi32, #tpu.memory_space<vmem>>)
        tpu.yield
      }) : () -> ()
      %dma_start3A = arith.constant 0 : i32
      %dma_start3A_21 = arith.constant 0 : i32
      %dma_start3A_22 = tpu.memref_slice %arg2[%dma_start3A, %dma_start3A_21] : memref<10240x128xf32, #tpu.memory_space<hbm>> -> memref<10240x128xf32, #tpu.memory_space<hbm>>
      tpu.enqueue_indirect_dma source(%dma_start3A_22 : memref<10240x128xf32, #tpu.memory_space<hbm>>) target(%arg12 : memref<128x128xf32, #tpu.memory_space<vmem>>) offsets(%arg8 : memref<128xi32, #tpu.memory_space<vmem>>) semaphore(%arg15 : memref<!tpu.dma_semaphore, #tpu.memory_space<semaphore_mem>>)
      %dma_start3A_23 = arith.constant 1 : i32
      %dma_start3A_24 = arith.constant 0 : i32
      %dma_start3A_25 = tpu.memref_slice %arg5[%arg1, %dma_start3A_23, %dma_start3A_24] : memref<16x158x128xi32, #tpu.memory_space<hbm>> -> memref<1x1x128xi32, #tpu.memory_space<hbm>>
      %dma_start3A_26 = tpu.memref_squeeze %dma_start3A_25 : memref<1x1x128xi32, #tpu.memory_space<hbm>> -> memref<128xi32, #tpu.memory_space<hbm>>
      %dma_start3A_27 = arith.constant 0 : i32
      %dma_start3A_28 = tpu.memref_slice %arg5[%arg1, %dma_start3A_23, %dma_start3A_27] : memref<16x158x128xi32, #tpu.memory_space<hbm>> -> memref<1x1x128xi32, #tpu.memory_space<hbm>>
      %dma_start3A_29 = tpu.memref_squeeze %dma_start3A_28 : memref<1x1x128xi32, #tpu.memory_space<hbm>> -> memref<128xi32, #tpu.memory_space<hbm>>
      tpu.enqueue_dma source(%dma_start3A_29 : memref<128xi32, #tpu.memory_space<hbm>>) target(%arg9 : memref<128xi32, #tpu.memory_space<vmem>>) target_semaphore(%arg18 : memref<!tpu.dma_semaphore, #tpu.memory_space<semaphore_mem>>)
      %dma_start3A_30 = arith.constant 1 : i32
      %dma_start3A_31 = arith.constant 0 : i32
      %dma_start3A_32 = tpu.memref_slice %arg4[%arg1, %dma_start3A_30, %dma_start3A_31] : memref<16x158x128xi32, #tpu.memory_space<hbm>> -> memref<1x1x128xi32, #tpu.memory_space<hbm>>
      %dma_start3A_33 = tpu.memref_squeeze %dma_start3A_32 : memref<1x1x128xi32, #tpu.memory_space<hbm>> -> memref<128xi32, #tpu.memory_space<hbm>>
      %dma_start3A_34 = arith.constant 0 : i32
      %dma_start3A_35 = tpu.memref_slice %arg4[%arg1, %dma_start3A_30, %dma_start3A_34] : memref<16x158x128xi32, #tpu.memory_space<hbm>> -> memref<1x1x128xi32, #tpu.memory_space<hbm>>
      %dma_start3A_36 = tpu.memref_squeeze %dma_start3A_35 : memref<1x1x128xi32, #tpu.memory_space<hbm>> -> memref<128xi32, #tpu.memory_space<hbm>>
      tpu.enqueue_dma source(%dma_start3A_36 : memref<128xi32, #tpu.memory_space<hbm>>) target(%arg11 : memref<128xi32, #tpu.memory_space<vmem>>) target_semaphore(%arg18 : memref<!tpu.dma_semaphore, #tpu.memory_space<semaphore_mem>>)
      %scan3A_37 = arith.constant 0 : i32
      %scan3A_38 = arith.constant 0 : i32
      %scan3A_39 = arith.constant 79 : i32
      %scan3A_40 = arith.addi %scan3A_38, %scan3A_39 : i32
      %scan3A_41 = arith.constant 1 : i32
      %scan3A_42 = scf.for %scan3A_48 = %scan3A_38 to %scan3A_40 step %scan3A_41 iter_args(%scan3A_49 = %scan3A_37) -> (i32)  : i32 {
        %mul3A_50 = arith.constant 2 : i32
        %mul3A_51 = arith.muli %mul3A_50, %scan3A_48 : i32
        %dma_wait3A = arith.constant 0 : i32
        %dma_wait3A_52 = arith.constant 0 : i32
        %dma_wait3A_53 = tpu.memref_slice %arg5[%arg1, %dma_wait3A, %dma_wait3A_52] : memref<16x158x128xi32, #tpu.memory_space<hbm>> -> memref<1x1x128xi32, #tpu.memory_space<hbm>>
        %dma_wait3A_54 = tpu.memref_squeeze %dma_wait3A_53 : memref<1x1x128xi32, #tpu.memory_space<hbm>> -> memref<128xi32, #tpu.memory_space<hbm>>
        %dma_wait3A_55 = arith.constant 0 : i32
        %dma_wait3A_56 = tpu.memref_slice %arg5[%arg1, %dma_wait3A, %dma_wait3A_55] : memref<16x158x128xi32, #tpu.memory_space<hbm>> -> memref<1x1x128xi32, #tpu.memory_space<hbm>>
        %dma_wait3A_57 = tpu.memref_squeeze %dma_wait3A_56 : memref<1x1x128xi32, #tpu.memory_space<hbm>> -> memref<128xi32, #tpu.memory_space<hbm>>
        tpu.wait_dma2 semaphore(%arg18 : memref<!tpu.dma_semaphore, #tpu.memory_space<semaphore_mem>>) src(%dma_wait3A_57 : memref<128xi32, #tpu.memory_space<hbm>>) dst(%arg9 : memref<128xi32, #tpu.memory_space<vmem>>)
        %dma_wait3A_58 = arith.constant 0 : i32
        %dma_wait3A_59 = arith.constant 0 : i32
        %dma_wait3A_60 = tpu.memref_slice %arg5[%arg1, %dma_wait3A_58, %dma_wait3A_59] : memref<16x158x128xi32, #tpu.memory_space<hbm>> -> memref<1x1x128xi32, #tpu.memory_space<hbm>>
        %dma_wait3A_61 = tpu.memref_squeeze %dma_wait3A_60 : memref<1x1x128xi32, #tpu.memory_space<hbm>> -> memref<128xi32, #tpu.memory_space<hbm>>
        %dma_wait3A_62 = arith.constant 0 : i32
        %dma_wait3A_63 = tpu.memref_slice %arg5[%arg1, %dma_wait3A_58, %dma_wait3A_62] : memref<16x158x128xi32, #tpu.memory_space<hbm>> -> memref<1x1x128xi32, #tpu.memory_space<hbm>>
        %dma_wait3A_64 = tpu.memref_squeeze %dma_wait3A_63 : memref<1x1x128xi32, #tpu.memory_space<hbm>> -> memref<128xi32, #tpu.memory_space<hbm>>
        tpu.wait_dma2 semaphore(%arg18 : memref<!tpu.dma_semaphore, #tpu.memory_space<semaphore_mem>>) src(%dma_wait3A_64 : memref<128xi32, #tpu.memory_space<hbm>>) dst(%arg11 : memref<128xi32, #tpu.memory_space<vmem>>)
        %dma_start3A_65 = arith.constant 0 : i32
        %dma_start3A_66 = arith.constant 0 : i32
        %dma_start3A_67 = tpu.memref_slice %arg2[%dma_start3A_65, %dma_start3A_66] : memref<10240x128xf32, #tpu.memory_space<hbm>> -> memref<10240x128xf32, #tpu.memory_space<hbm>>
        tpu.enqueue_indirect_dma source(%dma_start3A_67 : memref<10240x128xf32, #tpu.memory_space<hbm>>) target(%arg13 : memref<128x128xf32, #tpu.memory_space<vmem>>) offsets(%arg9 : memref<128xi32, #tpu.memory_space<vmem>>) semaphore(%arg16 : memref<!tpu.dma_semaphore, #tpu.memory_space<semaphore_mem>>)
        %dma_wait3A_68 = arith.constant 0 : i32
        %dma_wait3A_69 = arith.constant 0 : i32
        %dma_wait3A_70 = tpu.memref_slice %arg2[%dma_wait3A_68, %dma_wait3A_69] : memref<10240x128xf32, #tpu.memory_space<hbm>> -> memref<128x128xf32, #tpu.memory_space<hbm>>
        %dma_wait3A_71 = arith.constant 0 : i32
        %dma_wait3A_72 = arith.constant 0 : i32
        %dma_wait3A_73 = tpu.memref_slice %arg2[%dma_wait3A_71, %dma_wait3A_72] : memref<10240x128xf32, #tpu.memory_space<hbm>> -> memref<128x128xf32, #tpu.memory_space<hbm>>
        tpu.wait_dma2 semaphore(%arg15 : memref<!tpu.dma_semaphore, #tpu.memory_space<semaphore_mem>>) src(%dma_wait3A_73 : memref<128x128xf32, #tpu.memory_space<hbm>>) dst(%arg12 : memref<128x128xf32, #tpu.memory_space<vmem>>)
        "tpu.region"() ({
          %run_scoped3A_90 = tpu.sem_alloc : memref<!tpu.dma_semaphore, #tpu.memory_space<semaphore_mem>>
          %dma_start3A_91 = arith.constant 0 : i32
          %dma_start3A_92 = arith.constant 0 : i32
          %dma_start3A_93 = tpu.memref_slice %arg14[%dma_start3A_91, %dma_start3A_92] : memref<10240x128xf32, #tpu.memory_space<vmem_shared>> -> memref<10240x128xf32, #tpu.memory_space<vmem_shared>>
          tpu.enqueue_indirect_dma source(%arg12 : memref<128x128xf32, #tpu.memory_space<vmem>>) target(%dma_start3A_93 : memref<10240x128xf32, #tpu.memory_space<vmem_shared>>) offsets(%arg10 : memref<128xi32, #tpu.memory_space<vmem>>) semaphore(%run_scoped3A_90 : memref<!tpu.dma_semaphore, #tpu.memory_space<semaphore_mem>>) {add = true}
          %dma_wait3A_94 = arith.constant 0 : i32
          %dma_wait3A_95 = arith.constant 0 : i32
          %dma_wait3A_96 = tpu.memref_slice %arg14[%dma_wait3A_94, %dma_wait3A_95] : memref<10240x128xf32, #tpu.memory_space<vmem_shared>> -> memref<10240x128xf32, #tpu.memory_space<vmem_shared>>
          tpu.wait_indirect_dma semaphore(%run_scoped3A_90 : memref<!tpu.dma_semaphore, #tpu.memory_space<semaphore_mem>>) src(%arg12 : memref<128x128xf32, #tpu.memory_space<vmem>>) dst(%dma_wait3A_96 : memref<10240x128xf32, #tpu.memory_space<vmem_shared>>)
          tpu.yield
        }) : () -> ()
        %add3A = arith.constant 2 : i32
        %add3A_74 = arith.addi %mul3A_51, %add3A : i32
        %lt3A = arith.constant 158 : i32
        %lt3A_75 = arith.cmpi slt, %add3A_74, %lt3A : i32
        %convert_element_type3A_76 = arith.extui %lt3A_75 : i1 to i32
        %cond3A_77 = arith.constant 0 : i32
        %cond3A_78 = arith.cmpi ne, %convert_element_type3A_76, %cond3A_77 : i32
        scf.if %cond3A_78 {
          %add3A_90 = arith.constant 2 : i32
          %add3A_91 = arith.addi %mul3A_51, %add3A_90 : i32
          %dma_start3A_92 = arith.constant 0 : i32
          %dma_start3A_93 = tpu.memref_slice %arg5[%arg1, %add3A_91, %dma_start3A_92] : memref<16x158x128xi32, #tpu.memory_space<hbm>> -> memref<1x1x128xi32, #tpu.memory_space<hbm>>
          %dma_start3A_94 = tpu.memref_squeeze %dma_start3A_93 : memref<1x1x128xi32, #tpu.memory_space<hbm>> -> memref<128xi32, #tpu.memory_space<hbm>>
          %dma_start3A_95 = arith.constant 0 : i32
          %dma_start3A_96 = tpu.memref_slice %arg5[%arg1, %add3A_91, %dma_start3A_95] : memref<16x158x128xi32, #tpu.memory_space<hbm>> -> memref<1x1x128xi32, #tpu.memory_space<hbm>>
          %dma_start3A_97 = tpu.memref_squeeze %dma_start3A_96 : memref<1x1x128xi32, #tpu.memory_space<hbm>> -> memref<128xi32, #tpu.memory_space<hbm>>
          tpu.enqueue_dma source(%dma_start3A_97 : memref<128xi32, #tpu.memory_space<hbm>>) target(%arg8 : memref<128xi32, #tpu.memory_space<vmem>>) target_semaphore(%arg17 : memref<!tpu.dma_semaphore, #tpu.memory_space<semaphore_mem>>)
          %add3A_98 = arith.constant 2 : i32
          %add3A_99 = arith.addi %mul3A_51, %add3A_98 : i32
          %dma_start3A_100 = arith.constant 0 : i32
          %dma_start3A_101 = tpu.memref_slice %arg4[%arg1, %add3A_99, %dma_start3A_100] : memref<16x158x128xi32, #tpu.memory_space<hbm>> -> memref<1x1x128xi32, #tpu.memory_space<hbm>>
          %dma_start3A_102 = tpu.memref_squeeze %dma_start3A_101 : memref<1x1x128xi32, #tpu.memory_space<hbm>> -> memref<128xi32, #tpu.memory_space<hbm>>
          %dma_start3A_103 = arith.constant 0 : i32
          %dma_start3A_104 = tpu.memref_slice %arg4[%arg1, %add3A_99, %dma_start3A_103] : memref<16x158x128xi32, #tpu.memory_space<hbm>> -> memref<1x1x128xi32, #tpu.memory_space<hbm>>
          %dma_start3A_105 = tpu.memref_squeeze %dma_start3A_104 : memref<1x1x128xi32, #tpu.memory_space<hbm>> -> memref<128xi32, #tpu.memory_space<hbm>>
          tpu.enqueue_dma source(%dma_start3A_105 : memref<128xi32, #tpu.memory_space<hbm>>) target(%arg10 : memref<128xi32, #tpu.memory_space<vmem>>) target_semaphore(%arg17 : memref<!tpu.dma_semaphore, #tpu.memory_space<semaphore_mem>>)
          %dma_wait3A_106 = arith.constant 0 : i32
          %dma_wait3A_107 = arith.constant 0 : i32
          %dma_wait3A_108 = tpu.memref_slice %arg5[%arg1, %dma_wait3A_106, %dma_wait3A_107] : memref<16x158x128xi32, #tpu.memory_space<hbm>> -> memref<1x1x128xi32, #tpu.memory_space<hbm>>
          %dma_wait3A_109 = tpu.memref_squeeze %dma_wait3A_108 : memref<1x1x128xi32, #tpu.memory_space<hbm>> -> memref<128xi32, #tpu.memory_space<hbm>>
          %dma_wait3A_110 = arith.constant 0 : i32
          %dma_wait3A_111 = tpu.memref_slice %arg5[%arg1, %dma_wait3A_106, %dma_wait3A_110] : memref<16x158x128xi32, #tpu.memory_space<hbm>> -> memref<1x1x128xi32, #tpu.memory_space<hbm>>
          %dma_wait3A_112 = tpu.memref_squeeze %dma_wait3A_111 : memref<1x1x128xi32, #tpu.memory_space<hbm>> -> memref<128xi32, #tpu.memory_space<hbm>>
          tpu.wait_dma2 semaphore(%arg17 : memref<!tpu.dma_semaphore, #tpu.memory_space<semaphore_mem>>) src(%dma_wait3A_112 : memref<128xi32, #tpu.memory_space<hbm>>) dst(%arg8 : memref<128xi32, #tpu.memory_space<vmem>>)
          %dma_wait3A_113 = arith.constant 0 : i32
          %dma_wait3A_114 = arith.constant 0 : i32
          %dma_wait3A_115 = tpu.memref_slice %arg5[%arg1, %dma_wait3A_113, %dma_wait3A_114] : memref<16x158x128xi32, #tpu.memory_space<hbm>> -> memref<1x1x128xi32, #tpu.memory_space<hbm>>
          %dma_wait3A_116 = tpu.memref_squeeze %dma_wait3A_115 : memref<1x1x128xi32, #tpu.memory_space<hbm>> -> memref<128xi32, #tpu.memory_space<hbm>>
          %dma_wait3A_117 = arith.constant 0 : i32
          %dma_wait3A_118 = tpu.memref_slice %arg5[%arg1, %dma_wait3A_113, %dma_wait3A_117] : memref<16x158x128xi32, #tpu.memory_space<hbm>> -> memref<1x1x128xi32, #tpu.memory_space<hbm>>
          %dma_wait3A_119 = tpu.memref_squeeze %dma_wait3A_118 : memref<1x1x128xi32, #tpu.memory_space<hbm>> -> memref<128xi32, #tpu.memory_space<hbm>>
          tpu.wait_dma2 semaphore(%arg17 : memref<!tpu.dma_semaphore, #tpu.memory_space<semaphore_mem>>) src(%dma_wait3A_119 : memref<128xi32, #tpu.memory_space<hbm>>) dst(%arg10 : memref<128xi32, #tpu.memory_space<vmem>>)
          %dma_start3A_120 = arith.constant 0 : i32
          %dma_start3A_121 = arith.constant 0 : i32
          %dma_start3A_122 = tpu.memref_slice %arg2[%dma_start3A_120, %dma_start3A_121] : memref<10240x128xf32, #tpu.memory_space<hbm>> -> memref<10240x128xf32, #tpu.memory_space<hbm>>
          tpu.enqueue_indirect_dma source(%dma_start3A_122 : memref<10240x128xf32, #tpu.memory_space<hbm>>) target(%arg12 : memref<128x128xf32, #tpu.memory_space<vmem>>) offsets(%arg8 : memref<128xi32, #tpu.memory_space<vmem>>) semaphore(%arg15 : memref<!tpu.dma_semaphore, #tpu.memory_space<semaphore_mem>>)
        } else {
        }
        %dma_wait3A_79 = arith.constant 0 : i32
        %dma_wait3A_80 = arith.constant 0 : i32
        %dma_wait3A_81 = tpu.memref_slice %arg2[%dma_wait3A_79, %dma_wait3A_80] : memref<10240x128xf32, #tpu.memory_space<hbm>> -> memref<10240x128xf32, #tpu.memory_space<hbm>>
        tpu.wait_indirect_dma semaphore(%arg16 : memref<!tpu.dma_semaphore, #tpu.memory_space<semaphore_mem>>) src(%dma_wait3A_81 : memref<10240x128xf32, #tpu.memory_space<hbm>>) dst(%arg13 : memref<128x128xf32, #tpu.memory_space<vmem>>)
        "tpu.region"() ({
          %run_scoped3A_90 = tpu.sem_alloc : memref<!tpu.dma_semaphore, #tpu.memory_space<semaphore_mem>>
          %dma_start3A_91 = arith.constant 0 : i32
          %dma_start3A_92 = arith.constant 0 : i32
          %dma_start3A_93 = tpu.memref_slice %arg14[%dma_start3A_91, %dma_start3A_92] : memref<10240x128xf32, #tpu.memory_space<vmem_shared>> -> memref<10240x128xf32, #tpu.memory_space<vmem_shared>>
          tpu.enqueue_indirect_dma source(%arg13 : memref<128x128xf32, #tpu.memory_space<vmem>>) target(%dma_start3A_93 : memref<10240x128xf32, #tpu.memory_space<vmem_shared>>) offsets(%arg11 : memref<128xi32, #tpu.memory_space<vmem>>) semaphore(%run_scoped3A_90 : memref<!tpu.dma_semaphore, #tpu.memory_space<semaphore_mem>>) {add = true}
          %dma_wait3A_94 = arith.constant 0 : i32
          %dma_wait3A_95 = arith.constant 0 : i32
          %dma_wait3A_96 = tpu.memref_slice %arg14[%dma_wait3A_94, %dma_wait3A_95] : memref<10240x128xf32, #tpu.memory_space<vmem_shared>> -> memref<10240x128xf32, #tpu.memory_space<vmem_shared>>
          tpu.wait_indirect_dma semaphore(%run_scoped3A_90 : memref<!tpu.dma_semaphore, #tpu.memory_space<semaphore_mem>>) src(%arg13 : memref<128x128xf32, #tpu.memory_space<vmem>>) dst(%dma_wait3A_96 : memref<10240x128xf32, #tpu.memory_space<vmem_shared>>)
          tpu.yield
        }) : () -> ()
        %add3A_82 = arith.constant 3 : i32
        %add3A_83 = arith.addi %mul3A_51, %add3A_82 : i32
        %lt3A_84 = arith.constant 158 : i32
        %lt3A_85 = arith.cmpi slt, %add3A_83, %lt3A_84 : i32
        %convert_element_type3A_86 = arith.extui %lt3A_85 : i1 to i32
        %cond3A_87 = arith.constant 0 : i32
        %cond3A_88 = arith.cmpi ne, %convert_element_type3A_86, %cond3A_87 : i32
        scf.if %cond3A_88 {
          %add3A_90 = arith.constant 3 : i32
          %add3A_91 = arith.addi %mul3A_51, %add3A_90 : i32
          %dma_start3A_92 = arith.constant 0 : i32
          %dma_start3A_93 = tpu.memref_slice %arg5[%arg1, %add3A_91, %dma_start3A_92] : memref<16x158x128xi32, #tpu.memory_space<hbm>> -> memref<1x1x128xi32, #tpu.memory_space<hbm>>
          %dma_start3A_94 = tpu.memref_squeeze %dma_start3A_93 : memref<1x1x128xi32, #tpu.memory_space<hbm>> -> memref<128xi32, #tpu.memory_space<hbm>>
          %dma_start3A_95 = arith.constant 0 : i32
          %dma_start3A_96 = tpu.memref_slice %arg5[%arg1, %add3A_91, %dma_start3A_95] : memref<16x158x128xi32, #tpu.memory_space<hbm>> -> memref<1x1x128xi32, #tpu.memory_space<hbm>>
          %dma_start3A_97 = tpu.memref_squeeze %dma_start3A_96 : memref<1x1x128xi32, #tpu.memory_space<hbm>> -> memref<128xi32, #tpu.memory_space<hbm>>
          tpu.enqueue_dma source(%dma_start3A_97 : memref<128xi32, #tpu.memory_space<hbm>>) target(%arg9 : memref<128xi32, #tpu.memory_space<vmem>>) target_semaphore(%arg18 : memref<!tpu.dma_semaphore, #tpu.memory_space<semaphore_mem>>)
          %add3A_98 = arith.constant 3 : i32
          %add3A_99 = arith.addi %mul3A_51, %add3A_98 : i32
          %dma_start3A_100 = arith.constant 0 : i32
          %dma_start3A_101 = tpu.memref_slice %arg4[%arg1, %add3A_99, %dma_start3A_100] : memref<16x158x128xi32, #tpu.memory_space<hbm>> -> memref<1x1x128xi32, #tpu.memory_space<hbm>>
          %dma_start3A_102 = tpu.memref_squeeze %dma_start3A_101 : memref<1x1x128xi32, #tpu.memory_space<hbm>> -> memref<128xi32, #tpu.memory_space<hbm>>
          %dma_start3A_103 = arith.constant 0 : i32
          %dma_start3A_104 = tpu.memref_slice %arg4[%arg1, %add3A_99, %dma_start3A_103] : memref<16x158x128xi32, #tpu.memory_space<hbm>> -> memref<1x1x128xi32, #tpu.memory_space<hbm>>
          %dma_start3A_105 = tpu.memref_squeeze %dma_start3A_104 : memref<1x1x128xi32, #tpu.memory_space<hbm>> -> memref<128xi32, #tpu.memory_space<hbm>>
          tpu.enqueue_dma source(%dma_start3A_105 : memref<128xi32, #tpu.memory_space<hbm>>) target(%arg11 : memref<128xi32, #tpu.memory_space<vmem>>) target_semaphore(%arg18 : memref<!tpu.dma_semaphore, #tpu.memory_space<semaphore_mem>>)
        } else {
        }
        %scan3A_89 = arith.constant 0 : i32
        scf.yield %scan3A_89 : i32
      }
      %scan3A_43 = arith.constant 79 : i32
      %barrier3A_44 = arith.constant 0 : index
      tpu.barrier barrier_id(%barrier3A_44)
      %mul3A = arith.constant 640 : i32
      %mul3A_45 = arith.muli %arg1, %mul3A : i32
      %mul3A_46 = arith.constant 640 : i32
      %mul3A_47 = arith.muli %arg1, %mul3A_46 : i32
      "tpu.region"() ({
        %run_scoped3A_48 = tpu.sem_alloc : memref<!tpu.dma_semaphore, #tpu.memory_space<semaphore_mem>>
        %dma_start3A_49 = arith.constant 0 : i32
        %dma_start3A_50 = tpu.memref_slice %arg6[%mul3A_47, %dma_start3A_49] : memref<10240x128xf32, #tpu.memory_space<hbm>> -> memref<640x128xf32, #tpu.memory_space<hbm>>
        %dma_start3A_51 = arith.constant 0 : i32
        %dma_start3A_52 = tpu.memref_slice %arg14[%mul3A_45, %dma_start3A_51] : memref<10240x128xf32, #tpu.memory_space<vmem_shared>> -> memref<640x128xf32, #tpu.memory_space<vmem_shared>>
        tpu.enqueue_dma source(%dma_start3A_52 : memref<640x128xf32, #tpu.memory_space<vmem_shared>>) target(%dma_start3A_50 : memref<640x128xf32, #tpu.memory_space<hbm>>) target_semaphore(%run_scoped3A_48 : memref<!tpu.dma_semaphore, #tpu.memory_space<semaphore_mem>>)
        %dma_wait3A = arith.constant 0 : i32
        %dma_wait3A_53 = tpu.memref_slice %arg6[%mul3A_47, %dma_wait3A] : memref<10240x128xf32, #tpu.memory_space<hbm>> -> memref<640x128xf32, #tpu.memory_space<hbm>>
        %dma_wait3A_54 = arith.constant 0 : i32
        %dma_wait3A_55 = tpu.memref_slice %arg14[%mul3A_45, %dma_wait3A_54] : memref<10240x128xf32, #tpu.memory_space<vmem_shared>> -> memref<640x128xf32, #tpu.memory_space<vmem_shared>>
        tpu.wait_dma2 semaphore(%run_scoped3A_48 : memref<!tpu.dma_semaphore, #tpu.memory_space<semaphore_mem>>) src(%dma_wait3A_55 : memref<640x128xf32, #tpu.memory_space<vmem_shared>>) dst(%dma_wait3A_53 : memref<640x128xf32, #tpu.memory_space<hbm>>)
        tpu.yield
      }) : () -> ()
    } else {
    }
    %eq3A_2 = arith.constant 1 : i32
    %eq3A_3 = arith.cmpi eq, %arg0, %eq3A_2 : i32
    %convert_element_type3A_4 = arith.extui %eq3A_3 : i1 to i32
    %cond3A_5 = arith.constant 0 : i32
    %cond3A_6 = arith.cmpi ne, %convert_element_type3A_4, %cond3A_5 : i32
    scf.if %cond3A_6 {
      %scan3A = arith.constant 0 : i32
      %scan3A_7 = arith.constant 0 : i32
      %scan3A_8 = arith.constant 128 : i32
      %scan3A_9 = arith.addi %scan3A_7, %scan3A_8 : i32
      %scan3A_10 = arith.constant 1 : i32
      %scan3A_11 = scf.for %scan3A_48 = %scan3A_7 to %scan3A_9 step %scan3A_10 iter_args(%scan3A_49 = %scan3A) -> (i32)  : i32 {
        %broadcast_in_dim3A = arith.constant 0.000000e+00 : f32
        %broadcast_in_dim3A_50 = vector.broadcast %broadcast_in_dim3A : f32 to vector<16xf32>
        %swap3A = arith.index_cast %scan3A_48 : i32 to index
        %swap3A_51 = arith.constant 0 : index
        %swap3A_52 = tpu.vector_load %arg12[%swap3A, %swap3A_51] {strides = array<i32>} : memref<128x128xf32, #tpu.memory_space<vmem>>, vector<1x16xf32>,
        %swap3A_53 = vector.shape_cast %swap3A_52 : vector<1x16xf32> to vector<16xf32>
        %swap3A_54 = vector.shape_cast %broadcast_in_dim3A_50 : vector<16xf32> to vector<1x16xf32>
        tpu.vector_store %arg12[%swap3A, %swap3A_51], %swap3A_54 {strides = array<i32>} : memref<128x128xf32, #tpu.memory_space<vmem>>, vector<1x16xf32>,
        %broadcast_in_dim3A_55 = arith.constant 0.000000e+00 : f32
        %broadcast_in_dim3A_56 = vector.broadcast %broadcast_in_dim3A_55 : f32 to vector<16xf32>
        %swap3A_57 = arith.index_cast %scan3A_48 : i32 to index
        %swap3A_58 = arith.constant 16 : index
        %swap3A_59 = tpu.vector_load %arg12[%swap3A_57, %swap3A_58] {strides = array<i32>} : memref<128x128xf32, #tpu.memory_space<vmem>>, vector<1x16xf32>,
        %swap3A_60 = vector.shape_cast %swap3A_59 : vector<1x16xf32> to vector<16xf32>
        %swap3A_61 = vector.shape_cast %broadcast_in_dim3A_56 : vector<16xf32> to vector<1x16xf32>
        tpu.vector_store %arg12[%swap3A_57, %swap3A_58], %swap3A_61 {strides = array<i32>} : memref<128x128xf32, #tpu.memory_space<vmem>>, vector<1x16xf32>,
        %broadcast_in_dim3A_62 = arith.constant 0.000000e+00 : f32
        %broadcast_in_dim3A_63 = vector.broadcast %broadcast_in_dim3A_62 : f32 to vector<16xf32>
        %swap3A_64 = arith.index_cast %scan3A_48 : i32 to index
        %swap3A_65 = arith.constant 32 : index
        %swap3A_66 = tpu.vector_load %arg12[%swap3A_64, %swap3A_65] {strides = array<i32>} : memref<128x128xf32, #tpu.memory_space<vmem>>, vector<1x16xf32>,
        %swap3A_67 = vector.shape_cast %swap3A_66 : vector<1x16xf32> to vector<16xf32>
        %swap3A_68 = vector.shape_cast %broadcast_in_dim3A_63 : vector<16xf32> to vector<1x16xf32>
        tpu.vector_store %arg12[%swap3A_64, %swap3A_65], %swap3A_68 {strides = array<i32>} : memref<128x128xf32, #tpu.memory_space<vmem>>, vector<1x16xf32>,
        %broadcast_in_dim3A_69 = arith.constant 0.000000e+00 : f32
        %broadcast_in_dim3A_70 = vector.broadcast %broadcast_in_dim3A_69 : f32 to vector<16xf32>
        %swap3A_71 = arith.index_cast %scan3A_48 : i32 to index
        %swap3A_72 = arith.constant 48 : index
        %swap3A_73 = tpu.vector_load %arg12[%swap3A_71, %swap3A_72] {strides = array<i32>} : memref<128x128xf32, #tpu.memory_space<vmem>>, vector<1x16xf32>,
        %swap3A_74 = vector.shape_cast %swap3A_73 : vector<1x16xf32> to vector<16xf32>
        %swap3A_75 = vector.shape_cast %broadcast_in_dim3A_70 : vector<16xf32> to vector<1x16xf32>
        tpu.vector_store %arg12[%swap3A_71, %swap3A_72], %swap3A_75 {strides = array<i32>} : memref<128x128xf32, #tpu.memory_space<vmem>>, vector<1x16xf32>,
        %broadcast_in_dim3A_76 = arith.constant 0.000000e+00 : f32
        %broadcast_in_dim3A_77 = vector.broadcast %broadcast_in_dim3A_76 : f32 to vector<16xf32>
        %swap3A_78 = arith.index_cast %scan3A_48 : i32 to index
        %swap3A_79 = arith.constant 64 : index
        %swap3A_80 = tpu.vector_load %arg12[%swap3A_78, %swap3A_79] {strides = array<i32>} : memref<128x128xf32, #tpu.memory_space<vmem>>, vector<1x16xf32>,
        %swap3A_81 = vector.shape_cast %swap3A_80 : vector<1x16xf32> to vector<16xf32>
        %swap3A_82 = vector.shape_cast %broadcast_in_dim3A_77 : vector<16xf32> to vector<1x16xf32>
        tpu.vector_store %arg12[%swap3A_78, %swap3A_79], %swap3A_82 {strides = array<i32>} : memref<128x128xf32, #tpu.memory_space<vmem>>, vector<1x16xf32>,
        %broadcast_in_dim3A_83 = arith.constant 0.000000e+00 : f32
        %broadcast_in_dim3A_84 = vector.broadcast %broadcast_in_dim3A_83 : f32 to vector<16xf32>
        %swap3A_85 = arith.index_cast %scan3A_48 : i32 to index
        %swap3A_86 = arith.constant 80 : index
        %swap3A_87 = tpu.vector_load %arg12[%swap3A_85, %swap3A_86] {strides = array<i32>} : memref<128x128xf32, #tpu.memory_space<vmem>>, vector<1x16xf32>,
        %swap3A_88 = vector.shape_cast %swap3A_87 : vector<1x16xf32> to vector<16xf32>
        %swap3A_89 = vector.shape_cast %broadcast_in_dim3A_84 : vector<16xf32> to vector<1x16xf32>
        tpu.vector_store %arg12[%swap3A_85, %swap3A_86], %swap3A_89 {strides = array<i32>} : memref<128x128xf32, #tpu.memory_space<vmem>>, vector<1x16xf32>,
        %broadcast_in_dim3A_90 = arith.constant 0.000000e+00 : f32
        %broadcast_in_dim3A_91 = vector.broadcast %broadcast_in_dim3A_90 : f32 to vector<16xf32>
        %swap3A_92 = arith.index_cast %scan3A_48 : i32 to index
        %swap3A_93 = arith.constant 96 : index
        %swap3A_94 = tpu.vector_load %arg12[%swap3A_92, %swap3A_93] {strides = array<i32>} : memref<128x128xf32, #tpu.memory_space<vmem>>, vector<1x16xf32>,
        %swap3A_95 = vector.shape_cast %swap3A_94 : vector<1x16xf32> to vector<16xf32>
        %swap3A_96 = vector.shape_cast %broadcast_in_dim3A_91 : vector<16xf32> to vector<1x16xf32>
        tpu.vector_store %arg12[%swap3A_92, %swap3A_93], %swap3A_96 {strides = array<i32>} : memref<128x128xf32, #tpu.memory_space<vmem>>, vector<1x16xf32>,
        %broadcast_in_dim3A_97 = arith.constant 0.000000e+00 : f32
        %broadcast_in_dim3A_98 = vector.broadcast %broadcast_in_dim3A_97 : f32 to vector<16xf32>
        %swap3A_99 = arith.index_cast %scan3A_48 : i32 to index
        %swap3A_100 = arith.constant 112 : index
        %swap3A_101 = tpu.vector_load %arg12[%swap3A_99, %swap3A_100] {strides = array<i32>} : memref<128x128xf32, #tpu.memory_space<vmem>>, vector<1x16xf32>,
        %swap3A_102 = vector.shape_cast %swap3A_101 : vector<1x16xf32> to vector<16xf32>
        %swap3A_103 = vector.shape_cast %broadcast_in_dim3A_98 : vector<16xf32> to vector<1x16xf32>
        tpu.vector_store %arg12[%swap3A_99, %swap3A_100], %swap3A_103 {strides = array<i32>} : memref<128x128xf32, #tpu.memory_space<vmem>>, vector<1x16xf32>,
        %scan3A_104 = arith.constant 0 : i32
        scf.yield %scan3A_104 : i32
      }
      %scan3A_12 = arith.constant 128 : i32
      %scan3A_13 = arith.constant 0 : i32
      %scan3A_14 = arith.constant 0 : i32
      %scan3A_15 = arith.constant 5 : i32
      %scan3A_16 = arith.addi %scan3A_14, %scan3A_15 : i32
      %scan3A_17 = arith.constant 1 : i32
      %scan3A_18 = scf.for %scan3A_48 = %scan3A_14 to %scan3A_16 step %scan3A_17 iter_args(%scan3A_49 = %scan3A_13) -> (i32)  : i32 {
        %mul3A_50 = arith.constant 640 : i32
        %mul3A_51 = arith.muli %arg1, %mul3A_50 : i32
        %mul3A_52 = arith.constant 128 : i32
        %mul3A_53 = arith.muli %scan3A_48, %mul3A_52 : i32
        %add3A = arith.addi %mul3A_51, %mul3A_53 : i32
        "tpu.region"() ({
          %run_scoped3A_55 = tpu.sem_alloc : memref<!tpu.dma_semaphore, #tpu.memory_space<semaphore_mem>>
          %dma_start3A_56 = arith.constant 0 : i32
          %dma_start3A_57 = tpu.memref_slice %arg14[%add3A, %dma_start3A_56] : memref<10240x128xf32, #tpu.memory_space<vmem_shared>> -> memref<128x128xf32, #tpu.memory_space<vmem_shared>>
          %dma_start3A_58 = arith.constant 0 : i32
          %dma_start3A_59 = tpu.memref_slice %arg14[%add3A, %dma_start3A_58] : memref<10240x128xf32, #tpu.memory_space<vmem_shared>> -> memref<128x128xf32, #tpu.memory_space<vmem_shared>>
          tpu.enqueue_dma source(%arg12 : memref<128x128xf32, #tpu.memory_space<vmem>>) target(%dma_start3A_59 : memref<128x128xf32, #tpu.memory_space<vmem_shared>>) target_semaphore(%run_scoped3A_55 : memref<!tpu.dma_semaphore, #tpu.memory_space<semaphore_mem>>)
          %dma_wait3A = arith.constant 0 : i32
          %dma_wait3A_60 = tpu.memref_slice %arg14[%add3A, %dma_wait3A] : memref<10240x128xf32, #tpu.memory_space<vmem_shared>> -> memref<128x128xf32, #tpu.memory_space<vmem_shared>>
          %dma_wait3A_61 = arith.constant 0 : i32
          %dma_wait3A_62 = tpu.memref_slice %arg14[%add3A, %dma_wait3A_61] : memref<10240x128xf32, #tpu.memory_space<vmem_shared>> -> memref<128x128xf32, #tpu.memory_space<vmem_shared>>
          tpu.wait_dma2 semaphore(%run_scoped3A_55 : memref<!tpu.dma_semaphore, #tpu.memory_space<semaphore_mem>>) src(%arg12 : memref<128x128xf32, #tpu.memory_space<vmem>>) dst(%dma_wait3A_62 : memref<128x128xf32, #tpu.memory_space<vmem_shared>>)
          tpu.yield
        }) : () -> ()
        %scan3A_54 = arith.constant 0 : i32
        scf.yield %scan3A_54 : i32
      }
      %scan3A_19 = arith.constant 5 : i32
      %barrier3A = arith.constant 0 : index
      tpu.barrier barrier_id(%barrier3A)
      %run_scoped3A = arith.constant 0 : i32
      "tpu.region"() ({
        %run_scoped3A_48 = tpu.sem_alloc : memref<!tpu.dma_semaphore, #tpu.memory_space<semaphore_mem>>
        %dma_start3A_49 = arith.constant 0 : i32
        %dma_start3A_50 = tpu.memref_slice %arg4[%arg1, %run_scoped3A, %dma_start3A_49] : memref<16x158x128xi32, #tpu.memory_space<hbm>> -> memref<1x1x128xi32, #tpu.memory_space<hbm>>
        %dma_start3A_51 = tpu.memref_squeeze %dma_start3A_50 : memref<1x1x128xi32, #tpu.memory_space<hbm>> -> memref<128xi32, #tpu.memory_space<hbm>>
        %dma_start3A_52 = arith.constant 0 : i32
        %dma_start3A_53 = tpu.memref_slice %arg4[%arg1, %run_scoped3A, %dma_start3A_52] : memref<16x158x128xi32, #tpu.memory_space<hbm>> -> memref<1x1x128xi32, #tpu.memory_space<hbm>>
        %dma_start3A_54 = tpu.memref_squeeze %dma_start3A_53 : memref<1x1x128xi32, #tpu.memory_space<hbm>> -> memref<128xi32, #tpu.memory_space<hbm>>
        tpu.enqueue_dma source(%dma_start3A_54 : memref<128xi32, #tpu.memory_space<hbm>>) target(%arg8 : memref<128xi32, #tpu.memory_space<vmem>>) target_semaphore(%run_scoped3A_48 : memref<!tpu.dma_semaphore, #tpu.memory_space<semaphore_mem>>)
        %dma_wait3A = arith.constant 0 : i32
        %dma_wait3A_55 = tpu.memref_slice %arg4[%arg1, %run_scoped3A, %dma_wait3A] : memref<16x158x128xi32, #tpu.memory_space<hbm>> -> memref<1x1x128xi32, #tpu.memory_space<hbm>>
        %dma_wait3A_56 = tpu.memref_squeeze %dma_wait3A_55 : memref<1x1x128xi32, #tpu.memory_space<hbm>> -> memref<128xi32, #tpu.memory_space<hbm>>
        %dma_wait3A_57 = arith.constant 0 : i32
        %dma_wait3A_58 = tpu.memref_slice %arg4[%arg1, %run_scoped3A, %dma_wait3A_57] : memref<16x158x128xi32, #tpu.memory_space<hbm>> -> memref<1x1x128xi32, #tpu.memory_space<hbm>>
        %dma_wait3A_59 = tpu.memref_squeeze %dma_wait3A_58 : memref<1x1x128xi32, #tpu.memory_space<hbm>> -> memref<128xi32, #tpu.memory_space<hbm>>
        tpu.wait_dma2 semaphore(%run_scoped3A_48 : memref<!tpu.dma_semaphore, #tpu.memory_space<semaphore_mem>>) src(%dma_wait3A_59 : memref<128xi32, #tpu.memory_space<hbm>>) dst(%arg8 : memref<128xi32, #tpu.memory_space<vmem>>)
        tpu.yield
      }) : () -> ()
      %run_scoped3A_20 = arith.constant 0 : i32
      "tpu.region"() ({
        %run_scoped3A_48 = tpu.sem_alloc : memref<!tpu.dma_semaphore, #tpu.memory_space<semaphore_mem>>
        %dma_start3A_49 = arith.constant 0 : i32
        %dma_start3A_50 = tpu.memref_slice %arg5[%arg1, %run_scoped3A_20, %dma_start3A_49] : memref<16x158x128xi32, #tpu.memory_space<hbm>> -> memref<1x1x128xi32, #tpu.memory_space<hbm>>
        %dma_start3A_51 = tpu.memref_squeeze %dma_start3A_50 : memref<1x1x128xi32, #tpu.memory_space<hbm>> -> memref<128xi32, #tpu.memory_space<hbm>>
        %dma_start3A_52 = arith.constant 0 : i32
        %dma_start3A_53 = tpu.memref_slice %arg5[%arg1, %run_scoped3A_20, %dma_start3A_52] : memref<16x158x128xi32, #tpu.memory_space<hbm>> -> memref<1x1x128xi32, #tpu.memory_space<hbm>>
        %dma_start3A_54 = tpu.memref_squeeze %dma_start3A_53 : memref<1x1x128xi32, #tpu.memory_space<hbm>> -> memref<128xi32, #tpu.memory_space<hbm>>
        tpu.enqueue_dma source(%dma_start3A_54 : memref<128xi32, #tpu.memory_space<hbm>>) target(%arg10 : memref<128xi32, #tpu.memory_space<vmem>>) target_semaphore(%run_scoped3A_48 : memref<!tpu.dma_semaphore, #tpu.memory_space<semaphore_mem>>)
        %dma_wait3A = arith.constant 0 : i32
        %dma_wait3A_55 = tpu.memref_slice %arg5[%arg1, %run_scoped3A_20, %dma_wait3A] : memref<16x158x128xi32, #tpu.memory_space<hbm>> -> memref<1x1x128xi32, #tpu.memory_space<hbm>>
        %dma_wait3A_56 = tpu.memref_squeeze %dma_wait3A_55 : memref<1x1x128xi32, #tpu.memory_space<hbm>> -> memref<128xi32, #tpu.memory_space<hbm>>
        %dma_wait3A_57 = arith.constant 0 : i32
        %dma_wait3A_58 = tpu.memref_slice %arg5[%arg1, %run_scoped3A_20, %dma_wait3A_57] : memref<16x158x128xi32, #tpu.memory_space<hbm>> -> memref<1x1x128xi32, #tpu.memory_space<hbm>>
        %dma_wait3A_59 = tpu.memref_squeeze %dma_wait3A_58 : memref<1x1x128xi32, #tpu.memory_space<hbm>> -> memref<128xi32, #tpu.memory_space<hbm>>
        tpu.wait_dma2 semaphore(%run_scoped3A_48 : memref<!tpu.dma_semaphore, #tpu.memory_space<semaphore_mem>>) src(%dma_wait3A_59 : memref<128xi32, #tpu.memory_space<hbm>>) dst(%arg10 : memref<128xi32, #tpu.memory_space<vmem>>)
        tpu.yield
      }) : () -> ()
      %dma_start3A = arith.constant 0 : i32
      %dma_start3A_21 = arith.constant 0 : i32
      %dma_start3A_22 = tpu.memref_slice %arg3[%dma_start3A, %dma_start3A_21] : memref<10240x128xf32, #tpu.memory_space<hbm>> -> memref<10240x128xf32, #tpu.memory_space<hbm>>
      tpu.enqueue_indirect_dma source(%dma_start3A_22 : memref<10240x128xf32, #tpu.memory_space<hbm>>) target(%arg12 : memref<128x128xf32, #tpu.memory_space<vmem>>) offsets(%arg8 : memref<128xi32, #tpu.memory_space<vmem>>) semaphore(%arg15 : memref<!tpu.dma_semaphore, #tpu.memory_space<semaphore_mem>>)
      %dma_start3A_23 = arith.constant 1 : i32
      %dma_start3A_24 = arith.constant 0 : i32
      %dma_start3A_25 = tpu.memref_slice %arg4[%arg1, %dma_start3A_23, %dma_start3A_24] : memref<16x158x128xi32, #tpu.memory_space<hbm>> -> memref<1x1x128xi32, #tpu.memory_space<hbm>>
      %dma_start3A_26 = tpu.memref_squeeze %dma_start3A_25 : memref<1x1x128xi32, #tpu.memory_space<hbm>> -> memref<128xi32, #tpu.memory_space<hbm>>
      %dma_start3A_27 = arith.constant 0 : i32
      %dma_start3A_28 = tpu.memref_slice %arg4[%arg1, %dma_start3A_23, %dma_start3A_27] : memref<16x158x128xi32, #tpu.memory_space<hbm>> -> memref<1x1x128xi32, #tpu.memory_space<hbm>>
      %dma_start3A_29 = tpu.memref_squeeze %dma_start3A_28 : memref<1x1x128xi32, #tpu.memory_space<hbm>> -> memref<128xi32, #tpu.memory_space<hbm>>
      tpu.enqueue_dma source(%dma_start3A_29 : memref<128xi32, #tpu.memory_space<hbm>>) target(%arg9 : memref<128xi32, #tpu.memory_space<vmem>>) target_semaphore(%arg18 : memref<!tpu.dma_semaphore, #tpu.memory_space<semaphore_mem>>)
      %dma_start3A_30 = arith.constant 1 : i32
      %dma_start3A_31 = arith.constant 0 : i32
      %dma_start3A_32 = tpu.memref_slice %arg5[%arg1, %dma_start3A_30, %dma_start3A_31] : memref<16x158x128xi32, #tpu.memory_space<hbm>> -> memref<1x1x128xi32, #tpu.memory_space<hbm>>
      %dma_start3A_33 = tpu.memref_squeeze %dma_start3A_32 : memref<1x1x128xi32, #tpu.memory_space<hbm>> -> memref<128xi32, #tpu.memory_space<hbm>>
      %dma_start3A_34 = arith.constant 0 : i32
      %dma_start3A_35 = tpu.memref_slice %arg5[%arg1, %dma_start3A_30, %dma_start3A_34] : memref<16x158x128xi32, #tpu.memory_space<hbm>> -> memref<1x1x128xi32, #tpu.memory_space<hbm>>
      %dma_start3A_36 = tpu.memref_squeeze %dma_start3A_35 : memref<1x1x128xi32, #tpu.memory_space<hbm>> -> memref<128xi32, #tpu.memory_space<hbm>>
      tpu.enqueue_dma source(%dma_start3A_36 : memref<128xi32, #tpu.memory_space<hbm>>) target(%arg11 : memref<128xi32, #tpu.memory_space<vmem>>) target_semaphore(%arg18 : memref<!tpu.dma_semaphore, #tpu.memory_space<semaphore_mem>>)
      %scan3A_37 = arith.constant 0 : i32
      %scan3A_38 = arith.constant 0 : i32
      %scan3A_39 = arith.constant 79 : i32
      %scan3A_40 = arith.addi %scan3A_38, %scan3A_39 : i32
      %scan3A_41 = arith.constant 1 : i32
      %scan3A_42 = scf.for %scan3A_48 = %scan3A_38 to %scan3A_40 step %scan3A_41 iter_args(%scan3A_49 = %scan3A_37) -> (i32)  : i32 {
        %mul3A_50 = arith.constant 2 : i32
        %mul3A_51 = arith.muli %mul3A_50, %scan3A_48 : i32
        %dma_wait3A = arith.constant 0 : i32
        %dma_wait3A_52 = arith.constant 0 : i32
        %dma_wait3A_53 = tpu.memref_slice %arg4[%arg1, %dma_wait3A, %dma_wait3A_52] : memref<16x158x128xi32, #tpu.memory_space<hbm>> -> memref<1x1x128xi32, #tpu.memory_space<hbm>>
        %dma_wait3A_54 = tpu.memref_squeeze %dma_wait3A_53 : memref<1x1x128xi32, #tpu.memory_space<hbm>> -> memref<128xi32, #tpu.memory_space<hbm>>
        %dma_wait3A_55 = arith.constant 0 : i32
        %dma_wait3A_56 = tpu.memref_slice %arg4[%arg1, %dma_wait3A, %dma_wait3A_55] : memref<16x158x128xi32, #tpu.memory_space<hbm>> -> memref<1x1x128xi32, #tpu.memory_space<hbm>>
        %dma_wait3A_57 = tpu.memref_squeeze %dma_wait3A_56 : memref<1x1x128xi32, #tpu.memory_space<hbm>> -> memref<128xi32, #tpu.memory_space<hbm>>
        tpu.wait_dma2 semaphore(%arg18 : memref<!tpu.dma_semaphore, #tpu.memory_space<semaphore_mem>>) src(%dma_wait3A_57 : memref<128xi32, #tpu.memory_space<hbm>>) dst(%arg9 : memref<128xi32, #tpu.memory_space<vmem>>)
        %dma_wait3A_58 = arith.constant 0 : i32
        %dma_wait3A_59 = arith.constant 0 : i32
        %dma_wait3A_60 = tpu.memref_slice %arg4[%arg1, %dma_wait3A_58, %dma_wait3A_59] : memref<16x158x128xi32, #tpu.memory_space<hbm>> -> memref<1x1x128xi32, #tpu.memory_space<hbm>>
        %dma_wait3A_61 = tpu.memref_squeeze %dma_wait3A_60 : memref<1x1x128xi32, #tpu.memory_space<hbm>> -> memref<128xi32, #tpu.memory_space<hbm>>
        %dma_wait3A_62 = arith.constant 0 : i32
        %dma_wait3A_63 = tpu.memref_slice %arg4[%arg1, %dma_wait3A_58, %dma_wait3A_62] : memref<16x158x128xi32, #tpu.memory_space<hbm>> -> memref<1x1x128xi32, #tpu.memory_space<hbm>>
        %dma_wait3A_64 = tpu.memref_squeeze %dma_wait3A_63 : memref<1x1x128xi32, #tpu.memory_space<hbm>> -> memref<128xi32, #tpu.memory_space<hbm>>
        tpu.wait_dma2 semaphore(%arg18 : memref<!tpu.dma_semaphore, #tpu.memory_space<semaphore_mem>>) src(%dma_wait3A_64 : memref<128xi32, #tpu.memory_space<hbm>>) dst(%arg11 : memref<128xi32, #tpu.memory_space<vmem>>)
        %dma_start3A_65 = arith.constant 0 : i32
        %dma_start3A_66 = arith.constant 0 : i32
        %dma_start3A_67 = tpu.memref_slice %arg3[%dma_start3A_65, %dma_start3A_66] : memref<10240x128xf32, #tpu.memory_space<hbm>> -> memref<10240x128xf32, #tpu.memory_space<hbm>>
        tpu.enqueue_indirect_dma source(%dma_start3A_67 : memref<10240x128xf32, #tpu.memory_space<hbm>>) target(%arg13 : memref<128x128xf32, #tpu.memory_space<vmem>>) offsets(%arg9 : memref<128xi32, #tpu.memory_space<vmem>>) semaphore(%arg16 : memref<!tpu.dma_semaphore, #tpu.memory_space<semaphore_mem>>)
        %dma_wait3A_68 = arith.constant 0 : i32
        %dma_wait3A_69 = arith.constant 0 : i32
        %dma_wait3A_70 = tpu.memref_slice %arg3[%dma_wait3A_68, %dma_wait3A_69] : memref<10240x128xf32, #tpu.memory_space<hbm>> -> memref<128x128xf32, #tpu.memory_space<hbm>>
        %dma_wait3A_71 = arith.constant 0 : i32
        %dma_wait3A_72 = arith.constant 0 : i32
        %dma_wait3A_73 = tpu.memref_slice %arg3[%dma_wait3A_71, %dma_wait3A_72] : memref<10240x128xf32, #tpu.memory_space<hbm>> -> memref<128x128xf32, #tpu.memory_space<hbm>>
        tpu.wait_dma2 semaphore(%arg15 : memref<!tpu.dma_semaphore, #tpu.memory_space<semaphore_mem>>) src(%dma_wait3A_73 : memref<128x128xf32, #tpu.memory_space<hbm>>) dst(%arg12 : memref<128x128xf32, #tpu.memory_space<vmem>>)
        "tpu.region"() ({
          %run_scoped3A_90 = tpu.sem_alloc : memref<!tpu.dma_semaphore, #tpu.memory_space<semaphore_mem>>
          %dma_start3A_91 = arith.constant 0 : i32
          %dma_start3A_92 = arith.constant 0 : i32
          %dma_start3A_93 = tpu.memref_slice %arg14[%dma_start3A_91, %dma_start3A_92] : memref<10240x128xf32, #tpu.memory_space<vmem_shared>> -> memref<10240x128xf32, #tpu.memory_space<vmem_shared>>
          tpu.enqueue_indirect_dma source(%arg12 : memref<128x128xf32, #tpu.memory_space<vmem>>) target(%dma_start3A_93 : memref<10240x128xf32, #tpu.memory_space<vmem_shared>>) offsets(%arg10 : memref<128xi32, #tpu.memory_space<vmem>>) semaphore(%run_scoped3A_90 : memref<!tpu.dma_semaphore, #tpu.memory_space<semaphore_mem>>) {add = true}
          %dma_wait3A_94 = arith.constant 0 : i32
          %dma_wait3A_95 = arith.constant 0 : i32
          %dma_wait3A_96 = tpu.memref_slice %arg14[%dma_wait3A_94, %dma_wait3A_95] : memref<10240x128xf32, #tpu.memory_space<vmem_shared>> -> memref<10240x128xf32, #tpu.memory_space<vmem_shared>>
          tpu.wait_indirect_dma semaphore(%run_scoped3A_90 : memref<!tpu.dma_semaphore, #tpu.memory_space<semaphore_mem>>) src(%arg12 : memref<128x128xf32, #tpu.memory_space<vmem>>) dst(%dma_wait3A_96 : memref<10240x128xf32, #tpu.memory_space<vmem_shared>>)
          tpu.yield
        }) : () -> ()
        %add3A = arith.constant 2 : i32
        %add3A_74 = arith.addi %mul3A_51, %add3A : i32
        %lt3A = arith.constant 158 : i32
        %lt3A_75 = arith.cmpi slt, %add3A_74, %lt3A : i32
        %convert_element_type3A_76 = arith.extui %lt3A_75 : i1 to i32
        %cond3A_77 = arith.constant 0 : i32
        %cond3A_78 = arith.cmpi ne, %convert_element_type3A_76, %cond3A_77 : i32
        scf.if %cond3A_78 {
          %add3A_90 = arith.constant 2 : i32
          %add3A_91 = arith.addi %mul3A_51, %add3A_90 : i32
          %dma_start3A_92 = arith.constant 0 : i32
          %dma_start3A_93 = tpu.memref_slice %arg4[%arg1, %add3A_91, %dma_start3A_92] : memref<16x158x128xi32, #tpu.memory_space<hbm>> -> memref<1x1x128xi32, #tpu.memory_space<hbm>>
          %dma_start3A_94 = tpu.memref_squeeze %dma_start3A_93 : memref<1x1x128xi32, #tpu.memory_space<hbm>> -> memref<128xi32, #tpu.memory_space<hbm>>
          %dma_start3A_95 = arith.constant 0 : i32
          %dma_start3A_96 = tpu.memref_slice %arg4[%arg1, %add3A_91, %dma_start3A_95] : memref<16x158x128xi32, #tpu.memory_space<hbm>> -> memref<1x1x128xi32, #tpu.memory_space<hbm>>
          %dma_start3A_97 = tpu.memref_squeeze %dma_start3A_96 : memref<1x1x128xi32, #tpu.memory_space<hbm>> -> memref<128xi32, #tpu.memory_space<hbm>>
          tpu.enqueue_dma source(%dma_start3A_97 : memref<128xi32, #tpu.memory_space<hbm>>) target(%arg8 : memref<128xi32, #tpu.memory_space<vmem>>) target_semaphore(%arg17 : memref<!tpu.dma_semaphore, #tpu.memory_space<semaphore_mem>>)
          %add3A_98 = arith.constant 2 : i32
          %add3A_99 = arith.addi %mul3A_51, %add3A_98 : i32
          %dma_start3A_100 = arith.constant 0 : i32
          %dma_start3A_101 = tpu.memref_slice %arg5[%arg1, %add3A_99, %dma_start3A_100] : memref<16x158x128xi32, #tpu.memory_space<hbm>> -> memref<1x1x128xi32, #tpu.memory_space<hbm>>
          %dma_start3A_102 = tpu.memref_squeeze %dma_start3A_101 : memref<1x1x128xi32, #tpu.memory_space<hbm>> -> memref<128xi32, #tpu.memory_space<hbm>>
          %dma_start3A_103 = arith.constant 0 : i32
          %dma_start3A_104 = tpu.memref_slice %arg5[%arg1, %add3A_99, %dma_start3A_103] : memref<16x158x128xi32, #tpu.memory_space<hbm>> -> memref<1x1x128xi32, #tpu.memory_space<hbm>>
          %dma_start3A_105 = tpu.memref_squeeze %dma_start3A_104 : memref<1x1x128xi32, #tpu.memory_space<hbm>> -> memref<128xi32, #tpu.memory_space<hbm>>
          tpu.enqueue_dma source(%dma_start3A_105 : memref<128xi32, #tpu.memory_space<hbm>>) target(%arg10 : memref<128xi32, #tpu.memory_space<vmem>>) target_semaphore(%arg17 : memref<!tpu.dma_semaphore, #tpu.memory_space<semaphore_mem>>)
          %dma_wait3A_106 = arith.constant 0 : i32
          %dma_wait3A_107 = arith.constant 0 : i32
          %dma_wait3A_108 = tpu.memref_slice %arg4[%arg1, %dma_wait3A_106, %dma_wait3A_107] : memref<16x158x128xi32, #tpu.memory_space<hbm>> -> memref<1x1x128xi32, #tpu.memory_space<hbm>>
          %dma_wait3A_109 = tpu.memref_squeeze %dma_wait3A_108 : memref<1x1x128xi32, #tpu.memory_space<hbm>> -> memref<128xi32, #tpu.memory_space<hbm>>
          %dma_wait3A_110 = arith.constant 0 : i32
          %dma_wait3A_111 = tpu.memref_slice %arg4[%arg1, %dma_wait3A_106, %dma_wait3A_110] : memref<16x158x128xi32, #tpu.memory_space<hbm>> -> memref<1x1x128xi32, #tpu.memory_space<hbm>>
          %dma_wait3A_112 = tpu.memref_squeeze %dma_wait3A_111 : memref<1x1x128xi32, #tpu.memory_space<hbm>> -> memref<128xi32, #tpu.memory_space<hbm>>
          tpu.wait_dma2 semaphore(%arg17 : memref<!tpu.dma_semaphore, #tpu.memory_space<semaphore_mem>>) src(%dma_wait3A_112 : memref<128xi32, #tpu.memory_space<hbm>>) dst(%arg8 : memref<128xi32, #tpu.memory_space<vmem>>)
          %dma_wait3A_113 = arith.constant 0 : i32
          %dma_wait3A_114 = arith.constant 0 : i32
          %dma_wait3A_115 = tpu.memref_slice %arg4[%arg1, %dma_wait3A_113, %dma_wait3A_114] : memref<16x158x128xi32, #tpu.memory_space<hbm>> -> memref<1x1x128xi32, #tpu.memory_space<hbm>>
          %dma_wait3A_116 = tpu.memref_squeeze %dma_wait3A_115 : memref<1x1x128xi32, #tpu.memory_space<hbm>> -> memref<128xi32, #tpu.memory_space<hbm>>
          %dma_wait3A_117 = arith.constant 0 : i32
          %dma_wait3A_118 = tpu.memref_slice %arg4[%arg1, %dma_wait3A_113, %dma_wait3A_117] : memref<16x158x128xi32, #tpu.memory_space<hbm>> -> memref<1x1x128xi32, #tpu.memory_space<hbm>>
          %dma_wait3A_119 = tpu.memref_squeeze %dma_wait3A_118 : memref<1x1x128xi32, #tpu.memory_space<hbm>> -> memref<128xi32, #tpu.memory_space<hbm>>
          tpu.wait_dma2 semaphore(%arg17 : memref<!tpu.dma_semaphore, #tpu.memory_space<semaphore_mem>>) src(%dma_wait3A_119 : memref<128xi32, #tpu.memory_space<hbm>>) dst(%arg10 : memref<128xi32, #tpu.memory_space<vmem>>)
          %dma_start3A_120 = arith.constant 0 : i32
          %dma_start3A_121 = arith.constant 0 : i32
          %dma_start3A_122 = tpu.memref_slice %arg3[%dma_start3A_120, %dma_start3A_121] : memref<10240x128xf32, #tpu.memory_space<hbm>> -> memref<10240x128xf32, #tpu.memory_space<hbm>>
          tpu.enqueue_indirect_dma source(%dma_start3A_122 : memref<10240x128xf32, #tpu.memory_space<hbm>>) target(%arg12 : memref<128x128xf32, #tpu.memory_space<vmem>>) offsets(%arg8 : memref<128xi32, #tpu.memory_space<vmem>>) semaphore(%arg15 : memref<!tpu.dma_semaphore, #tpu.memory_space<semaphore_mem>>)
        } else {
        }
        %dma_wait3A_79 = arith.constant 0 : i32
        %dma_wait3A_80 = arith.constant 0 : i32
        %dma_wait3A_81 = tpu.memref_slice %arg3[%dma_wait3A_79, %dma_wait3A_80] : memref<10240x128xf32, #tpu.memory_space<hbm>> -> memref<10240x128xf32, #tpu.memory_space<hbm>>
        tpu.wait_indirect_dma semaphore(%arg16 : memref<!tpu.dma_semaphore, #tpu.memory_space<semaphore_mem>>) src(%dma_wait3A_81 : memref<10240x128xf32, #tpu.memory_space<hbm>>) dst(%arg13 : memref<128x128xf32, #tpu.memory_space<vmem>>)
        "tpu.region"() ({
          %run_scoped3A_90 = tpu.sem_alloc : memref<!tpu.dma_semaphore, #tpu.memory_space<semaphore_mem>>
          %dma_start3A_91 = arith.constant 0 : i32
          %dma_start3A_92 = arith.constant 0 : i32
          %dma_start3A_93 = tpu.memref_slice %arg14[%dma_start3A_91, %dma_start3A_92] : memref<10240x128xf32, #tpu.memory_space<vmem_shared>> -> memref<10240x128xf32, #tpu.memory_space<vmem_shared>>
          tpu.enqueue_indirect_dma source(%arg13 : memref<128x128xf32, #tpu.memory_space<vmem>>) target(%dma_start3A_93 : memref<10240x128xf32, #tpu.memory_space<vmem_shared>>) offsets(%arg11 : memref<128xi32, #tpu.memory_space<vmem>>) semaphore(%run_scoped3A_90 : memref<!tpu.dma_semaphore, #tpu.memory_space<semaphore_mem>>) {add = true}
          %dma_wait3A_94 = arith.constant 0 : i32
          %dma_wait3A_95 = arith.constant 0 : i32
          %dma_wait3A_96 = tpu.memref_slice %arg14[%dma_wait3A_94, %dma_wait3A_95] : memref<10240x128xf32, #tpu.memory_space<vmem_shared>> -> memref<10240x128xf32, #tpu.memory_space<vmem_shared>>
          tpu.wait_indirect_dma semaphore(%run_scoped3A_90 : memref<!tpu.dma_semaphore, #tpu.memory_space<semaphore_mem>>) src(%arg13 : memref<128x128xf32, #tpu.memory_space<vmem>>) dst(%dma_wait3A_96 : memref<10240x128xf32, #tpu.memory_space<vmem_shared>>)
          tpu.yield
        }) : () -> ()
        %add3A_82 = arith.constant 3 : i32
        %add3A_83 = arith.addi %mul3A_51, %add3A_82 : i32
        %lt3A_84 = arith.constant 158 : i32
        %lt3A_85 = arith.cmpi slt, %add3A_83, %lt3A_84 : i32
        %convert_element_type3A_86 = arith.extui %lt3A_85 : i1 to i32
        %cond3A_87 = arith.constant 0 : i32
        %cond3A_88 = arith.cmpi ne, %convert_element_type3A_86, %cond3A_87 : i32
        scf.if %cond3A_88 {
          %add3A_90 = arith.constant 3 : i32
          %add3A_91 = arith.addi %mul3A_51, %add3A_90 : i32
          %dma_start3A_92 = arith.constant 0 : i32
          %dma_start3A_93 = tpu.memref_slice %arg4[%arg1, %add3A_91, %dma_start3A_92] : memref<16x158x128xi32, #tpu.memory_space<hbm>> -> memref<1x1x128xi32, #tpu.memory_space<hbm>>
          %dma_start3A_94 = tpu.memref_squeeze %dma_start3A_93 : memref<1x1x128xi32, #tpu.memory_space<hbm>> -> memref<128xi32, #tpu.memory_space<hbm>>
          %dma_start3A_95 = arith.constant 0 : i32
          %dma_start3A_96 = tpu.memref_slice %arg4[%arg1, %add3A_91, %dma_start3A_95] : memref<16x158x128xi32, #tpu.memory_space<hbm>> -> memref<1x1x128xi32, #tpu.memory_space<hbm>>
          %dma_start3A_97 = tpu.memref_squeeze %dma_start3A_96 : memref<1x1x128xi32, #tpu.memory_space<hbm>> -> memref<128xi32, #tpu.memory_space<hbm>>
          tpu.enqueue_dma source(%dma_start3A_97 : memref<128xi32, #tpu.memory_space<hbm>>) target(%arg9 : memref<128xi32, #tpu.memory_space<vmem>>) target_semaphore(%arg18 : memref<!tpu.dma_semaphore, #tpu.memory_space<semaphore_mem>>)
          %add3A_98 = arith.constant 3 : i32
          %add3A_99 = arith.addi %mul3A_51, %add3A_98 : i32
          %dma_start3A_100 = arith.constant 0 : i32
          %dma_start3A_101 = tpu.memref_slice %arg5[%arg1, %add3A_99, %dma_start3A_100] : memref<16x158x128xi32, #tpu.memory_space<hbm>> -> memref<1x1x128xi32, #tpu.memory_space<hbm>>
          %dma_start3A_102 = tpu.memref_squeeze %dma_start3A_101 : memref<1x1x128xi32, #tpu.memory_space<hbm>> -> memref<128xi32, #tpu.memory_space<hbm>>
          %dma_start3A_103 = arith.constant 0 : i32
          %dma_start3A_104 = tpu.memref_slice %arg5[%arg1, %add3A_99, %dma_start3A_103] : memref<16x158x128xi32, #tpu.memory_space<hbm>> -> memref<1x1x128xi32, #tpu.memory_space<hbm>>
          %dma_start3A_105 = tpu.memref_squeeze %dma_start3A_104 : memref<1x1x128xi32, #tpu.memory_space<hbm>> -> memref<128xi32, #tpu.memory_space<hbm>>
          tpu.enqueue_dma source(%dma_start3A_105 : memref<128xi32, #tpu.memory_space<hbm>>) target(%arg11 : memref<128xi32, #tpu.memory_space<vmem>>) target_semaphore(%arg18 : memref<!tpu.dma_semaphore, #tpu.memory_space<semaphore_mem>>)
        } else {
        }
        %scan3A_89 = arith.constant 0 : i32
        scf.yield %scan3A_89 : i32
      }
      %scan3A_43 = arith.constant 79 : i32
      %barrier3A_44 = arith.constant 0 : index
      tpu.barrier barrier_id(%barrier3A_44)
      %mul3A = arith.constant 640 : i32
      %mul3A_45 = arith.muli %arg1, %mul3A : i32
      %mul3A_46 = arith.constant 640 : i32
      %mul3A_47 = arith.muli %arg1, %mul3A_46 : i32
      "tpu.region"() ({
        %run_scoped3A_48 = tpu.sem_alloc : memref<!tpu.dma_semaphore, #tpu.memory_space<semaphore_mem>>
        %dma_start3A_49 = arith.constant 0 : i32
        %dma_start3A_50 = tpu.memref_slice %arg7[%mul3A_47, %dma_start3A_49] : memref<10240x128xf32, #tpu.memory_space<hbm>> -> memref<640x128xf32, #tpu.memory_space<hbm>>
        %dma_start3A_51 = arith.constant 0 : i32
        %dma_start3A_52 = tpu.memref_slice %arg14[%mul3A_45, %dma_start3A_51] : memref<10240x128xf32, #tpu.memory_space<vmem_shared>> -> memref<640x128xf32, #tpu.memory_space<vmem_shared>>
        tpu.enqueue_dma source(%dma_start3A_52 : memref<640x128xf32, #tpu.memory_space<vmem_shared>>) target(%dma_start3A_50 : memref<640x128xf32, #tpu.memory_space<hbm>>) target_semaphore(%run_scoped3A_48 : memref<!tpu.dma_semaphore, #tpu.memory_space<semaphore_mem>>)
        %dma_wait3A = arith.constant 0 : i32
        %dma_wait3A_53 = tpu.memref_slice %arg7[%mul3A_47, %dma_wait3A] : memref<10240x128xf32, #tpu.memory_space<hbm>> -> memref<640x128xf32, #tpu.memory_space<hbm>>
        %dma_wait3A_54 = arith.constant 0 : i32
        %dma_wait3A_55 = tpu.memref_slice %arg14[%mul3A_45, %dma_wait3A_54] : memref<10240x128xf32, #tpu.memory_space<vmem_shared>> -> memref<640x128xf32, #tpu.memory_space<vmem_shared>>
        tpu.wait_dma2 semaphore(%run_scoped3A_48 : memref<!tpu.dma_semaphore, #tpu.memory_space<semaphore_mem>>) src(%dma_wait3A_55 : memref<640x128xf32, #tpu.memory_space<vmem_shared>>) dst(%dma_wait3A_53 : memref<640x128xf32, #tpu.memory_space<hbm>>)
        tpu.yield
      }) : () -> ()
    } else {
    }
    return
  }
}

#map = affine_map<(d0, d1) -> (0, 0)>
#map1 = affine_map<(d0, d1) -> (0, 0, 0)>
module attributes {stable_mosaic.version = 14 : i64} {
  func.func @_sc_spmm(%arg0: i32, %arg1: i32, %arg2: memref<10240x128xf32, #tpu.memory_space<hbm>>, %arg3: memref<10240x128xf32, #tpu.memory_space<hbm>>, %arg4: memref<16x158x128xi32, #tpu.memory_space<hbm>>, %arg5: memref<16x158x128xi32, #tpu.memory_space<hbm>>, %arg6: memref<10240x128xf32, #tpu.memory_space<hbm>>, %arg7: memref<10240x128xf32, #tpu.memory_space<hbm>>, %arg8: memref<128xi32, #tpu.memory_space<vmem>>, %arg9: memref<128xi32, #tpu.memory_space<vmem>>, %arg10: memref<128xi32, #tpu.memory_space<vmem>>, %arg11: memref<128xi32, #tpu.memory_space<vmem>>, %arg12: memref<128x128xf32, #tpu.memory_space<vmem>>, %arg13: memref<128x128xf32, #tpu.memory_space<vmem>>, %arg14: memref<10240x128xf32, #tpu.memory_space<vmem_shared>>, %arg15: memref<!tpu.dma_semaphore, #tpu.memory_space<semaphore_mem>>, %arg16: memref<!tpu.dma_semaphore, #tpu.memory_space<semaphore_mem>>, %arg17: memref<!tpu.dma_semaphore, #tpu.memory_space<semaphore_mem>>, %arg18: memref<!tpu.dma_semaphore, #tpu.memory_space<semaphore_mem>>) attributes {dimension_semantics = [#tpu.dimension_semantics<core_parallel>, #tpu.dimension_semantics<subcore_parallel>], iteration_bounds = array<i64: 2, 16>, scalar_prefetch = 0 : i64, scratch_operands = 11 : i64, tpu.core_type = #tpu.core_type<sc_vector_subcore>, window_params = [{transform_indices = #map}, {transform_indices = #map}, {transform_indices = #map1}, {transform_indices = #map1}, {transform_indices = #map}, {transform_indices = #map}]} {
    %eq3A = arith.constant 0 : i32
    %eq3A_0 = arith.cmpi eq, %arg0, %eq3A : i32
    %convert_element_type3A = arith.extui %eq3A_0 : i1 to i32
    %cond3A = arith.constant 0 : i32
    %cond3A_1 = arith.cmpi ne, %convert_element_type3A, %cond3A : i32
    scf.if %cond3A_1 {
      %scan3A = arith.constant 0 : i32
      %scan3A_7 = arith.constant 0 : i32
      %scan3A_8 = arith.constant 128 : i32
      %scan3A_9 = arith.addi %scan3A_7, %scan3A_8 : i32
      %scan3A_10 = arith.constant 1 : i32
      %scan3A_11 = scf.for %scan3A_48 = %scan3A_7 to %scan3A_9 step %scan3A_10 iter_args(%scan3A_49 = %scan3A) -> (i32)  : i32 {
        %broadcast_in_dim3A = arith.constant 0.000000e+00 : f32
        %broadcast_in_dim3A_50 = vector.broadcast %broadcast_in_dim3A : f32 to vector<16xf32>
        %swap3A = arith.index_cast %scan3A_48 : i32 to index
        %swap3A_51 = arith.constant 0 : index
        %swap3A_52 = tpu.vector_load %arg12[%swap3A, %swap3A_51] {strides = array<i32>} : memref<128x128xf32, #tpu.memory_space<vmem>>, vector<1x16xf32>,
        %swap3A_53 = vector.shape_cast %swap3A_52 : vector<1x16xf32> to vector<16xf32>
        %swap3A_54 = vector.shape_cast %broadcast_in_dim3A_50 : vector<16xf32> to vector<1x16xf32>
        tpu.vector_store %arg12[%swap3A, %swap3A_51], %swap3A_54 {strides = array<i32>} : memref<128x128xf32, #tpu.memory_space<vmem>>, vector<1x16xf32>,
        %broadcast_in_dim3A_55 = arith.constant 0.000000e+00 : f32
        %broadcast_in_dim3A_56 = vector.broadcast %broadcast_in_dim3A_55 : f32 to vector<16xf32>
        %swap3A_57 = arith.index_cast %scan3A_48 : i32 to index
        %swap3A_58 = arith.constant 16 : index
        %swap3A_59 = tpu.vector_load %arg12[%swap3A_57, %swap3A_58] {strides = array<i32>} : memref<128x128xf32, #tpu.memory_space<vmem>>, vector<1x16xf32>,
        %swap3A_60 = vector.shape_cast %swap3A_59 : vector<1x16xf32> to vector<16xf32>
        %swap3A_61 = vector.shape_cast %broadcast_in_dim3A_56 : vector<16xf32> to vector<1x16xf32>
        tpu.vector_store %arg12[%swap3A_57, %swap3A_58], %swap3A_61 {strides = array<i32>} : memref<128x128xf32, #tpu.memory_space<vmem>>, vector<1x16xf32>,
        %broadcast_in_dim3A_62 = arith.constant 0.000000e+00 : f32
        %broadcast_in_dim3A_63 = vector.broadcast %broadcast_in_dim3A_62 : f32 to vector<16xf32>
        %swap3A_64 = arith.index_cast %scan3A_48 : i32 to index
        %swap3A_65 = arith.constant 32 : index
        %swap3A_66 = tpu.vector_load %arg12[%swap3A_64, %swap3A_65] {strides = array<i32>} : memref<128x128xf32, #tpu.memory_space<vmem>>, vector<1x16xf32>,
        %swap3A_67 = vector.shape_cast %swap3A_66 : vector<1x16xf32> to vector<16xf32>
        %swap3A_68 = vector.shape_cast %broadcast_in_dim3A_63 : vector<16xf32> to vector<1x16xf32>
        tpu.vector_store %arg12[%swap3A_64, %swap3A_65], %swap3A_68 {strides = array<i32>} : memref<128x128xf32, #tpu.memory_space<vmem>>, vector<1x16xf32>,
        %broadcast_in_dim3A_69 = arith.constant 0.000000e+00 : f32
        %broadcast_in_dim3A_70 = vector.broadcast %broadcast_in_dim3A_69 : f32 to vector<16xf32>
        %swap3A_71 = arith.index_cast %scan3A_48 : i32 to index
        %swap3A_72 = arith.constant 48 : index
        %swap3A_73 = tpu.vector_load %arg12[%swap3A_71, %swap3A_72] {strides = array<i32>} : memref<128x128xf32, #tpu.memory_space<vmem>>, vector<1x16xf32>,
        %swap3A_74 = vector.shape_cast %swap3A_73 : vector<1x16xf32> to vector<16xf32>
        %swap3A_75 = vector.shape_cast %broadcast_in_dim3A_70 : vector<16xf32> to vector<1x16xf32>
        tpu.vector_store %arg12[%swap3A_71, %swap3A_72], %swap3A_75 {strides = array<i32>} : memref<128x128xf32, #tpu.memory_space<vmem>>, vector<1x16xf32>,
        %broadcast_in_dim3A_76 = arith.constant 0.000000e+00 : f32
        %broadcast_in_dim3A_77 = vector.broadcast %broadcast_in_dim3A_76 : f32 to vector<16xf32>
        %swap3A_78 = arith.index_cast %scan3A_48 : i32 to index
        %swap3A_79 = arith.constant 64 : index
        %swap3A_80 = tpu.vector_load %arg12[%swap3A_78, %swap3A_79] {strides = array<i32>} : memref<128x128xf32, #tpu.memory_space<vmem>>, vector<1x16xf32>,
        %swap3A_81 = vector.shape_cast %swap3A_80 : vector<1x16xf32> to vector<16xf32>
        %swap3A_82 = vector.shape_cast %broadcast_in_dim3A_77 : vector<16xf32> to vector<1x16xf32>
        tpu.vector_store %arg12[%swap3A_78, %swap3A_79], %swap3A_82 {strides = array<i32>} : memref<128x128xf32, #tpu.memory_space<vmem>>, vector<1x16xf32>,
        %broadcast_in_dim3A_83 = arith.constant 0.000000e+00 : f32
        %broadcast_in_dim3A_84 = vector.broadcast %broadcast_in_dim3A_83 : f32 to vector<16xf32>
        %swap3A_85 = arith.index_cast %scan3A_48 : i32 to index
        %swap3A_86 = arith.constant 80 : index
        %swap3A_87 = tpu.vector_load %arg12[%swap3A_85, %swap3A_86] {strides = array<i32>} : memref<128x128xf32, #tpu.memory_space<vmem>>, vector<1x16xf32>,
        %swap3A_88 = vector.shape_cast %swap3A_87 : vector<1x16xf32> to vector<16xf32>
        %swap3A_89 = vector.shape_cast %broadcast_in_dim3A_84 : vector<16xf32> to vector<1x16xf32>
        tpu.vector_store %arg12[%swap3A_85, %swap3A_86], %swap3A_89 {strides = array<i32>} : memref<128x128xf32, #tpu.memory_space<vmem>>, vector<1x16xf32>,
        %broadcast_in_dim3A_90 = arith.constant 0.000000e+00 : f32
        %broadcast_in_dim3A_91 = vector.broadcast %broadcast_in_dim3A_90 : f32 to vector<16xf32>
        %swap3A_92 = arith.index_cast %scan3A_48 : i32 to index
        %swap3A_93 = arith.constant 96 : index
        %swap3A_94 = tpu.vector_load %arg12[%swap3A_92, %swap3A_93] {strides = array<i32>} : memref<128x128xf32, #tpu.memory_space<vmem>>, vector<1x16xf32>,
        %swap3A_95 = vector.shape_cast %swap3A_94 : vector<1x16xf32> to vector<16xf32>
        %swap3A_96 = vector.shape_cast %broadcast_in_dim3A_91 : vector<16xf32> to vector<1x16xf32>
        tpu.vector_store %arg12[%swap3A_92, %swap3A_93], %swap3A_96 {strides = array<i32>} : memref<128x128xf32, #tpu.memory_space<vmem>>, vector<1x16xf32>,
        %broadcast_in_dim3A_97 = arith.constant 0.000000e+00 : f32
        %broadcast_in_dim3A_98 = vector.broadcast %broadcast_in_dim3A_97 : f32 to vector<16xf32>
        %swap3A_99 = arith.index_cast %scan3A_48 : i32 to index
        %swap3A_100 = arith.constant 112 : index
        %swap3A_101 = tpu.vector_load %arg12[%swap3A_99, %swap3A_100] {strides = array<i32>} : memref<128x128xf32, #tpu.memory_space<vmem>>, vector<1x16xf32>,
        %swap3A_102 = vector.shape_cast %swap3A_101 : vector<1x16xf32> to vector<16xf32>
        %swap3A_103 = vector.shape_cast %broadcast_in_dim3A_98 : vector<16xf32> to vector<1x16xf32>
        tpu.vector_store %arg12[%swap3A_99, %swap3A_100], %swap3A_103 {strides = array<i32>} : memref<128x128xf32, #tpu.memory_space<vmem>>, vector<1x16xf32>,
        %scan3A_104 = arith.constant 0 : i32
        scf.yield %scan3A_104 : i32
      }
      %scan3A_12 = arith.constant 128 : i32
      %scan3A_13 = arith.constant 0 : i32
      %scan3A_14 = arith.constant 0 : i32
      %scan3A_15 = arith.constant 5 : i32
      %scan3A_16 = arith.addi %scan3A_14, %scan3A_15 : i32
      %scan3A_17 = arith.constant 1 : i32
      %scan3A_18 = scf.for %scan3A_48 = %scan3A_14 to %scan3A_16 step %scan3A_17 iter_args(%scan3A_49 = %scan3A_13) -> (i32)  : i32 {
        %mul3A_50 = arith.constant 640 : i32
        %mul3A_51 = arith.muli %arg1, %mul3A_50 : i32
        %mul3A_52 = arith.constant 128 : i32
        %mul3A_53 = arith.muli %scan3A_48, %mul3A_52 : i32
        %add3A = arith.addi %mul3A_51, %mul3A_53 : i32
        "tpu.region"() ({
          %run_scoped3A_55 = tpu.sem_alloc : memref<!tpu.dma_semaphore, #tpu.memory_space<semaphore_mem>>
          %dma_start3A_56 = arith.constant 0 : i32
          %dma_start3A_57 = tpu.memref_slice %arg14[%add3A, %dma_start3A_56] : memref<10240x128xf32, #tpu.memory_space<vmem_shared>> -> memref<128x128xf32, #tpu.memory_space<vmem_shared>>
          %dma_start3A_58 = arith.constant 0 : i32
          %dma_start3A_59 = tpu.memref_slice %arg14[%add3A, %dma_start3A_58] : memref<10240x128xf32, #tpu.memory_space<vmem_shared>> -> memref<128x128xf32, #tpu.memory_space<vmem_shared>>
          tpu.enqueue_dma source(%arg12 : memref<128x128xf32, #tpu.memory_space<vmem>>) target(%dma_start3A_59 : memref<128x128xf32, #tpu.memory_space<vmem_shared>>) target_semaphore(%run_scoped3A_55 : memref<!tpu.dma_semaphore, #tpu.memory_space<semaphore_mem>>)
          %dma_wait3A = arith.constant 0 : i32
          %dma_wait3A_60 = tpu.memref_slice %arg14[%add3A, %dma_wait3A] : memref<10240x128xf32, #tpu.memory_space<vmem_shared>> -> memref<128x128xf32, #tpu.memory_space<vmem_shared>>
          %dma_wait3A_61 = arith.constant 0 : i32
          %dma_wait3A_62 = tpu.memref_slice %arg14[%add3A, %dma_wait3A_61] : memref<10240x128xf32, #tpu.memory_space<vmem_shared>> -> memref<128x128xf32, #tpu.memory_space<vmem_shared>>
          tpu.wait_dma2 semaphore(%run_scoped3A_55 : memref<!tpu.dma_semaphore, #tpu.memory_space<semaphore_mem>>) src(%arg12 : memref<128x128xf32, #tpu.memory_space<vmem>>) dst(%dma_wait3A_62 : memref<128x128xf32, #tpu.memory_space<vmem_shared>>)
          tpu.yield
        }) : () -> ()
        %scan3A_54 = arith.constant 0 : i32
        scf.yield %scan3A_54 : i32
      }
      %scan3A_19 = arith.constant 5 : i32
      %barrier3A = arith.constant 0 : index
      tpu.barrier barrier_id(%barrier3A)
      %run_scoped3A = arith.constant 0 : i32
      "tpu.region"() ({
        %run_scoped3A_48 = tpu.sem_alloc : memref<!tpu.dma_semaphore, #tpu.memory_space<semaphore_mem>>
        %dma_start3A_49 = arith.constant 0 : i32
        %dma_start3A_50 = tpu.memref_slice %arg5[%arg1, %run_scoped3A, %dma_start3A_49] : memref<16x158x128xi32, #tpu.memory_space<hbm>> -> memref<1x1x128xi32, #tpu.memory_space<hbm>>
        %dma_start3A_51 = tpu.memref_squeeze %dma_start3A_50 : memref<1x1x128xi32, #tpu.memory_space<hbm>> -> memref<128xi32, #tpu.memory_space<hbm>>
        %dma_start3A_52 = arith.constant 0 : i32
        %dma_start3A_53 = tpu.memref_slice %arg5[%arg1, %run_scoped3A, %dma_start3A_52] : memref<16x158x128xi32, #tpu.memory_space<hbm>> -> memref<1x1x128xi32, #tpu.memory_space<hbm>>
        %dma_start3A_54 = tpu.memref_squeeze %dma_start3A_53 : memref<1x1x128xi32, #tpu.memory_space<hbm>> -> memref<128xi32, #tpu.memory_space<hbm>>
        tpu.enqueue_dma source(%dma_start3A_54 : memref<128xi32, #tpu.memory_space<hbm>>) target(%arg8 : memref<128xi32, #tpu.memory_space<vmem>>) target_semaphore(%run_scoped3A_48 : memref<!tpu.dma_semaphore, #tpu.memory_space<semaphore_mem>>)
        %dma_wait3A = arith.constant 0 : i32
        %dma_wait3A_55 = tpu.memref_slice %arg5[%arg1, %run_scoped3A, %dma_wait3A] : memref<16x158x128xi32, #tpu.memory_space<hbm>> -> memref<1x1x128xi32, #tpu.memory_space<hbm>>
        %dma_wait3A_56 = tpu.memref_squeeze %dma_wait3A_55 : memref<1x1x128xi32, #tpu.memory_space<hbm>> -> memref<128xi32, #tpu.memory_space<hbm>>
        %dma_wait3A_57 = arith.constant 0 : i32
        %dma_wait3A_58 = tpu.memref_slice %arg5[%arg1, %run_scoped3A, %dma_wait3A_57] : memref<16x158x128xi32, #tpu.memory_space<hbm>> -> memref<1x1x128xi32, #tpu.memory_space<hbm>>
        %dma_wait3A_59 = tpu.memref_squeeze %dma_wait3A_58 : memref<1x1x128xi32, #tpu.memory_space<hbm>> -> memref<128xi32, #tpu.memory_space<hbm>>
        tpu.wait_dma2 semaphore(%run_scoped3A_48 : memref<!tpu.dma_semaphore, #tpu.memory_space<semaphore_mem>>) src(%dma_wait3A_59 : memref<128xi32, #tpu.memory_space<hbm>>) dst(%arg8 : memref<128xi32, #tpu.memory_space<vmem>>)
        tpu.yield
      }) : () -> ()
      %run_scoped3A_20 = arith.constant 0 : i32
      "tpu.region"() ({
        %run_scoped3A_48 = tpu.sem_alloc : memref<!tpu.dma_semaphore, #tpu.memory_space<semaphore_mem>>
        %dma_start3A_49 = arith.constant 0 : i32
        %dma_start3A_50 = tpu.memref_slice %arg4[%arg1, %run_scoped3A_20, %dma_start3A_49] : memref<16x158x128xi32, #tpu.memory_space<hbm>> -> memref<1x1x128xi32, #tpu.memory_space<hbm>>
        %dma_start3A_51 = tpu.memref_squeeze %dma_start3A_50 : memref<1x1x128xi32, #tpu.memory_space<hbm>> -> memref<128xi32, #tpu.memory_space<hbm>>
        %dma_start3A_52 = arith.constant 0 : i32
        %dma_start3A_53 = tpu.memref_slice %arg4[%arg1, %run_scoped3A_20, %dma_start3A_52] : memref<16x158x128xi32, #tpu.memory_space<hbm>> -> memref<1x1x128xi32, #tpu.memory_space<hbm>>
        %dma_start3A_54 = tpu.memref_squeeze %dma_start3A_53 : memref<1x1x128xi32, #tpu.memory_space<hbm>> -> memref<128xi32, #tpu.memory_space<hbm>>
        tpu.enqueue_dma source(%dma_start3A_54 : memref<128xi32, #tpu.memory_space<hbm>>) target(%arg10 : memref<128xi32, #tpu.memory_space<vmem>>) target_semaphore(%run_scoped3A_48 : memref<!tpu.dma_semaphore, #tpu.memory_space<semaphore_mem>>)
        %dma_wait3A = arith.constant 0 : i32
        %dma_wait3A_55 = tpu.memref_slice %arg4[%arg1, %run_scoped3A_20, %dma_wait3A] : memref<16x158x128xi32, #tpu.memory_space<hbm>> -> memref<1x1x128xi32, #tpu.memory_space<hbm>>
        %dma_wait3A_56 = tpu.memref_squeeze %dma_wait3A_55 : memref<1x1x128xi32, #tpu.memory_space<hbm>> -> memref<128xi32, #tpu.memory_space<hbm>>
        %dma_wait3A_57 = arith.constant 0 : i32
        %dma_wait3A_58 = tpu.memref_slice %arg4[%arg1, %run_scoped3A_20, %dma_wait3A_57] : memref<16x158x128xi32, #tpu.memory_space<hbm>> -> memref<1x1x128xi32, #tpu.memory_space<hbm>>
        %dma_wait3A_59 = tpu.memref_squeeze %dma_wait3A_58 : memref<1x1x128xi32, #tpu.memory_space<hbm>> -> memref<128xi32, #tpu.memory_space<hbm>>
        tpu.wait_dma2 semaphore(%run_scoped3A_48 : memref<!tpu.dma_semaphore, #tpu.memory_space<semaphore_mem>>) src(%dma_wait3A_59 : memref<128xi32, #tpu.memory_space<hbm>>) dst(%arg10 : memref<128xi32, #tpu.memory_space<vmem>>)
        tpu.yield
      }) : () -> ()
      %dma_start3A = arith.constant 0 : i32
      %dma_start3A_21 = arith.constant 0 : i32
      %dma_start3A_22 = tpu.memref_slice %arg2[%dma_start3A, %dma_start3A_21] : memref<10240x128xf32, #tpu.memory_space<hbm>> -> memref<10240x128xf32, #tpu.memory_space<hbm>>
      tpu.enqueue_indirect_dma source(%dma_start3A_22 : memref<10240x128xf32, #tpu.memory_space<hbm>>) target(%arg12 : memref<128x128xf32, #tpu.memory_space<vmem>>) offsets(%arg8 : memref<128xi32, #tpu.memory_space<vmem>>) semaphore(%arg15 : memref<!tpu.dma_semaphore, #tpu.memory_space<semaphore_mem>>)
      %dma_start3A_23 = arith.constant 1 : i32
      %dma_start3A_24 = arith.constant 0 : i32
      %dma_start3A_25 = tpu.memref_slice %arg5[%arg1, %dma_start3A_23, %dma_start3A_24] : memref<16x158x128xi32, #tpu.memory_space<hbm>> -> memref<1x1x128xi32, #tpu.memory_space<hbm>>
      %dma_start3A_26 = tpu.memref_squeeze %dma_start3A_25 : memref<1x1x128xi32, #tpu.memory_space<hbm>> -> memref<128xi32, #tpu.memory_space<hbm>>
      %dma_start3A_27 = arith.constant 0 : i32
      %dma_start3A_28 = tpu.memref_slice %arg5[%arg1, %dma_start3A_23, %dma_start3A_27] : memref<16x158x128xi32, #tpu.memory_space<hbm>> -> memref<1x1x128xi32, #tpu.memory_space<hbm>>
      %dma_start3A_29 = tpu.memref_squeeze %dma_start3A_28 : memref<1x1x128xi32, #tpu.memory_space<hbm>> -> memref<128xi32, #tpu.memory_space<hbm>>
      tpu.enqueue_dma source(%dma_start3A_29 : memref<128xi32, #tpu.memory_space<hbm>>) target(%arg9 : memref<128xi32, #tpu.memory_space<vmem>>) target_semaphore(%arg18 : memref<!tpu.dma_semaphore, #tpu.memory_space<semaphore_mem>>)
      %dma_start3A_30 = arith.constant 1 : i32
      %dma_start3A_31 = arith.constant 0 : i32
      %dma_start3A_32 = tpu.memref_slice %arg4[%arg1, %dma_start3A_30, %dma_start3A_31] : memref<16x158x128xi32, #tpu.memory_space<hbm>> -> memref<1x1x128xi32, #tpu.memory_space<hbm>>
      %dma_start3A_33 = tpu.memref_squeeze %dma_start3A_32 : memref<1x1x128xi32, #tpu.memory_space<hbm>> -> memref<128xi32, #tpu.memory_space<hbm>>
      %dma_start3A_34 = arith.constant 0 : i32
      %dma_start3A_35 = tpu.memref_slice %arg4[%arg1, %dma_start3A_30, %dma_start3A_34] : memref<16x158x128xi32, #tpu.memory_space<hbm>> -> memref<1x1x128xi32, #tpu.memory_space<hbm>>
      %dma_start3A_36 = tpu.memref_squeeze %dma_start3A_35 : memref<1x1x128xi32, #tpu.memory_space<hbm>> -> memref<128xi32, #tpu.memory_space<hbm>>
      tpu.enqueue_dma source(%dma_start3A_36 : memref<128xi32, #tpu.memory_space<hbm>>) target(%arg11 : memref<128xi32, #tpu.memory_space<vmem>>) target_semaphore(%arg18 : memref<!tpu.dma_semaphore, #tpu.memory_space<semaphore_mem>>)
      %scan3A_37 = arith.constant 0 : i32
      %scan3A_38 = arith.constant 0 : i32
      %scan3A_39 = arith.constant 79 : i32
      %scan3A_40 = arith.addi %scan3A_38, %scan3A_39 : i32
      %scan3A_41 = arith.constant 1 : i32
      %scan3A_42 = scf.for %scan3A_48 = %scan3A_38 to %scan3A_40 step %scan3A_41 iter_args(%scan3A_49 = %scan3A_37) -> (i32)  : i32 {
        %mul3A_50 = arith.constant 2 : i32
        %mul3A_51 = arith.muli %mul3A_50, %scan3A_48 : i32
        %dma_wait3A = arith.constant 0 : i32
        %dma_wait3A_52 = arith.constant 0 : i32
        %dma_wait3A_53 = tpu.memref_slice %arg5[%arg1, %dma_wait3A, %dma_wait3A_52] : memref<16x158x128xi32, #tpu.memory_space<hbm>> -> memref<1x1x128xi32, #tpu.memory_space<hbm>>
        %dma_wait3A_54 = tpu.memref_squeeze %dma_wait3A_53 : memref<1x1x128xi32, #tpu.memory_space<hbm>> -> memref<128xi32, #tpu.memory_space<hbm>>
        %dma_wait3A_55 = arith.constant 0 : i32
        %dma_wait3A_56 = tpu.memref_slice %arg5[%arg1, %dma_wait3A, %dma_wait3A_55] : memref<16x158x128xi32, #tpu.memory_space<hbm>> -> memref<1x1x128xi32, #tpu.memory_space<hbm>>
        %dma_wait3A_57 = tpu.memref_squeeze %dma_wait3A_56 : memref<1x1x128xi32, #tpu.memory_space<hbm>> -> memref<128xi32, #tpu.memory_space<hbm>>
        tpu.wait_dma2 semaphore(%arg18 : memref<!tpu.dma_semaphore, #tpu.memory_space<semaphore_mem>>) src(%dma_wait3A_57 : memref<128xi32, #tpu.memory_space<hbm>>) dst(%arg9 : memref<128xi32, #tpu.memory_space<vmem>>)
        %dma_wait3A_58 = arith.constant 0 : i32
        %dma_wait3A_59 = arith.constant 0 : i32
        %dma_wait3A_60 = tpu.memref_slice %arg5[%arg1, %dma_wait3A_58, %dma_wait3A_59] : memref<16x158x128xi32, #tpu.memory_space<hbm>> -> memref<1x1x128xi32, #tpu.memory_space<hbm>>
        %dma_wait3A_61 = tpu.memref_squeeze %dma_wait3A_60 : memref<1x1x128xi32, #tpu.memory_space<hbm>> -> memref<128xi32, #tpu.memory_space<hbm>>
        %dma_wait3A_62 = arith.constant 0 : i32
        %dma_wait3A_63 = tpu.memref_slice %arg5[%arg1, %dma_wait3A_58, %dma_wait3A_62] : memref<16x158x128xi32, #tpu.memory_space<hbm>> -> memref<1x1x128xi32, #tpu.memory_space<hbm>>
        %dma_wait3A_64 = tpu.memref_squeeze %dma_wait3A_63 : memref<1x1x128xi32, #tpu.memory_space<hbm>> -> memref<128xi32, #tpu.memory_space<hbm>>
        tpu.wait_dma2 semaphore(%arg18 : memref<!tpu.dma_semaphore, #tpu.memory_space<semaphore_mem>>) src(%dma_wait3A_64 : memref<128xi32, #tpu.memory_space<hbm>>) dst(%arg11 : memref<128xi32, #tpu.memory_space<vmem>>)
        %dma_start3A_65 = arith.constant 0 : i32
        %dma_start3A_66 = arith.constant 0 : i32
        %dma_start3A_67 = tpu.memref_slice %arg2[%dma_start3A_65, %dma_start3A_66] : memref<10240x128xf32, #tpu.memory_space<hbm>> -> memref<10240x128xf32, #tpu.memory_space<hbm>>
        tpu.enqueue_indirect_dma source(%dma_start3A_67 : memref<10240x128xf32, #tpu.memory_space<hbm>>) target(%arg13 : memref<128x128xf32, #tpu.memory_space<vmem>>) offsets(%arg9 : memref<128xi32, #tpu.memory_space<vmem>>) semaphore(%arg16 : memref<!tpu.dma_semaphore, #tpu.memory_space<semaphore_mem>>)
        %dma_wait3A_68 = arith.constant 0 : i32
        %dma_wait3A_69 = arith.constant 0 : i32
        %dma_wait3A_70 = tpu.memref_slice %arg2[%dma_wait3A_68, %dma_wait3A_69] : memref<10240x128xf32, #tpu.memory_space<hbm>> -> memref<128x128xf32, #tpu.memory_space<hbm>>
        %dma_wait3A_71 = arith.constant 0 : i32
        %dma_wait3A_72 = arith.constant 0 : i32
        %dma_wait3A_73 = tpu.memref_slice %arg2[%dma_wait3A_71, %dma_wait3A_72] : memref<10240x128xf32, #tpu.memory_space<hbm>> -> memref<128x128xf32, #tpu.memory_space<hbm>>
        tpu.wait_dma2 semaphore(%arg15 : memref<!tpu.dma_semaphore, #tpu.memory_space<semaphore_mem>>) src(%dma_wait3A_73 : memref<128x128xf32, #tpu.memory_space<hbm>>) dst(%arg12 : memref<128x128xf32, #tpu.memory_space<vmem>>)
        "tpu.region"() ({
          %run_scoped3A_90 = tpu.sem_alloc : memref<!tpu.dma_semaphore, #tpu.memory_space<semaphore_mem>>
          %dma_start3A_91 = arith.constant 0 : i32
          %dma_start3A_92 = arith.constant 0 : i32
          %dma_start3A_93 = tpu.memref_slice %arg14[%dma_start3A_91, %dma_start3A_92] : memref<10240x128xf32, #tpu.memory_space<vmem_shared>> -> memref<10240x128xf32, #tpu.memory_space<vmem_shared>>
          tpu.enqueue_indirect_dma source(%arg12 : memref<128x128xf32, #tpu.memory_space<vmem>>) target(%dma_start3A_93 : memref<10240x128xf32, #tpu.memory_space<vmem_shared>>) offsets(%arg10 : memref<128xi32, #tpu.memory_space<vmem>>) semaphore(%run_scoped3A_90 : memref<!tpu.dma_semaphore, #tpu.memory_space<semaphore_mem>>) {add = true}
          %dma_wait3A_94 = arith.constant 0 : i32
          %dma_wait3A_95 = arith.constant 0 : i32
          %dma_wait3A_96 = tpu.memref_slice %arg14[%dma_wait3A_94, %dma_wait3A_95] : memref<10240x128xf32, #tpu.memory_space<vmem_shared>> -> memref<10240x128xf32, #tpu.memory_space<vmem_shared>>
          tpu.wait_indirect_dma semaphore(%run_scoped3A_90 : memref<!tpu.dma_semaphore, #tpu.memory_space<semaphore_mem>>) src(%arg12 : memref<128x128xf32, #tpu.memory_space<vmem>>) dst(%dma_wait3A_96 : memref<10240x128xf32, #tpu.memory_space<vmem_shared>>)
          tpu.yield
        }) : () -> ()
        %add3A = arith.constant 2 : i32
        %add3A_74 = arith.addi %mul3A_51, %add3A : i32
        %lt3A = arith.constant 158 : i32
        %lt3A_75 = arith.cmpi slt, %add3A_74, %lt3A : i32
        %convert_element_type3A_76 = arith.extui %lt3A_75 : i1 to i32
        %cond3A_77 = arith.constant 0 : i32
        %cond3A_78 = arith.cmpi ne, %convert_element_type3A_76, %cond3A_77 : i32
        scf.if %cond3A_78 {
          %add3A_90 = arith.constant 2 : i32
          %add3A_91 = arith.addi %mul3A_51, %add3A_90 : i32
          %dma_start3A_92 = arith.constant 0 : i32
          %dma_start3A_93 = tpu.memref_slice %arg5[%arg1, %add3A_91, %dma_start3A_92] : memref<16x158x128xi32, #tpu.memory_space<hbm>> -> memref<1x1x128xi32, #tpu.memory_space<hbm>>
          %dma_start3A_94 = tpu.memref_squeeze %dma_start3A_93 : memref<1x1x128xi32, #tpu.memory_space<hbm>> -> memref<128xi32, #tpu.memory_space<hbm>>
          %dma_start3A_95 = arith.constant 0 : i32
          %dma_start3A_96 = tpu.memref_slice %arg5[%arg1, %add3A_91, %dma_start3A_95] : memref<16x158x128xi32, #tpu.memory_space<hbm>> -> memref<1x1x128xi32, #tpu.memory_space<hbm>>
          %dma_start3A_97 = tpu.memref_squeeze %dma_start3A_96 : memref<1x1x128xi32, #tpu.memory_space<hbm>> -> memref<128xi32, #tpu.memory_space<hbm>>
          tpu.enqueue_dma source(%dma_start3A_97 : memref<128xi32, #tpu.memory_space<hbm>>) target(%arg8 : memref<128xi32, #tpu.memory_space<vmem>>) target_semaphore(%arg17 : memref<!tpu.dma_semaphore, #tpu.memory_space<semaphore_mem>>)
          %add3A_98 = arith.constant 2 : i32
          %add3A_99 = arith.addi %mul3A_51, %add3A_98 : i32
          %dma_start3A_100 = arith.constant 0 : i32
          %dma_start3A_101 = tpu.memref_slice %arg4[%arg1, %add3A_99, %dma_start3A_100] : memref<16x158x128xi32, #tpu.memory_space<hbm>> -> memref<1x1x128xi32, #tpu.memory_space<hbm>>
          %dma_start3A_102 = tpu.memref_squeeze %dma_start3A_101 : memref<1x1x128xi32, #tpu.memory_space<hbm>> -> memref<128xi32, #tpu.memory_space<hbm>>
          %dma_start3A_103 = arith.constant 0 : i32
          %dma_start3A_104 = tpu.memref_slice %arg4[%arg1, %add3A_99, %dma_start3A_103] : memref<16x158x128xi32, #tpu.memory_space<hbm>> -> memref<1x1x128xi32, #tpu.memory_space<hbm>>
          %dma_start3A_105 = tpu.memref_squeeze %dma_start3A_104 : memref<1x1x128xi32, #tpu.memory_space<hbm>> -> memref<128xi32, #tpu.memory_space<hbm>>
          tpu.enqueue_dma source(%dma_start3A_105 : memref<128xi32, #tpu.memory_space<hbm>>) target(%arg10 : memref<128xi32, #tpu.memory_space<vmem>>) target_semaphore(%arg17 : memref<!tpu.dma_semaphore, #tpu.memory_space<semaphore_mem>>)
          %dma_wait3A_106 = arith.constant 0 : i32
          %dma_wait3A_107 = arith.constant 0 : i32
          %dma_wait3A_108 = tpu.memref_slice %arg5[%arg1, %dma_wait3A_106, %dma_wait3A_107] : memref<16x158x128xi32, #tpu.memory_space<hbm>> -> memref<1x1x128xi32, #tpu.memory_space<hbm>>
          %dma_wait3A_109 = tpu.memref_squeeze %dma_wait3A_108 : memref<1x1x128xi32, #tpu.memory_space<hbm>> -> memref<128xi32, #tpu.memory_space<hbm>>
          %dma_wait3A_110 = arith.constant 0 : i32
          %dma_wait3A_111 = tpu.memref_slice %arg5[%arg1, %dma_wait3A_106, %dma_wait3A_110] : memref<16x158x128xi32, #tpu.memory_space<hbm>> -> memref<1x1x128xi32, #tpu.memory_space<hbm>>
          %dma_wait3A_112 = tpu.memref_squeeze %dma_wait3A_111 : memref<1x1x128xi32, #tpu.memory_space<hbm>> -> memref<128xi32, #tpu.memory_space<hbm>>
          tpu.wait_dma2 semaphore(%arg17 : memref<!tpu.dma_semaphore, #tpu.memory_space<semaphore_mem>>) src(%dma_wait3A_112 : memref<128xi32, #tpu.memory_space<hbm>>) dst(%arg8 : memref<128xi32, #tpu.memory_space<vmem>>)
          %dma_wait3A_113 = arith.constant 0 : i32
          %dma_wait3A_114 = arith.constant 0 : i32
          %dma_wait3A_115 = tpu.memref_slice %arg5[%arg1, %dma_wait3A_113, %dma_wait3A_114] : memref<16x158x128xi32, #tpu.memory_space<hbm>> -> memref<1x1x128xi32, #tpu.memory_space<hbm>>
          %dma_wait3A_116 = tpu.memref_squeeze %dma_wait3A_115 : memref<1x1x128xi32, #tpu.memory_space<hbm>> -> memref<128xi32, #tpu.memory_space<hbm>>
          %dma_wait3A_117 = arith.constant 0 : i32
          %dma_wait3A_118 = tpu.memref_slice %arg5[%arg1, %dma_wait3A_113, %dma_wait3A_117] : memref<16x158x128xi32, #tpu.memory_space<hbm>> -> memref<1x1x128xi32, #tpu.memory_space<hbm>>
          %dma_wait3A_119 = tpu.memref_squeeze %dma_wait3A_118 : memref<1x1x128xi32, #tpu.memory_space<hbm>> -> memref<128xi32, #tpu.memory_space<hbm>>
          tpu.wait_dma2 semaphore(%arg17 : memref<!tpu.dma_semaphore, #tpu.memory_space<semaphore_mem>>) src(%dma_wait3A_119 : memref<128xi32, #tpu.memory_space<hbm>>) dst(%arg10 : memref<128xi32, #tpu.memory_space<vmem>>)
          %dma_start3A_120 = arith.constant 0 : i32
          %dma_start3A_121 = arith.constant 0 : i32
          %dma_start3A_122 = tpu.memref_slice %arg2[%dma_start3A_120, %dma_start3A_121] : memref<10240x128xf32, #tpu.memory_space<hbm>> -> memref<10240x128xf32, #tpu.memory_space<hbm>>
          tpu.enqueue_indirect_dma source(%dma_start3A_122 : memref<10240x128xf32, #tpu.memory_space<hbm>>) target(%arg12 : memref<128x128xf32, #tpu.memory_space<vmem>>) offsets(%arg8 : memref<128xi32, #tpu.memory_space<vmem>>) semaphore(%arg15 : memref<!tpu.dma_semaphore, #tpu.memory_space<semaphore_mem>>)
        } else {
        }
        %dma_wait3A_79 = arith.constant 0 : i32
        %dma_wait3A_80 = arith.constant 0 : i32
        %dma_wait3A_81 = tpu.memref_slice %arg2[%dma_wait3A_79, %dma_wait3A_80] : memref<10240x128xf32, #tpu.memory_space<hbm>> -> memref<10240x128xf32, #tpu.memory_space<hbm>>
        tpu.wait_indirect_dma semaphore(%arg16 : memref<!tpu.dma_semaphore, #tpu.memory_space<semaphore_mem>>) src(%dma_wait3A_81 : memref<10240x128xf32, #tpu.memory_space<hbm>>) dst(%arg13 : memref<128x128xf32, #tpu.memory_space<vmem>>)
        "tpu.region"() ({
          %run_scoped3A_90 = tpu.sem_alloc : memref<!tpu.dma_semaphore, #tpu.memory_space<semaphore_mem>>
          %dma_start3A_91 = arith.constant 0 : i32
          %dma_start3A_92 = arith.constant 0 : i32
          %dma_start3A_93 = tpu.memref_slice %arg14[%dma_start3A_91, %dma_start3A_92] : memref<10240x128xf32, #tpu.memory_space<vmem_shared>> -> memref<10240x128xf32, #tpu.memory_space<vmem_shared>>
          tpu.enqueue_indirect_dma source(%arg13 : memref<128x128xf32, #tpu.memory_space<vmem>>) target(%dma_start3A_93 : memref<10240x128xf32, #tpu.memory_space<vmem_shared>>) offsets(%arg11 : memref<128xi32, #tpu.memory_space<vmem>>) semaphore(%run_scoped3A_90 : memref<!tpu.dma_semaphore, #tpu.memory_space<semaphore_mem>>) {add = true}
          %dma_wait3A_94 = arith.constant 0 : i32
          %dma_wait3A_95 = arith.constant 0 : i32
          %dma_wait3A_96 = tpu.memref_slice %arg14[%dma_wait3A_94, %dma_wait3A_95] : memref<10240x128xf32, #tpu.memory_space<vmem_shared>> -> memref<10240x128xf32, #tpu.memory_space<vmem_shared>>
          tpu.wait_indirect_dma semaphore(%run_scoped3A_90 : memref<!tpu.dma_semaphore, #tpu.memory_space<semaphore_mem>>) src(%arg13 : memref<128x128xf32, #tpu.memory_space<vmem>>) dst(%dma_wait3A_96 : memref<10240x128xf32, #tpu.memory_space<vmem_shared>>)
          tpu.yield
        }) : () -> ()
        %add3A_82 = arith.constant 3 : i32
        %add3A_83 = arith.addi %mul3A_51, %add3A_82 : i32
        %lt3A_84 = arith.constant 158 : i32
        %lt3A_85 = arith.cmpi slt, %add3A_83, %lt3A_84 : i32
        %convert_element_type3A_86 = arith.extui %lt3A_85 : i1 to i32
        %cond3A_87 = arith.constant 0 : i32
        %cond3A_88 = arith.cmpi ne, %convert_element_type3A_86, %cond3A_87 : i32
        scf.if %cond3A_88 {
          %add3A_90 = arith.constant 3 : i32
          %add3A_91 = arith.addi %mul3A_51, %add3A_90 : i32
          %dma_start3A_92 = arith.constant 0 : i32
          %dma_start3A_93 = tpu.memref_slice %arg5[%arg1, %add3A_91, %dma_start3A_92] : memref<16x158x128xi32, #tpu.memory_space<hbm>> -> memref<1x1x128xi32, #tpu.memory_space<hbm>>
          %dma_start3A_94 = tpu.memref_squeeze %dma_start3A_93 : memref<1x1x128xi32, #tpu.memory_space<hbm>> -> memref<128xi32, #tpu.memory_space<hbm>>
          %dma_start3A_95 = arith.constant 0 : i32
          %dma_start3A_96 = tpu.memref_slice %arg5[%arg1, %add3A_91, %dma_start3A_95] : memref<16x158x128xi32, #tpu.memory_space<hbm>> -> memref<1x1x128xi32, #tpu.memory_space<hbm>>
          %dma_start3A_97 = tpu.memref_squeeze %dma_start3A_96 : memref<1x1x128xi32, #tpu.memory_space<hbm>> -> memref<128xi32, #tpu.memory_space<hbm>>
          tpu.enqueue_dma source(%dma_start3A_97 : memref<128xi32, #tpu.memory_space<hbm>>) target(%arg9 : memref<128xi32, #tpu.memory_space<vmem>>) target_semaphore(%arg18 : memref<!tpu.dma_semaphore, #tpu.memory_space<semaphore_mem>>)
          %add3A_98 = arith.constant 3 : i32
          %add3A_99 = arith.addi %mul3A_51, %add3A_98 : i32
          %dma_start3A_100 = arith.constant 0 : i32
          %dma_start3A_101 = tpu.memref_slice %arg4[%arg1, %add3A_99, %dma_start3A_100] : memref<16x158x128xi32, #tpu.memory_space<hbm>> -> memref<1x1x128xi32, #tpu.memory_space<hbm>>
          %dma_start3A_102 = tpu.memref_squeeze %dma_start3A_101 : memref<1x1x128xi32, #tpu.memory_space<hbm>> -> memref<128xi32, #tpu.memory_space<hbm>>
          %dma_start3A_103 = arith.constant 0 : i32
          %dma_start3A_104 = tpu.memref_slice %arg4[%arg1, %add3A_99, %dma_start3A_103] : memref<16x158x128xi32, #tpu.memory_space<hbm>> -> memref<1x1x128xi32, #tpu.memory_space<hbm>>
          %dma_start3A_105 = tpu.memref_squeeze %dma_start3A_104 : memref<1x1x128xi32, #tpu.memory_space<hbm>> -> memref<128xi32, #tpu.memory_space<hbm>>
          tpu.enqueue_dma source(%dma_start3A_105 : memref<128xi32, #tpu.memory_space<hbm>>) target(%arg11 : memref<128xi32, #tpu.memory_space<vmem>>) target_semaphore(%arg18 : memref<!tpu.dma_semaphore, #tpu.memory_space<semaphore_mem>>)
        } else {
        }
        %scan3A_89 = arith.constant 0 : i32
        scf.yield %scan3A_89 : i32
      }
      %scan3A_43 = arith.constant 79 : i32
      %barrier3A_44 = arith.constant 0 : index
      tpu.barrier barrier_id(%barrier3A_44)
      %mul3A = arith.constant 640 : i32
      %mul3A_45 = arith.muli %arg1, %mul3A : i32
      %mul3A_46 = arith.constant 640 : i32
      %mul3A_47 = arith.muli %arg1, %mul3A_46 : i32
      "tpu.region"() ({
        %run_scoped3A_48 = tpu.sem_alloc : memref<!tpu.dma_semaphore, #tpu.memory_space<semaphore_mem>>
        %dma_start3A_49 = arith.constant 0 : i32
        %dma_start3A_50 = tpu.memref_slice %arg6[%mul3A_47, %dma_start3A_49] : memref<10240x128xf32, #tpu.memory_space<hbm>> -> memref<640x128xf32, #tpu.memory_space<hbm>>
        %dma_start3A_51 = arith.constant 0 : i32
        %dma_start3A_52 = tpu.memref_slice %arg14[%mul3A_45, %dma_start3A_51] : memref<10240x128xf32, #tpu.memory_space<vmem_shared>> -> memref<640x128xf32, #tpu.memory_space<vmem_shared>>
        tpu.enqueue_dma source(%dma_start3A_52 : memref<640x128xf32, #tpu.memory_space<vmem_shared>>) target(%dma_start3A_50 : memref<640x128xf32, #tpu.memory_space<hbm>>) target_semaphore(%run_scoped3A_48 : memref<!tpu.dma_semaphore, #tpu.memory_space<semaphore_mem>>)
        %dma_wait3A = arith.constant 0 : i32
        %dma_wait3A_53 = tpu.memref_slice %arg6[%mul3A_47, %dma_wait3A] : memref<10240x128xf32, #tpu.memory_space<hbm>> -> memref<640x128xf32, #tpu.memory_space<hbm>>
        %dma_wait3A_54 = arith.constant 0 : i32
        %dma_wait3A_55 = tpu.memref_slice %arg14[%mul3A_45, %dma_wait3A_54] : memref<10240x128xf32, #tpu.memory_space<vmem_shared>> -> memref<640x128xf32, #tpu.memory_space<vmem_shared>>
        tpu.wait_dma2 semaphore(%run_scoped3A_48 : memref<!tpu.dma_semaphore, #tpu.memory_space<semaphore_mem>>) src(%dma_wait3A_55 : memref<640x128xf32, #tpu.memory_space<vmem_shared>>) dst(%dma_wait3A_53 : memref<640x128xf32, #tpu.memory_space<hbm>>)
        tpu.yield
      }) : () -> ()
    } else {
    }
    %eq3A_2 = arith.constant 1 : i32
    %eq3A_3 = arith.cmpi eq, %arg0, %eq3A_2 : i32
    %convert_element_type3A_4 = arith.extui %eq3A_3 : i1 to i32
    %cond3A_5 = arith.constant 0 : i32
    %cond3A_6 = arith.cmpi ne, %convert_element_type3A_4, %cond3A_5 : i32
    scf.if %cond3A_6 {
      %scan3A = arith.constant 0 : i32
      %scan3A_7 = arith.constant 0 : i32
      %scan3A_8 = arith.constant 128 : i32
      %scan3A_9 = arith.addi %scan3A_7, %scan3A_8 : i32
      %scan3A_10 = arith.constant 1 : i32
      %scan3A_11 = scf.for %scan3A_48 = %scan3A_7 to %scan3A_9 step %scan3A_10 iter_args(%scan3A_49 = %scan3A) -> (i32)  : i32 {
        %broadcast_in_dim3A = arith.constant 0.000000e+00 : f32
        %broadcast_in_dim3A_50 = vector.broadcast %broadcast_in_dim3A : f32 to vector<16xf32>
        %swap3A = arith.index_cast %scan3A_48 : i32 to index
        %swap3A_51 = arith.constant 0 : index
        %swap3A_52 = tpu.vector_load %arg12[%swap3A, %swap3A_51] {strides = array<i32>} : memref<128x128xf32, #tpu.memory_space<vmem>>, vector<1x16xf32>,
        %swap3A_53 = vector.shape_cast %swap3A_52 : vector<1x16xf32> to vector<16xf32>
        %swap3A_54 = vector.shape_cast %broadcast_in_dim3A_50 : vector<16xf32> to vector<1x16xf32>
        tpu.vector_store %arg12[%swap3A, %swap3A_51], %swap3A_54 {strides = array<i32>} : memref<128x128xf32, #tpu.memory_space<vmem>>, vector<1x16xf32>,
        %broadcast_in_dim3A_55 = arith.constant 0.000000e+00 : f32
        %broadcast_in_dim3A_56 = vector.broadcast %broadcast_in_dim3A_55 : f32 to vector<16xf32>
        %swap3A_57 = arith.index_cast %scan3A_48 : i32 to index
        %swap3A_58 = arith.constant 16 : index
        %swap3A_59 = tpu.vector_load %arg12[%swap3A_57, %swap3A_58] {strides = array<i32>} : memref<128x128xf32, #tpu.memory_space<vmem>>, vector<1x16xf32>,
        %swap3A_60 = vector.shape_cast %swap3A_59 : vector<1x16xf32> to vector<16xf32>
        %swap3A_61 = vector.shape_cast %broadcast_in_dim3A_56 : vector<16xf32> to vector<1x16xf32>
        tpu.vector_store %arg12[%swap3A_57, %swap3A_58], %swap3A_61 {strides = array<i32>} : memref<128x128xf32, #tpu.memory_space<vmem>>, vector<1x16xf32>,
        %broadcast_in_dim3A_62 = arith.constant 0.000000e+00 : f32
        %broadcast_in_dim3A_63 = vector.broadcast %broadcast_in_dim3A_62 : f32 to vector<16xf32>
        %swap3A_64 = arith.index_cast %scan3A_48 : i32 to index
        %swap3A_65 = arith.constant 32 : index
        %swap3A_66 = tpu.vector_load %arg12[%swap3A_64, %swap3A_65] {strides = array<i32>} : memref<128x128xf32, #tpu.memory_space<vmem>>, vector<1x16xf32>,
        %swap3A_67 = vector.shape_cast %swap3A_66 : vector<1x16xf32> to vector<16xf32>
        %swap3A_68 = vector.shape_cast %broadcast_in_dim3A_63 : vector<16xf32> to vector<1x16xf32>
        tpu.vector_store %arg12[%swap3A_64, %swap3A_65], %swap3A_68 {strides = array<i32>} : memref<128x128xf32, #tpu.memory_space<vmem>>, vector<1x16xf32>,
        %broadcast_in_dim3A_69 = arith.constant 0.000000e+00 : f32
        %broadcast_in_dim3A_70 = vector.broadcast %broadcast_in_dim3A_69 : f32 to vector<16xf32>
        %swap3A_71 = arith.index_cast %scan3A_48 : i32 to index
        %swap3A_72 = arith.constant 48 : index
        %swap3A_73 = tpu.vector_load %arg12[%swap3A_71, %swap3A_72] {strides = array<i32>} : memref<128x128xf32, #tpu.memory_space<vmem>>, vector<1x16xf32>,
        %swap3A_74 = vector.shape_cast %swap3A_73 : vector<1x16xf32> to vector<16xf32>
        %swap3A_75 = vector.shape_cast %broadcast_in_dim3A_70 : vector<16xf32> to vector<1x16xf32>
        tpu.vector_store %arg12[%swap3A_71, %swap3A_72], %swap3A_75 {strides = array<i32>} : memref<128x128xf32, #tpu.memory_space<vmem>>, vector<1x16xf32>,
        %broadcast_in_dim3A_76 = arith.constant 0.000000e+00 : f32
        %broadcast_in_dim3A_77 = vector.broadcast %broadcast_in_dim3A_76 : f32 to vector<16xf32>
        %swap3A_78 = arith.index_cast %scan3A_48 : i32 to index
        %swap3A_79 = arith.constant 64 : index
        %swap3A_80 = tpu.vector_load %arg12[%swap3A_78, %swap3A_79] {strides = array<i32>} : memref<128x128xf32, #tpu.memory_space<vmem>>, vector<1x16xf32>,
        %swap3A_81 = vector.shape_cast %swap3A_80 : vector<1x16xf32> to vector<16xf32>
        %swap3A_82 = vector.shape_cast %broadcast_in_dim3A_77 : vector<16xf32> to vector<1x16xf32>
        tpu.vector_store %arg12[%swap3A_78, %swap3A_79], %swap3A_82 {strides = array<i32>} : memref<128x128xf32, #tpu.memory_space<vmem>>, vector<1x16xf32>,
        %broadcast_in_dim3A_83 = arith.constant 0.000000e+00 : f32
        %broadcast_in_dim3A_84 = vector.broadcast %broadcast_in_dim3A_83 : f32 to vector<16xf32>
        %swap3A_85 = arith.index_cast %scan3A_48 : i32 to index
        %swap3A_86 = arith.constant 80 : index
        %swap3A_87 = tpu.vector_load %arg12[%swap3A_85, %swap3A_86] {strides = array<i32>} : memref<128x128xf32, #tpu.memory_space<vmem>>, vector<1x16xf32>,
        %swap3A_88 = vector.shape_cast %swap3A_87 : vector<1x16xf32> to vector<16xf32>
        %swap3A_89 = vector.shape_cast %broadcast_in_dim3A_84 : vector<16xf32> to vector<1x16xf32>
        tpu.vector_store %arg12[%swap3A_85, %swap3A_86], %swap3A_89 {strides = array<i32>} : memref<128x128xf32, #tpu.memory_space<vmem>>, vector<1x16xf32>,
        %broadcast_in_dim3A_90 = arith.constant 0.000000e+00 : f32
        %broadcast_in_dim3A_91 = vector.broadcast %broadcast_in_dim3A_90 : f32 to vector<16xf32>
        %swap3A_92 = arith.index_cast %scan3A_48 : i32 to index
        %swap3A_93 = arith.constant 96 : index
        %swap3A_94 = tpu.vector_load %arg12[%swap3A_92, %swap3A_93] {strides = array<i32>} : memref<128x128xf32, #tpu.memory_space<vmem>>, vector<1x16xf32>,
        %swap3A_95 = vector.shape_cast %swap3A_94 : vector<1x16xf32> to vector<16xf32>
        %swap3A_96 = vector.shape_cast %broadcast_in_dim3A_91 : vector<16xf32> to vector<1x16xf32>
        tpu.vector_store %arg12[%swap3A_92, %swap3A_93], %swap3A_96 {strides = array<i32>} : memref<128x128xf32, #tpu.memory_space<vmem>>, vector<1x16xf32>,
        %broadcast_in_dim3A_97 = arith.constant 0.000000e+00 : f32
        %broadcast_in_dim3A_98 = vector.broadcast %broadcast_in_dim3A_97 : f32 to vector<16xf32>
        %swap3A_99 = arith.index_cast %scan3A_48 : i32 to index
        %swap3A_100 = arith.constant 112 : index
        %swap3A_101 = tpu.vector_load %arg12[%swap3A_99, %swap3A_100] {strides = array<i32>} : memref<128x128xf32, #tpu.memory_space<vmem>>, vector<1x16xf32>,
        %swap3A_102 = vector.shape_cast %swap3A_101 : vector<1x16xf32> to vector<16xf32>
        %swap3A_103 = vector.shape_cast %broadcast_in_dim3A_98 : vector<16xf32> to vector<1x16xf32>
        tpu.vector_store %arg12[%swap3A_99, %swap3A_100], %swap3A_103 {strides = array<i32>} : memref<128x128xf32, #tpu.memory_space<vmem>>, vector<1x16xf32>,
        %scan3A_104 = arith.constant 0 : i32
        scf.yield %scan3A_104 : i32
      }
      %scan3A_12 = arith.constant 128 : i32
      %scan3A_13 = arith.constant 0 : i32
      %scan3A_14 = arith.constant 0 : i32
      %scan3A_15 = arith.constant 5 : i32
      %scan3A_16 = arith.addi %scan3A_14, %scan3A_15 : i32
      %scan3A_17 = arith.constant 1 : i32
      %scan3A_18 = scf.for %scan3A_48 = %scan3A_14 to %scan3A_16 step %scan3A_17 iter_args(%scan3A_49 = %scan3A_13) -> (i32)  : i32 {
        %mul3A_50 = arith.constant 640 : i32
        %mul3A_51 = arith.muli %arg1, %mul3A_50 : i32
        %mul3A_52 = arith.constant 128 : i32
        %mul3A_53 = arith.muli %scan3A_48, %mul3A_52 : i32
        %add3A = arith.addi %mul3A_51, %mul3A_53 : i32
        "tpu.region"() ({
          %run_scoped3A_55 = tpu.sem_alloc : memref<!tpu.dma_semaphore, #tpu.memory_space<semaphore_mem>>
          %dma_start3A_56 = arith.constant 0 : i32
          %dma_start3A_57 = tpu.memref_slice %arg14[%add3A, %dma_start3A_56] : memref<10240x128xf32, #tpu.memory_space<vmem_shared>> -> memref<128x128xf32, #tpu.memory_space<vmem_shared>>
          %dma_start3A_58 = arith.constant 0 : i32
          %dma_start3A_59 = tpu.memref_slice %arg14[%add3A, %dma_start3A_58] : memref<10240x128xf32, #tpu.memory_space<vmem_shared>> -> memref<128x128xf32, #tpu.memory_space<vmem_shared>>
          tpu.enqueue_dma source(%arg12 : memref<128x128xf32, #tpu.memory_space<vmem>>) target(%dma_start3A_59 : memref<128x128xf32, #tpu.memory_space<vmem_shared>>) target_semaphore(%run_scoped3A_55 : memref<!tpu.dma_semaphore, #tpu.memory_space<semaphore_mem>>)
          %dma_wait3A = arith.constant 0 : i32
          %dma_wait3A_60 = tpu.memref_slice %arg14[%add3A, %dma_wait3A] : memref<10240x128xf32, #tpu.memory_space<vmem_shared>> -> memref<128x128xf32, #tpu.memory_space<vmem_shared>>
          %dma_wait3A_61 = arith.constant 0 : i32
          %dma_wait3A_62 = tpu.memref_slice %arg14[%add3A, %dma_wait3A_61] : memref<10240x128xf32, #tpu.memory_space<vmem_shared>> -> memref<128x128xf32, #tpu.memory_space<vmem_shared>>
          tpu.wait_dma2 semaphore(%run_scoped3A_55 : memref<!tpu.dma_semaphore, #tpu.memory_space<semaphore_mem>>) src(%arg12 : memref<128x128xf32, #tpu.memory_space<vmem>>) dst(%dma_wait3A_62 : memref<128x128xf32, #tpu.memory_space<vmem_shared>>)
          tpu.yield
        }) : () -> ()
        %scan3A_54 = arith.constant 0 : i32
        scf.yield %scan3A_54 : i32
      }
      %scan3A_19 = arith.constant 5 : i32
      %barrier3A = arith.constant 0 : index
      tpu.barrier barrier_id(%barrier3A)
      %run_scoped3A = arith.constant 0 : i32
      "tpu.region"() ({
        %run_scoped3A_48 = tpu.sem_alloc : memref<!tpu.dma_semaphore, #tpu.memory_space<semaphore_mem>>
        %dma_start3A_49 = arith.constant 0 : i32
        %dma_start3A_50 = tpu.memref_slice %arg4[%arg1, %run_scoped3A, %dma_start3A_49] : memref<16x158x128xi32, #tpu.memory_space<hbm>> -> memref<1x1x128xi32, #tpu.memory_space<hbm>>
        %dma_start3A_51 = tpu.memref_squeeze %dma_start3A_50 : memref<1x1x128xi32, #tpu.memory_space<hbm>> -> memref<128xi32, #tpu.memory_space<hbm>>
        %dma_start3A_52 = arith.constant 0 : i32
        %dma_start3A_53 = tpu.memref_slice %arg4[%arg1, %run_scoped3A, %dma_start3A_52] : memref<16x158x128xi32, #tpu.memory_space<hbm>> -> memref<1x1x128xi32, #tpu.memory_space<hbm>>
        %dma_start3A_54 = tpu.memref_squeeze %dma_start3A_53 : memref<1x1x128xi32, #tpu.memory_space<hbm>> -> memref<128xi32, #tpu.memory_space<hbm>>
        tpu.enqueue_dma source(%dma_start3A_54 : memref<128xi32, #tpu.memory_space<hbm>>) target(%arg8 : memref<128xi32, #tpu.memory_space<vmem>>) target_semaphore(%run_scoped3A_48 : memref<!tpu.dma_semaphore, #tpu.memory_space<semaphore_mem>>)
        %dma_wait3A = arith.constant 0 : i32
        %dma_wait3A_55 = tpu.memref_slice %arg4[%arg1, %run_scoped3A, %dma_wait3A] : memref<16x158x128xi32, #tpu.memory_space<hbm>> -> memref<1x1x128xi32, #tpu.memory_space<hbm>>
        %dma_wait3A_56 = tpu.memref_squeeze %dma_wait3A_55 : memref<1x1x128xi32, #tpu.memory_space<hbm>> -> memref<128xi32, #tpu.memory_space<hbm>>
        %dma_wait3A_57 = arith.constant 0 : i32
        %dma_wait3A_58 = tpu.memref_slice %arg4[%arg1, %run_scoped3A, %dma_wait3A_57] : memref<16x158x128xi32, #tpu.memory_space<hbm>> -> memref<1x1x128xi32, #tpu.memory_space<hbm>>
        %dma_wait3A_59 = tpu.memref_squeeze %dma_wait3A_58 : memref<1x1x128xi32, #tpu.memory_space<hbm>> -> memref<128xi32, #tpu.memory_space<hbm>>
        tpu.wait_dma2 semaphore(%run_scoped3A_48 : memref<!tpu.dma_semaphore, #tpu.memory_space<semaphore_mem>>) src(%dma_wait3A_59 : memref<128xi32, #tpu.memory_space<hbm>>) dst(%arg8 : memref<128xi32, #tpu.memory_space<vmem>>)
        tpu.yield
      }) : () -> ()
      %run_scoped3A_20 = arith.constant 0 : i32
      "tpu.region"() ({
        %run_scoped3A_48 = tpu.sem_alloc : memref<!tpu.dma_semaphore, #tpu.memory_space<semaphore_mem>>
        %dma_start3A_49 = arith.constant 0 : i32
        %dma_start3A_50 = tpu.memref_slice %arg5[%arg1, %run_scoped3A_20, %dma_start3A_49] : memref<16x158x128xi32, #tpu.memory_space<hbm>> -> memref<1x1x128xi32, #tpu.memory_space<hbm>>
        %dma_start3A_51 = tpu.memref_squeeze %dma_start3A_50 : memref<1x1x128xi32, #tpu.memory_space<hbm>> -> memref<128xi32, #tpu.memory_space<hbm>>
        %dma_start3A_52 = arith.constant 0 : i32
        %dma_start3A_53 = tpu.memref_slice %arg5[%arg1, %run_scoped3A_20, %dma_start3A_52] : memref<16x158x128xi32, #tpu.memory_space<hbm>> -> memref<1x1x128xi32, #tpu.memory_space<hbm>>
        %dma_start3A_54 = tpu.memref_squeeze %dma_start3A_53 : memref<1x1x128xi32, #tpu.memory_space<hbm>> -> memref<128xi32, #tpu.memory_space<hbm>>
        tpu.enqueue_dma source(%dma_start3A_54 : memref<128xi32, #tpu.memory_space<hbm>>) target(%arg10 : memref<128xi32, #tpu.memory_space<vmem>>) target_semaphore(%run_scoped3A_48 : memref<!tpu.dma_semaphore, #tpu.memory_space<semaphore_mem>>)
        %dma_wait3A = arith.constant 0 : i32
        %dma_wait3A_55 = tpu.memref_slice %arg5[%arg1, %run_scoped3A_20, %dma_wait3A] : memref<16x158x128xi32, #tpu.memory_space<hbm>> -> memref<1x1x128xi32, #tpu.memory_space<hbm>>
        %dma_wait3A_56 = tpu.memref_squeeze %dma_wait3A_55 : memref<1x1x128xi32, #tpu.memory_space<hbm>> -> memref<128xi32, #tpu.memory_space<hbm>>
        %dma_wait3A_57 = arith.constant 0 : i32
        %dma_wait3A_58 = tpu.memref_slice %arg5[%arg1, %run_scoped3A_20, %dma_wait3A_57] : memref<16x158x128xi32, #tpu.memory_space<hbm>> -> memref<1x1x128xi32, #tpu.memory_space<hbm>>
        %dma_wait3A_59 = tpu.memref_squeeze %dma_wait3A_58 : memref<1x1x128xi32, #tpu.memory_space<hbm>> -> memref<128xi32, #tpu.memory_space<hbm>>
        tpu.wait_dma2 semaphore(%run_scoped3A_48 : memref<!tpu.dma_semaphore, #tpu.memory_space<semaphore_mem>>) src(%dma_wait3A_59 : memref<128xi32, #tpu.memory_space<hbm>>) dst(%arg10 : memref<128xi32, #tpu.memory_space<vmem>>)
        tpu.yield
      }) : () -> ()
      %dma_start3A = arith.constant 0 : i32
      %dma_start3A_21 = arith.constant 0 : i32
      %dma_start3A_22 = tpu.memref_slice %arg3[%dma_start3A, %dma_start3A_21] : memref<10240x128xf32, #tpu.memory_space<hbm>> -> memref<10240x128xf32, #tpu.memory_space<hbm>>
      tpu.enqueue_indirect_dma source(%dma_start3A_22 : memref<10240x128xf32, #tpu.memory_space<hbm>>) target(%arg12 : memref<128x128xf32, #tpu.memory_space<vmem>>) offsets(%arg8 : memref<128xi32, #tpu.memory_space<vmem>>) semaphore(%arg15 : memref<!tpu.dma_semaphore, #tpu.memory_space<semaphore_mem>>)
      %dma_start3A_23 = arith.constant 1 : i32
      %dma_start3A_24 = arith.constant 0 : i32
      %dma_start3A_25 = tpu.memref_slice %arg4[%arg1, %dma_start3A_23, %dma_start3A_24] : memref<16x158x128xi32, #tpu.memory_space<hbm>> -> memref<1x1x128xi32, #tpu.memory_space<hbm>>
      %dma_start3A_26 = tpu.memref_squeeze %dma_start3A_25 : memref<1x1x128xi32, #tpu.memory_space<hbm>> -> memref<128xi32, #tpu.memory_space<hbm>>
      %dma_start3A_27 = arith.constant 0 : i32
      %dma_start3A_28 = tpu.memref_slice %arg4[%arg1, %dma_start3A_23, %dma_start3A_27] : memref<16x158x128xi32, #tpu.memory_space<hbm>> -> memref<1x1x128xi32, #tpu.memory_space<hbm>>
      %dma_start3A_29 = tpu.memref_squeeze %dma_start3A_28 : memref<1x1x128xi32, #tpu.memory_space<hbm>> -> memref<128xi32, #tpu.memory_space<hbm>>
      tpu.enqueue_dma source(%dma_start3A_29 : memref<128xi32, #tpu.memory_space<hbm>>) target(%arg9 : memref<128xi32, #tpu.memory_space<vmem>>) target_semaphore(%arg18 : memref<!tpu.dma_semaphore, #tpu.memory_space<semaphore_mem>>)
      %dma_start3A_30 = arith.constant 1 : i32
      %dma_start3A_31 = arith.constant 0 : i32
      %dma_start3A_32 = tpu.memref_slice %arg5[%arg1, %dma_start3A_30, %dma_start3A_31] : memref<16x158x128xi32, #tpu.memory_space<hbm>> -> memref<1x1x128xi32, #tpu.memory_space<hbm>>
      %dma_start3A_33 = tpu.memref_squeeze %dma_start3A_32 : memref<1x1x128xi32, #tpu.memory_space<hbm>> -> memref<128xi32, #tpu.memory_space<hbm>>
      %dma_start3A_34 = arith.constant 0 : i32
      %dma_start3A_35 = tpu.memref_slice %arg5[%arg1, %dma_start3A_30, %dma_start3A_34] : memref<16x158x128xi32, #tpu.memory_space<hbm>> -> memref<1x1x128xi32, #tpu.memory_space<hbm>>
      %dma_start3A_36 = tpu.memref_squeeze %dma_start3A_35 : memref<1x1x128xi32, #tpu.memory_space<hbm>> -> memref<128xi32, #tpu.memory_space<hbm>>
      tpu.enqueue_dma source(%dma_start3A_36 : memref<128xi32, #tpu.memory_space<hbm>>) target(%arg11 : memref<128xi32, #tpu.memory_space<vmem>>) target_semaphore(%arg18 : memref<!tpu.dma_semaphore, #tpu.memory_space<semaphore_mem>>)
      %scan3A_37 = arith.constant 0 : i32
      %scan3A_38 = arith.constant 0 : i32
      %scan3A_39 = arith.constant 79 : i32
      %scan3A_40 = arith.addi %scan3A_38, %scan3A_39 : i32
      %scan3A_41 = arith.constant 1 : i32
      %scan3A_42 = scf.for %scan3A_48 = %scan3A_38 to %scan3A_40 step %scan3A_41 iter_args(%scan3A_49 = %scan3A_37) -> (i32)  : i32 {
        %mul3A_50 = arith.constant 2 : i32
        %mul3A_51 = arith.muli %mul3A_50, %scan3A_48 : i32
        %dma_wait3A = arith.constant 0 : i32
        %dma_wait3A_52 = arith.constant 0 : i32
        %dma_wait3A_53 = tpu.memref_slice %arg4[%arg1, %dma_wait3A, %dma_wait3A_52] : memref<16x158x128xi32, #tpu.memory_space<hbm>> -> memref<1x1x128xi32, #tpu.memory_space<hbm>>
        %dma_wait3A_54 = tpu.memref_squeeze %dma_wait3A_53 : memref<1x1x128xi32, #tpu.memory_space<hbm>> -> memref<128xi32, #tpu.memory_space<hbm>>
        %dma_wait3A_55 = arith.constant 0 : i32
        %dma_wait3A_56 = tpu.memref_slice %arg4[%arg1, %dma_wait3A, %dma_wait3A_55] : memref<16x158x128xi32, #tpu.memory_space<hbm>> -> memref<1x1x128xi32, #tpu.memory_space<hbm>>
        %dma_wait3A_57 = tpu.memref_squeeze %dma_wait3A_56 : memref<1x1x128xi32, #tpu.memory_space<hbm>> -> memref<128xi32, #tpu.memory_space<hbm>>
        tpu.wait_dma2 semaphore(%arg18 : memref<!tpu.dma_semaphore, #tpu.memory_space<semaphore_mem>>) src(%dma_wait3A_57 : memref<128xi32, #tpu.memory_space<hbm>>) dst(%arg9 : memref<128xi32, #tpu.memory_space<vmem>>)
        %dma_wait3A_58 = arith.constant 0 : i32
        %dma_wait3A_59 = arith.constant 0 : i32
        %dma_wait3A_60 = tpu.memref_slice %arg4[%arg1, %dma_wait3A_58, %dma_wait3A_59] : memref<16x158x128xi32, #tpu.memory_space<hbm>> -> memref<1x1x128xi32, #tpu.memory_space<hbm>>
        %dma_wait3A_61 = tpu.memref_squeeze %dma_wait3A_60 : memref<1x1x128xi32, #tpu.memory_space<hbm>> -> memref<128xi32, #tpu.memory_space<hbm>>
        %dma_wait3A_62 = arith.constant 0 : i32
        %dma_wait3A_63 = tpu.memref_slice %arg4[%arg1, %dma_wait3A_58, %dma_wait3A_62] : memref<16x158x128xi32, #tpu.memory_space<hbm>> -> memref<1x1x128xi32, #tpu.memory_space<hbm>>
        %dma_wait3A_64 = tpu.memref_squeeze %dma_wait3A_63 : memref<1x1x128xi32, #tpu.memory_space<hbm>> -> memref<128xi32, #tpu.memory_space<hbm>>
        tpu.wait_dma2 semaphore(%arg18 : memref<!tpu.dma_semaphore, #tpu.memory_space<semaphore_mem>>) src(%dma_wait3A_64 : memref<128xi32, #tpu.memory_space<hbm>>) dst(%arg11 : memref<128xi32, #tpu.memory_space<vmem>>)
        %dma_start3A_65 = arith.constant 0 : i32
        %dma_start3A_66 = arith.constant 0 : i32
        %dma_start3A_67 = tpu.memref_slice %arg3[%dma_start3A_65, %dma_start3A_66] : memref<10240x128xf32, #tpu.memory_space<hbm>> -> memref<10240x128xf32, #tpu.memory_space<hbm>>
        tpu.enqueue_indirect_dma source(%dma_start3A_67 : memref<10240x128xf32, #tpu.memory_space<hbm>>) target(%arg13 : memref<128x128xf32, #tpu.memory_space<vmem>>) offsets(%arg9 : memref<128xi32, #tpu.memory_space<vmem>>) semaphore(%arg16 : memref<!tpu.dma_semaphore, #tpu.memory_space<semaphore_mem>>)
        %dma_wait3A_68 = arith.constant 0 : i32
        %dma_wait3A_69 = arith.constant 0 : i32
        %dma_wait3A_70 = tpu.memref_slice %arg3[%dma_wait3A_68, %dma_wait3A_69] : memref<10240x128xf32, #tpu.memory_space<hbm>> -> memref<128x128xf32, #tpu.memory_space<hbm>>
        %dma_wait3A_71 = arith.constant 0 : i32
        %dma_wait3A_72 = arith.constant 0 : i32
        %dma_wait3A_73 = tpu.memref_slice %arg3[%dma_wait3A_71, %dma_wait3A_72] : memref<10240x128xf32, #tpu.memory_space<hbm>> -> memref<128x128xf32, #tpu.memory_space<hbm>>
        tpu.wait_dma2 semaphore(%arg15 : memref<!tpu.dma_semaphore, #tpu.memory_space<semaphore_mem>>) src(%dma_wait3A_73 : memref<128x128xf32, #tpu.memory_space<hbm>>) dst(%arg12 : memref<128x128xf32, #tpu.memory_space<vmem>>)
        "tpu.region"() ({
          %run_scoped3A_90 = tpu.sem_alloc : memref<!tpu.dma_semaphore, #tpu.memory_space<semaphore_mem>>
          %dma_start3A_91 = arith.constant 0 : i32
          %dma_start3A_92 = arith.constant 0 : i32
          %dma_start3A_93 = tpu.memref_slice %arg14[%dma_start3A_91, %dma_start3A_92] : memref<10240x128xf32, #tpu.memory_space<vmem_shared>> -> memref<10240x128xf32, #tpu.memory_space<vmem_shared>>
          tpu.enqueue_indirect_dma source(%arg12 : memref<128x128xf32, #tpu.memory_space<vmem>>) target(%dma_start3A_93 : memref<10240x128xf32, #tpu.memory_space<vmem_shared>>) offsets(%arg10 : memref<128xi32, #tpu.memory_space<vmem>>) semaphore(%run_scoped3A_90 : memref<!tpu.dma_semaphore, #tpu.memory_space<semaphore_mem>>) {add = true}
          %dma_wait3A_94 = arith.constant 0 : i32
          %dma_wait3A_95 = arith.constant 0 : i32
          %dma_wait3A_96 = tpu.memref_slice %arg14[%dma_wait3A_94, %dma_wait3A_95] : memref<10240x128xf32, #tpu.memory_space<vmem_shared>> -> memref<10240x128xf32, #tpu.memory_space<vmem_shared>>
          tpu.wait_indirect_dma semaphore(%run_scoped3A_90 : memref<!tpu.dma_semaphore, #tpu.memory_space<semaphore_mem>>) src(%arg12 : memref<128x128xf32, #tpu.memory_space<vmem>>) dst(%dma_wait3A_96 : memref<10240x128xf32, #tpu.memory_space<vmem_shared>>)
          tpu.yield
        }) : () -> ()
        %add3A = arith.constant 2 : i32
        %add3A_74 = arith.addi %mul3A_51, %add3A : i32
        %lt3A = arith.constant 158 : i32
        %lt3A_75 = arith.cmpi slt, %add3A_74, %lt3A : i32
        %convert_element_type3A_76 = arith.extui %lt3A_75 : i1 to i32
        %cond3A_77 = arith.constant 0 : i32
        %cond3A_78 = arith.cmpi ne, %convert_element_type3A_76, %cond3A_77 : i32
        scf.if %cond3A_78 {
          %add3A_90 = arith.constant 2 : i32
          %add3A_91 = arith.addi %mul3A_51, %add3A_90 : i32
          %dma_start3A_92 = arith.constant 0 : i32
          %dma_start3A_93 = tpu.memref_slice %arg4[%arg1, %add3A_91, %dma_start3A_92] : memref<16x158x128xi32, #tpu.memory_space<hbm>> -> memref<1x1x128xi32, #tpu.memory_space<hbm>>
          %dma_start3A_94 = tpu.memref_squeeze %dma_start3A_93 : memref<1x1x128xi32, #tpu.memory_space<hbm>> -> memref<128xi32, #tpu.memory_space<hbm>>
          %dma_start3A_95 = arith.constant 0 : i32
          %dma_start3A_96 = tpu.memref_slice %arg4[%arg1, %add3A_91, %dma_start3A_95] : memref<16x158x128xi32, #tpu.memory_space<hbm>> -> memref<1x1x128xi32, #tpu.memory_space<hbm>>
          %dma_start3A_97 = tpu.memref_squeeze %dma_start3A_96 : memref<1x1x128xi32, #tpu.memory_space<hbm>> -> memref<128xi32, #tpu.memory_space<hbm>>
          tpu.enqueue_dma source(%dma_start3A_97 : memref<128xi32, #tpu.memory_space<hbm>>) target(%arg8 : memref<128xi32, #tpu.memory_space<vmem>>) target_semaphore(%arg17 : memref<!tpu.dma_semaphore, #tpu.memory_space<semaphore_mem>>)
          %add3A_98 = arith.constant 2 : i32
          %add3A_99 = arith.addi %mul3A_51, %add3A_98 : i32
          %dma_start3A_100 = arith.constant 0 : i32
          %dma_start3A_101 = tpu.memref_slice %arg5[%arg1, %add3A_99, %dma_start3A_100] : memref<16x158x128xi32, #tpu.memory_space<hbm>> -> memref<1x1x128xi32, #tpu.memory_space<hbm>>
          %dma_start3A_102 = tpu.memref_squeeze %dma_start3A_101 : memref<1x1x128xi32, #tpu.memory_space<hbm>> -> memref<128xi32, #tpu.memory_space<hbm>>
          %dma_start3A_103 = arith.constant 0 : i32
          %dma_start3A_104 = tpu.memref_slice %arg5[%arg1, %add3A_99, %dma_start3A_103] : memref<16x158x128xi32, #tpu.memory_space<hbm>> -> memref<1x1x128xi32, #tpu.memory_space<hbm>>
          %dma_start3A_105 = tpu.memref_squeeze %dma_start3A_104 : memref<1x1x128xi32, #tpu.memory_space<hbm>> -> memref<128xi32, #tpu.memory_space<hbm>>
          tpu.enqueue_dma source(%dma_start3A_105 : memref<128xi32, #tpu.memory_space<hbm>>) target(%arg10 : memref<128xi32, #tpu.memory_space<vmem>>) target_semaphore(%arg17 : memref<!tpu.dma_semaphore, #tpu.memory_space<semaphore_mem>>)
          %dma_wait3A_106 = arith.constant 0 : i32
          %dma_wait3A_107 = arith.constant 0 : i32
          %dma_wait3A_108 = tpu.memref_slice %arg4[%arg1, %dma_wait3A_106, %dma_wait3A_107] : memref<16x158x128xi32, #tpu.memory_space<hbm>> -> memref<1x1x128xi32, #tpu.memory_space<hbm>>
          %dma_wait3A_109 = tpu.memref_squeeze %dma_wait3A_108 : memref<1x1x128xi32, #tpu.memory_space<hbm>> -> memref<128xi32, #tpu.memory_space<hbm>>
          %dma_wait3A_110 = arith.constant 0 : i32
          %dma_wait3A_111 = tpu.memref_slice %arg4[%arg1, %dma_wait3A_106, %dma_wait3A_110] : memref<16x158x128xi32, #tpu.memory_space<hbm>> -> memref<1x1x128xi32, #tpu.memory_space<hbm>>
          %dma_wait3A_112 = tpu.memref_squeeze %dma_wait3A_111 : memref<1x1x128xi32, #tpu.memory_space<hbm>> -> memref<128xi32, #tpu.memory_space<hbm>>
          tpu.wait_dma2 semaphore(%arg17 : memref<!tpu.dma_semaphore, #tpu.memory_space<semaphore_mem>>) src(%dma_wait3A_112 : memref<128xi32, #tpu.memory_space<hbm>>) dst(%arg8 : memref<128xi32, #tpu.memory_space<vmem>>)
          %dma_wait3A_113 = arith.constant 0 : i32
          %dma_wait3A_114 = arith.constant 0 : i32
          %dma_wait3A_115 = tpu.memref_slice %arg4[%arg1, %dma_wait3A_113, %dma_wait3A_114] : memref<16x158x128xi32, #tpu.memory_space<hbm>> -> memref<1x1x128xi32, #tpu.memory_space<hbm>>
          %dma_wait3A_116 = tpu.memref_squeeze %dma_wait3A_115 : memref<1x1x128xi32, #tpu.memory_space<hbm>> -> memref<128xi32, #tpu.memory_space<hbm>>
          %dma_wait3A_117 = arith.constant 0 : i32
          %dma_wait3A_118 = tpu.memref_slice %arg4[%arg1, %dma_wait3A_113, %dma_wait3A_117] : memref<16x158x128xi32, #tpu.memory_space<hbm>> -> memref<1x1x128xi32, #tpu.memory_space<hbm>>
          %dma_wait3A_119 = tpu.memref_squeeze %dma_wait3A_118 : memref<1x1x128xi32, #tpu.memory_space<hbm>> -> memref<128xi32, #tpu.memory_space<hbm>>
          tpu.wait_dma2 semaphore(%arg17 : memref<!tpu.dma_semaphore, #tpu.memory_space<semaphore_mem>>) src(%dma_wait3A_119 : memref<128xi32, #tpu.memory_space<hbm>>) dst(%arg10 : memref<128xi32, #tpu.memory_space<vmem>>)
          %dma_start3A_120 = arith.constant 0 : i32
          %dma_start3A_121 = arith.constant 0 : i32
          %dma_start3A_122 = tpu.memref_slice %arg3[%dma_start3A_120, %dma_start3A_121] : memref<10240x128xf32, #tpu.memory_space<hbm>> -> memref<10240x128xf32, #tpu.memory_space<hbm>>
          tpu.enqueue_indirect_dma source(%dma_start3A_122 : memref<10240x128xf32, #tpu.memory_space<hbm>>) target(%arg12 : memref<128x128xf32, #tpu.memory_space<vmem>>) offsets(%arg8 : memref<128xi32, #tpu.memory_space<vmem>>) semaphore(%arg15 : memref<!tpu.dma_semaphore, #tpu.memory_space<semaphore_mem>>)
        } else {
        }
        %dma_wait3A_79 = arith.constant 0 : i32
        %dma_wait3A_80 = arith.constant 0 : i32
        %dma_wait3A_81 = tpu.memref_slice %arg3[%dma_wait3A_79, %dma_wait3A_80] : memref<10240x128xf32, #tpu.memory_space<hbm>> -> memref<10240x128xf32, #tpu.memory_space<hbm>>
        tpu.wait_indirect_dma semaphore(%arg16 : memref<!tpu.dma_semaphore, #tpu.memory_space<semaphore_mem>>) src(%dma_wait3A_81 : memref<10240x128xf32, #tpu.memory_space<hbm>>) dst(%arg13 : memref<128x128xf32, #tpu.memory_space<vmem>>)
        "tpu.region"() ({
          %run_scoped3A_90 = tpu.sem_alloc : memref<!tpu.dma_semaphore, #tpu.memory_space<semaphore_mem>>
          %dma_start3A_91 = arith.constant 0 : i32
          %dma_start3A_92 = arith.constant 0 : i32
          %dma_start3A_93 = tpu.memref_slice %arg14[%dma_start3A_91, %dma_start3A_92] : memref<10240x128xf32, #tpu.memory_space<vmem_shared>> -> memref<10240x128xf32, #tpu.memory_space<vmem_shared>>
          tpu.enqueue_indirect_dma source(%arg13 : memref<128x128xf32, #tpu.memory_space<vmem>>) target(%dma_start3A_93 : memref<10240x128xf32, #tpu.memory_space<vmem_shared>>) offsets(%arg11 : memref<128xi32, #tpu.memory_space<vmem>>) semaphore(%run_scoped3A_90 : memref<!tpu.dma_semaphore, #tpu.memory_space<semaphore_mem>>) {add = true}
          %dma_wait3A_94 = arith.constant 0 : i32
          %dma_wait3A_95 = arith.constant 0 : i32
          %dma_wait3A_96 = tpu.memref_slice %arg14[%dma_wait3A_94, %dma_wait3A_95] : memref<10240x128xf32, #tpu.memory_space<vmem_shared>> -> memref<10240x128xf32, #tpu.memory_space<vmem_shared>>
          tpu.wait_indirect_dma semaphore(%run_scoped3A_90 : memref<!tpu.dma_semaphore, #tpu.memory_space<semaphore_mem>>) src(%arg13 : memref<128x128xf32, #tpu.memory_space<vmem>>) dst(%dma_wait3A_96 : memref<10240x128xf32, #tpu.memory_space<vmem_shared>>)
          tpu.yield
        }) : () -> ()
        %add3A_82 = arith.constant 3 : i32
        %add3A_83 = arith.addi %mul3A_51, %add3A_82 : i32
        %lt3A_84 = arith.constant 158 : i32
        %lt3A_85 = arith.cmpi slt, %add3A_83, %lt3A_84 : i32
        %convert_element_type3A_86 = arith.extui %lt3A_85 : i1 to i32
        %cond3A_87 = arith.constant 0 : i32
        %cond3A_88 = arith.cmpi ne, %convert_element_type3A_86, %cond3A_87 : i32
        scf.if %cond3A_88 {
          %add3A_90 = arith.constant 3 : i32
          %add3A_91 = arith.addi %mul3A_51, %add3A_90 : i32
          %dma_start3A_92 = arith.constant 0 : i32
          %dma_start3A_93 = tpu.memref_slice %arg4[%arg1, %add3A_91, %dma_start3A_92] : memref<16x158x128xi32, #tpu.memory_space<hbm>> -> memref<1x1x128xi32, #tpu.memory_space<hbm>>
          %dma_start3A_94 = tpu.memref_squeeze %dma_start3A_93 : memref<1x1x128xi32, #tpu.memory_space<hbm>> -> memref<128xi32, #tpu.memory_space<hbm>>
          %dma_start3A_95 = arith.constant 0 : i32
          %dma_start3A_96 = tpu.memref_slice %arg4[%arg1, %add3A_91, %dma_start3A_95] : memref<16x158x128xi32, #tpu.memory_space<hbm>> -> memref<1x1x128xi32, #tpu.memory_space<hbm>>
          %dma_start3A_97 = tpu.memref_squeeze %dma_start3A_96 : memref<1x1x128xi32, #tpu.memory_space<hbm>> -> memref<128xi32, #tpu.memory_space<hbm>>
          tpu.enqueue_dma source(%dma_start3A_97 : memref<128xi32, #tpu.memory_space<hbm>>) target(%arg9 : memref<128xi32, #tpu.memory_space<vmem>>) target_semaphore(%arg18 : memref<!tpu.dma_semaphore, #tpu.memory_space<semaphore_mem>>)
          %add3A_98 = arith.constant 3 : i32
          %add3A_99 = arith.addi %mul3A_51, %add3A_98 : i32
          %dma_start3A_100 = arith.constant 0 : i32
          %dma_start3A_101 = tpu.memref_slice %arg5[%arg1, %add3A_99, %dma_start3A_100] : memref<16x158x128xi32, #tpu.memory_space<hbm>> -> memref<1x1x128xi32, #tpu.memory_space<hbm>>
          %dma_start3A_102 = tpu.memref_squeeze %dma_start3A_101 : memref<1x1x128xi32, #tpu.memory_space<hbm>> -> memref<128xi32, #tpu.memory_space<hbm>>
          %dma_start3A_103 = arith.constant 0 : i32
          %dma_start3A_104 = tpu.memref_slice %arg5[%arg1, %add3A_99, %dma_start3A_103] : memref<16x158x128xi32, #tpu.memory_space<hbm>> -> memref<1x1x128xi32, #tpu.memory_space<hbm>>
          %dma_start3A_105 = tpu.memref_squeeze %dma_start3A_104 : memref<1x1x128xi32, #tpu.memory_space<hbm>> -> memref<128xi32, #tpu.memory_space<hbm>>
          tpu.enqueue_dma source(%dma_start3A_105 : memref<128xi32, #tpu.memory_space<hbm>>) target(%arg11 : memref<128xi32, #tpu.memory_space<vmem>>) target_semaphore(%arg18 : memref<!tpu.dma_semaphore, #tpu.memory_space<semaphore_mem>>)
        } else {
        }
        %scan3A_89 = arith.constant 0 : i32
        scf.yield %scan3A_89 : i32
      }
      %scan3A_43 = arith.constant 79 : i32
      %barrier3A_44 = arith.constant 0 : index
      tpu.barrier barrier_id(%barrier3A_44)
      %mul3A = arith.constant 640 : i32
      %mul3A_45 = arith.muli %arg1, %mul3A : i32
      %mul3A_46 = arith.constant 640 : i32
      %mul3A_47 = arith.muli %arg1, %mul3A_46 : i32
      "tpu.region"() ({
        %run_scoped3A_48 = tpu.sem_alloc : memref<!tpu.dma_semaphore, #tpu.memory_space<semaphore_mem>>
        %dma_start3A_49 = arith.constant 0 : i32
        %dma_start3A_50 = tpu.memref_slice %arg7[%mul3A_47, %dma_start3A_49] : memref<10240x128xf32, #tpu.memory_space<hbm>> -> memref<640x128xf32, #tpu.memory_space<hbm>>
        %dma_start3A_51 = arith.constant 0 : i32
        %dma_start3A_52 = tpu.memref_slice %arg14[%mul3A_45, %dma_start3A_51] : memref<10240x128xf32, #tpu.memory_space<vmem_shared>> -> memref<640x128xf32, #tpu.memory_space<vmem_shared>>
        tpu.enqueue_dma source(%dma_start3A_52 : memref<640x128xf32, #tpu.memory_space<vmem_shared>>) target(%dma_start3A_50 : memref<640x128xf32, #tpu.memory_space<hbm>>) target_semaphore(%run_scoped3A_48 : memref<!tpu.dma_semaphore, #tpu.memory_space<semaphore_mem>>)
        %dma_wait3A = arith.constant 0 : i32
        %dma_wait3A_53 = tpu.memref_slice %arg7[%mul3A_47, %dma_wait3A] : memref<10240x128xf32, #tpu.memory_space<hbm>> -> memref<640x128xf32, #tpu.memory_space<hbm>>
        %dma_wait3A_54 = arith.constant 0 : i32
        %dma_wait3A_55 = tpu.memref_slice %arg14[%mul3A_45, %dma_wait3A_54] : memref<10240x128xf32, #tpu.memory_space<vmem_shared>> -> memref<640x128xf32, #tpu.memory_space<vmem_shared>>
        tpu.wait_dma2 semaphore(%run_scoped3A_48 : memref<!tpu.dma_semaphore, #tpu.memory_space<semaphore_mem>>) src(%dma_wait3A_55 : memref<640x128xf32, #tpu.memory_space<vmem_shared>>) dst(%dma_wait3A_53 : memref<640x128xf32, #tpu.memory_space<hbm>>)
        tpu.yield
      }) : () -> ()
    } else {
    }
    return
  }
}

module attributes {stable_mosaic.version = 14 : i64} {
  func.func @_prep_body(%arg0: i32, %arg1: memref<256x128xf32, #tpu.memory_space<vmem>>, %arg2: memref<256x16xf32, #tpu.memory_space<vmem>>, %arg3: memref<256x16xf32, #tpu.memory_space<vmem>>, %arg4: memref<256x128xf32, #tpu.memory_space<vmem>>, %arg5: memref<256x128xf32, #tpu.memory_space<vmem>>, %arg6: memref<256x16xf32, #tpu.memory_space<vmem>>, %arg7: memref<256x16xf32, #tpu.memory_space<vmem>>) attributes {dimension_semantics = [#tpu.dimension_semantics<arbitrary>], iteration_bounds = array<i64: 40>, scalar_prefetch = 0 : i64, scratch_operands = 0 : i64, tpu.core_type = #tpu.core_type<tc>, window_params = [{transform_indices = @transform_0, window_bounds = array<i64: 256, 128>}, {transform_indices = @transform_1, window_bounds = array<i64: 256, 16>}, {transform_indices = @transform_2, window_bounds = array<i64: 256, 16>}, {transform_indices = @transform_3, window_bounds = array<i64: 256, 128>}, {transform_indices = @transform_4, window_bounds = array<i64: 256, 128>}, {transform_indices = @transform_5, window_bounds = array<i64: 256, 16>}, {transform_indices = @transform_6, window_bounds = array<i64: 256, 16>}]} {
    %get3A = arith.constant 0 : index
    %get3A_0 = arith.constant 0 : index
    %get3A_1 = vector.load %arg2[%get3A, %get3A_0] : memref<256x16xf32, #tpu.memory_space<vmem>>, vector<256x1xf32>
    %get3A_2 = arith.constant 0 : index
    %get3A_3 = arith.constant 0 : index
    %get3A_4 = vector.load %arg3[%get3A_2, %get3A_3] : memref<256x16xf32, #tpu.memory_space<vmem>>, vector<256x1xf32>
    %gt3A = arith.constant 0.000000e+00 : f32
    %gt3A_5 = vector.broadcast %gt3A : f32 to vector<256x1xf32>
    %gt3A_6 = arith.cmpf ogt, %get3A_1, %gt3A_5 : vector<256x1xf32>
    %rsqrt3A = math.rsqrt %get3A_1 : vector<256x1xf32>
    %jit3A = arith.constant 0.000000e+00 : f32
    %broadcast_in_dim3A = vector.broadcast %jit3A : f32 to vector<256x1xf32>
    %select_n3A = arith.select %gt3A_6, %rsqrt3A, %broadcast_in_dim3A : vector<256x1xi1>, vector<256x1xf32>
    %gt3A_7 = arith.constant 0.000000e+00 : f32
    %gt3A_8 = vector.broadcast %gt3A_7 : f32 to vector<256x1xf32>
    %gt3A_9 = arith.cmpf ogt, %get3A_4, %gt3A_8 : vector<256x1xf32>
    %rsqrt3A_10 = math.rsqrt %get3A_4 : vector<256x1xf32>
    %jit3A_11 = arith.constant 0.000000e+00 : f32
    %broadcast_in_dim3A_12 = vector.broadcast %jit3A_11 : f32 to vector<256x1xf32>
    %select_n3A_13 = arith.select %gt3A_9, %rsqrt3A_10, %broadcast_in_dim3A_12 : vector<256x1xi1>, vector<256x1xf32>
    %get3A_14 = arith.constant 0 : index
    %get3A_15 = arith.constant 0 : index
    %get3A_16 = vector.load %arg1[%get3A_14, %get3A_15] : memref<256x128xf32, #tpu.memory_space<vmem>>, vector<256x128xf32>
    %mul3A = vector.broadcast %select_n3A_13 : vector<256x1xf32> to vector<256x128xf32>
    %mul3A_17 = arith.mulf %mul3A, %get3A_16 : vector<256x128xf32>
    %swap3A = arith.constant 0 : index
    %swap3A_18 = arith.constant 0 : index
    %swap3A_19 = vector.load %arg4[%swap3A, %swap3A_18] : memref<256x128xf32, #tpu.memory_space<vmem>>, vector<256x128xf32>
    tpu.vector_store %arg4[%swap3A, %swap3A_18], %mul3A_17 {strides = array<i32>} : memref<256x128xf32, #tpu.memory_space<vmem>>, vector<256x128xf32>,
    %mul3A_20 = vector.broadcast %select_n3A : vector<256x1xf32> to vector<256x128xf32>
    %mul3A_21 = arith.mulf %mul3A_20, %get3A_16 : vector<256x128xf32>
    %swap3A_22 = arith.constant 0 : index
    %swap3A_23 = arith.constant 0 : index
    %swap3A_24 = vector.load %arg5[%swap3A_22, %swap3A_23] : memref<256x128xf32, #tpu.memory_space<vmem>>, vector<256x128xf32>
    tpu.vector_store %arg5[%swap3A_22, %swap3A_23], %mul3A_21 {strides = array<i32>} : memref<256x128xf32, #tpu.memory_space<vmem>>, vector<256x128xf32>,
    %broadcast_in_dim3A_25 = vector.shape_cast %select_n3A : vector<256x1xf32> to vector<256x1xf32>
    %broadcast_in_dim3A_26 = vector.broadcast %broadcast_in_dim3A_25 : vector<256x1xf32> to vector<256x16xf32>
    %swap3A_27 = arith.constant 0 : index
    %swap3A_28 = arith.constant 0 : index
    %swap3A_29 = vector.load %arg6[%swap3A_27, %swap3A_28] : memref<256x16xf32, #tpu.memory_space<vmem>>, vector<256x16xf32>
    tpu.vector_store %arg6[%swap3A_27, %swap3A_28], %broadcast_in_dim3A_26 {strides = array<i32>} : memref<256x16xf32, #tpu.memory_space<vmem>>, vector<256x16xf32>,
    %broadcast_in_dim3A_30 = vector.shape_cast %select_n3A_13 : vector<256x1xf32> to vector<256x1xf32>
    %broadcast_in_dim3A_31 = vector.broadcast %broadcast_in_dim3A_30 : vector<256x1xf32> to vector<256x16xf32>
    %swap3A_32 = arith.constant 0 : index
    %swap3A_33 = arith.constant 0 : index
    %swap3A_34 = vector.load %arg7[%swap3A_32, %swap3A_33] : memref<256x16xf32, #tpu.memory_space<vmem>>, vector<256x16xf32>
    tpu.vector_store %arg7[%swap3A_32, %swap3A_33], %broadcast_in_dim3A_31 {strides = array<i32>} : memref<256x16xf32, #tpu.memory_space<vmem>>, vector<256x16xf32>,
    return
  }
  func.func @transform_0(%arg0: i32) -> (i32, i32) {
    %c0_i32 = arith.constant 0 : i32
    %c0_i32_0 = arith.constant 0 : i32
    return %arg0, %c0_i32 : i32, i32
  }
  func.func @transform_1(%arg0: i32) -> (i32, i32) {
    %c0_i32 = arith.constant 0 : i32
    %c0_i32_0 = arith.constant 0 : i32
    return %arg0, %c0_i32 : i32, i32
  }
  func.func @transform_2(%arg0: i32) -> (i32, i32) {
    %c0_i32 = arith.constant 0 : i32
    %c0_i32_0 = arith.constant 0 : i32
    return %arg0, %c0_i32 : i32, i32
  }
  func.func @transform_3(%arg0: i32) -> (i32, i32) {
    %c0_i32 = arith.constant 0 : i32
    %c0_i32_0 = arith.constant 0 : i32
    return %arg0, %c0_i32 : i32, i32
  }
  func.func @transform_4(%arg0: i32) -> (i32, i32) {
    %c0_i32 = arith.constant 0 : i32
    %c0_i32_0 = arith.constant 0 : i32
    return %arg0, %c0_i32 : i32, i32
  }
  func.func @transform_5(%arg0: i32) -> (i32, i32) {
    %c0_i32 = arith.constant 0 : i32
    %c0_i32_0 = arith.constant 0 : i32
    return %arg0, %c0_i32 : i32, i32
  }
  func.func @transform_6(%arg0: i32) -> (i32, i32) {
    %c0_i32 = arith.constant 0 : i32
    %c0_i32_0 = arith.constant 0 : i32
    return %arg0, %c0_i32 : i32, i32
  }
}

module attributes {stable_mosaic.version = 14 : i64} {
  func.func @_combine_body(%arg0: i32, %arg1: memref<256x128xf32, #tpu.memory_space<vmem>>, %arg2: memref<256x128xf32, #tpu.memory_space<vmem>>, %arg3: memref<256x16xf32, #tpu.memory_space<vmem>>, %arg4: memref<256x16xf32, #tpu.memory_space<vmem>>, %arg5: memref<128x128xf32, #tpu.memory_space<vmem>>, %arg6: memref<8x128xf32, #tpu.memory_space<vmem>>, %arg7: memref<128x128xf32, #tpu.memory_space<vmem>>, %arg8: memref<8x128xf32, #tpu.memory_space<vmem>>, %arg9: memref<256x128xf32, #tpu.memory_space<vmem>>, %arg10: memref<256x128xf32, #tpu.memory_space<vmem>>) attributes {dimension_semantics = [#tpu.dimension_semantics<arbitrary>], iteration_bounds = array<i64: 40>, scalar_prefetch = 0 : i64, scratch_operands = 0 : i64, tpu.core_type = #tpu.core_type<tc>, window_params = [{transform_indices = @transform_0, window_bounds = array<i64: 256, 128>}, {transform_indices = @transform_1, window_bounds = array<i64: 256, 128>}, {transform_indices = @transform_2, window_bounds = array<i64: 256, 16>}, {transform_indices = @transform_3, window_bounds = array<i64: 256, 16>}, {pipeline_mode = #tpu.pipeline_mode<synchronous>, transform_indices = @transform_4, window_bounds = array<i64: 128, 128>}, {pipeline_mode = #tpu.pipeline_mode<synchronous>, transform_indices = @transform_5, window_bounds = array<i64: 8, 128>}, {pipeline_mode = #tpu.pipeline_mode<synchronous>, transform_indices = @transform_6, window_bounds = array<i64: 128, 128>}, {pipeline_mode = #tpu.pipeline_mode<synchronous>, transform_indices = @transform_7, window_bounds = array<i64: 8, 128>}, {transform_indices = @transform_8, window_bounds = array<i64: 256, 128>}, {transform_indices = @transform_9, window_bounds = array<i64: 256, 128>}]} {
    %get3A = arith.constant 0 : index
    %get3A_0 = arith.constant 0 : index
    %get3A_1 = vector.load %arg3[%get3A, %get3A_0] : memref<256x16xf32, #tpu.memory_space<vmem>>, vector<256x1xf32>
    %get3A_2 = arith.constant 0 : index
    %get3A_3 = arith.constant 0 : index
    %get3A_4 = vector.load %arg4[%get3A_2, %get3A_3] : memref<256x16xf32, #tpu.memory_space<vmem>>, vector<256x1xf32>
    %get3A_5 = arith.constant 0 : index
    %get3A_6 = arith.constant 0 : index
    %get3A_7 = vector.load %arg1[%get3A_5, %get3A_6] : memref<256x128xf32, #tpu.memory_space<vmem>>, vector<256x128xf32>
    %mul3A = vector.broadcast %get3A_1 : vector<256x1xf32> to vector<256x128xf32>
    %mul3A_8 = arith.mulf %mul3A, %get3A_7 : vector<256x128xf32>
    %get3A_9 = arith.constant 0 : index
    %get3A_10 = arith.constant 0 : index
    %get3A_11 = vector.load %arg2[%get3A_9, %get3A_10] : memref<256x128xf32, #tpu.memory_space<vmem>>, vector<256x128xf32>
    %mul3A_12 = vector.broadcast %get3A_4 : vector<256x1xf32> to vector<256x128xf32>
    %mul3A_13 = arith.mulf %mul3A_12, %get3A_11 : vector<256x128xf32>
    %get3A_14 = arith.constant 0 : index
    %get3A_15 = arith.constant 0 : index
    %get3A_16 = vector.load %arg5[%get3A_14, %get3A_15] : memref<128x128xf32, #tpu.memory_space<vmem>>, vector<128x128xf32>
    %dot_general3A = arith.constant dense<0.000000e+00> : vector<256x128xf32>
    %dot_general3A_17 = tpu.matmul %mul3A_8, %get3A_16, %dot_general3A {dimension_numbers = #tpu.dot_dimension_numbers<[1], [0], [0], [1], [0, 0, 1, 1], [], []>, precision = #tpu.contract_precision<fp32>, transpose_lhs_hint = false} : vector<256x128xf32>, vector<128x128xf32>, vector<256x128xf32> -> vector<256x128xf32>
    %get3A_18 = arith.constant 0 : index
    %get3A_19 = arith.constant 0 : index
    %get3A_20 = vector.load %arg6[%get3A_18, %get3A_19] : memref<8x128xf32, #tpu.memory_space<vmem>>, vector<1x128xf32>
    %add3A = vector.broadcast %get3A_20 : vector<1x128xf32> to vector<256x128xf32>
    %add3A_21 = arith.addf %dot_general3A_17, %add3A : vector<256x128xf32>
    %mul3A_22 = arith.constant 5.000000e-01 : f32
    %mul3A_23 = vector.broadcast %mul3A_22 : f32 to vector<256x128xf32>
    %mul3A_24 = arith.mulf %mul3A_23, %add3A_21 : vector<256x128xf32>
    %get3A_25 = arith.constant 0 : index
    %get3A_26 = arith.constant 0 : index
    %get3A_27 = vector.load %arg7[%get3A_25, %get3A_26] : memref<128x128xf32, #tpu.memory_space<vmem>>, vector<128x128xf32>
    %dot_general3A_28 = arith.constant dense<0.000000e+00> : vector<256x128xf32>
    %dot_general3A_29 = tpu.matmul %mul3A_13, %get3A_27, %dot_general3A_28 {dimension_numbers = #tpu.dot_dimension_numbers<[1], [0], [0], [1], [0, 0, 1, 1], [], []>, precision = #tpu.contract_precision<fp32>, transpose_lhs_hint = false} : vector<256x128xf32>, vector<128x128xf32>, vector<256x128xf32> -> vector<256x128xf32>
    %get3A_30 = arith.constant 0 : index
    %get3A_31 = arith.constant 0 : index
    %get3A_32 = vector.load %arg8[%get3A_30, %get3A_31] : memref<8x128xf32, #tpu.memory_space<vmem>>, vector<1x128xf32>
    %add3A_33 = vector.broadcast %get3A_32 : vector<1x128xf32> to vector<256x128xf32>
    %add3A_34 = arith.addf %dot_general3A_29, %add3A_33 : vector<256x128xf32>
    %mul3A_35 = arith.constant 5.000000e-01 : f32
    %mul3A_36 = vector.broadcast %mul3A_35 : f32 to vector<256x128xf32>
    %mul3A_37 = arith.mulf %mul3A_36, %add3A_34 : vector<256x128xf32>
    %add3A_38 = arith.addf %mul3A_24, %mul3A_37 : vector<256x128xf32>
    %max3A = arith.constant 0.000000e+00 : f32
    %max3A_39 = vector.broadcast %max3A : f32 to vector<256x128xf32>
    %max3A_40 = arith.maximumf %add3A_38, %max3A_39 : vector<256x128xf32>
    %get3A_41 = arith.constant 0 : index
    %get3A_42 = arith.constant 0 : index
    %get3A_43 = vector.load %arg4[%get3A_41, %get3A_42] : memref<256x16xf32, #tpu.memory_space<vmem>>, vector<256x1xf32>
    %mul3A_44 = vector.broadcast %get3A_43 : vector<256x1xf32> to vector<256x128xf32>
    %mul3A_45 = arith.mulf %mul3A_44, %max3A_40 : vector<256x128xf32>
    %swap3A = arith.constant 0 : index
    %swap3A_46 = arith.constant 0 : index
    %swap3A_47 = vector.load %arg9[%swap3A, %swap3A_46] : memref<256x128xf32, #tpu.memory_space<vmem>>, vector<256x128xf32>
    tpu.vector_store %arg9[%swap3A, %swap3A_46], %mul3A_45 {strides = array<i32>} : memref<256x128xf32, #tpu.memory_space<vmem>>, vector<256x128xf32>,
    %get3A_48 = arith.constant 0 : index
    %get3A_49 = arith.constant 0 : index
    %get3A_50 = vector.load %arg3[%get3A_48, %get3A_49] : memref<256x16xf32, #tpu.memory_space<vmem>>, vector<256x1xf32>
    %mul3A_51 = vector.broadcast %get3A_50 : vector<256x1xf32> to vector<256x128xf32>
    %mul3A_52 = arith.mulf %mul3A_51, %max3A_40 : vector<256x128xf32>
    %swap3A_53 = arith.constant 0 : index
    %swap3A_54 = arith.constant 0 : index
    %swap3A_55 = vector.load %arg10[%swap3A_53, %swap3A_54] : memref<256x128xf32, #tpu.memory_space<vmem>>, vector<256x128xf32>
    tpu.vector_store %arg10[%swap3A_53, %swap3A_54], %mul3A_52 {strides = array<i32>} : memref<256x128xf32, #tpu.memory_space<vmem>>, vector<256x128xf32>,
    return
  }
  func.func @transform_0(%arg0: i32) -> (i32, i32) {
    %c0_i32 = arith.constant 0 : i32
    %c0_i32_0 = arith.constant 0 : i32
    return %arg0, %c0_i32 : i32, i32
  }
  func.func @transform_1(%arg0: i32) -> (i32, i32) {
    %c0_i32 = arith.constant 0 : i32
    %c0_i32_0 = arith.constant 0 : i32
    return %arg0, %c0_i32 : i32, i32
  }
  func.func @transform_2(%arg0: i32) -> (i32, i32) {
    %c0_i32 = arith.constant 0 : i32
    %c0_i32_0 = arith.constant 0 : i32
    return %arg0, %c0_i32 : i32, i32
  }
  func.func @transform_3(%arg0: i32) -> (i32, i32) {
    %c0_i32 = arith.constant 0 : i32
    %c0_i32_0 = arith.constant 0 : i32
    return %arg0, %c0_i32 : i32, i32
  }
  func.func @transform_4(%arg0: i32) -> (i32, i32) {
    %c0_i32 = arith.constant 0 : i32
    %c0_i32_0 = arith.constant 0 : i32
    %c0_i32_1 = arith.constant 0 : i32
    return %c0_i32, %c0_i32_0 : i32, i32
  }
  func.func @transform_5(%arg0: i32) -> (i32, i32) {
    %c0_i32 = arith.constant 0 : i32
    %c0_i32_0 = arith.constant 0 : i32
    %c0_i32_1 = arith.constant 0 : i32
    return %c0_i32, %c0_i32_0 : i32, i32
  }
  func.func @transform_6(%arg0: i32) -> (i32, i32) {
    %c0_i32 = arith.constant 0 : i32
    %c0_i32_0 = arith.constant 0 : i32
    %c0_i32_1 = arith.constant 0 : i32
    return %c0_i32, %c0_i32_0 : i32, i32
  }
  func.func @transform_7(%arg0: i32) -> (i32, i32) {
    %c0_i32 = arith.constant 0 : i32
    %c0_i32_0 = arith.constant 0 : i32
    %c0_i32_1 = arith.constant 0 : i32
    return %c0_i32, %c0_i32_0 : i32, i32
  }
  func.func @transform_8(%arg0: i32) -> (i32, i32) {
    %c0_i32 = arith.constant 0 : i32
    %c0_i32_0 = arith.constant 0 : i32
    return %arg0, %c0_i32 : i32, i32
  }
  func.func @transform_9(%arg0: i32) -> (i32, i32) {
    %c0_i32 = arith.constant 0 : i32
    %c0_i32_0 = arith.constant 0 : i32
    return %arg0, %c0_i32 : i32, i32
  }
}

module attributes {stable_mosaic.version = 14 : i64} {
  func.func @_final_body(%arg0: i32, %arg1: memref<256x128xf32, #tpu.memory_space<vmem>>, %arg2: memref<256x128xf32, #tpu.memory_space<vmem>>, %arg3: memref<256x16xf32, #tpu.memory_space<vmem>>, %arg4: memref<256x16xf32, #tpu.memory_space<vmem>>, %arg5: memref<128x128xf32, #tpu.memory_space<vmem>>, %arg6: memref<8x128xf32, #tpu.memory_space<vmem>>, %arg7: memref<128x128xf32, #tpu.memory_space<vmem>>, %arg8: memref<8x128xf32, #tpu.memory_space<vmem>>, %arg9: memref<256x16xi32, #tpu.memory_space<vmem>>, %arg10: memref<128x128xf32, #tpu.memory_space<vmem>>, %arg11: memref<8x128xf32, #tpu.memory_space<vmem>>, %arg12: memref<128x128xf32, #tpu.memory_space<vmem>>, %arg13: memref<8x128xf32, #tpu.memory_space<vmem>>, %arg14: memref<64x128xf32, #tpu.memory_space<vmem>>, %arg15: memref<64x128xf32, #tpu.memory_space<vmem>>) attributes {dimension_semantics = [#tpu.dimension_semantics<arbitrary>], iteration_bounds = array<i64: 40>, scalar_prefetch = 0 : i64, scratch_operands = 1 : i64, tpu.core_type = #tpu.core_type<tc>, window_params = [{transform_indices = @transform_0, window_bounds = array<i64: 256, 128>}, {transform_indices = @transform_1, window_bounds = array<i64: 256, 128>}, {transform_indices = @transform_2, window_bounds = array<i64: 256, 16>}, {transform_indices = @transform_3, window_bounds = array<i64: 256, 16>}, {pipeline_mode = #tpu.pipeline_mode<synchronous>, transform_indices = @transform_4, window_bounds = array<i64: 128, 128>}, {pipeline_mode = #tpu.pipeline_mode<synchronous>, transform_indices = @transform_5, window_bounds = array<i64: 8, 128>}, {pipeline_mode = #tpu.pipeline_mode<synchronous>, transform_indices = @transform_6, window_bounds = array<i64: 128, 128>}, {pipeline_mode = #tpu.pipeline_mode<synchronous>, transform_indices = @transform_7, window_bounds = array<i64: 8, 128>}, {transform_indices = @transform_8, window_bounds = array<i64: 256, 16>}, {pipeline_mode = #tpu.pipeline_mode<synchronous>, transform_indices = @transform_9, window_bounds = array<i64: 128, 128>}, {pipeline_mode = #tpu.pipeline_mode<synchronous>, transform_indices = @transform_10, window_bounds = array<i64: 8, 128>}, {pipeline_mode = #tpu.pipeline_mode<synchronous>, transform_indices = @transform_11, window_bounds = array<i64: 128, 128>}, {pipeline_mode = #tpu.pipeline_mode<synchronous>, transform_indices = @transform_12, window_bounds = array<i64: 8, 128>}, {pipeline_mode = #tpu.pipeline_mode<synchronous>, transform_indices = @transform_13, window_bounds = array<i64: 64, 128>}]} {
    %eq3A = arith.constant 0 : i32
    %eq3A_0 = arith.cmpi eq, %arg0, %eq3A : i32
    %convert_element_type3A = arith.extui %eq3A_0 : i1 to i32
    %cond3A = arith.constant 0 : i32
    %cond3A_1 = arith.cmpi ne, %convert_element_type3A, %cond3A : i32
    scf.if %cond3A_1 {
      %broadcast_in_dim3A_1198 = arith.constant 0xFF800000 : f32
      %broadcast_in_dim3A_1199 = vector.broadcast %broadcast_in_dim3A_1198 : f32 to vector<64x128xf32>
      %swap3A_1200 = arith.constant 0 : index
      %swap3A_1201 = arith.constant 0 : index
      %swap3A_1202 = vector.load %arg15[%swap3A_1200, %swap3A_1201] : memref<64x128xf32, #tpu.memory_space<vmem>>, vector<64x128xf32>
      tpu.vector_store %arg15[%swap3A_1200, %swap3A_1201], %broadcast_in_dim3A_1199 {strides = array<i32>} : memref<64x128xf32, #tpu.memory_space<vmem>>, vector<64x128xf32>,
    } else {
    }
    %get3A = arith.constant 0 : index
    %get3A_2 = arith.constant 0 : index
    %get3A_3 = vector.load %arg3[%get3A, %get3A_2] : memref<256x16xf32, #tpu.memory_space<vmem>>, vector<256x1xf32>
    %get3A_4 = arith.constant 0 : index
    %get3A_5 = arith.constant 0 : index
    %get3A_6 = vector.load %arg4[%get3A_4, %get3A_5] : memref<256x16xf32, #tpu.memory_space<vmem>>, vector<256x1xf32>
    %get3A_7 = arith.constant 0 : index
    %get3A_8 = arith.constant 0 : index
    %get3A_9 = vector.load %arg1[%get3A_7, %get3A_8] : memref<256x128xf32, #tpu.memory_space<vmem>>, vector<256x128xf32>
    %mul3A = vector.broadcast %get3A_3 : vector<256x1xf32> to vector<256x128xf32>
    %mul3A_10 = arith.mulf %mul3A, %get3A_9 : vector<256x128xf32>
    %get3A_11 = arith.constant 0 : index
    %get3A_12 = arith.constant 0 : index
    %get3A_13 = vector.load %arg2[%get3A_11, %get3A_12] : memref<256x128xf32, #tpu.memory_space<vmem>>, vector<256x128xf32>
    %mul3A_14 = vector.broadcast %get3A_6 : vector<256x1xf32> to vector<256x128xf32>
    %mul3A_15 = arith.mulf %mul3A_14, %get3A_13 : vector<256x128xf32>
    %get3A_16 = arith.constant 0 : index
    %get3A_17 = arith.constant 0 : index
    %get3A_18 = vector.load %arg5[%get3A_16, %get3A_17] : memref<128x128xf32, #tpu.memory_space<vmem>>, vector<128x128xf32>
    %dot_general3A = arith.constant dense<0.000000e+00> : vector<256x128xf32>
    %dot_general3A_19 = tpu.matmul %mul3A_10, %get3A_18, %dot_general3A {dimension_numbers = #tpu.dot_dimension_numbers<[1], [0], [0], [1], [0, 0, 1, 1], [], []>, precision = #tpu.contract_precision<fp32>, transpose_lhs_hint = false} : vector<256x128xf32>, vector<128x128xf32>, vector<256x128xf32> -> vector<256x128xf32>
    %get3A_20 = arith.constant 0 : index
    %get3A_21 = arith.constant 0 : index
    %get3A_22 = vector.load %arg6[%get3A_20, %get3A_21] : memref<8x128xf32, #tpu.memory_space<vmem>>, vector<1x128xf32>
    %add3A = vector.broadcast %get3A_22 : vector<1x128xf32> to vector<256x128xf32>
    %add3A_23 = arith.addf %dot_general3A_19, %add3A : vector<256x128xf32>
    %mul3A_24 = arith.constant 5.000000e-01 : f32
    %mul3A_25 = vector.broadcast %mul3A_24 : f32 to vector<256x128xf32>
    %mul3A_26 = arith.mulf %mul3A_25, %add3A_23 : vector<256x128xf32>
    %get3A_27 = arith.constant 0 : index
    %get3A_28 = arith.constant 0 : index
    %get3A_29 = vector.load %arg7[%get3A_27, %get3A_28] : memref<128x128xf32, #tpu.memory_space<vmem>>, vector<128x128xf32>
    %dot_general3A_30 = arith.constant dense<0.000000e+00> : vector<256x128xf32>
    %dot_general3A_31 = tpu.matmul %mul3A_15, %get3A_29, %dot_general3A_30 {dimension_numbers = #tpu.dot_dimension_numbers<[1], [0], [0], [1], [0, 0, 1, 1], [], []>, precision = #tpu.contract_precision<fp32>, transpose_lhs_hint = false} : vector<256x128xf32>, vector<128x128xf32>, vector<256x128xf32> -> vector<256x128xf32>
    %get3A_32 = arith.constant 0 : index
    %get3A_33 = arith.constant 0 : index
    %get3A_34 = vector.load %arg8[%get3A_32, %get3A_33] : memref<8x128xf32, #tpu.memory_space<vmem>>, vector<1x128xf32>
    %add3A_35 = vector.broadcast %get3A_34 : vector<1x128xf32> to vector<256x128xf32>
    %add3A_36 = arith.addf %dot_general3A_31, %add3A_35 : vector<256x128xf32>
    %mul3A_37 = arith.constant 5.000000e-01 : f32
    %mul3A_38 = vector.broadcast %mul3A_37 : f32 to vector<256x128xf32>
    %mul3A_39 = arith.mulf %mul3A_38, %add3A_36 : vector<256x128xf32>
    %add3A_40 = arith.addf %mul3A_26, %mul3A_39 : vector<256x128xf32>
    %max3A = arith.constant 0.000000e+00 : f32
    %max3A_41 = vector.broadcast %max3A : f32 to vector<256x128xf32>
    %max3A_42 = arith.maximumf %add3A_40, %max3A_41 : vector<256x128xf32>
    %get3A_43 = arith.constant 0 : index
    %get3A_44 = arith.constant 0 : index
    %get3A_45 = vector.load %arg9[%get3A_43, %get3A_44] : memref<256x16xi32, #tpu.memory_space<vmem>>, vector<256x1xi32>
    %eq3A_46 = arith.constant 0 : i32
    %eq3A_47 = vector.broadcast %eq3A_46 : i32 to vector<256x1xi32>
    %eq3A_48 = arith.cmpi eq, %get3A_45, %eq3A_47 : vector<256x1xi32>
    %jit3A = arith.constant 0xFF800000 : f32
    %broadcast_in_dim3A = vector.shape_cast %eq3A_48 : vector<256x1xi1> to vector<256x1xi1>
    %broadcast_in_dim3A_49 = vector.broadcast %broadcast_in_dim3A : vector<256x1xi1> to vector<256x128xi1>
    %broadcast_in_dim3A_50 = vector.broadcast %jit3A : f32 to vector<256x128xf32>
    %select_n3A = arith.select %broadcast_in_dim3A_49, %max3A_42, %broadcast_in_dim3A_50 : vector<256x128xi1>, vector<256x128xf32>
    %reduce_max3A = arith.constant dense<0xFF800000> : vector<128xf32>
    %reduce_max3A_51 = vector.multi_reduction <maximumf>, %select_n3A, %reduce_max3A [0] : vector<256x128xf32> to vector<128xf32>
    %broadcast_in_dim3A_52 = vector.shape_cast %reduce_max3A_51 : vector<128xf32> to vector<1x128xf32>
    %get3A_53 = arith.constant 0 : index
    %get3A_54 = arith.constant 0 : index
    %get3A_55 = vector.load %arg15[%get3A_53, %get3A_54] : memref<64x128xf32, #tpu.memory_space<vmem>>, vector<1x128xf32>
    %max3A_56 = arith.maximumf %get3A_55, %broadcast_in_dim3A_52 : vector<1x128xf32>
    %swap3A = arith.constant 0 : index
    %swap3A_57 = arith.constant 0 : index
    %swap3A_58 = vector.load %arg15[%swap3A, %swap3A_57] : memref<64x128xf32, #tpu.memory_space<vmem>>, vector<1x128xf32>
    tpu.vector_store %arg15[%swap3A, %swap3A_57], %max3A_56 {strides = array<i32>} : memref<64x128xf32, #tpu.memory_space<vmem>>, vector<1x128xf32>,
    %eq3A_59 = arith.constant 1 : i32
    %eq3A_60 = vector.broadcast %eq3A_59 : i32 to vector<256x1xi32>
    %eq3A_61 = arith.cmpi eq, %get3A_45, %eq3A_60 : vector<256x1xi32>
    %jit3A_62 = arith.constant 0xFF800000 : f32
    %broadcast_in_dim3A_63 = vector.shape_cast %eq3A_61 : vector<256x1xi1> to vector<256x1xi1>
    %broadcast_in_dim3A_64 = vector.broadcast %broadcast_in_dim3A_63 : vector<256x1xi1> to vector<256x128xi1>
    %broadcast_in_dim3A_65 = vector.broadcast %jit3A_62 : f32 to vector<256x128xf32>
    %select_n3A_66 = arith.select %broadcast_in_dim3A_64, %max3A_42, %broadcast_in_dim3A_65 : vector<256x128xi1>, vector<256x128xf32>
    %reduce_max3A_67 = arith.constant dense<0xFF800000> : vector<128xf32>
    %reduce_max3A_68 = vector.multi_reduction <maximumf>, %select_n3A_66, %reduce_max3A_67 [0] : vector<256x128xf32> to vector<128xf32>
    %broadcast_in_dim3A_69 = vector.shape_cast %reduce_max3A_68 : vector<128xf32> to vector<1x128xf32>
    %get3A_70 = arith.constant 1 : index
    %get3A_71 = arith.constant 0 : index
    %get3A_72 = vector.load %arg15[%get3A_70, %get3A_71] : memref<64x128xf32, #tpu.memory_space<vmem>>, vector<1x128xf32>
    %max3A_73 = arith.maximumf %get3A_72, %broadcast_in_dim3A_69 : vector<1x128xf32>
    %swap3A_74 = arith.constant 1 : index
    %swap3A_75 = arith.constant 0 : index
    %swap3A_76 = vector.load %arg15[%swap3A_74, %swap3A_75] : memref<64x128xf32, #tpu.memory_space<vmem>>, vector<1x128xf32>
    tpu.vector_store %arg15[%swap3A_74, %swap3A_75], %max3A_73 {strides = array<i32>} : memref<64x128xf32, #tpu.memory_space<vmem>>, vector<1x128xf32>,
    %eq3A_77 = arith.constant 2 : i32
    %eq3A_78 = vector.broadcast %eq3A_77 : i32 to vector<256x1xi32>
    %eq3A_79 = arith.cmpi eq, %get3A_45, %eq3A_78 : vector<256x1xi32>
    %jit3A_80 = arith.constant 0xFF800000 : f32
    %broadcast_in_dim3A_81 = vector.shape_cast %eq3A_79 : vector<256x1xi1> to vector<256x1xi1>
    %broadcast_in_dim3A_82 = vector.broadcast %broadcast_in_dim3A_81 : vector<256x1xi1> to vector<256x128xi1>
    %broadcast_in_dim3A_83 = vector.broadcast %jit3A_80 : f32 to vector<256x128xf32>
    %select_n3A_84 = arith.select %broadcast_in_dim3A_82, %max3A_42, %broadcast_in_dim3A_83 : vector<256x128xi1>, vector<256x128xf32>
    %reduce_max3A_85 = arith.constant dense<0xFF800000> : vector<128xf32>
    %reduce_max3A_86 = vector.multi_reduction <maximumf>, %select_n3A_84, %reduce_max3A_85 [0] : vector<256x128xf32> to vector<128xf32>
    %broadcast_in_dim3A_87 = vector.shape_cast %reduce_max3A_86 : vector<128xf32> to vector<1x128xf32>
    %get3A_88 = arith.constant 2 : index
    %get3A_89 = arith.constant 0 : index
    %get3A_90 = vector.load %arg15[%get3A_88, %get3A_89] : memref<64x128xf32, #tpu.memory_space<vmem>>, vector<1x128xf32>
    %max3A_91 = arith.maximumf %get3A_90, %broadcast_in_dim3A_87 : vector<1x128xf32>
    %swap3A_92 = arith.constant 2 : index
    %swap3A_93 = arith.constant 0 : index
    %swap3A_94 = vector.load %arg15[%swap3A_92, %swap3A_93] : memref<64x128xf32, #tpu.memory_space<vmem>>, vector<1x128xf32>
    tpu.vector_store %arg15[%swap3A_92, %swap3A_93], %max3A_91 {strides = array<i32>} : memref<64x128xf32, #tpu.memory_space<vmem>>, vector<1x128xf32>,
    %eq3A_95 = arith.constant 3 : i32
    %eq3A_96 = vector.broadcast %eq3A_95 : i32 to vector<256x1xi32>
    %eq3A_97 = arith.cmpi eq, %get3A_45, %eq3A_96 : vector<256x1xi32>
    %jit3A_98 = arith.constant 0xFF800000 : f32
    %broadcast_in_dim3A_99 = vector.shape_cast %eq3A_97 : vector<256x1xi1> to vector<256x1xi1>
    %broadcast_in_dim3A_100 = vector.broadcast %broadcast_in_dim3A_99 : vector<256x1xi1> to vector<256x128xi1>
    %broadcast_in_dim3A_101 = vector.broadcast %jit3A_98 : f32 to vector<256x128xf32>
    %select_n3A_102 = arith.select %broadcast_in_dim3A_100, %max3A_42, %broadcast_in_dim3A_101 : vector<256x128xi1>, vector<256x128xf32>
    %reduce_max3A_103 = arith.constant dense<0xFF800000> : vector<128xf32>
    %reduce_max3A_104 = vector.multi_reduction <maximumf>, %select_n3A_102, %reduce_max3A_103 [0] : vector<256x128xf32> to vector<128xf32>
    %broadcast_in_dim3A_105 = vector.shape_cast %reduce_max3A_104 : vector<128xf32> to vector<1x128xf32>
    %get3A_106 = arith.constant 3 : index
    %get3A_107 = arith.constant 0 : index
    %get3A_108 = vector.load %arg15[%get3A_106, %get3A_107] : memref<64x128xf32, #tpu.memory_space<vmem>>, vector<1x128xf32>
    %max3A_109 = arith.maximumf %get3A_108, %broadcast_in_dim3A_105 : vector<1x128xf32>
    %swap3A_110 = arith.constant 3 : index
    %swap3A_111 = arith.constant 0 : index
    %swap3A_112 = vector.load %arg15[%swap3A_110, %swap3A_111] : memref<64x128xf32, #tpu.memory_space<vmem>>, vector<1x128xf32>
    tpu.vector_store %arg15[%swap3A_110, %swap3A_111], %max3A_109 {strides = array<i32>} : memref<64x128xf32, #tpu.memory_space<vmem>>, vector<1x128xf32>,
    %eq3A_113 = arith.constant 4 : i32
    %eq3A_114 = vector.broadcast %eq3A_113 : i32 to vector<256x1xi32>
    %eq3A_115 = arith.cmpi eq, %get3A_45, %eq3A_114 : vector<256x1xi32>
    %jit3A_116 = arith.constant 0xFF800000 : f32
    %broadcast_in_dim3A_117 = vector.shape_cast %eq3A_115 : vector<256x1xi1> to vector<256x1xi1>
    %broadcast_in_dim3A_118 = vector.broadcast %broadcast_in_dim3A_117 : vector<256x1xi1> to vector<256x128xi1>
    %broadcast_in_dim3A_119 = vector.broadcast %jit3A_116 : f32 to vector<256x128xf32>
    %select_n3A_120 = arith.select %broadcast_in_dim3A_118, %max3A_42, %broadcast_in_dim3A_119 : vector<256x128xi1>, vector<256x128xf32>
    %reduce_max3A_121 = arith.constant dense<0xFF800000> : vector<128xf32>
    %reduce_max3A_122 = vector.multi_reduction <maximumf>, %select_n3A_120, %reduce_max3A_121 [0] : vector<256x128xf32> to vector<128xf32>
    %broadcast_in_dim3A_123 = vector.shape_cast %reduce_max3A_122 : vector<128xf32> to vector<1x128xf32>
    %get3A_124 = arith.constant 4 : index
    %get3A_125 = arith.constant 0 : index
    %get3A_126 = vector.load %arg15[%get3A_124, %get3A_125] : memref<64x128xf32, #tpu.memory_space<vmem>>, vector<1x128xf32>
    %max3A_127 = arith.maximumf %get3A_126, %broadcast_in_dim3A_123 : vector<1x128xf32>
    %swap3A_128 = arith.constant 4 : index
    %swap3A_129 = arith.constant 0 : index
    %swap3A_130 = vector.load %arg15[%swap3A_128, %swap3A_129] : memref<64x128xf32, #tpu.memory_space<vmem>>, vector<1x128xf32>
    tpu.vector_store %arg15[%swap3A_128, %swap3A_129], %max3A_127 {strides = array<i32>} : memref<64x128xf32, #tpu.memory_space<vmem>>, vector<1x128xf32>,
    %eq3A_131 = arith.constant 5 : i32
    %eq3A_132 = vector.broadcast %eq3A_131 : i32 to vector<256x1xi32>
    %eq3A_133 = arith.cmpi eq, %get3A_45, %eq3A_132 : vector<256x1xi32>
    %jit3A_134 = arith.constant 0xFF800000 : f32
    %broadcast_in_dim3A_135 = vector.shape_cast %eq3A_133 : vector<256x1xi1> to vector<256x1xi1>
    %broadcast_in_dim3A_136 = vector.broadcast %broadcast_in_dim3A_135 : vector<256x1xi1> to vector<256x128xi1>
    %broadcast_in_dim3A_137 = vector.broadcast %jit3A_134 : f32 to vector<256x128xf32>
    %select_n3A_138 = arith.select %broadcast_in_dim3A_136, %max3A_42, %broadcast_in_dim3A_137 : vector<256x128xi1>, vector<256x128xf32>
    %reduce_max3A_139 = arith.constant dense<0xFF800000> : vector<128xf32>
    %reduce_max3A_140 = vector.multi_reduction <maximumf>, %select_n3A_138, %reduce_max3A_139 [0] : vector<256x128xf32> to vector<128xf32>
    %broadcast_in_dim3A_141 = vector.shape_cast %reduce_max3A_140 : vector<128xf32> to vector<1x128xf32>
    %get3A_142 = arith.constant 5 : index
    %get3A_143 = arith.constant 0 : index
    %get3A_144 = vector.load %arg15[%get3A_142, %get3A_143] : memref<64x128xf32, #tpu.memory_space<vmem>>, vector<1x128xf32>
    %max3A_145 = arith.maximumf %get3A_144, %broadcast_in_dim3A_141 : vector<1x128xf32>
    %swap3A_146 = arith.constant 5 : index
    %swap3A_147 = arith.constant 0 : index
    %swap3A_148 = vector.load %arg15[%swap3A_146, %swap3A_147] : memref<64x128xf32, #tpu.memory_space<vmem>>, vector<1x128xf32>
    tpu.vector_store %arg15[%swap3A_146, %swap3A_147], %max3A_145 {strides = array<i32>} : memref<64x128xf32, #tpu.memory_space<vmem>>, vector<1x128xf32>,
    %eq3A_149 = arith.constant 6 : i32
    %eq3A_150 = vector.broadcast %eq3A_149 : i32 to vector<256x1xi32>
    %eq3A_151 = arith.cmpi eq, %get3A_45, %eq3A_150 : vector<256x1xi32>
    %jit3A_152 = arith.constant 0xFF800000 : f32
    %broadcast_in_dim3A_153 = vector.shape_cast %eq3A_151 : vector<256x1xi1> to vector<256x1xi1>
    %broadcast_in_dim3A_154 = vector.broadcast %broadcast_in_dim3A_153 : vector<256x1xi1> to vector<256x128xi1>
    %broadcast_in_dim3A_155 = vector.broadcast %jit3A_152 : f32 to vector<256x128xf32>
    %select_n3A_156 = arith.select %broadcast_in_dim3A_154, %max3A_42, %broadcast_in_dim3A_155 : vector<256x128xi1>, vector<256x128xf32>
    %reduce_max3A_157 = arith.constant dense<0xFF800000> : vector<128xf32>
    %reduce_max3A_158 = vector.multi_reduction <maximumf>, %select_n3A_156, %reduce_max3A_157 [0] : vector<256x128xf32> to vector<128xf32>
    %broadcast_in_dim3A_159 = vector.shape_cast %reduce_max3A_158 : vector<128xf32> to vector<1x128xf32>
    %get3A_160 = arith.constant 6 : index
    %get3A_161 = arith.constant 0 : index
    %get3A_162 = vector.load %arg15[%get3A_160, %get3A_161] : memref<64x128xf32, #tpu.memory_space<vmem>>, vector<1x128xf32>
    %max3A_163 = arith.maximumf %get3A_162, %broadcast_in_dim3A_159 : vector<1x128xf32>
    %swap3A_164 = arith.constant 6 : index
    %swap3A_165 = arith.constant 0 : index
    %swap3A_166 = vector.load %arg15[%swap3A_164, %swap3A_165] : memref<64x128xf32, #tpu.memory_space<vmem>>, vector<1x128xf32>
    tpu.vector_store %arg15[%swap3A_164, %swap3A_165], %max3A_163 {strides = array<i32>} : memref<64x128xf32, #tpu.memory_space<vmem>>, vector<1x128xf32>,
    %eq3A_167 = arith.constant 7 : i32
    %eq3A_168 = vector.broadcast %eq3A_167 : i32 to vector<256x1xi32>
    %eq3A_169 = arith.cmpi eq, %get3A_45, %eq3A_168 : vector<256x1xi32>
    %jit3A_170 = arith.constant 0xFF800000 : f32
    %broadcast_in_dim3A_171 = vector.shape_cast %eq3A_169 : vector<256x1xi1> to vector<256x1xi1>
    %broadcast_in_dim3A_172 = vector.broadcast %broadcast_in_dim3A_171 : vector<256x1xi1> to vector<256x128xi1>
    %broadcast_in_dim3A_173 = vector.broadcast %jit3A_170 : f32 to vector<256x128xf32>
    %select_n3A_174 = arith.select %broadcast_in_dim3A_172, %max3A_42, %broadcast_in_dim3A_173 : vector<256x128xi1>, vector<256x128xf32>
    %reduce_max3A_175 = arith.constant dense<0xFF800000> : vector<128xf32>
    %reduce_max3A_176 = vector.multi_reduction <maximumf>, %select_n3A_174, %reduce_max3A_175 [0] : vector<256x128xf32> to vector<128xf32>
    %broadcast_in_dim3A_177 = vector.shape_cast %reduce_max3A_176 : vector<128xf32> to vector<1x128xf32>
    %get3A_178 = arith.constant 7 : index
    %get3A_179 = arith.constant 0 : index
    %get3A_180 = vector.load %arg15[%get3A_178, %get3A_179] : memref<64x128xf32, #tpu.memory_space<vmem>>, vector<1x128xf32>
    %max3A_181 = arith.maximumf %get3A_180, %broadcast_in_dim3A_177 : vector<1x128xf32>
    %swap3A_182 = arith.constant 7 : index
    %swap3A_183 = arith.constant 0 : index
    %swap3A_184 = vector.load %arg15[%swap3A_182, %swap3A_183] : memref<64x128xf32, #tpu.memory_space<vmem>>, vector<1x128xf32>
    tpu.vector_store %arg15[%swap3A_182, %swap3A_183], %max3A_181 {strides = array<i32>} : memref<64x128xf32, #tpu.memory_space<vmem>>, vector<1x128xf32>,
    %eq3A_185 = arith.constant 8 : i32
    %eq3A_186 = vector.broadcast %eq3A_185 : i32 to vector<256x1xi32>
    %eq3A_187 = arith.cmpi eq, %get3A_45, %eq3A_186 : vector<256x1xi32>
    %jit3A_188 = arith.constant 0xFF800000 : f32
    %broadcast_in_dim3A_189 = vector.shape_cast %eq3A_187 : vector<256x1xi1> to vector<256x1xi1>
    %broadcast_in_dim3A_190 = vector.broadcast %broadcast_in_dim3A_189 : vector<256x1xi1> to vector<256x128xi1>
    %broadcast_in_dim3A_191 = vector.broadcast %jit3A_188 : f32 to vector<256x128xf32>
    %select_n3A_192 = arith.select %broadcast_in_dim3A_190, %max3A_42, %broadcast_in_dim3A_191 : vector<256x128xi1>, vector<256x128xf32>
    %reduce_max3A_193 = arith.constant dense<0xFF800000> : vector<128xf32>
    %reduce_max3A_194 = vector.multi_reduction <maximumf>, %select_n3A_192, %reduce_max3A_193 [0] : vector<256x128xf32> to vector<128xf32>
    %broadcast_in_dim3A_195 = vector.shape_cast %reduce_max3A_194 : vector<128xf32> to vector<1x128xf32>
    %get3A_196 = arith.constant 8 : index
    %get3A_197 = arith.constant 0 : index
    %get3A_198 = vector.load %arg15[%get3A_196, %get3A_197] : memref<64x128xf32, #tpu.memory_space<vmem>>, vector<1x128xf32>
    %max3A_199 = arith.maximumf %get3A_198, %broadcast_in_dim3A_195 : vector<1x128xf32>
    %swap3A_200 = arith.constant 8 : index
    %swap3A_201 = arith.constant 0 : index
    %swap3A_202 = vector.load %arg15[%swap3A_200, %swap3A_201] : memref<64x128xf32, #tpu.memory_space<vmem>>, vector<1x128xf32>
    tpu.vector_store %arg15[%swap3A_200, %swap3A_201], %max3A_199 {strides = array<i32>} : memref<64x128xf32, #tpu.memory_space<vmem>>, vector<1x128xf32>,
    %eq3A_203 = arith.constant 9 : i32
    %eq3A_204 = vector.broadcast %eq3A_203 : i32 to vector<256x1xi32>
    %eq3A_205 = arith.cmpi eq, %get3A_45, %eq3A_204 : vector<256x1xi32>
    %jit3A_206 = arith.constant 0xFF800000 : f32
    %broadcast_in_dim3A_207 = vector.shape_cast %eq3A_205 : vector<256x1xi1> to vector<256x1xi1>
    %broadcast_in_dim3A_208 = vector.broadcast %broadcast_in_dim3A_207 : vector<256x1xi1> to vector<256x128xi1>
    %broadcast_in_dim3A_209 = vector.broadcast %jit3A_206 : f32 to vector<256x128xf32>
    %select_n3A_210 = arith.select %broadcast_in_dim3A_208, %max3A_42, %broadcast_in_dim3A_209 : vector<256x128xi1>, vector<256x128xf32>
    %reduce_max3A_211 = arith.constant dense<0xFF800000> : vector<128xf32>
    %reduce_max3A_212 = vector.multi_reduction <maximumf>, %select_n3A_210, %reduce_max3A_211 [0] : vector<256x128xf32> to vector<128xf32>
    %broadcast_in_dim3A_213 = vector.shape_cast %reduce_max3A_212 : vector<128xf32> to vector<1x128xf32>
    %get3A_214 = arith.constant 9 : index
    %get3A_215 = arith.constant 0 : index
    %get3A_216 = vector.load %arg15[%get3A_214, %get3A_215] : memref<64x128xf32, #tpu.memory_space<vmem>>, vector<1x128xf32>
    %max3A_217 = arith.maximumf %get3A_216, %broadcast_in_dim3A_213 : vector<1x128xf32>
    %swap3A_218 = arith.constant 9 : index
    %swap3A_219 = arith.constant 0 : index
    %swap3A_220 = vector.load %arg15[%swap3A_218, %swap3A_219] : memref<64x128xf32, #tpu.memory_space<vmem>>, vector<1x128xf32>
    tpu.vector_store %arg15[%swap3A_218, %swap3A_219], %max3A_217 {strides = array<i32>} : memref<64x128xf32, #tpu.memory_space<vmem>>, vector<1x128xf32>,
    %eq3A_221 = arith.constant 10 : i32
    %eq3A_222 = vector.broadcast %eq3A_221 : i32 to vector<256x1xi32>
    %eq3A_223 = arith.cmpi eq, %get3A_45, %eq3A_222 : vector<256x1xi32>
    %jit3A_224 = arith.constant 0xFF800000 : f32
    %broadcast_in_dim3A_225 = vector.shape_cast %eq3A_223 : vector<256x1xi1> to vector<256x1xi1>
    %broadcast_in_dim3A_226 = vector.broadcast %broadcast_in_dim3A_225 : vector<256x1xi1> to vector<256x128xi1>
    %broadcast_in_dim3A_227 = vector.broadcast %jit3A_224 : f32 to vector<256x128xf32>
    %select_n3A_228 = arith.select %broadcast_in_dim3A_226, %max3A_42, %broadcast_in_dim3A_227 : vector<256x128xi1>, vector<256x128xf32>
    %reduce_max3A_229 = arith.constant dense<0xFF800000> : vector<128xf32>
    %reduce_max3A_230 = vector.multi_reduction <maximumf>, %select_n3A_228, %reduce_max3A_229 [0] : vector<256x128xf32> to vector<128xf32>
    %broadcast_in_dim3A_231 = vector.shape_cast %reduce_max3A_230 : vector<128xf32> to vector<1x128xf32>
    %get3A_232 = arith.constant 10 : index
    %get3A_233 = arith.constant 0 : index
    %get3A_234 = vector.load %arg15[%get3A_232, %get3A_233] : memref<64x128xf32, #tpu.memory_space<vmem>>, vector<1x128xf32>
    %max3A_235 = arith.maximumf %get3A_234, %broadcast_in_dim3A_231 : vector<1x128xf32>
    %swap3A_236 = arith.constant 10 : index
    %swap3A_237 = arith.constant 0 : index
    %swap3A_238 = vector.load %arg15[%swap3A_236, %swap3A_237] : memref<64x128xf32, #tpu.memory_space<vmem>>, vector<1x128xf32>
    tpu.vector_store %arg15[%swap3A_236, %swap3A_237], %max3A_235 {strides = array<i32>} : memref<64x128xf32, #tpu.memory_space<vmem>>, vector<1x128xf32>,
    %eq3A_239 = arith.constant 11 : i32
    %eq3A_240 = vector.broadcast %eq3A_239 : i32 to vector<256x1xi32>
    %eq3A_241 = arith.cmpi eq, %get3A_45, %eq3A_240 : vector<256x1xi32>
    %jit3A_242 = arith.constant 0xFF800000 : f32
    %broadcast_in_dim3A_243 = vector.shape_cast %eq3A_241 : vector<256x1xi1> to vector<256x1xi1>
    %broadcast_in_dim3A_244 = vector.broadcast %broadcast_in_dim3A_243 : vector<256x1xi1> to vector<256x128xi1>
    %broadcast_in_dim3A_245 = vector.broadcast %jit3A_242 : f32 to vector<256x128xf32>
    %select_n3A_246 = arith.select %broadcast_in_dim3A_244, %max3A_42, %broadcast_in_dim3A_245 : vector<256x128xi1>, vector<256x128xf32>
    %reduce_max3A_247 = arith.constant dense<0xFF800000> : vector<128xf32>
    %reduce_max3A_248 = vector.multi_reduction <maximumf>, %select_n3A_246, %reduce_max3A_247 [0] : vector<256x128xf32> to vector<128xf32>
    %broadcast_in_dim3A_249 = vector.shape_cast %reduce_max3A_248 : vector<128xf32> to vector<1x128xf32>
    %get3A_250 = arith.constant 11 : index
    %get3A_251 = arith.constant 0 : index
    %get3A_252 = vector.load %arg15[%get3A_250, %get3A_251] : memref<64x128xf32, #tpu.memory_space<vmem>>, vector<1x128xf32>
    %max3A_253 = arith.maximumf %get3A_252, %broadcast_in_dim3A_249 : vector<1x128xf32>
    %swap3A_254 = arith.constant 11 : index
    %swap3A_255 = arith.constant 0 : index
    %swap3A_256 = vector.load %arg15[%swap3A_254, %swap3A_255] : memref<64x128xf32, #tpu.memory_space<vmem>>, vector<1x128xf32>
    tpu.vector_store %arg15[%swap3A_254, %swap3A_255], %max3A_253 {strides = array<i32>} : memref<64x128xf32, #tpu.memory_space<vmem>>, vector<1x128xf32>,
    %eq3A_257 = arith.constant 12 : i32
    %eq3A_258 = vector.broadcast %eq3A_257 : i32 to vector<256x1xi32>
    %eq3A_259 = arith.cmpi eq, %get3A_45, %eq3A_258 : vector<256x1xi32>
    %jit3A_260 = arith.constant 0xFF800000 : f32
    %broadcast_in_dim3A_261 = vector.shape_cast %eq3A_259 : vector<256x1xi1> to vector<256x1xi1>
    %broadcast_in_dim3A_262 = vector.broadcast %broadcast_in_dim3A_261 : vector<256x1xi1> to vector<256x128xi1>
    %broadcast_in_dim3A_263 = vector.broadcast %jit3A_260 : f32 to vector<256x128xf32>
    %select_n3A_264 = arith.select %broadcast_in_dim3A_262, %max3A_42, %broadcast_in_dim3A_263 : vector<256x128xi1>, vector<256x128xf32>
    %reduce_max3A_265 = arith.constant dense<0xFF800000> : vector<128xf32>
    %reduce_max3A_266 = vector.multi_reduction <maximumf>, %select_n3A_264, %reduce_max3A_265 [0] : vector<256x128xf32> to vector<128xf32>
    %broadcast_in_dim3A_267 = vector.shape_cast %reduce_max3A_266 : vector<128xf32> to vector<1x128xf32>
    %get3A_268 = arith.constant 12 : index
    %get3A_269 = arith.constant 0 : index
    %get3A_270 = vector.load %arg15[%get3A_268, %get3A_269] : memref<64x128xf32, #tpu.memory_space<vmem>>, vector<1x128xf32>
    %max3A_271 = arith.maximumf %get3A_270, %broadcast_in_dim3A_267 : vector<1x128xf32>
    %swap3A_272 = arith.constant 12 : index
    %swap3A_273 = arith.constant 0 : index
    %swap3A_274 = vector.load %arg15[%swap3A_272, %swap3A_273] : memref<64x128xf32, #tpu.memory_space<vmem>>, vector<1x128xf32>
    tpu.vector_store %arg15[%swap3A_272, %swap3A_273], %max3A_271 {strides = array<i32>} : memref<64x128xf32, #tpu.memory_space<vmem>>, vector<1x128xf32>,
    %eq3A_275 = arith.constant 13 : i32
    %eq3A_276 = vector.broadcast %eq3A_275 : i32 to vector<256x1xi32>
    %eq3A_277 = arith.cmpi eq, %get3A_45, %eq3A_276 : vector<256x1xi32>
    %jit3A_278 = arith.constant 0xFF800000 : f32
    %broadcast_in_dim3A_279 = vector.shape_cast %eq3A_277 : vector<256x1xi1> to vector<256x1xi1>
    %broadcast_in_dim3A_280 = vector.broadcast %broadcast_in_dim3A_279 : vector<256x1xi1> to vector<256x128xi1>
    %broadcast_in_dim3A_281 = vector.broadcast %jit3A_278 : f32 to vector<256x128xf32>
    %select_n3A_282 = arith.select %broadcast_in_dim3A_280, %max3A_42, %broadcast_in_dim3A_281 : vector<256x128xi1>, vector<256x128xf32>
    %reduce_max3A_283 = arith.constant dense<0xFF800000> : vector<128xf32>
    %reduce_max3A_284 = vector.multi_reduction <maximumf>, %select_n3A_282, %reduce_max3A_283 [0] : vector<256x128xf32> to vector<128xf32>
    %broadcast_in_dim3A_285 = vector.shape_cast %reduce_max3A_284 : vector<128xf32> to vector<1x128xf32>
    %get3A_286 = arith.constant 13 : index
    %get3A_287 = arith.constant 0 : index
    %get3A_288 = vector.load %arg15[%get3A_286, %get3A_287] : memref<64x128xf32, #tpu.memory_space<vmem>>, vector<1x128xf32>
    %max3A_289 = arith.maximumf %get3A_288, %broadcast_in_dim3A_285 : vector<1x128xf32>
    %swap3A_290 = arith.constant 13 : index
    %swap3A_291 = arith.constant 0 : index
    %swap3A_292 = vector.load %arg15[%swap3A_290, %swap3A_291] : memref<64x128xf32, #tpu.memory_space<vmem>>, vector<1x128xf32>
    tpu.vector_store %arg15[%swap3A_290, %swap3A_291], %max3A_289 {strides = array<i32>} : memref<64x128xf32, #tpu.memory_space<vmem>>, vector<1x128xf32>,
    %eq3A_293 = arith.constant 14 : i32
    %eq3A_294 = vector.broadcast %eq3A_293 : i32 to vector<256x1xi32>
    %eq3A_295 = arith.cmpi eq, %get3A_45, %eq3A_294 : vector<256x1xi32>
    %jit3A_296 = arith.constant 0xFF800000 : f32
    %broadcast_in_dim3A_297 = vector.shape_cast %eq3A_295 : vector<256x1xi1> to vector<256x1xi1>
    %broadcast_in_dim3A_298 = vector.broadcast %broadcast_in_dim3A_297 : vector<256x1xi1> to vector<256x128xi1>
    %broadcast_in_dim3A_299 = vector.broadcast %jit3A_296 : f32 to vector<256x128xf32>
    %select_n3A_300 = arith.select %broadcast_in_dim3A_298, %max3A_42, %broadcast_in_dim3A_299 : vector<256x128xi1>, vector<256x128xf32>
    %reduce_max3A_301 = arith.constant dense<0xFF800000> : vector<128xf32>
    %reduce_max3A_302 = vector.multi_reduction <maximumf>, %select_n3A_300, %reduce_max3A_301 [0] : vector<256x128xf32> to vector<128xf32>
    %broadcast_in_dim3A_303 = vector.shape_cast %reduce_max3A_302 : vector<128xf32> to vector<1x128xf32>
    %get3A_304 = arith.constant 14 : index
    %get3A_305 = arith.constant 0 : index
    %get3A_306 = vector.load %arg15[%get3A_304, %get3A_305] : memref<64x128xf32, #tpu.memory_space<vmem>>, vector<1x128xf32>
    %max3A_307 = arith.maximumf %get3A_306, %broadcast_in_dim3A_303 : vector<1x128xf32>
    %swap3A_308 = arith.constant 14 : index
    %swap3A_309 = arith.constant 0 : index
    %swap3A_310 = vector.load %arg15[%swap3A_308, %swap3A_309] : memref<64x128xf32, #tpu.memory_space<vmem>>, vector<1x128xf32>
    tpu.vector_store %arg15[%swap3A_308, %swap3A_309], %max3A_307 {strides = array<i32>} : memref<64x128xf32, #tpu.memory_space<vmem>>, vector<1x128xf32>,
    %eq3A_311 = arith.constant 15 : i32
    %eq3A_312 = vector.broadcast %eq3A_311 : i32 to vector<256x1xi32>
    %eq3A_313 = arith.cmpi eq, %get3A_45, %eq3A_312 : vector<256x1xi32>
    %jit3A_314 = arith.constant 0xFF800000 : f32
    %broadcast_in_dim3A_315 = vector.shape_cast %eq3A_313 : vector<256x1xi1> to vector<256x1xi1>
    %broadcast_in_dim3A_316 = vector.broadcast %broadcast_in_dim3A_315 : vector<256x1xi1> to vector<256x128xi1>
    %broadcast_in_dim3A_317 = vector.broadcast %jit3A_314 : f32 to vector<256x128xf32>
    %select_n3A_318 = arith.select %broadcast_in_dim3A_316, %max3A_42, %broadcast_in_dim3A_317 : vector<256x128xi1>, vector<256x128xf32>
    %reduce_max3A_319 = arith.constant dense<0xFF800000> : vector<128xf32>
    %reduce_max3A_320 = vector.multi_reduction <maximumf>, %select_n3A_318, %reduce_max3A_319 [0] : vector<256x128xf32> to vector<128xf32>
    %broadcast_in_dim3A_321 = vector.shape_cast %reduce_max3A_320 : vector<128xf32> to vector<1x128xf32>
    %get3A_322 = arith.constant 15 : index
    %get3A_323 = arith.constant 0 : index
    %get3A_324 = vector.load %arg15[%get3A_322, %get3A_323] : memref<64x128xf32, #tpu.memory_space<vmem>>, vector<1x128xf32>
    %max3A_325 = arith.maximumf %get3A_324, %broadcast_in_dim3A_321 : vector<1x128xf32>
    %swap3A_326 = arith.constant 15 : index
    %swap3A_327 = arith.constant 0 : index
    %swap3A_328 = vector.load %arg15[%swap3A_326, %swap3A_327] : memref<64x128xf32, #tpu.memory_space<vmem>>, vector<1x128xf32>
    tpu.vector_store %arg15[%swap3A_326, %swap3A_327], %max3A_325 {strides = array<i32>} : memref<64x128xf32, #tpu.memory_space<vmem>>, vector<1x128xf32>,
    %eq3A_329 = arith.constant 16 : i32
    %eq3A_330 = vector.broadcast %eq3A_329 : i32 to vector<256x1xi32>
    %eq3A_331 = arith.cmpi eq, %get3A_45, %eq3A_330 : vector<256x1xi32>
    %jit3A_332 = arith.constant 0xFF800000 : f32
    %broadcast_in_dim3A_333 = vector.shape_cast %eq3A_331 : vector<256x1xi1> to vector<256x1xi1>
    %broadcast_in_dim3A_334 = vector.broadcast %broadcast_in_dim3A_333 : vector<256x1xi1> to vector<256x128xi1>
    %broadcast_in_dim3A_335 = vector.broadcast %jit3A_332 : f32 to vector<256x128xf32>
    %select_n3A_336 = arith.select %broadcast_in_dim3A_334, %max3A_42, %broadcast_in_dim3A_335 : vector<256x128xi1>, vector<256x128xf32>
    %reduce_max3A_337 = arith.constant dense<0xFF800000> : vector<128xf32>
    %reduce_max3A_338 = vector.multi_reduction <maximumf>, %select_n3A_336, %reduce_max3A_337 [0] : vector<256x128xf32> to vector<128xf32>
    %broadcast_in_dim3A_339 = vector.shape_cast %reduce_max3A_338 : vector<128xf32> to vector<1x128xf32>
    %get3A_340 = arith.constant 16 : index
    %get3A_341 = arith.constant 0 : index
    %get3A_342 = vector.load %arg15[%get3A_340, %get3A_341] : memref<64x128xf32, #tpu.memory_space<vmem>>, vector<1x128xf32>
    %max3A_343 = arith.maximumf %get3A_342, %broadcast_in_dim3A_339 : vector<1x128xf32>
    %swap3A_344 = arith.constant 16 : index
    %swap3A_345 = arith.constant 0 : index
    %swap3A_346 = vector.load %arg15[%swap3A_344, %swap3A_345] : memref<64x128xf32, #tpu.memory_space<vmem>>, vector<1x128xf32>
    tpu.vector_store %arg15[%swap3A_344, %swap3A_345], %max3A_343 {strides = array<i32>} : memref<64x128xf32, #tpu.memory_space<vmem>>, vector<1x128xf32>,
    %eq3A_347 = arith.constant 17 : i32
    %eq3A_348 = vector.broadcast %eq3A_347 : i32 to vector<256x1xi32>
    %eq3A_349 = arith.cmpi eq, %get3A_45, %eq3A_348 : vector<256x1xi32>
    %jit3A_350 = arith.constant 0xFF800000 : f32
    %broadcast_in_dim3A_351 = vector.shape_cast %eq3A_349 : vector<256x1xi1> to vector<256x1xi1>
    %broadcast_in_dim3A_352 = vector.broadcast %broadcast_in_dim3A_351 : vector<256x1xi1> to vector<256x128xi1>
    %broadcast_in_dim3A_353 = vector.broadcast %jit3A_350 : f32 to vector<256x128xf32>
    %select_n3A_354 = arith.select %broadcast_in_dim3A_352, %max3A_42, %broadcast_in_dim3A_353 : vector<256x128xi1>, vector<256x128xf32>
    %reduce_max3A_355 = arith.constant dense<0xFF800000> : vector<128xf32>
    %reduce_max3A_356 = vector.multi_reduction <maximumf>, %select_n3A_354, %reduce_max3A_355 [0] : vector<256x128xf32> to vector<128xf32>
    %broadcast_in_dim3A_357 = vector.shape_cast %reduce_max3A_356 : vector<128xf32> to vector<1x128xf32>
    %get3A_358 = arith.constant 17 : index
    %get3A_359 = arith.constant 0 : index
    %get3A_360 = vector.load %arg15[%get3A_358, %get3A_359] : memref<64x128xf32, #tpu.memory_space<vmem>>, vector<1x128xf32>
    %max3A_361 = arith.maximumf %get3A_360, %broadcast_in_dim3A_357 : vector<1x128xf32>
    %swap3A_362 = arith.constant 17 : index
    %swap3A_363 = arith.constant 0 : index
    %swap3A_364 = vector.load %arg15[%swap3A_362, %swap3A_363] : memref<64x128xf32, #tpu.memory_space<vmem>>, vector<1x128xf32>
    tpu.vector_store %arg15[%swap3A_362, %swap3A_363], %max3A_361 {strides = array<i32>} : memref<64x128xf32, #tpu.memory_space<vmem>>, vector<1x128xf32>,
    %eq3A_365 = arith.constant 18 : i32
    %eq3A_366 = vector.broadcast %eq3A_365 : i32 to vector<256x1xi32>
    %eq3A_367 = arith.cmpi eq, %get3A_45, %eq3A_366 : vector<256x1xi32>
    %jit3A_368 = arith.constant 0xFF800000 : f32
    %broadcast_in_dim3A_369 = vector.shape_cast %eq3A_367 : vector<256x1xi1> to vector<256x1xi1>
    %broadcast_in_dim3A_370 = vector.broadcast %broadcast_in_dim3A_369 : vector<256x1xi1> to vector<256x128xi1>
    %broadcast_in_dim3A_371 = vector.broadcast %jit3A_368 : f32 to vector<256x128xf32>
    %select_n3A_372 = arith.select %broadcast_in_dim3A_370, %max3A_42, %broadcast_in_dim3A_371 : vector<256x128xi1>, vector<256x128xf32>
    %reduce_max3A_373 = arith.constant dense<0xFF800000> : vector<128xf32>
    %reduce_max3A_374 = vector.multi_reduction <maximumf>, %select_n3A_372, %reduce_max3A_373 [0] : vector<256x128xf32> to vector<128xf32>
    %broadcast_in_dim3A_375 = vector.shape_cast %reduce_max3A_374 : vector<128xf32> to vector<1x128xf32>
    %get3A_376 = arith.constant 18 : index
    %get3A_377 = arith.constant 0 : index
    %get3A_378 = vector.load %arg15[%get3A_376, %get3A_377] : memref<64x128xf32, #tpu.memory_space<vmem>>, vector<1x128xf32>
    %max3A_379 = arith.maximumf %get3A_378, %broadcast_in_dim3A_375 : vector<1x128xf32>
    %swap3A_380 = arith.constant 18 : index
    %swap3A_381 = arith.constant 0 : index
    %swap3A_382 = vector.load %arg15[%swap3A_380, %swap3A_381] : memref<64x128xf32, #tpu.memory_space<vmem>>, vector<1x128xf32>
    tpu.vector_store %arg15[%swap3A_380, %swap3A_381], %max3A_379 {strides = array<i32>} : memref<64x128xf32, #tpu.memory_space<vmem>>, vector<1x128xf32>,
    %eq3A_383 = arith.constant 19 : i32
    %eq3A_384 = vector.broadcast %eq3A_383 : i32 to vector<256x1xi32>
    %eq3A_385 = arith.cmpi eq, %get3A_45, %eq3A_384 : vector<256x1xi32>
    %jit3A_386 = arith.constant 0xFF800000 : f32
    %broadcast_in_dim3A_387 = vector.shape_cast %eq3A_385 : vector<256x1xi1> to vector<256x1xi1>
    %broadcast_in_dim3A_388 = vector.broadcast %broadcast_in_dim3A_387 : vector<256x1xi1> to vector<256x128xi1>
    %broadcast_in_dim3A_389 = vector.broadcast %jit3A_386 : f32 to vector<256x128xf32>
    %select_n3A_390 = arith.select %broadcast_in_dim3A_388, %max3A_42, %broadcast_in_dim3A_389 : vector<256x128xi1>, vector<256x128xf32>
    %reduce_max3A_391 = arith.constant dense<0xFF800000> : vector<128xf32>
    %reduce_max3A_392 = vector.multi_reduction <maximumf>, %select_n3A_390, %reduce_max3A_391 [0] : vector<256x128xf32> to vector<128xf32>
    %broadcast_in_dim3A_393 = vector.shape_cast %reduce_max3A_392 : vector<128xf32> to vector<1x128xf32>
    %get3A_394 = arith.constant 19 : index
    %get3A_395 = arith.constant 0 : index
    %get3A_396 = vector.load %arg15[%get3A_394, %get3A_395] : memref<64x128xf32, #tpu.memory_space<vmem>>, vector<1x128xf32>
    %max3A_397 = arith.maximumf %get3A_396, %broadcast_in_dim3A_393 : vector<1x128xf32>
    %swap3A_398 = arith.constant 19 : index
    %swap3A_399 = arith.constant 0 : index
    %swap3A_400 = vector.load %arg15[%swap3A_398, %swap3A_399] : memref<64x128xf32, #tpu.memory_space<vmem>>, vector<1x128xf32>
    tpu.vector_store %arg15[%swap3A_398, %swap3A_399], %max3A_397 {strides = array<i32>} : memref<64x128xf32, #tpu.memory_space<vmem>>, vector<1x128xf32>,
    %eq3A_401 = arith.constant 20 : i32
    %eq3A_402 = vector.broadcast %eq3A_401 : i32 to vector<256x1xi32>
    %eq3A_403 = arith.cmpi eq, %get3A_45, %eq3A_402 : vector<256x1xi32>
    %jit3A_404 = arith.constant 0xFF800000 : f32
    %broadcast_in_dim3A_405 = vector.shape_cast %eq3A_403 : vector<256x1xi1> to vector<256x1xi1>
    %broadcast_in_dim3A_406 = vector.broadcast %broadcast_in_dim3A_405 : vector<256x1xi1> to vector<256x128xi1>
    %broadcast_in_dim3A_407 = vector.broadcast %jit3A_404 : f32 to vector<256x128xf32>
    %select_n3A_408 = arith.select %broadcast_in_dim3A_406, %max3A_42, %broadcast_in_dim3A_407 : vector<256x128xi1>, vector<256x128xf32>
    %reduce_max3A_409 = arith.constant dense<0xFF800000> : vector<128xf32>
    %reduce_max3A_410 = vector.multi_reduction <maximumf>, %select_n3A_408, %reduce_max3A_409 [0] : vector<256x128xf32> to vector<128xf32>
    %broadcast_in_dim3A_411 = vector.shape_cast %reduce_max3A_410 : vector<128xf32> to vector<1x128xf32>
    %get3A_412 = arith.constant 20 : index
    %get3A_413 = arith.constant 0 : index
    %get3A_414 = vector.load %arg15[%get3A_412, %get3A_413] : memref<64x128xf32, #tpu.memory_space<vmem>>, vector<1x128xf32>
    %max3A_415 = arith.maximumf %get3A_414, %broadcast_in_dim3A_411 : vector<1x128xf32>
    %swap3A_416 = arith.constant 20 : index
    %swap3A_417 = arith.constant 0 : index
    %swap3A_418 = vector.load %arg15[%swap3A_416, %swap3A_417] : memref<64x128xf32, #tpu.memory_space<vmem>>, vector<1x128xf32>
    tpu.vector_store %arg15[%swap3A_416, %swap3A_417], %max3A_415 {strides = array<i32>} : memref<64x128xf32, #tpu.memory_space<vmem>>, vector<1x128xf32>,
    %eq3A_419 = arith.constant 21 : i32
    %eq3A_420 = vector.broadcast %eq3A_419 : i32 to vector<256x1xi32>
    %eq3A_421 = arith.cmpi eq, %get3A_45, %eq3A_420 : vector<256x1xi32>
    %jit3A_422 = arith.constant 0xFF800000 : f32
    %broadcast_in_dim3A_423 = vector.shape_cast %eq3A_421 : vector<256x1xi1> to vector<256x1xi1>
    %broadcast_in_dim3A_424 = vector.broadcast %broadcast_in_dim3A_423 : vector<256x1xi1> to vector<256x128xi1>
    %broadcast_in_dim3A_425 = vector.broadcast %jit3A_422 : f32 to vector<256x128xf32>
    %select_n3A_426 = arith.select %broadcast_in_dim3A_424, %max3A_42, %broadcast_in_dim3A_425 : vector<256x128xi1>, vector<256x128xf32>
    %reduce_max3A_427 = arith.constant dense<0xFF800000> : vector<128xf32>
    %reduce_max3A_428 = vector.multi_reduction <maximumf>, %select_n3A_426, %reduce_max3A_427 [0] : vector<256x128xf32> to vector<128xf32>
    %broadcast_in_dim3A_429 = vector.shape_cast %reduce_max3A_428 : vector<128xf32> to vector<1x128xf32>
    %get3A_430 = arith.constant 21 : index
    %get3A_431 = arith.constant 0 : index
    %get3A_432 = vector.load %arg15[%get3A_430, %get3A_431] : memref<64x128xf32, #tpu.memory_space<vmem>>, vector<1x128xf32>
    %max3A_433 = arith.maximumf %get3A_432, %broadcast_in_dim3A_429 : vector<1x128xf32>
    %swap3A_434 = arith.constant 21 : index
    %swap3A_435 = arith.constant 0 : index
    %swap3A_436 = vector.load %arg15[%swap3A_434, %swap3A_435] : memref<64x128xf32, #tpu.memory_space<vmem>>, vector<1x128xf32>
    tpu.vector_store %arg15[%swap3A_434, %swap3A_435], %max3A_433 {strides = array<i32>} : memref<64x128xf32, #tpu.memory_space<vmem>>, vector<1x128xf32>,
    %eq3A_437 = arith.constant 22 : i32
    %eq3A_438 = vector.broadcast %eq3A_437 : i32 to vector<256x1xi32>
    %eq3A_439 = arith.cmpi eq, %get3A_45, %eq3A_438 : vector<256x1xi32>
    %jit3A_440 = arith.constant 0xFF800000 : f32
    %broadcast_in_dim3A_441 = vector.shape_cast %eq3A_439 : vector<256x1xi1> to vector<256x1xi1>
    %broadcast_in_dim3A_442 = vector.broadcast %broadcast_in_dim3A_441 : vector<256x1xi1> to vector<256x128xi1>
    %broadcast_in_dim3A_443 = vector.broadcast %jit3A_440 : f32 to vector<256x128xf32>
    %select_n3A_444 = arith.select %broadcast_in_dim3A_442, %max3A_42, %broadcast_in_dim3A_443 : vector<256x128xi1>, vector<256x128xf32>
    %reduce_max3A_445 = arith.constant dense<0xFF800000> : vector<128xf32>
    %reduce_max3A_446 = vector.multi_reduction <maximumf>, %select_n3A_444, %reduce_max3A_445 [0] : vector<256x128xf32> to vector<128xf32>
    %broadcast_in_dim3A_447 = vector.shape_cast %reduce_max3A_446 : vector<128xf32> to vector<1x128xf32>
    %get3A_448 = arith.constant 22 : index
    %get3A_449 = arith.constant 0 : index
    %get3A_450 = vector.load %arg15[%get3A_448, %get3A_449] : memref<64x128xf32, #tpu.memory_space<vmem>>, vector<1x128xf32>
    %max3A_451 = arith.maximumf %get3A_450, %broadcast_in_dim3A_447 : vector<1x128xf32>
    %swap3A_452 = arith.constant 22 : index
    %swap3A_453 = arith.constant 0 : index
    %swap3A_454 = vector.load %arg15[%swap3A_452, %swap3A_453] : memref<64x128xf32, #tpu.memory_space<vmem>>, vector<1x128xf32>
    tpu.vector_store %arg15[%swap3A_452, %swap3A_453], %max3A_451 {strides = array<i32>} : memref<64x128xf32, #tpu.memory_space<vmem>>, vector<1x128xf32>,
    %eq3A_455 = arith.constant 23 : i32
    %eq3A_456 = vector.broadcast %eq3A_455 : i32 to vector<256x1xi32>
    %eq3A_457 = arith.cmpi eq, %get3A_45, %eq3A_456 : vector<256x1xi32>
    %jit3A_458 = arith.constant 0xFF800000 : f32
    %broadcast_in_dim3A_459 = vector.shape_cast %eq3A_457 : vector<256x1xi1> to vector<256x1xi1>
    %broadcast_in_dim3A_460 = vector.broadcast %broadcast_in_dim3A_459 : vector<256x1xi1> to vector<256x128xi1>
    %broadcast_in_dim3A_461 = vector.broadcast %jit3A_458 : f32 to vector<256x128xf32>
    %select_n3A_462 = arith.select %broadcast_in_dim3A_460, %max3A_42, %broadcast_in_dim3A_461 : vector<256x128xi1>, vector<256x128xf32>
    %reduce_max3A_463 = arith.constant dense<0xFF800000> : vector<128xf32>
    %reduce_max3A_464 = vector.multi_reduction <maximumf>, %select_n3A_462, %reduce_max3A_463 [0] : vector<256x128xf32> to vector<128xf32>
    %broadcast_in_dim3A_465 = vector.shape_cast %reduce_max3A_464 : vector<128xf32> to vector<1x128xf32>
    %get3A_466 = arith.constant 23 : index
    %get3A_467 = arith.constant 0 : index
    %get3A_468 = vector.load %arg15[%get3A_466, %get3A_467] : memref<64x128xf32, #tpu.memory_space<vmem>>, vector<1x128xf32>
    %max3A_469 = arith.maximumf %get3A_468, %broadcast_in_dim3A_465 : vector<1x128xf32>
    %swap3A_470 = arith.constant 23 : index
    %swap3A_471 = arith.constant 0 : index
    %swap3A_472 = vector.load %arg15[%swap3A_470, %swap3A_471] : memref<64x128xf32, #tpu.memory_space<vmem>>, vector<1x128xf32>
    tpu.vector_store %arg15[%swap3A_470, %swap3A_471], %max3A_469 {strides = array<i32>} : memref<64x128xf32, #tpu.memory_space<vmem>>, vector<1x128xf32>,
    %eq3A_473 = arith.constant 24 : i32
    %eq3A_474 = vector.broadcast %eq3A_473 : i32 to vector<256x1xi32>
    %eq3A_475 = arith.cmpi eq, %get3A_45, %eq3A_474 : vector<256x1xi32>
    %jit3A_476 = arith.constant 0xFF800000 : f32
    %broadcast_in_dim3A_477 = vector.shape_cast %eq3A_475 : vector<256x1xi1> to vector<256x1xi1>
    %broadcast_in_dim3A_478 = vector.broadcast %broadcast_in_dim3A_477 : vector<256x1xi1> to vector<256x128xi1>
    %broadcast_in_dim3A_479 = vector.broadcast %jit3A_476 : f32 to vector<256x128xf32>
    %select_n3A_480 = arith.select %broadcast_in_dim3A_478, %max3A_42, %broadcast_in_dim3A_479 : vector<256x128xi1>, vector<256x128xf32>
    %reduce_max3A_481 = arith.constant dense<0xFF800000> : vector<128xf32>
    %reduce_max3A_482 = vector.multi_reduction <maximumf>, %select_n3A_480, %reduce_max3A_481 [0] : vector<256x128xf32> to vector<128xf32>
    %broadcast_in_dim3A_483 = vector.shape_cast %reduce_max3A_482 : vector<128xf32> to vector<1x128xf32>
    %get3A_484 = arith.constant 24 : index
    %get3A_485 = arith.constant 0 : index
    %get3A_486 = vector.load %arg15[%get3A_484, %get3A_485] : memref<64x128xf32, #tpu.memory_space<vmem>>, vector<1x128xf32>
    %max3A_487 = arith.maximumf %get3A_486, %broadcast_in_dim3A_483 : vector<1x128xf32>
    %swap3A_488 = arith.constant 24 : index
    %swap3A_489 = arith.constant 0 : index
    %swap3A_490 = vector.load %arg15[%swap3A_488, %swap3A_489] : memref<64x128xf32, #tpu.memory_space<vmem>>, vector<1x128xf32>
    tpu.vector_store %arg15[%swap3A_488, %swap3A_489], %max3A_487 {strides = array<i32>} : memref<64x128xf32, #tpu.memory_space<vmem>>, vector<1x128xf32>,
    %eq3A_491 = arith.constant 25 : i32
    %eq3A_492 = vector.broadcast %eq3A_491 : i32 to vector<256x1xi32>
    %eq3A_493 = arith.cmpi eq, %get3A_45, %eq3A_492 : vector<256x1xi32>
    %jit3A_494 = arith.constant 0xFF800000 : f32
    %broadcast_in_dim3A_495 = vector.shape_cast %eq3A_493 : vector<256x1xi1> to vector<256x1xi1>
    %broadcast_in_dim3A_496 = vector.broadcast %broadcast_in_dim3A_495 : vector<256x1xi1> to vector<256x128xi1>
    %broadcast_in_dim3A_497 = vector.broadcast %jit3A_494 : f32 to vector<256x128xf32>
    %select_n3A_498 = arith.select %broadcast_in_dim3A_496, %max3A_42, %broadcast_in_dim3A_497 : vector<256x128xi1>, vector<256x128xf32>
    %reduce_max3A_499 = arith.constant dense<0xFF800000> : vector<128xf32>
    %reduce_max3A_500 = vector.multi_reduction <maximumf>, %select_n3A_498, %reduce_max3A_499 [0] : vector<256x128xf32> to vector<128xf32>
    %broadcast_in_dim3A_501 = vector.shape_cast %reduce_max3A_500 : vector<128xf32> to vector<1x128xf32>
    %get3A_502 = arith.constant 25 : index
    %get3A_503 = arith.constant 0 : index
    %get3A_504 = vector.load %arg15[%get3A_502, %get3A_503] : memref<64x128xf32, #tpu.memory_space<vmem>>, vector<1x128xf32>
    %max3A_505 = arith.maximumf %get3A_504, %broadcast_in_dim3A_501 : vector<1x128xf32>
    %swap3A_506 = arith.constant 25 : index
    %swap3A_507 = arith.constant 0 : index
    %swap3A_508 = vector.load %arg15[%swap3A_506, %swap3A_507] : memref<64x128xf32, #tpu.memory_space<vmem>>, vector<1x128xf32>
    tpu.vector_store %arg15[%swap3A_506, %swap3A_507], %max3A_505 {strides = array<i32>} : memref<64x128xf32, #tpu.memory_space<vmem>>, vector<1x128xf32>,
    %eq3A_509 = arith.constant 26 : i32
    %eq3A_510 = vector.broadcast %eq3A_509 : i32 to vector<256x1xi32>
    %eq3A_511 = arith.cmpi eq, %get3A_45, %eq3A_510 : vector<256x1xi32>
    %jit3A_512 = arith.constant 0xFF800000 : f32
    %broadcast_in_dim3A_513 = vector.shape_cast %eq3A_511 : vector<256x1xi1> to vector<256x1xi1>
    %broadcast_in_dim3A_514 = vector.broadcast %broadcast_in_dim3A_513 : vector<256x1xi1> to vector<256x128xi1>
    %broadcast_in_dim3A_515 = vector.broadcast %jit3A_512 : f32 to vector<256x128xf32>
    %select_n3A_516 = arith.select %broadcast_in_dim3A_514, %max3A_42, %broadcast_in_dim3A_515 : vector<256x128xi1>, vector<256x128xf32>
    %reduce_max3A_517 = arith.constant dense<0xFF800000> : vector<128xf32>
    %reduce_max3A_518 = vector.multi_reduction <maximumf>, %select_n3A_516, %reduce_max3A_517 [0] : vector<256x128xf32> to vector<128xf32>
    %broadcast_in_dim3A_519 = vector.shape_cast %reduce_max3A_518 : vector<128xf32> to vector<1x128xf32>
    %get3A_520 = arith.constant 26 : index
    %get3A_521 = arith.constant 0 : index
    %get3A_522 = vector.load %arg15[%get3A_520, %get3A_521] : memref<64x128xf32, #tpu.memory_space<vmem>>, vector<1x128xf32>
    %max3A_523 = arith.maximumf %get3A_522, %broadcast_in_dim3A_519 : vector<1x128xf32>
    %swap3A_524 = arith.constant 26 : index
    %swap3A_525 = arith.constant 0 : index
    %swap3A_526 = vector.load %arg15[%swap3A_524, %swap3A_525] : memref<64x128xf32, #tpu.memory_space<vmem>>, vector<1x128xf32>
    tpu.vector_store %arg15[%swap3A_524, %swap3A_525], %max3A_523 {strides = array<i32>} : memref<64x128xf32, #tpu.memory_space<vmem>>, vector<1x128xf32>,
    %eq3A_527 = arith.constant 27 : i32
    %eq3A_528 = vector.broadcast %eq3A_527 : i32 to vector<256x1xi32>
    %eq3A_529 = arith.cmpi eq, %get3A_45, %eq3A_528 : vector<256x1xi32>
    %jit3A_530 = arith.constant 0xFF800000 : f32
    %broadcast_in_dim3A_531 = vector.shape_cast %eq3A_529 : vector<256x1xi1> to vector<256x1xi1>
    %broadcast_in_dim3A_532 = vector.broadcast %broadcast_in_dim3A_531 : vector<256x1xi1> to vector<256x128xi1>
    %broadcast_in_dim3A_533 = vector.broadcast %jit3A_530 : f32 to vector<256x128xf32>
    %select_n3A_534 = arith.select %broadcast_in_dim3A_532, %max3A_42, %broadcast_in_dim3A_533 : vector<256x128xi1>, vector<256x128xf32>
    %reduce_max3A_535 = arith.constant dense<0xFF800000> : vector<128xf32>
    %reduce_max3A_536 = vector.multi_reduction <maximumf>, %select_n3A_534, %reduce_max3A_535 [0] : vector<256x128xf32> to vector<128xf32>
    %broadcast_in_dim3A_537 = vector.shape_cast %reduce_max3A_536 : vector<128xf32> to vector<1x128xf32>
    %get3A_538 = arith.constant 27 : index
    %get3A_539 = arith.constant 0 : index
    %get3A_540 = vector.load %arg15[%get3A_538, %get3A_539] : memref<64x128xf32, #tpu.memory_space<vmem>>, vector<1x128xf32>
    %max3A_541 = arith.maximumf %get3A_540, %broadcast_in_dim3A_537 : vector<1x128xf32>
    %swap3A_542 = arith.constant 27 : index
    %swap3A_543 = arith.constant 0 : index
    %swap3A_544 = vector.load %arg15[%swap3A_542, %swap3A_543] : memref<64x128xf32, #tpu.memory_space<vmem>>, vector<1x128xf32>
    tpu.vector_store %arg15[%swap3A_542, %swap3A_543], %max3A_541 {strides = array<i32>} : memref<64x128xf32, #tpu.memory_space<vmem>>, vector<1x128xf32>,
    %eq3A_545 = arith.constant 28 : i32
    %eq3A_546 = vector.broadcast %eq3A_545 : i32 to vector<256x1xi32>
    %eq3A_547 = arith.cmpi eq, %get3A_45, %eq3A_546 : vector<256x1xi32>
    %jit3A_548 = arith.constant 0xFF800000 : f32
    %broadcast_in_dim3A_549 = vector.shape_cast %eq3A_547 : vector<256x1xi1> to vector<256x1xi1>
    %broadcast_in_dim3A_550 = vector.broadcast %broadcast_in_dim3A_549 : vector<256x1xi1> to vector<256x128xi1>
    %broadcast_in_dim3A_551 = vector.broadcast %jit3A_548 : f32 to vector<256x128xf32>
    %select_n3A_552 = arith.select %broadcast_in_dim3A_550, %max3A_42, %broadcast_in_dim3A_551 : vector<256x128xi1>, vector<256x128xf32>
    %reduce_max3A_553 = arith.constant dense<0xFF800000> : vector<128xf32>
    %reduce_max3A_554 = vector.multi_reduction <maximumf>, %select_n3A_552, %reduce_max3A_553 [0] : vector<256x128xf32> to vector<128xf32>
    %broadcast_in_dim3A_555 = vector.shape_cast %reduce_max3A_554 : vector<128xf32> to vector<1x128xf32>
    %get3A_556 = arith.constant 28 : index
    %get3A_557 = arith.constant 0 : index
    %get3A_558 = vector.load %arg15[%get3A_556, %get3A_557] : memref<64x128xf32, #tpu.memory_space<vmem>>, vector<1x128xf32>
    %max3A_559 = arith.maximumf %get3A_558, %broadcast_in_dim3A_555 : vector<1x128xf32>
    %swap3A_560 = arith.constant 28 : index
    %swap3A_561 = arith.constant 0 : index
    %swap3A_562 = vector.load %arg15[%swap3A_560, %swap3A_561] : memref<64x128xf32, #tpu.memory_space<vmem>>, vector<1x128xf32>
    tpu.vector_store %arg15[%swap3A_560, %swap3A_561], %max3A_559 {strides = array<i32>} : memref<64x128xf32, #tpu.memory_space<vmem>>, vector<1x128xf32>,
    %eq3A_563 = arith.constant 29 : i32
    %eq3A_564 = vector.broadcast %eq3A_563 : i32 to vector<256x1xi32>
    %eq3A_565 = arith.cmpi eq, %get3A_45, %eq3A_564 : vector<256x1xi32>
    %jit3A_566 = arith.constant 0xFF800000 : f32
    %broadcast_in_dim3A_567 = vector.shape_cast %eq3A_565 : vector<256x1xi1> to vector<256x1xi1>
    %broadcast_in_dim3A_568 = vector.broadcast %broadcast_in_dim3A_567 : vector<256x1xi1> to vector<256x128xi1>
    %broadcast_in_dim3A_569 = vector.broadcast %jit3A_566 : f32 to vector<256x128xf32>
    %select_n3A_570 = arith.select %broadcast_in_dim3A_568, %max3A_42, %broadcast_in_dim3A_569 : vector<256x128xi1>, vector<256x128xf32>
    %reduce_max3A_571 = arith.constant dense<0xFF800000> : vector<128xf32>
    %reduce_max3A_572 = vector.multi_reduction <maximumf>, %select_n3A_570, %reduce_max3A_571 [0] : vector<256x128xf32> to vector<128xf32>
    %broadcast_in_dim3A_573 = vector.shape_cast %reduce_max3A_572 : vector<128xf32> to vector<1x128xf32>
    %get3A_574 = arith.constant 29 : index
    %get3A_575 = arith.constant 0 : index
    %get3A_576 = vector.load %arg15[%get3A_574, %get3A_575] : memref<64x128xf32, #tpu.memory_space<vmem>>, vector<1x128xf32>
    %max3A_577 = arith.maximumf %get3A_576, %broadcast_in_dim3A_573 : vector<1x128xf32>
    %swap3A_578 = arith.constant 29 : index
    %swap3A_579 = arith.constant 0 : index
    %swap3A_580 = vector.load %arg15[%swap3A_578, %swap3A_579] : memref<64x128xf32, #tpu.memory_space<vmem>>, vector<1x128xf32>
    tpu.vector_store %arg15[%swap3A_578, %swap3A_579], %max3A_577 {strides = array<i32>} : memref<64x128xf32, #tpu.memory_space<vmem>>, vector<1x128xf32>,
    %eq3A_581 = arith.constant 30 : i32
    %eq3A_582 = vector.broadcast %eq3A_581 : i32 to vector<256x1xi32>
    %eq3A_583 = arith.cmpi eq, %get3A_45, %eq3A_582 : vector<256x1xi32>
    %jit3A_584 = arith.constant 0xFF800000 : f32
    %broadcast_in_dim3A_585 = vector.shape_cast %eq3A_583 : vector<256x1xi1> to vector<256x1xi1>
    %broadcast_in_dim3A_586 = vector.broadcast %broadcast_in_dim3A_585 : vector<256x1xi1> to vector<256x128xi1>
    %broadcast_in_dim3A_587 = vector.broadcast %jit3A_584 : f32 to vector<256x128xf32>
    %select_n3A_588 = arith.select %broadcast_in_dim3A_586, %max3A_42, %broadcast_in_dim3A_587 : vector<256x128xi1>, vector<256x128xf32>
    %reduce_max3A_589 = arith.constant dense<0xFF800000> : vector<128xf32>
    %reduce_max3A_590 = vector.multi_reduction <maximumf>, %select_n3A_588, %reduce_max3A_589 [0] : vector<256x128xf32> to vector<128xf32>
    %broadcast_in_dim3A_591 = vector.shape_cast %reduce_max3A_590 : vector<128xf32> to vector<1x128xf32>
    %get3A_592 = arith.constant 30 : index
    %get3A_593 = arith.constant 0 : index
    %get3A_594 = vector.load %arg15[%get3A_592, %get3A_593] : memref<64x128xf32, #tpu.memory_space<vmem>>, vector<1x128xf32>
    %max3A_595 = arith.maximumf %get3A_594, %broadcast_in_dim3A_591 : vector<1x128xf32>
    %swap3A_596 = arith.constant 30 : index
    %swap3A_597 = arith.constant 0 : index
    %swap3A_598 = vector.load %arg15[%swap3A_596, %swap3A_597] : memref<64x128xf32, #tpu.memory_space<vmem>>, vector<1x128xf32>
    tpu.vector_store %arg15[%swap3A_596, %swap3A_597], %max3A_595 {strides = array<i32>} : memref<64x128xf32, #tpu.memory_space<vmem>>, vector<1x128xf32>,
    %eq3A_599 = arith.constant 31 : i32
    %eq3A_600 = vector.broadcast %eq3A_599 : i32 to vector<256x1xi32>
    %eq3A_601 = arith.cmpi eq, %get3A_45, %eq3A_600 : vector<256x1xi32>
    %jit3A_602 = arith.constant 0xFF800000 : f32
    %broadcast_in_dim3A_603 = vector.shape_cast %eq3A_601 : vector<256x1xi1> to vector<256x1xi1>
    %broadcast_in_dim3A_604 = vector.broadcast %broadcast_in_dim3A_603 : vector<256x1xi1> to vector<256x128xi1>
    %broadcast_in_dim3A_605 = vector.broadcast %jit3A_602 : f32 to vector<256x128xf32>
    %select_n3A_606 = arith.select %broadcast_in_dim3A_604, %max3A_42, %broadcast_in_dim3A_605 : vector<256x128xi1>, vector<256x128xf32>
    %reduce_max3A_607 = arith.constant dense<0xFF800000> : vector<128xf32>
    %reduce_max3A_608 = vector.multi_reduction <maximumf>, %select_n3A_606, %reduce_max3A_607 [0] : vector<256x128xf32> to vector<128xf32>
    %broadcast_in_dim3A_609 = vector.shape_cast %reduce_max3A_608 : vector<128xf32> to vector<1x128xf32>
    %get3A_610 = arith.constant 31 : index
    %get3A_611 = arith.constant 0 : index
    %get3A_612 = vector.load %arg15[%get3A_610, %get3A_611] : memref<64x128xf32, #tpu.memory_space<vmem>>, vector<1x128xf32>
    %max3A_613 = arith.maximumf %get3A_612, %broadcast_in_dim3A_609 : vector<1x128xf32>
    %swap3A_614 = arith.constant 31 : index
    %swap3A_615 = arith.constant 0 : index
    %swap3A_616 = vector.load %arg15[%swap3A_614, %swap3A_615] : memref<64x128xf32, #tpu.memory_space<vmem>>, vector<1x128xf32>
    tpu.vector_store %arg15[%swap3A_614, %swap3A_615], %max3A_613 {strides = array<i32>} : memref<64x128xf32, #tpu.memory_space<vmem>>, vector<1x128xf32>,
    %eq3A_617 = arith.constant 32 : i32
    %eq3A_618 = vector.broadcast %eq3A_617 : i32 to vector<256x1xi32>
    %eq3A_619 = arith.cmpi eq, %get3A_45, %eq3A_618 : vector<256x1xi32>
    %jit3A_620 = arith.constant 0xFF800000 : f32
    %broadcast_in_dim3A_621 = vector.shape_cast %eq3A_619 : vector<256x1xi1> to vector<256x1xi1>
    %broadcast_in_dim3A_622 = vector.broadcast %broadcast_in_dim3A_621 : vector<256x1xi1> to vector<256x128xi1>
    %broadcast_in_dim3A_623 = vector.broadcast %jit3A_620 : f32 to vector<256x128xf32>
    %select_n3A_624 = arith.select %broadcast_in_dim3A_622, %max3A_42, %broadcast_in_dim3A_623 : vector<256x128xi1>, vector<256x128xf32>
    %reduce_max3A_625 = arith.constant dense<0xFF800000> : vector<128xf32>
    %reduce_max3A_626 = vector.multi_reduction <maximumf>, %select_n3A_624, %reduce_max3A_625 [0] : vector<256x128xf32> to vector<128xf32>
    %broadcast_in_dim3A_627 = vector.shape_cast %reduce_max3A_626 : vector<128xf32> to vector<1x128xf32>
    %get3A_628 = arith.constant 32 : index
    %get3A_629 = arith.constant 0 : index
    %get3A_630 = vector.load %arg15[%get3A_628, %get3A_629] : memref<64x128xf32, #tpu.memory_space<vmem>>, vector<1x128xf32>
    %max3A_631 = arith.maximumf %get3A_630, %broadcast_in_dim3A_627 : vector<1x128xf32>
    %swap3A_632 = arith.constant 32 : index
    %swap3A_633 = arith.constant 0 : index
    %swap3A_634 = vector.load %arg15[%swap3A_632, %swap3A_633] : memref<64x128xf32, #tpu.memory_space<vmem>>, vector<1x128xf32>
    tpu.vector_store %arg15[%swap3A_632, %swap3A_633], %max3A_631 {strides = array<i32>} : memref<64x128xf32, #tpu.memory_space<vmem>>, vector<1x128xf32>,
    %eq3A_635 = arith.constant 33 : i32
    %eq3A_636 = vector.broadcast %eq3A_635 : i32 to vector<256x1xi32>
    %eq3A_637 = arith.cmpi eq, %get3A_45, %eq3A_636 : vector<256x1xi32>
    %jit3A_638 = arith.constant 0xFF800000 : f32
    %broadcast_in_dim3A_639 = vector.shape_cast %eq3A_637 : vector<256x1xi1> to vector<256x1xi1>
    %broadcast_in_dim3A_640 = vector.broadcast %broadcast_in_dim3A_639 : vector<256x1xi1> to vector<256x128xi1>
    %broadcast_in_dim3A_641 = vector.broadcast %jit3A_638 : f32 to vector<256x128xf32>
    %select_n3A_642 = arith.select %broadcast_in_dim3A_640, %max3A_42, %broadcast_in_dim3A_641 : vector<256x128xi1>, vector<256x128xf32>
    %reduce_max3A_643 = arith.constant dense<0xFF800000> : vector<128xf32>
    %reduce_max3A_644 = vector.multi_reduction <maximumf>, %select_n3A_642, %reduce_max3A_643 [0] : vector<256x128xf32> to vector<128xf32>
    %broadcast_in_dim3A_645 = vector.shape_cast %reduce_max3A_644 : vector<128xf32> to vector<1x128xf32>
    %get3A_646 = arith.constant 33 : index
    %get3A_647 = arith.constant 0 : index
    %get3A_648 = vector.load %arg15[%get3A_646, %get3A_647] : memref<64x128xf32, #tpu.memory_space<vmem>>, vector<1x128xf32>
    %max3A_649 = arith.maximumf %get3A_648, %broadcast_in_dim3A_645 : vector<1x128xf32>
    %swap3A_650 = arith.constant 33 : index
    %swap3A_651 = arith.constant 0 : index
    %swap3A_652 = vector.load %arg15[%swap3A_650, %swap3A_651] : memref<64x128xf32, #tpu.memory_space<vmem>>, vector<1x128xf32>
    tpu.vector_store %arg15[%swap3A_650, %swap3A_651], %max3A_649 {strides = array<i32>} : memref<64x128xf32, #tpu.memory_space<vmem>>, vector<1x128xf32>,
    %eq3A_653 = arith.constant 34 : i32
    %eq3A_654 = vector.broadcast %eq3A_653 : i32 to vector<256x1xi32>
    %eq3A_655 = arith.cmpi eq, %get3A_45, %eq3A_654 : vector<256x1xi32>
    %jit3A_656 = arith.constant 0xFF800000 : f32
    %broadcast_in_dim3A_657 = vector.shape_cast %eq3A_655 : vector<256x1xi1> to vector<256x1xi1>
    %broadcast_in_dim3A_658 = vector.broadcast %broadcast_in_dim3A_657 : vector<256x1xi1> to vector<256x128xi1>
    %broadcast_in_dim3A_659 = vector.broadcast %jit3A_656 : f32 to vector<256x128xf32>
    %select_n3A_660 = arith.select %broadcast_in_dim3A_658, %max3A_42, %broadcast_in_dim3A_659 : vector<256x128xi1>, vector<256x128xf32>
    %reduce_max3A_661 = arith.constant dense<0xFF800000> : vector<128xf32>
    %reduce_max3A_662 = vector.multi_reduction <maximumf>, %select_n3A_660, %reduce_max3A_661 [0] : vector<256x128xf32> to vector<128xf32>
    %broadcast_in_dim3A_663 = vector.shape_cast %reduce_max3A_662 : vector<128xf32> to vector<1x128xf32>
    %get3A_664 = arith.constant 34 : index
    %get3A_665 = arith.constant 0 : index
    %get3A_666 = vector.load %arg15[%get3A_664, %get3A_665] : memref<64x128xf32, #tpu.memory_space<vmem>>, vector<1x128xf32>
    %max3A_667 = arith.maximumf %get3A_666, %broadcast_in_dim3A_663 : vector<1x128xf32>
    %swap3A_668 = arith.constant 34 : index
    %swap3A_669 = arith.constant 0 : index
    %swap3A_670 = vector.load %arg15[%swap3A_668, %swap3A_669] : memref<64x128xf32, #tpu.memory_space<vmem>>, vector<1x128xf32>
    tpu.vector_store %arg15[%swap3A_668, %swap3A_669], %max3A_667 {strides = array<i32>} : memref<64x128xf32, #tpu.memory_space<vmem>>, vector<1x128xf32>,
    %eq3A_671 = arith.constant 35 : i32
    %eq3A_672 = vector.broadcast %eq3A_671 : i32 to vector<256x1xi32>
    %eq3A_673 = arith.cmpi eq, %get3A_45, %eq3A_672 : vector<256x1xi32>
    %jit3A_674 = arith.constant 0xFF800000 : f32
    %broadcast_in_dim3A_675 = vector.shape_cast %eq3A_673 : vector<256x1xi1> to vector<256x1xi1>
    %broadcast_in_dim3A_676 = vector.broadcast %broadcast_in_dim3A_675 : vector<256x1xi1> to vector<256x128xi1>
    %broadcast_in_dim3A_677 = vector.broadcast %jit3A_674 : f32 to vector<256x128xf32>
    %select_n3A_678 = arith.select %broadcast_in_dim3A_676, %max3A_42, %broadcast_in_dim3A_677 : vector<256x128xi1>, vector<256x128xf32>
    %reduce_max3A_679 = arith.constant dense<0xFF800000> : vector<128xf32>
    %reduce_max3A_680 = vector.multi_reduction <maximumf>, %select_n3A_678, %reduce_max3A_679 [0] : vector<256x128xf32> to vector<128xf32>
    %broadcast_in_dim3A_681 = vector.shape_cast %reduce_max3A_680 : vector<128xf32> to vector<1x128xf32>
    %get3A_682 = arith.constant 35 : index
    %get3A_683 = arith.constant 0 : index
    %get3A_684 = vector.load %arg15[%get3A_682, %get3A_683] : memref<64x128xf32, #tpu.memory_space<vmem>>, vector<1x128xf32>
    %max3A_685 = arith.maximumf %get3A_684, %broadcast_in_dim3A_681 : vector<1x128xf32>
    %swap3A_686 = arith.constant 35 : index
    %swap3A_687 = arith.constant 0 : index
    %swap3A_688 = vector.load %arg15[%swap3A_686, %swap3A_687] : memref<64x128xf32, #tpu.memory_space<vmem>>, vector<1x128xf32>
    tpu.vector_store %arg15[%swap3A_686, %swap3A_687], %max3A_685 {strides = array<i32>} : memref<64x128xf32, #tpu.memory_space<vmem>>, vector<1x128xf32>,
    %eq3A_689 = arith.constant 36 : i32
    %eq3A_690 = vector.broadcast %eq3A_689 : i32 to vector<256x1xi32>
    %eq3A_691 = arith.cmpi eq, %get3A_45, %eq3A_690 : vector<256x1xi32>
    %jit3A_692 = arith.constant 0xFF800000 : f32
    %broadcast_in_dim3A_693 = vector.shape_cast %eq3A_691 : vector<256x1xi1> to vector<256x1xi1>
    %broadcast_in_dim3A_694 = vector.broadcast %broadcast_in_dim3A_693 : vector<256x1xi1> to vector<256x128xi1>
    %broadcast_in_dim3A_695 = vector.broadcast %jit3A_692 : f32 to vector<256x128xf32>
    %select_n3A_696 = arith.select %broadcast_in_dim3A_694, %max3A_42, %broadcast_in_dim3A_695 : vector<256x128xi1>, vector<256x128xf32>
    %reduce_max3A_697 = arith.constant dense<0xFF800000> : vector<128xf32>
    %reduce_max3A_698 = vector.multi_reduction <maximumf>, %select_n3A_696, %reduce_max3A_697 [0] : vector<256x128xf32> to vector<128xf32>
    %broadcast_in_dim3A_699 = vector.shape_cast %reduce_max3A_698 : vector<128xf32> to vector<1x128xf32>
    %get3A_700 = arith.constant 36 : index
    %get3A_701 = arith.constant 0 : index
    %get3A_702 = vector.load %arg15[%get3A_700, %get3A_701] : memref<64x128xf32, #tpu.memory_space<vmem>>, vector<1x128xf32>
    %max3A_703 = arith.maximumf %get3A_702, %broadcast_in_dim3A_699 : vector<1x128xf32>
    %swap3A_704 = arith.constant 36 : index
    %swap3A_705 = arith.constant 0 : index
    %swap3A_706 = vector.load %arg15[%swap3A_704, %swap3A_705] : memref<64x128xf32, #tpu.memory_space<vmem>>, vector<1x128xf32>
    tpu.vector_store %arg15[%swap3A_704, %swap3A_705], %max3A_703 {strides = array<i32>} : memref<64x128xf32, #tpu.memory_space<vmem>>, vector<1x128xf32>,
    %eq3A_707 = arith.constant 37 : i32
    %eq3A_708 = vector.broadcast %eq3A_707 : i32 to vector<256x1xi32>
    %eq3A_709 = arith.cmpi eq, %get3A_45, %eq3A_708 : vector<256x1xi32>
    %jit3A_710 = arith.constant 0xFF800000 : f32
    %broadcast_in_dim3A_711 = vector.shape_cast %eq3A_709 : vector<256x1xi1> to vector<256x1xi1>
    %broadcast_in_dim3A_712 = vector.broadcast %broadcast_in_dim3A_711 : vector<256x1xi1> to vector<256x128xi1>
    %broadcast_in_dim3A_713 = vector.broadcast %jit3A_710 : f32 to vector<256x128xf32>
    %select_n3A_714 = arith.select %broadcast_in_dim3A_712, %max3A_42, %broadcast_in_dim3A_713 : vector<256x128xi1>, vector<256x128xf32>
    %reduce_max3A_715 = arith.constant dense<0xFF800000> : vector<128xf32>
    %reduce_max3A_716 = vector.multi_reduction <maximumf>, %select_n3A_714, %reduce_max3A_715 [0] : vector<256x128xf32> to vector<128xf32>
    %broadcast_in_dim3A_717 = vector.shape_cast %reduce_max3A_716 : vector<128xf32> to vector<1x128xf32>
    %get3A_718 = arith.constant 37 : index
    %get3A_719 = arith.constant 0 : index
    %get3A_720 = vector.load %arg15[%get3A_718, %get3A_719] : memref<64x128xf32, #tpu.memory_space<vmem>>, vector<1x128xf32>
    %max3A_721 = arith.maximumf %get3A_720, %broadcast_in_dim3A_717 : vector<1x128xf32>
    %swap3A_722 = arith.constant 37 : index
    %swap3A_723 = arith.constant 0 : index
    %swap3A_724 = vector.load %arg15[%swap3A_722, %swap3A_723] : memref<64x128xf32, #tpu.memory_space<vmem>>, vector<1x128xf32>
    tpu.vector_store %arg15[%swap3A_722, %swap3A_723], %max3A_721 {strides = array<i32>} : memref<64x128xf32, #tpu.memory_space<vmem>>, vector<1x128xf32>,
    %eq3A_725 = arith.constant 38 : i32
    %eq3A_726 = vector.broadcast %eq3A_725 : i32 to vector<256x1xi32>
    %eq3A_727 = arith.cmpi eq, %get3A_45, %eq3A_726 : vector<256x1xi32>
    %jit3A_728 = arith.constant 0xFF800000 : f32
    %broadcast_in_dim3A_729 = vector.shape_cast %eq3A_727 : vector<256x1xi1> to vector<256x1xi1>
    %broadcast_in_dim3A_730 = vector.broadcast %broadcast_in_dim3A_729 : vector<256x1xi1> to vector<256x128xi1>
    %broadcast_in_dim3A_731 = vector.broadcast %jit3A_728 : f32 to vector<256x128xf32>
    %select_n3A_732 = arith.select %broadcast_in_dim3A_730, %max3A_42, %broadcast_in_dim3A_731 : vector<256x128xi1>, vector<256x128xf32>
    %reduce_max3A_733 = arith.constant dense<0xFF800000> : vector<128xf32>
    %reduce_max3A_734 = vector.multi_reduction <maximumf>, %select_n3A_732, %reduce_max3A_733 [0] : vector<256x128xf32> to vector<128xf32>
    %broadcast_in_dim3A_735 = vector.shape_cast %reduce_max3A_734 : vector<128xf32> to vector<1x128xf32>
    %get3A_736 = arith.constant 38 : index
    %get3A_737 = arith.constant 0 : index
    %get3A_738 = vector.load %arg15[%get3A_736, %get3A_737] : memref<64x128xf32, #tpu.memory_space<vmem>>, vector<1x128xf32>
    %max3A_739 = arith.maximumf %get3A_738, %broadcast_in_dim3A_735 : vector<1x128xf32>
    %swap3A_740 = arith.constant 38 : index
    %swap3A_741 = arith.constant 0 : index
    %swap3A_742 = vector.load %arg15[%swap3A_740, %swap3A_741] : memref<64x128xf32, #tpu.memory_space<vmem>>, vector<1x128xf32>
    tpu.vector_store %arg15[%swap3A_740, %swap3A_741], %max3A_739 {strides = array<i32>} : memref<64x128xf32, #tpu.memory_space<vmem>>, vector<1x128xf32>,
    %eq3A_743 = arith.constant 39 : i32
    %eq3A_744 = vector.broadcast %eq3A_743 : i32 to vector<256x1xi32>
    %eq3A_745 = arith.cmpi eq, %get3A_45, %eq3A_744 : vector<256x1xi32>
    %jit3A_746 = arith.constant 0xFF800000 : f32
    %broadcast_in_dim3A_747 = vector.shape_cast %eq3A_745 : vector<256x1xi1> to vector<256x1xi1>
    %broadcast_in_dim3A_748 = vector.broadcast %broadcast_in_dim3A_747 : vector<256x1xi1> to vector<256x128xi1>
    %broadcast_in_dim3A_749 = vector.broadcast %jit3A_746 : f32 to vector<256x128xf32>
    %select_n3A_750 = arith.select %broadcast_in_dim3A_748, %max3A_42, %broadcast_in_dim3A_749 : vector<256x128xi1>, vector<256x128xf32>
    %reduce_max3A_751 = arith.constant dense<0xFF800000> : vector<128xf32>
    %reduce_max3A_752 = vector.multi_reduction <maximumf>, %select_n3A_750, %reduce_max3A_751 [0] : vector<256x128xf32> to vector<128xf32>
    %broadcast_in_dim3A_753 = vector.shape_cast %reduce_max3A_752 : vector<128xf32> to vector<1x128xf32>
    %get3A_754 = arith.constant 39 : index
    %get3A_755 = arith.constant 0 : index
    %get3A_756 = vector.load %arg15[%get3A_754, %get3A_755] : memref<64x128xf32, #tpu.memory_space<vmem>>, vector<1x128xf32>
    %max3A_757 = arith.maximumf %get3A_756, %broadcast_in_dim3A_753 : vector<1x128xf32>
    %swap3A_758 = arith.constant 39 : index
    %swap3A_759 = arith.constant 0 : index
    %swap3A_760 = vector.load %arg15[%swap3A_758, %swap3A_759] : memref<64x128xf32, #tpu.memory_space<vmem>>, vector<1x128xf32>
    tpu.vector_store %arg15[%swap3A_758, %swap3A_759], %max3A_757 {strides = array<i32>} : memref<64x128xf32, #tpu.memory_space<vmem>>, vector<1x128xf32>,
    %eq3A_761 = arith.constant 40 : i32
    %eq3A_762 = vector.broadcast %eq3A_761 : i32 to vector<256x1xi32>
    %eq3A_763 = arith.cmpi eq, %get3A_45, %eq3A_762 : vector<256x1xi32>
    %jit3A_764 = arith.constant 0xFF800000 : f32
    %broadcast_in_dim3A_765 = vector.shape_cast %eq3A_763 : vector<256x1xi1> to vector<256x1xi1>
    %broadcast_in_dim3A_766 = vector.broadcast %broadcast_in_dim3A_765 : vector<256x1xi1> to vector<256x128xi1>
    %broadcast_in_dim3A_767 = vector.broadcast %jit3A_764 : f32 to vector<256x128xf32>
    %select_n3A_768 = arith.select %broadcast_in_dim3A_766, %max3A_42, %broadcast_in_dim3A_767 : vector<256x128xi1>, vector<256x128xf32>
    %reduce_max3A_769 = arith.constant dense<0xFF800000> : vector<128xf32>
    %reduce_max3A_770 = vector.multi_reduction <maximumf>, %select_n3A_768, %reduce_max3A_769 [0] : vector<256x128xf32> to vector<128xf32>
    %broadcast_in_dim3A_771 = vector.shape_cast %reduce_max3A_770 : vector<128xf32> to vector<1x128xf32>
    %get3A_772 = arith.constant 40 : index
    %get3A_773 = arith.constant 0 : index
    %get3A_774 = vector.load %arg15[%get3A_772, %get3A_773] : memref<64x128xf32, #tpu.memory_space<vmem>>, vector<1x128xf32>
    %max3A_775 = arith.maximumf %get3A_774, %broadcast_in_dim3A_771 : vector<1x128xf32>
    %swap3A_776 = arith.constant 40 : index
    %swap3A_777 = arith.constant 0 : index
    %swap3A_778 = vector.load %arg15[%swap3A_776, %swap3A_777] : memref<64x128xf32, #tpu.memory_space<vmem>>, vector<1x128xf32>
    tpu.vector_store %arg15[%swap3A_776, %swap3A_777], %max3A_775 {strides = array<i32>} : memref<64x128xf32, #tpu.memory_space<vmem>>, vector<1x128xf32>,
    %eq3A_779 = arith.constant 41 : i32
    %eq3A_780 = vector.broadcast %eq3A_779 : i32 to vector<256x1xi32>
    %eq3A_781 = arith.cmpi eq, %get3A_45, %eq3A_780 : vector<256x1xi32>
    %jit3A_782 = arith.constant 0xFF800000 : f32
    %broadcast_in_dim3A_783 = vector.shape_cast %eq3A_781 : vector<256x1xi1> to vector<256x1xi1>
    %broadcast_in_dim3A_784 = vector.broadcast %broadcast_in_dim3A_783 : vector<256x1xi1> to vector<256x128xi1>
    %broadcast_in_dim3A_785 = vector.broadcast %jit3A_782 : f32 to vector<256x128xf32>
    %select_n3A_786 = arith.select %broadcast_in_dim3A_784, %max3A_42, %broadcast_in_dim3A_785 : vector<256x128xi1>, vector<256x128xf32>
    %reduce_max3A_787 = arith.constant dense<0xFF800000> : vector<128xf32>
    %reduce_max3A_788 = vector.multi_reduction <maximumf>, %select_n3A_786, %reduce_max3A_787 [0] : vector<256x128xf32> to vector<128xf32>
    %broadcast_in_dim3A_789 = vector.shape_cast %reduce_max3A_788 : vector<128xf32> to vector<1x128xf32>
    %get3A_790 = arith.constant 41 : index
    %get3A_791 = arith.constant 0 : index
    %get3A_792 = vector.load %arg15[%get3A_790, %get3A_791] : memref<64x128xf32, #tpu.memory_space<vmem>>, vector<1x128xf32>
    %max3A_793 = arith.maximumf %get3A_792, %broadcast_in_dim3A_789 : vector<1x128xf32>
    %swap3A_794 = arith.constant 41 : index
    %swap3A_795 = arith.constant 0 : index
    %swap3A_796 = vector.load %arg15[%swap3A_794, %swap3A_795] : memref<64x128xf32, #tpu.memory_space<vmem>>, vector<1x128xf32>
    tpu.vector_store %arg15[%swap3A_794, %swap3A_795], %max3A_793 {strides = array<i32>} : memref<64x128xf32, #tpu.memory_space<vmem>>, vector<1x128xf32>,
    %eq3A_797 = arith.constant 42 : i32
    %eq3A_798 = vector.broadcast %eq3A_797 : i32 to vector<256x1xi32>
    %eq3A_799 = arith.cmpi eq, %get3A_45, %eq3A_798 : vector<256x1xi32>
    %jit3A_800 = arith.constant 0xFF800000 : f32
    %broadcast_in_dim3A_801 = vector.shape_cast %eq3A_799 : vector<256x1xi1> to vector<256x1xi1>
    %broadcast_in_dim3A_802 = vector.broadcast %broadcast_in_dim3A_801 : vector<256x1xi1> to vector<256x128xi1>
    %broadcast_in_dim3A_803 = vector.broadcast %jit3A_800 : f32 to vector<256x128xf32>
    %select_n3A_804 = arith.select %broadcast_in_dim3A_802, %max3A_42, %broadcast_in_dim3A_803 : vector<256x128xi1>, vector<256x128xf32>
    %reduce_max3A_805 = arith.constant dense<0xFF800000> : vector<128xf32>
    %reduce_max3A_806 = vector.multi_reduction <maximumf>, %select_n3A_804, %reduce_max3A_805 [0] : vector<256x128xf32> to vector<128xf32>
    %broadcast_in_dim3A_807 = vector.shape_cast %reduce_max3A_806 : vector<128xf32> to vector<1x128xf32>
    %get3A_808 = arith.constant 42 : index
    %get3A_809 = arith.constant 0 : index
    %get3A_810 = vector.load %arg15[%get3A_808, %get3A_809] : memref<64x128xf32, #tpu.memory_space<vmem>>, vector<1x128xf32>
    %max3A_811 = arith.maximumf %get3A_810, %broadcast_in_dim3A_807 : vector<1x128xf32>
    %swap3A_812 = arith.constant 42 : index
    %swap3A_813 = arith.constant 0 : index
    %swap3A_814 = vector.load %arg15[%swap3A_812, %swap3A_813] : memref<64x128xf32, #tpu.memory_space<vmem>>, vector<1x128xf32>
    tpu.vector_store %arg15[%swap3A_812, %swap3A_813], %max3A_811 {strides = array<i32>} : memref<64x128xf32, #tpu.memory_space<vmem>>, vector<1x128xf32>,
    %eq3A_815 = arith.constant 43 : i32
    %eq3A_816 = vector.broadcast %eq3A_815 : i32 to vector<256x1xi32>
    %eq3A_817 = arith.cmpi eq, %get3A_45, %eq3A_816 : vector<256x1xi32>
    %jit3A_818 = arith.constant 0xFF800000 : f32
    %broadcast_in_dim3A_819 = vector.shape_cast %eq3A_817 : vector<256x1xi1> to vector<256x1xi1>
    %broadcast_in_dim3A_820 = vector.broadcast %broadcast_in_dim3A_819 : vector<256x1xi1> to vector<256x128xi1>
    %broadcast_in_dim3A_821 = vector.broadcast %jit3A_818 : f32 to vector<256x128xf32>
    %select_n3A_822 = arith.select %broadcast_in_dim3A_820, %max3A_42, %broadcast_in_dim3A_821 : vector<256x128xi1>, vector<256x128xf32>
    %reduce_max3A_823 = arith.constant dense<0xFF800000> : vector<128xf32>
    %reduce_max3A_824 = vector.multi_reduction <maximumf>, %select_n3A_822, %reduce_max3A_823 [0] : vector<256x128xf32> to vector<128xf32>
    %broadcast_in_dim3A_825 = vector.shape_cast %reduce_max3A_824 : vector<128xf32> to vector<1x128xf32>
    %get3A_826 = arith.constant 43 : index
    %get3A_827 = arith.constant 0 : index
    %get3A_828 = vector.load %arg15[%get3A_826, %get3A_827] : memref<64x128xf32, #tpu.memory_space<vmem>>, vector<1x128xf32>
    %max3A_829 = arith.maximumf %get3A_828, %broadcast_in_dim3A_825 : vector<1x128xf32>
    %swap3A_830 = arith.constant 43 : index
    %swap3A_831 = arith.constant 0 : index
    %swap3A_832 = vector.load %arg15[%swap3A_830, %swap3A_831] : memref<64x128xf32, #tpu.memory_space<vmem>>, vector<1x128xf32>
    tpu.vector_store %arg15[%swap3A_830, %swap3A_831], %max3A_829 {strides = array<i32>} : memref<64x128xf32, #tpu.memory_space<vmem>>, vector<1x128xf32>,
    %eq3A_833 = arith.constant 44 : i32
    %eq3A_834 = vector.broadcast %eq3A_833 : i32 to vector<256x1xi32>
    %eq3A_835 = arith.cmpi eq, %get3A_45, %eq3A_834 : vector<256x1xi32>
    %jit3A_836 = arith.constant 0xFF800000 : f32
    %broadcast_in_dim3A_837 = vector.shape_cast %eq3A_835 : vector<256x1xi1> to vector<256x1xi1>
    %broadcast_in_dim3A_838 = vector.broadcast %broadcast_in_dim3A_837 : vector<256x1xi1> to vector<256x128xi1>
    %broadcast_in_dim3A_839 = vector.broadcast %jit3A_836 : f32 to vector<256x128xf32>
    %select_n3A_840 = arith.select %broadcast_in_dim3A_838, %max3A_42, %broadcast_in_dim3A_839 : vector<256x128xi1>, vector<256x128xf32>
    %reduce_max3A_841 = arith.constant dense<0xFF800000> : vector<128xf32>
    %reduce_max3A_842 = vector.multi_reduction <maximumf>, %select_n3A_840, %reduce_max3A_841 [0] : vector<256x128xf32> to vector<128xf32>
    %broadcast_in_dim3A_843 = vector.shape_cast %reduce_max3A_842 : vector<128xf32> to vector<1x128xf32>
    %get3A_844 = arith.constant 44 : index
    %get3A_845 = arith.constant 0 : index
    %get3A_846 = vector.load %arg15[%get3A_844, %get3A_845] : memref<64x128xf32, #tpu.memory_space<vmem>>, vector<1x128xf32>
    %max3A_847 = arith.maximumf %get3A_846, %broadcast_in_dim3A_843 : vector<1x128xf32>
    %swap3A_848 = arith.constant 44 : index
    %swap3A_849 = arith.constant 0 : index
    %swap3A_850 = vector.load %arg15[%swap3A_848, %swap3A_849] : memref<64x128xf32, #tpu.memory_space<vmem>>, vector<1x128xf32>
    tpu.vector_store %arg15[%swap3A_848, %swap3A_849], %max3A_847 {strides = array<i32>} : memref<64x128xf32, #tpu.memory_space<vmem>>, vector<1x128xf32>,
    %eq3A_851 = arith.constant 45 : i32
    %eq3A_852 = vector.broadcast %eq3A_851 : i32 to vector<256x1xi32>
    %eq3A_853 = arith.cmpi eq, %get3A_45, %eq3A_852 : vector<256x1xi32>
    %jit3A_854 = arith.constant 0xFF800000 : f32
    %broadcast_in_dim3A_855 = vector.shape_cast %eq3A_853 : vector<256x1xi1> to vector<256x1xi1>
    %broadcast_in_dim3A_856 = vector.broadcast %broadcast_in_dim3A_855 : vector<256x1xi1> to vector<256x128xi1>
    %broadcast_in_dim3A_857 = vector.broadcast %jit3A_854 : f32 to vector<256x128xf32>
    %select_n3A_858 = arith.select %broadcast_in_dim3A_856, %max3A_42, %broadcast_in_dim3A_857 : vector<256x128xi1>, vector<256x128xf32>
    %reduce_max3A_859 = arith.constant dense<0xFF800000> : vector<128xf32>
    %reduce_max3A_860 = vector.multi_reduction <maximumf>, %select_n3A_858, %reduce_max3A_859 [0] : vector<256x128xf32> to vector<128xf32>
    %broadcast_in_dim3A_861 = vector.shape_cast %reduce_max3A_860 : vector<128xf32> to vector<1x128xf32>
    %get3A_862 = arith.constant 45 : index
    %get3A_863 = arith.constant 0 : index
    %get3A_864 = vector.load %arg15[%get3A_862, %get3A_863] : memref<64x128xf32, #tpu.memory_space<vmem>>, vector<1x128xf32>
    %max3A_865 = arith.maximumf %get3A_864, %broadcast_in_dim3A_861 : vector<1x128xf32>
    %swap3A_866 = arith.constant 45 : index
    %swap3A_867 = arith.constant 0 : index
    %swap3A_868 = vector.load %arg15[%swap3A_866, %swap3A_867] : memref<64x128xf32, #tpu.memory_space<vmem>>, vector<1x128xf32>
    tpu.vector_store %arg15[%swap3A_866, %swap3A_867], %max3A_865 {strides = array<i32>} : memref<64x128xf32, #tpu.memory_space<vmem>>, vector<1x128xf32>,
    %eq3A_869 = arith.constant 46 : i32
    %eq3A_870 = vector.broadcast %eq3A_869 : i32 to vector<256x1xi32>
    %eq3A_871 = arith.cmpi eq, %get3A_45, %eq3A_870 : vector<256x1xi32>
    %jit3A_872 = arith.constant 0xFF800000 : f32
    %broadcast_in_dim3A_873 = vector.shape_cast %eq3A_871 : vector<256x1xi1> to vector<256x1xi1>
    %broadcast_in_dim3A_874 = vector.broadcast %broadcast_in_dim3A_873 : vector<256x1xi1> to vector<256x128xi1>
    %broadcast_in_dim3A_875 = vector.broadcast %jit3A_872 : f32 to vector<256x128xf32>
    %select_n3A_876 = arith.select %broadcast_in_dim3A_874, %max3A_42, %broadcast_in_dim3A_875 : vector<256x128xi1>, vector<256x128xf32>
    %reduce_max3A_877 = arith.constant dense<0xFF800000> : vector<128xf32>
    %reduce_max3A_878 = vector.multi_reduction <maximumf>, %select_n3A_876, %reduce_max3A_877 [0] : vector<256x128xf32> to vector<128xf32>
    %broadcast_in_dim3A_879 = vector.shape_cast %reduce_max3A_878 : vector<128xf32> to vector<1x128xf32>
    %get3A_880 = arith.constant 46 : index
    %get3A_881 = arith.constant 0 : index
    %get3A_882 = vector.load %arg15[%get3A_880, %get3A_881] : memref<64x128xf32, #tpu.memory_space<vmem>>, vector<1x128xf32>
    %max3A_883 = arith.maximumf %get3A_882, %broadcast_in_dim3A_879 : vector<1x128xf32>
    %swap3A_884 = arith.constant 46 : index
    %swap3A_885 = arith.constant 0 : index
    %swap3A_886 = vector.load %arg15[%swap3A_884, %swap3A_885] : memref<64x128xf32, #tpu.memory_space<vmem>>, vector<1x128xf32>
    tpu.vector_store %arg15[%swap3A_884, %swap3A_885], %max3A_883 {strides = array<i32>} : memref<64x128xf32, #tpu.memory_space<vmem>>, vector<1x128xf32>,
    %eq3A_887 = arith.constant 47 : i32
    %eq3A_888 = vector.broadcast %eq3A_887 : i32 to vector<256x1xi32>
    %eq3A_889 = arith.cmpi eq, %get3A_45, %eq3A_888 : vector<256x1xi32>
    %jit3A_890 = arith.constant 0xFF800000 : f32
    %broadcast_in_dim3A_891 = vector.shape_cast %eq3A_889 : vector<256x1xi1> to vector<256x1xi1>
    %broadcast_in_dim3A_892 = vector.broadcast %broadcast_in_dim3A_891 : vector<256x1xi1> to vector<256x128xi1>
    %broadcast_in_dim3A_893 = vector.broadcast %jit3A_890 : f32 to vector<256x128xf32>
    %select_n3A_894 = arith.select %broadcast_in_dim3A_892, %max3A_42, %broadcast_in_dim3A_893 : vector<256x128xi1>, vector<256x128xf32>
    %reduce_max3A_895 = arith.constant dense<0xFF800000> : vector<128xf32>
    %reduce_max3A_896 = vector.multi_reduction <maximumf>, %select_n3A_894, %reduce_max3A_895 [0] : vector<256x128xf32> to vector<128xf32>
    %broadcast_in_dim3A_897 = vector.shape_cast %reduce_max3A_896 : vector<128xf32> to vector<1x128xf32>
    %get3A_898 = arith.constant 47 : index
    %get3A_899 = arith.constant 0 : index
    %get3A_900 = vector.load %arg15[%get3A_898, %get3A_899] : memref<64x128xf32, #tpu.memory_space<vmem>>, vector<1x128xf32>
    %max3A_901 = arith.maximumf %get3A_900, %broadcast_in_dim3A_897 : vector<1x128xf32>
    %swap3A_902 = arith.constant 47 : index
    %swap3A_903 = arith.constant 0 : index
    %swap3A_904 = vector.load %arg15[%swap3A_902, %swap3A_903] : memref<64x128xf32, #tpu.memory_space<vmem>>, vector<1x128xf32>
    tpu.vector_store %arg15[%swap3A_902, %swap3A_903], %max3A_901 {strides = array<i32>} : memref<64x128xf32, #tpu.memory_space<vmem>>, vector<1x128xf32>,
    %eq3A_905 = arith.constant 48 : i32
    %eq3A_906 = vector.broadcast %eq3A_905 : i32 to vector<256x1xi32>
    %eq3A_907 = arith.cmpi eq, %get3A_45, %eq3A_906 : vector<256x1xi32>
    %jit3A_908 = arith.constant 0xFF800000 : f32
    %broadcast_in_dim3A_909 = vector.shape_cast %eq3A_907 : vector<256x1xi1> to vector<256x1xi1>
    %broadcast_in_dim3A_910 = vector.broadcast %broadcast_in_dim3A_909 : vector<256x1xi1> to vector<256x128xi1>
    %broadcast_in_dim3A_911 = vector.broadcast %jit3A_908 : f32 to vector<256x128xf32>
    %select_n3A_912 = arith.select %broadcast_in_dim3A_910, %max3A_42, %broadcast_in_dim3A_911 : vector<256x128xi1>, vector<256x128xf32>
    %reduce_max3A_913 = arith.constant dense<0xFF800000> : vector<128xf32>
    %reduce_max3A_914 = vector.multi_reduction <maximumf>, %select_n3A_912, %reduce_max3A_913 [0] : vector<256x128xf32> to vector<128xf32>
    %broadcast_in_dim3A_915 = vector.shape_cast %reduce_max3A_914 : vector<128xf32> to vector<1x128xf32>
    %get3A_916 = arith.constant 48 : index
    %get3A_917 = arith.constant 0 : index
    %get3A_918 = vector.load %arg15[%get3A_916, %get3A_917] : memref<64x128xf32, #tpu.memory_space<vmem>>, vector<1x128xf32>
    %max3A_919 = arith.maximumf %get3A_918, %broadcast_in_dim3A_915 : vector<1x128xf32>
    %swap3A_920 = arith.constant 48 : index
    %swap3A_921 = arith.constant 0 : index
    %swap3A_922 = vector.load %arg15[%swap3A_920, %swap3A_921] : memref<64x128xf32, #tpu.memory_space<vmem>>, vector<1x128xf32>
    tpu.vector_store %arg15[%swap3A_920, %swap3A_921], %max3A_919 {strides = array<i32>} : memref<64x128xf32, #tpu.memory_space<vmem>>, vector<1x128xf32>,
    %eq3A_923 = arith.constant 49 : i32
    %eq3A_924 = vector.broadcast %eq3A_923 : i32 to vector<256x1xi32>
    %eq3A_925 = arith.cmpi eq, %get3A_45, %eq3A_924 : vector<256x1xi32>
    %jit3A_926 = arith.constant 0xFF800000 : f32
    %broadcast_in_dim3A_927 = vector.shape_cast %eq3A_925 : vector<256x1xi1> to vector<256x1xi1>
    %broadcast_in_dim3A_928 = vector.broadcast %broadcast_in_dim3A_927 : vector<256x1xi1> to vector<256x128xi1>
    %broadcast_in_dim3A_929 = vector.broadcast %jit3A_926 : f32 to vector<256x128xf32>
    %select_n3A_930 = arith.select %broadcast_in_dim3A_928, %max3A_42, %broadcast_in_dim3A_929 : vector<256x128xi1>, vector<256x128xf32>
    %reduce_max3A_931 = arith.constant dense<0xFF800000> : vector<128xf32>
    %reduce_max3A_932 = vector.multi_reduction <maximumf>, %select_n3A_930, %reduce_max3A_931 [0] : vector<256x128xf32> to vector<128xf32>
    %broadcast_in_dim3A_933 = vector.shape_cast %reduce_max3A_932 : vector<128xf32> to vector<1x128xf32>
    %get3A_934 = arith.constant 49 : index
    %get3A_935 = arith.constant 0 : index
    %get3A_936 = vector.load %arg15[%get3A_934, %get3A_935] : memref<64x128xf32, #tpu.memory_space<vmem>>, vector<1x128xf32>
    %max3A_937 = arith.maximumf %get3A_936, %broadcast_in_dim3A_933 : vector<1x128xf32>
    %swap3A_938 = arith.constant 49 : index
    %swap3A_939 = arith.constant 0 : index
    %swap3A_940 = vector.load %arg15[%swap3A_938, %swap3A_939] : memref<64x128xf32, #tpu.memory_space<vmem>>, vector<1x128xf32>
    tpu.vector_store %arg15[%swap3A_938, %swap3A_939], %max3A_937 {strides = array<i32>} : memref<64x128xf32, #tpu.memory_space<vmem>>, vector<1x128xf32>,
    %eq3A_941 = arith.constant 50 : i32
    %eq3A_942 = vector.broadcast %eq3A_941 : i32 to vector<256x1xi32>
    %eq3A_943 = arith.cmpi eq, %get3A_45, %eq3A_942 : vector<256x1xi32>
    %jit3A_944 = arith.constant 0xFF800000 : f32
    %broadcast_in_dim3A_945 = vector.shape_cast %eq3A_943 : vector<256x1xi1> to vector<256x1xi1>
    %broadcast_in_dim3A_946 = vector.broadcast %broadcast_in_dim3A_945 : vector<256x1xi1> to vector<256x128xi1>
    %broadcast_in_dim3A_947 = vector.broadcast %jit3A_944 : f32 to vector<256x128xf32>
    %select_n3A_948 = arith.select %broadcast_in_dim3A_946, %max3A_42, %broadcast_in_dim3A_947 : vector<256x128xi1>, vector<256x128xf32>
    %reduce_max3A_949 = arith.constant dense<0xFF800000> : vector<128xf32>
    %reduce_max3A_950 = vector.multi_reduction <maximumf>, %select_n3A_948, %reduce_max3A_949 [0] : vector<256x128xf32> to vector<128xf32>
    %broadcast_in_dim3A_951 = vector.shape_cast %reduce_max3A_950 : vector<128xf32> to vector<1x128xf32>
    %get3A_952 = arith.constant 50 : index
    %get3A_953 = arith.constant 0 : index
    %get3A_954 = vector.load %arg15[%get3A_952, %get3A_953] : memref<64x128xf32, #tpu.memory_space<vmem>>, vector<1x128xf32>
    %max3A_955 = arith.maximumf %get3A_954, %broadcast_in_dim3A_951 : vector<1x128xf32>
    %swap3A_956 = arith.constant 50 : index
    %swap3A_957 = arith.constant 0 : index
    %swap3A_958 = vector.load %arg15[%swap3A_956, %swap3A_957] : memref<64x128xf32, #tpu.memory_space<vmem>>, vector<1x128xf32>
    tpu.vector_store %arg15[%swap3A_956, %swap3A_957], %max3A_955 {strides = array<i32>} : memref<64x128xf32, #tpu.memory_space<vmem>>, vector<1x128xf32>,
    %eq3A_959 = arith.constant 51 : i32
    %eq3A_960 = vector.broadcast %eq3A_959 : i32 to vector<256x1xi32>
    %eq3A_961 = arith.cmpi eq, %get3A_45, %eq3A_960 : vector<256x1xi32>
    %jit3A_962 = arith.constant 0xFF800000 : f32
    %broadcast_in_dim3A_963 = vector.shape_cast %eq3A_961 : vector<256x1xi1> to vector<256x1xi1>
    %broadcast_in_dim3A_964 = vector.broadcast %broadcast_in_dim3A_963 : vector<256x1xi1> to vector<256x128xi1>
    %broadcast_in_dim3A_965 = vector.broadcast %jit3A_962 : f32 to vector<256x128xf32>
    %select_n3A_966 = arith.select %broadcast_in_dim3A_964, %max3A_42, %broadcast_in_dim3A_965 : vector<256x128xi1>, vector<256x128xf32>
    %reduce_max3A_967 = arith.constant dense<0xFF800000> : vector<128xf32>
    %reduce_max3A_968 = vector.multi_reduction <maximumf>, %select_n3A_966, %reduce_max3A_967 [0] : vector<256x128xf32> to vector<128xf32>
    %broadcast_in_dim3A_969 = vector.shape_cast %reduce_max3A_968 : vector<128xf32> to vector<1x128xf32>
    %get3A_970 = arith.constant 51 : index
    %get3A_971 = arith.constant 0 : index
    %get3A_972 = vector.load %arg15[%get3A_970, %get3A_971] : memref<64x128xf32, #tpu.memory_space<vmem>>, vector<1x128xf32>
    %max3A_973 = arith.maximumf %get3A_972, %broadcast_in_dim3A_969 : vector<1x128xf32>
    %swap3A_974 = arith.constant 51 : index
    %swap3A_975 = arith.constant 0 : index
    %swap3A_976 = vector.load %arg15[%swap3A_974, %swap3A_975] : memref<64x128xf32, #tpu.memory_space<vmem>>, vector<1x128xf32>
    tpu.vector_store %arg15[%swap3A_974, %swap3A_975], %max3A_973 {strides = array<i32>} : memref<64x128xf32, #tpu.memory_space<vmem>>, vector<1x128xf32>,
    %eq3A_977 = arith.constant 52 : i32
    %eq3A_978 = vector.broadcast %eq3A_977 : i32 to vector<256x1xi32>
    %eq3A_979 = arith.cmpi eq, %get3A_45, %eq3A_978 : vector<256x1xi32>
    %jit3A_980 = arith.constant 0xFF800000 : f32
    %broadcast_in_dim3A_981 = vector.shape_cast %eq3A_979 : vector<256x1xi1> to vector<256x1xi1>
    %broadcast_in_dim3A_982 = vector.broadcast %broadcast_in_dim3A_981 : vector<256x1xi1> to vector<256x128xi1>
    %broadcast_in_dim3A_983 = vector.broadcast %jit3A_980 : f32 to vector<256x128xf32>
    %select_n3A_984 = arith.select %broadcast_in_dim3A_982, %max3A_42, %broadcast_in_dim3A_983 : vector<256x128xi1>, vector<256x128xf32>
    %reduce_max3A_985 = arith.constant dense<0xFF800000> : vector<128xf32>
    %reduce_max3A_986 = vector.multi_reduction <maximumf>, %select_n3A_984, %reduce_max3A_985 [0] : vector<256x128xf32> to vector<128xf32>
    %broadcast_in_dim3A_987 = vector.shape_cast %reduce_max3A_986 : vector<128xf32> to vector<1x128xf32>
    %get3A_988 = arith.constant 52 : index
    %get3A_989 = arith.constant 0 : index
    %get3A_990 = vector.load %arg15[%get3A_988, %get3A_989] : memref<64x128xf32, #tpu.memory_space<vmem>>, vector<1x128xf32>
    %max3A_991 = arith.maximumf %get3A_990, %broadcast_in_dim3A_987 : vector<1x128xf32>
    %swap3A_992 = arith.constant 52 : index
    %swap3A_993 = arith.constant 0 : index
    %swap3A_994 = vector.load %arg15[%swap3A_992, %swap3A_993] : memref<64x128xf32, #tpu.memory_space<vmem>>, vector<1x128xf32>
    tpu.vector_store %arg15[%swap3A_992, %swap3A_993], %max3A_991 {strides = array<i32>} : memref<64x128xf32, #tpu.memory_space<vmem>>, vector<1x128xf32>,
    %eq3A_995 = arith.constant 53 : i32
    %eq3A_996 = vector.broadcast %eq3A_995 : i32 to vector<256x1xi32>
    %eq3A_997 = arith.cmpi eq, %get3A_45, %eq3A_996 : vector<256x1xi32>
    %jit3A_998 = arith.constant 0xFF800000 : f32
    %broadcast_in_dim3A_999 = vector.shape_cast %eq3A_997 : vector<256x1xi1> to vector<256x1xi1>
    %broadcast_in_dim3A_1000 = vector.broadcast %broadcast_in_dim3A_999 : vector<256x1xi1> to vector<256x128xi1>
    %broadcast_in_dim3A_1001 = vector.broadcast %jit3A_998 : f32 to vector<256x128xf32>
    %select_n3A_1002 = arith.select %broadcast_in_dim3A_1000, %max3A_42, %broadcast_in_dim3A_1001 : vector<256x128xi1>, vector<256x128xf32>
    %reduce_max3A_1003 = arith.constant dense<0xFF800000> : vector<128xf32>
    %reduce_max3A_1004 = vector.multi_reduction <maximumf>, %select_n3A_1002, %reduce_max3A_1003 [0] : vector<256x128xf32> to vector<128xf32>
    %broadcast_in_dim3A_1005 = vector.shape_cast %reduce_max3A_1004 : vector<128xf32> to vector<1x128xf32>
    %get3A_1006 = arith.constant 53 : index
    %get3A_1007 = arith.constant 0 : index
    %get3A_1008 = vector.load %arg15[%get3A_1006, %get3A_1007] : memref<64x128xf32, #tpu.memory_space<vmem>>, vector<1x128xf32>
    %max3A_1009 = arith.maximumf %get3A_1008, %broadcast_in_dim3A_1005 : vector<1x128xf32>
    %swap3A_1010 = arith.constant 53 : index
    %swap3A_1011 = arith.constant 0 : index
    %swap3A_1012 = vector.load %arg15[%swap3A_1010, %swap3A_1011] : memref<64x128xf32, #tpu.memory_space<vmem>>, vector<1x128xf32>
    tpu.vector_store %arg15[%swap3A_1010, %swap3A_1011], %max3A_1009 {strides = array<i32>} : memref<64x128xf32, #tpu.memory_space<vmem>>, vector<1x128xf32>,
    %eq3A_1013 = arith.constant 54 : i32
    %eq3A_1014 = vector.broadcast %eq3A_1013 : i32 to vector<256x1xi32>
    %eq3A_1015 = arith.cmpi eq, %get3A_45, %eq3A_1014 : vector<256x1xi32>
    %jit3A_1016 = arith.constant 0xFF800000 : f32
    %broadcast_in_dim3A_1017 = vector.shape_cast %eq3A_1015 : vector<256x1xi1> to vector<256x1xi1>
    %broadcast_in_dim3A_1018 = vector.broadcast %broadcast_in_dim3A_1017 : vector<256x1xi1> to vector<256x128xi1>
    %broadcast_in_dim3A_1019 = vector.broadcast %jit3A_1016 : f32 to vector<256x128xf32>
    %select_n3A_1020 = arith.select %broadcast_in_dim3A_1018, %max3A_42, %broadcast_in_dim3A_1019 : vector<256x128xi1>, vector<256x128xf32>
    %reduce_max3A_1021 = arith.constant dense<0xFF800000> : vector<128xf32>
    %reduce_max3A_1022 = vector.multi_reduction <maximumf>, %select_n3A_1020, %reduce_max3A_1021 [0] : vector<256x128xf32> to vector<128xf32>
    %broadcast_in_dim3A_1023 = vector.shape_cast %reduce_max3A_1022 : vector<128xf32> to vector<1x128xf32>
    %get3A_1024 = arith.constant 54 : index
    %get3A_1025 = arith.constant 0 : index
    %get3A_1026 = vector.load %arg15[%get3A_1024, %get3A_1025] : memref<64x128xf32, #tpu.memory_space<vmem>>, vector<1x128xf32>
    %max3A_1027 = arith.maximumf %get3A_1026, %broadcast_in_dim3A_1023 : vector<1x128xf32>
    %swap3A_1028 = arith.constant 54 : index
    %swap3A_1029 = arith.constant 0 : index
    %swap3A_1030 = vector.load %arg15[%swap3A_1028, %swap3A_1029] : memref<64x128xf32, #tpu.memory_space<vmem>>, vector<1x128xf32>
    tpu.vector_store %arg15[%swap3A_1028, %swap3A_1029], %max3A_1027 {strides = array<i32>} : memref<64x128xf32, #tpu.memory_space<vmem>>, vector<1x128xf32>,
    %eq3A_1031 = arith.constant 55 : i32
    %eq3A_1032 = vector.broadcast %eq3A_1031 : i32 to vector<256x1xi32>
    %eq3A_1033 = arith.cmpi eq, %get3A_45, %eq3A_1032 : vector<256x1xi32>
    %jit3A_1034 = arith.constant 0xFF800000 : f32
    %broadcast_in_dim3A_1035 = vector.shape_cast %eq3A_1033 : vector<256x1xi1> to vector<256x1xi1>
    %broadcast_in_dim3A_1036 = vector.broadcast %broadcast_in_dim3A_1035 : vector<256x1xi1> to vector<256x128xi1>
    %broadcast_in_dim3A_1037 = vector.broadcast %jit3A_1034 : f32 to vector<256x128xf32>
    %select_n3A_1038 = arith.select %broadcast_in_dim3A_1036, %max3A_42, %broadcast_in_dim3A_1037 : vector<256x128xi1>, vector<256x128xf32>
    %reduce_max3A_1039 = arith.constant dense<0xFF800000> : vector<128xf32>
    %reduce_max3A_1040 = vector.multi_reduction <maximumf>, %select_n3A_1038, %reduce_max3A_1039 [0] : vector<256x128xf32> to vector<128xf32>
    %broadcast_in_dim3A_1041 = vector.shape_cast %reduce_max3A_1040 : vector<128xf32> to vector<1x128xf32>
    %get3A_1042 = arith.constant 55 : index
    %get3A_1043 = arith.constant 0 : index
    %get3A_1044 = vector.load %arg15[%get3A_1042, %get3A_1043] : memref<64x128xf32, #tpu.memory_space<vmem>>, vector<1x128xf32>
    %max3A_1045 = arith.maximumf %get3A_1044, %broadcast_in_dim3A_1041 : vector<1x128xf32>
    %swap3A_1046 = arith.constant 55 : index
    %swap3A_1047 = arith.constant 0 : index
    %swap3A_1048 = vector.load %arg15[%swap3A_1046, %swap3A_1047] : memref<64x128xf32, #tpu.memory_space<vmem>>, vector<1x128xf32>
    tpu.vector_store %arg15[%swap3A_1046, %swap3A_1047], %max3A_1045 {strides = array<i32>} : memref<64x128xf32, #tpu.memory_space<vmem>>, vector<1x128xf32>,
    %eq3A_1049 = arith.constant 56 : i32
    %eq3A_1050 = vector.broadcast %eq3A_1049 : i32 to vector<256x1xi32>
    %eq3A_1051 = arith.cmpi eq, %get3A_45, %eq3A_1050 : vector<256x1xi32>
    %jit3A_1052 = arith.constant 0xFF800000 : f32
    %broadcast_in_dim3A_1053 = vector.shape_cast %eq3A_1051 : vector<256x1xi1> to vector<256x1xi1>
    %broadcast_in_dim3A_1054 = vector.broadcast %broadcast_in_dim3A_1053 : vector<256x1xi1> to vector<256x128xi1>
    %broadcast_in_dim3A_1055 = vector.broadcast %jit3A_1052 : f32 to vector<256x128xf32>
    %select_n3A_1056 = arith.select %broadcast_in_dim3A_1054, %max3A_42, %broadcast_in_dim3A_1055 : vector<256x128xi1>, vector<256x128xf32>
    %reduce_max3A_1057 = arith.constant dense<0xFF800000> : vector<128xf32>
    %reduce_max3A_1058 = vector.multi_reduction <maximumf>, %select_n3A_1056, %reduce_max3A_1057 [0] : vector<256x128xf32> to vector<128xf32>
    %broadcast_in_dim3A_1059 = vector.shape_cast %reduce_max3A_1058 : vector<128xf32> to vector<1x128xf32>
    %get3A_1060 = arith.constant 56 : index
    %get3A_1061 = arith.constant 0 : index
    %get3A_1062 = vector.load %arg15[%get3A_1060, %get3A_1061] : memref<64x128xf32, #tpu.memory_space<vmem>>, vector<1x128xf32>
    %max3A_1063 = arith.maximumf %get3A_1062, %broadcast_in_dim3A_1059 : vector<1x128xf32>
    %swap3A_1064 = arith.constant 56 : index
    %swap3A_1065 = arith.constant 0 : index
    %swap3A_1066 = vector.load %arg15[%swap3A_1064, %swap3A_1065] : memref<64x128xf32, #tpu.memory_space<vmem>>, vector<1x128xf32>
    tpu.vector_store %arg15[%swap3A_1064, %swap3A_1065], %max3A_1063 {strides = array<i32>} : memref<64x128xf32, #tpu.memory_space<vmem>>, vector<1x128xf32>,
    %eq3A_1067 = arith.constant 57 : i32
    %eq3A_1068 = vector.broadcast %eq3A_1067 : i32 to vector<256x1xi32>
    %eq3A_1069 = arith.cmpi eq, %get3A_45, %eq3A_1068 : vector<256x1xi32>
    %jit3A_1070 = arith.constant 0xFF800000 : f32
    %broadcast_in_dim3A_1071 = vector.shape_cast %eq3A_1069 : vector<256x1xi1> to vector<256x1xi1>
    %broadcast_in_dim3A_1072 = vector.broadcast %broadcast_in_dim3A_1071 : vector<256x1xi1> to vector<256x128xi1>
    %broadcast_in_dim3A_1073 = vector.broadcast %jit3A_1070 : f32 to vector<256x128xf32>
    %select_n3A_1074 = arith.select %broadcast_in_dim3A_1072, %max3A_42, %broadcast_in_dim3A_1073 : vector<256x128xi1>, vector<256x128xf32>
    %reduce_max3A_1075 = arith.constant dense<0xFF800000> : vector<128xf32>
    %reduce_max3A_1076 = vector.multi_reduction <maximumf>, %select_n3A_1074, %reduce_max3A_1075 [0] : vector<256x128xf32> to vector<128xf32>
    %broadcast_in_dim3A_1077 = vector.shape_cast %reduce_max3A_1076 : vector<128xf32> to vector<1x128xf32>
    %get3A_1078 = arith.constant 57 : index
    %get3A_1079 = arith.constant 0 : index
    %get3A_1080 = vector.load %arg15[%get3A_1078, %get3A_1079] : memref<64x128xf32, #tpu.memory_space<vmem>>, vector<1x128xf32>
    %max3A_1081 = arith.maximumf %get3A_1080, %broadcast_in_dim3A_1077 : vector<1x128xf32>
    %swap3A_1082 = arith.constant 57 : index
    %swap3A_1083 = arith.constant 0 : index
    %swap3A_1084 = vector.load %arg15[%swap3A_1082, %swap3A_1083] : memref<64x128xf32, #tpu.memory_space<vmem>>, vector<1x128xf32>
    tpu.vector_store %arg15[%swap3A_1082, %swap3A_1083], %max3A_1081 {strides = array<i32>} : memref<64x128xf32, #tpu.memory_space<vmem>>, vector<1x128xf32>,
    %eq3A_1085 = arith.constant 58 : i32
    %eq3A_1086 = vector.broadcast %eq3A_1085 : i32 to vector<256x1xi32>
    %eq3A_1087 = arith.cmpi eq, %get3A_45, %eq3A_1086 : vector<256x1xi32>
    %jit3A_1088 = arith.constant 0xFF800000 : f32
    %broadcast_in_dim3A_1089 = vector.shape_cast %eq3A_1087 : vector<256x1xi1> to vector<256x1xi1>
    %broadcast_in_dim3A_1090 = vector.broadcast %broadcast_in_dim3A_1089 : vector<256x1xi1> to vector<256x128xi1>
    %broadcast_in_dim3A_1091 = vector.broadcast %jit3A_1088 : f32 to vector<256x128xf32>
    %select_n3A_1092 = arith.select %broadcast_in_dim3A_1090, %max3A_42, %broadcast_in_dim3A_1091 : vector<256x128xi1>, vector<256x128xf32>
    %reduce_max3A_1093 = arith.constant dense<0xFF800000> : vector<128xf32>
    %reduce_max3A_1094 = vector.multi_reduction <maximumf>, %select_n3A_1092, %reduce_max3A_1093 [0] : vector<256x128xf32> to vector<128xf32>
    %broadcast_in_dim3A_1095 = vector.shape_cast %reduce_max3A_1094 : vector<128xf32> to vector<1x128xf32>
    %get3A_1096 = arith.constant 58 : index
    %get3A_1097 = arith.constant 0 : index
    %get3A_1098 = vector.load %arg15[%get3A_1096, %get3A_1097] : memref<64x128xf32, #tpu.memory_space<vmem>>, vector<1x128xf32>
    %max3A_1099 = arith.maximumf %get3A_1098, %broadcast_in_dim3A_1095 : vector<1x128xf32>
    %swap3A_1100 = arith.constant 58 : index
    %swap3A_1101 = arith.constant 0 : index
    %swap3A_1102 = vector.load %arg15[%swap3A_1100, %swap3A_1101] : memref<64x128xf32, #tpu.memory_space<vmem>>, vector<1x128xf32>
    tpu.vector_store %arg15[%swap3A_1100, %swap3A_1101], %max3A_1099 {strides = array<i32>} : memref<64x128xf32, #tpu.memory_space<vmem>>, vector<1x128xf32>,
    %eq3A_1103 = arith.constant 59 : i32
    %eq3A_1104 = vector.broadcast %eq3A_1103 : i32 to vector<256x1xi32>
    %eq3A_1105 = arith.cmpi eq, %get3A_45, %eq3A_1104 : vector<256x1xi32>
    %jit3A_1106 = arith.constant 0xFF800000 : f32
    %broadcast_in_dim3A_1107 = vector.shape_cast %eq3A_1105 : vector<256x1xi1> to vector<256x1xi1>
    %broadcast_in_dim3A_1108 = vector.broadcast %broadcast_in_dim3A_1107 : vector<256x1xi1> to vector<256x128xi1>
    %broadcast_in_dim3A_1109 = vector.broadcast %jit3A_1106 : f32 to vector<256x128xf32>
    %select_n3A_1110 = arith.select %broadcast_in_dim3A_1108, %max3A_42, %broadcast_in_dim3A_1109 : vector<256x128xi1>, vector<256x128xf32>
    %reduce_max3A_1111 = arith.constant dense<0xFF800000> : vector<128xf32>
    %reduce_max3A_1112 = vector.multi_reduction <maximumf>, %select_n3A_1110, %reduce_max3A_1111 [0] : vector<256x128xf32> to vector<128xf32>
    %broadcast_in_dim3A_1113 = vector.shape_cast %reduce_max3A_1112 : vector<128xf32> to vector<1x128xf32>
    %get3A_1114 = arith.constant 59 : index
    %get3A_1115 = arith.constant 0 : index
    %get3A_1116 = vector.load %arg15[%get3A_1114, %get3A_1115] : memref<64x128xf32, #tpu.memory_space<vmem>>, vector<1x128xf32>
    %max3A_1117 = arith.maximumf %get3A_1116, %broadcast_in_dim3A_1113 : vector<1x128xf32>
    %swap3A_1118 = arith.constant 59 : index
    %swap3A_1119 = arith.constant 0 : index
    %swap3A_1120 = vector.load %arg15[%swap3A_1118, %swap3A_1119] : memref<64x128xf32, #tpu.memory_space<vmem>>, vector<1x128xf32>
    tpu.vector_store %arg15[%swap3A_1118, %swap3A_1119], %max3A_1117 {strides = array<i32>} : memref<64x128xf32, #tpu.memory_space<vmem>>, vector<1x128xf32>,
    %eq3A_1121 = arith.constant 60 : i32
    %eq3A_1122 = vector.broadcast %eq3A_1121 : i32 to vector<256x1xi32>
    %eq3A_1123 = arith.cmpi eq, %get3A_45, %eq3A_1122 : vector<256x1xi32>
    %jit3A_1124 = arith.constant 0xFF800000 : f32
    %broadcast_in_dim3A_1125 = vector.shape_cast %eq3A_1123 : vector<256x1xi1> to vector<256x1xi1>
    %broadcast_in_dim3A_1126 = vector.broadcast %broadcast_in_dim3A_1125 : vector<256x1xi1> to vector<256x128xi1>
    %broadcast_in_dim3A_1127 = vector.broadcast %jit3A_1124 : f32 to vector<256x128xf32>
    %select_n3A_1128 = arith.select %broadcast_in_dim3A_1126, %max3A_42, %broadcast_in_dim3A_1127 : vector<256x128xi1>, vector<256x128xf32>
    %reduce_max3A_1129 = arith.constant dense<0xFF800000> : vector<128xf32>
    %reduce_max3A_1130 = vector.multi_reduction <maximumf>, %select_n3A_1128, %reduce_max3A_1129 [0] : vector<256x128xf32> to vector<128xf32>
    %broadcast_in_dim3A_1131 = vector.shape_cast %reduce_max3A_1130 : vector<128xf32> to vector<1x128xf32>
    %get3A_1132 = arith.constant 60 : index
    %get3A_1133 = arith.constant 0 : index
    %get3A_1134 = vector.load %arg15[%get3A_1132, %get3A_1133] : memref<64x128xf32, #tpu.memory_space<vmem>>, vector<1x128xf32>
    %max3A_1135 = arith.maximumf %get3A_1134, %broadcast_in_dim3A_1131 : vector<1x128xf32>
    %swap3A_1136 = arith.constant 60 : index
    %swap3A_1137 = arith.constant 0 : index
    %swap3A_1138 = vector.load %arg15[%swap3A_1136, %swap3A_1137] : memref<64x128xf32, #tpu.memory_space<vmem>>, vector<1x128xf32>
    tpu.vector_store %arg15[%swap3A_1136, %swap3A_1137], %max3A_1135 {strides = array<i32>} : memref<64x128xf32, #tpu.memory_space<vmem>>, vector<1x128xf32>,
    %eq3A_1139 = arith.constant 61 : i32
    %eq3A_1140 = vector.broadcast %eq3A_1139 : i32 to vector<256x1xi32>
    %eq3A_1141 = arith.cmpi eq, %get3A_45, %eq3A_1140 : vector<256x1xi32>
    %jit3A_1142 = arith.constant 0xFF800000 : f32
    %broadcast_in_dim3A_1143 = vector.shape_cast %eq3A_1141 : vector<256x1xi1> to vector<256x1xi1>
    %broadcast_in_dim3A_1144 = vector.broadcast %broadcast_in_dim3A_1143 : vector<256x1xi1> to vector<256x128xi1>
    %broadcast_in_dim3A_1145 = vector.broadcast %jit3A_1142 : f32 to vector<256x128xf32>
    %select_n3A_1146 = arith.select %broadcast_in_dim3A_1144, %max3A_42, %broadcast_in_dim3A_1145 : vector<256x128xi1>, vector<256x128xf32>
    %reduce_max3A_1147 = arith.constant dense<0xFF800000> : vector<128xf32>
    %reduce_max3A_1148 = vector.multi_reduction <maximumf>, %select_n3A_1146, %reduce_max3A_1147 [0] : vector<256x128xf32> to vector<128xf32>
    %broadcast_in_dim3A_1149 = vector.shape_cast %reduce_max3A_1148 : vector<128xf32> to vector<1x128xf32>
    %get3A_1150 = arith.constant 61 : index
    %get3A_1151 = arith.constant 0 : index
    %get3A_1152 = vector.load %arg15[%get3A_1150, %get3A_1151] : memref<64x128xf32, #tpu.memory_space<vmem>>, vector<1x128xf32>
    %max3A_1153 = arith.maximumf %get3A_1152, %broadcast_in_dim3A_1149 : vector<1x128xf32>
    %swap3A_1154 = arith.constant 61 : index
    %swap3A_1155 = arith.constant 0 : index
    %swap3A_1156 = vector.load %arg15[%swap3A_1154, %swap3A_1155] : memref<64x128xf32, #tpu.memory_space<vmem>>, vector<1x128xf32>
    tpu.vector_store %arg15[%swap3A_1154, %swap3A_1155], %max3A_1153 {strides = array<i32>} : memref<64x128xf32, #tpu.memory_space<vmem>>, vector<1x128xf32>,
    %eq3A_1157 = arith.constant 62 : i32
    %eq3A_1158 = vector.broadcast %eq3A_1157 : i32 to vector<256x1xi32>
    %eq3A_1159 = arith.cmpi eq, %get3A_45, %eq3A_1158 : vector<256x1xi32>
    %jit3A_1160 = arith.constant 0xFF800000 : f32
    %broadcast_in_dim3A_1161 = vector.shape_cast %eq3A_1159 : vector<256x1xi1> to vector<256x1xi1>
    %broadcast_in_dim3A_1162 = vector.broadcast %broadcast_in_dim3A_1161 : vector<256x1xi1> to vector<256x128xi1>
    %broadcast_in_dim3A_1163 = vector.broadcast %jit3A_1160 : f32 to vector<256x128xf32>
    %select_n3A_1164 = arith.select %broadcast_in_dim3A_1162, %max3A_42, %broadcast_in_dim3A_1163 : vector<256x128xi1>, vector<256x128xf32>
    %reduce_max3A_1165 = arith.constant dense<0xFF800000> : vector<128xf32>
    %reduce_max3A_1166 = vector.multi_reduction <maximumf>, %select_n3A_1164, %reduce_max3A_1165 [0] : vector<256x128xf32> to vector<128xf32>
    %broadcast_in_dim3A_1167 = vector.shape_cast %reduce_max3A_1166 : vector<128xf32> to vector<1x128xf32>
    %get3A_1168 = arith.constant 62 : index
    %get3A_1169 = arith.constant 0 : index
    %get3A_1170 = vector.load %arg15[%get3A_1168, %get3A_1169] : memref<64x128xf32, #tpu.memory_space<vmem>>, vector<1x128xf32>
    %max3A_1171 = arith.maximumf %get3A_1170, %broadcast_in_dim3A_1167 : vector<1x128xf32>
    %swap3A_1172 = arith.constant 62 : index
    %swap3A_1173 = arith.constant 0 : index
    %swap3A_1174 = vector.load %arg15[%swap3A_1172, %swap3A_1173] : memref<64x128xf32, #tpu.memory_space<vmem>>, vector<1x128xf32>
    tpu.vector_store %arg15[%swap3A_1172, %swap3A_1173], %max3A_1171 {strides = array<i32>} : memref<64x128xf32, #tpu.memory_space<vmem>>, vector<1x128xf32>,
    %eq3A_1175 = arith.constant 63 : i32
    %eq3A_1176 = vector.broadcast %eq3A_1175 : i32 to vector<256x1xi32>
    %eq3A_1177 = arith.cmpi eq, %get3A_45, %eq3A_1176 : vector<256x1xi32>
    %jit3A_1178 = arith.constant 0xFF800000 : f32
    %broadcast_in_dim3A_1179 = vector.shape_cast %eq3A_1177 : vector<256x1xi1> to vector<256x1xi1>
    %broadcast_in_dim3A_1180 = vector.broadcast %broadcast_in_dim3A_1179 : vector<256x1xi1> to vector<256x128xi1>
    %broadcast_in_dim3A_1181 = vector.broadcast %jit3A_1178 : f32 to vector<256x128xf32>
    %select_n3A_1182 = arith.select %broadcast_in_dim3A_1180, %max3A_42, %broadcast_in_dim3A_1181 : vector<256x128xi1>, vector<256x128xf32>
    %reduce_max3A_1183 = arith.constant dense<0xFF800000> : vector<128xf32>
    %reduce_max3A_1184 = vector.multi_reduction <maximumf>, %select_n3A_1182, %reduce_max3A_1183 [0] : vector<256x128xf32> to vector<128xf32>
    %broadcast_in_dim3A_1185 = vector.shape_cast %reduce_max3A_1184 : vector<128xf32> to vector<1x128xf32>
    %get3A_1186 = arith.constant 63 : index
    %get3A_1187 = arith.constant 0 : index
    %get3A_1188 = vector.load %arg15[%get3A_1186, %get3A_1187] : memref<64x128xf32, #tpu.memory_space<vmem>>, vector<1x128xf32>
    %max3A_1189 = arith.maximumf %get3A_1188, %broadcast_in_dim3A_1185 : vector<1x128xf32>
    %swap3A_1190 = arith.constant 63 : index
    %swap3A_1191 = arith.constant 0 : index
    %swap3A_1192 = vector.load %arg15[%swap3A_1190, %swap3A_1191] : memref<64x128xf32, #tpu.memory_space<vmem>>, vector<1x128xf32>
    tpu.vector_store %arg15[%swap3A_1190, %swap3A_1191], %max3A_1189 {strides = array<i32>} : memref<64x128xf32, #tpu.memory_space<vmem>>, vector<1x128xf32>,
    %eq3A_1193 = arith.constant 39 : i32
    %eq3A_1194 = arith.cmpi eq, %arg0, %eq3A_1193 : i32
    %convert_element_type3A_1195 = arith.extui %eq3A_1194 : i1 to i32
    %cond3A_1196 = arith.constant 0 : i32
    %cond3A_1197 = arith.cmpi ne, %convert_element_type3A_1195, %cond3A_1196 : i32
    scf.if %cond3A_1197 {
      %get3A_1198 = arith.constant 0 : index
      %get3A_1199 = arith.constant 0 : index
      %get3A_1200 = vector.load %arg15[%get3A_1198, %get3A_1199] : memref<64x128xf32, #tpu.memory_space<vmem>>, vector<64x128xf32>
      %get3A_1201 = arith.constant 0 : index
      %get3A_1202 = arith.constant 0 : index
      %get3A_1203 = vector.load %arg10[%get3A_1201, %get3A_1202] : memref<128x128xf32, #tpu.memory_space<vmem>>, vector<128x128xf32>
      %dot_general3A_1204 = arith.constant dense<0.000000e+00> : vector<64x128xf32>
      %dot_general3A_1205 = tpu.matmul %get3A_1200, %get3A_1203, %dot_general3A_1204 {dimension_numbers = #tpu.dot_dimension_numbers<[1], [0], [0], [1], [0, 0, 1, 1], [], []>, precision = #tpu.contract_precision<fp32>, transpose_lhs_hint = false} : vector<64x128xf32>, vector<128x128xf32>, vector<64x128xf32> -> vector<64x128xf32>
      %get3A_1206 = arith.constant 0 : index
      %get3A_1207 = arith.constant 0 : index
      %get3A_1208 = vector.load %arg11[%get3A_1206, %get3A_1207] : memref<8x128xf32, #tpu.memory_space<vmem>>, vector<1x128xf32>
      %add3A_1209 = vector.broadcast %get3A_1208 : vector<1x128xf32> to vector<64x128xf32>
      %add3A_1210 = arith.addf %dot_general3A_1205, %add3A_1209 : vector<64x128xf32>
      %max3A_1211 = arith.constant 0.000000e+00 : f32
      %max3A_1212 = vector.broadcast %max3A_1211 : f32 to vector<64x128xf32>
      %max3A_1213 = arith.maximumf %add3A_1210, %max3A_1212 : vector<64x128xf32>
      %get3A_1214 = arith.constant 0 : index
      %get3A_1215 = arith.constant 0 : index
      %get3A_1216 = vector.load %arg12[%get3A_1214, %get3A_1215] : memref<128x128xf32, #tpu.memory_space<vmem>>, vector<128x128xf32>
      %dot_general3A_1217 = arith.constant dense<0.000000e+00> : vector<64x128xf32>
      %dot_general3A_1218 = tpu.matmul %max3A_1213, %get3A_1216, %dot_general3A_1217 {dimension_numbers = #tpu.dot_dimension_numbers<[1], [0], [0], [1], [0, 0, 1, 1], [], []>, precision = #tpu.contract_precision<fp32>, transpose_lhs_hint = false} : vector<64x128xf32>, vector<128x128xf32>, vector<64x128xf32> -> vector<64x128xf32>
      %get3A_1219 = arith.constant 0 : index
      %get3A_1220 = arith.constant 0 : index
      %get3A_1221 = vector.load %arg13[%get3A_1219, %get3A_1220] : memref<8x128xf32, #tpu.memory_space<vmem>>, vector<1x128xf32>
      %add3A_1222 = vector.broadcast %get3A_1221 : vector<1x128xf32> to vector<64x128xf32>
      %add3A_1223 = arith.addf %dot_general3A_1218, %add3A_1222 : vector<64x128xf32>
      %swap3A_1224 = arith.constant 0 : index
      %swap3A_1225 = arith.constant 0 : index
      %swap3A_1226 = vector.load %arg14[%swap3A_1224, %swap3A_1225] : memref<64x128xf32, #tpu.memory_space<vmem>>, vector<64x128xf32>
      tpu.vector_store %arg14[%swap3A_1224, %swap3A_1225], %add3A_1223 {strides = array<i32>} : memref<64x128xf32, #tpu.memory_space<vmem>>, vector<64x128xf32>,
    } else {
    }
    return
  }
  func.func @transform_0(%arg0: i32) -> (i32, i32) {
    %c0_i32 = arith.constant 0 : i32
    %c0_i32_0 = arith.constant 0 : i32
    return %arg0, %c0_i32 : i32, i32
  }
  func.func @transform_1(%arg0: i32) -> (i32, i32) {
    %c0_i32 = arith.constant 0 : i32
    %c0_i32_0 = arith.constant 0 : i32
    return %arg0, %c0_i32 : i32, i32
  }
  func.func @transform_2(%arg0: i32) -> (i32, i32) {
    %c0_i32 = arith.constant 0 : i32
    %c0_i32_0 = arith.constant 0 : i32
    return %arg0, %c0_i32 : i32, i32
  }
  func.func @transform_3(%arg0: i32) -> (i32, i32) {
    %c0_i32 = arith.constant 0 : i32
    %c0_i32_0 = arith.constant 0 : i32
    return %arg0, %c0_i32 : i32, i32
  }
  func.func @transform_4(%arg0: i32) -> (i32, i32) {
    %c0_i32 = arith.constant 0 : i32
    %c0_i32_0 = arith.constant 0 : i32
    %c0_i32_1 = arith.constant 0 : i32
    return %c0_i32, %c0_i32_0 : i32, i32
  }
  func.func @transform_5(%arg0: i32) -> (i32, i32) {
    %c0_i32 = arith.constant 0 : i32
    %c0_i32_0 = arith.constant 0 : i32
    %c0_i32_1 = arith.constant 0 : i32
    return %c0_i32, %c0_i32_0 : i32, i32
  }
  func.func @transform_6(%arg0: i32) -> (i32, i32) {
    %c0_i32 = arith.constant 0 : i32
    %c0_i32_0 = arith.constant 0 : i32
    %c0_i32_1 = arith.constant 0 : i32
    return %c0_i32, %c0_i32_0 : i32, i32
  }
  func.func @transform_7(%arg0: i32) -> (i32, i32) {
    %c0_i32 = arith.constant 0 : i32
    %c0_i32_0 = arith.constant 0 : i32
    %c0_i32_1 = arith.constant 0 : i32
    return %c0_i32, %c0_i32_0 : i32, i32
  }
  func.func @transform_8(%arg0: i32) -> (i32, i32) {
    %c0_i32 = arith.constant 0 : i32
    %c0_i32_0 = arith.constant 0 : i32
    return %arg0, %c0_i32 : i32, i32
  }
  func.func @transform_9(%arg0: i32) -> (i32, i32) {
    %c0_i32 = arith.constant 0 : i32
    %c0_i32_0 = arith.constant 0 : i32
    %c0_i32_1 = arith.constant 0 : i32
    return %c0_i32, %c0_i32_0 : i32, i32
  }
  func.func @transform_10(%arg0: i32) -> (i32, i32) {
    %c0_i32 = arith.constant 0 : i32
    %c0_i32_0 = arith.constant 0 : i32
    %c0_i32_1 = arith.constant 0 : i32
    return %c0_i32, %c0_i32_0 : i32, i32
  }
  func.func @transform_11(%arg0: i32) -> (i32, i32) {
    %c0_i32 = arith.constant 0 : i32
    %c0_i32_0 = arith.constant 0 : i32
    %c0_i32_1 = arith.constant 0 : i32
    return %c0_i32, %c0_i32_0 : i32, i32
  }
  func.func @transform_12(%arg0: i32) -> (i32, i32) {
    %c0_i32 = arith.constant 0 : i32
    %c0_i32_0 = arith.constant 0 : i32
    %c0_i32_1 = arith.constant 0 : i32
    return %c0_i32, %c0_i32_0 : i32, i32
  }
  func.func @transform_13(%arg0: i32) -> (i32, i32) {
    %c0_i32 = arith.constant 0 : i32
    %c0_i32_0 = arith.constant 0 : i32
    %c0_i32_1 = arith.constant 0 : i32
    return %c0_i32, %c0_i32_0 : i32, i32
  }
}

</mosaic_0001>

<sc_bundles>
// kernel: kernel.10.cloned.1.call-start
scs
__scs_entry_jumppad:
0x0: {  	(pc) =	sbr.rel $0x88, $3  }
0x1: {  	(tag) =	ssettag $0x0;
	lr =	simm.s32 $0x1  }
0x2: {  	[smem:$0x3F8E] =	sst lr;
	_ =	strace $0xD0000000  }
0x3: {  	_ = 	snop  }
0x4: {  	_ = 	snop  }
0x5: {  	_ = 	snop  }
0x6: {  	_ = 	snop  }
0x7: {  	_ = 	snop  }
__scs_overlays_trampoline_lowered:
0x8: {  	[smem:$0x3F9D] =	sst s0  }
0x9: {  	[smem:$0x3F9E] =	sst s1  }
0xa: {  	[smem:$0x3F9F] =	sst s2  }
0xb: {  	[smem:$0x3FA0] =	sst s3  }
0xc: {  	[smem:$0x3FA1] =	sst s4  }
0xd: {  	[smem:$0x3FA2] =	sst s5  }
0xe: {  	[smem:$0x3FA3] =	sst s6  }
0xf: {  	[smem:$0x3FA4] =	sst s7  }
0x10: {  	[smem:$0x3FA5] =	sst s8  }
0x11: {  	[smem:$0x3FA6] =	sst s9;
	s0 =	simm.s32 @!p0 $0x0  }
0x12: {  	s1 =	sld [smem:$0x3F8C];
	s0 =	simm.s32 @p0 $0x1  }
0x13: {  	[smem:$0x3FA7] =	sst s0;
	s0 =	simm.s32 @!p1 $0x0  }
0x14: {  	s2 =	sld [smem:$0x3F8B];
	s0 =	simm.s32 @p1 $0x1  }
0x15: {  	[smem:$0x3FA8] =	sst s0;
	s0 =	simm.s32 @!p2 $0x0  }
0x16: {  	s3 =	sld [smem:$0x3FDB];
	s0 =	simm.s32 @p2 $0x1  }
0x17: {  	s4 =	simm.s32 $0x1BF5;
	[smem:$0x3FAA] =	sst s0  }
0x18: {  	s0 =	sld [smem:$0x3F8D];
	_ =	swait.ge [sflag:s4], $0x0  }
0x19: {  	s7 =	sld [smem:$0x3F8E]  }
0x1a: {  	s8 =	sadd.s32 $0xFFFFE003, lr  }
0x1b: {  	s9 =	sadd.s32 $0xFFFFFEF7, lr;
	s5 =	simm.s32 $0xFFFFFFFF;
	p2 =	slt.u32 s8, $0xFFFFF086  }
0x1c: {  	p1 =	slt.u32 s9, $0xF7A;
	s5 =	simm.s32 @!p2 $0x0  }
0x1d: {  	s5 =	simm.s32 @p1 $0x1;
	p0 =	seq.s32 s7, s2  }
0x1e: {  	s7 =	smul.u32 @!p0 $0xF7A, s2;
	p2 =	seq.s32 @!p0 s5, $0x0  }
0x1f: {  	s9 =	smul.u32 $0xF7A, s1;
	s8 =	simm.s32 @!p0 $0x1BF5;
	p2 =	por !p2, p0  }
0x20: {  	[sflag:s8] =	ssyncset.s32 @!p0 $0xFFFFF086;
	s6 =	sadd.s32 @!p0 s3, s7;
	s7 =	simm.s32 @!p0 $0x108  }
0x21: {  	s3 =	sadd.s32 s3, s9;
	s6 =	sadd.s32 @!p0 $0x88, s6;
	s7 =	simm.s32 @p2 $0x1082  }
0x22: {  	[simem:s7], [sflag:s8] =	dma.local @!p0 [hbm:s6], $0xF7A  }
0x23: {  	s9 =	sor.u32 $0xD0000000, s2;
	s6 =	simm.s32 $0x108;
	_ =	swait.ge @!p0 [sflag:s8], $0x0  }
0x24: {  	s3 =	sadd.s32 $0x88, s3;
	s6 =	simm.s32 @!p1 $0x1082;
	[sflag:s4] =	ssyncset.s32 $0xFFFFF086  }
0x25: {  	[simem:s6], [sflag:s4] =	dma.local [hbm:s3], $0xF7A  }
0x26: {  	[smem:$0x3F8E] =	sst s1;
	(tag) =	ssettag s2;
	_ =	strace s9  }
0x27: {  	s1 =	sld [smem:$0x3F9E]  }
0x28: {  	s2 =	sld [smem:$0x3F9F]  }
0x29: {  	s4 =	sld [smem:$0x3FA1]  }
0x2a: {  	p0 =	seq.s32 s5, $0x0;
	s5 =	sld [smem:$0x3FA2]  }
0x2b: {  	s6 =	sld [smem:$0x3FA3]  }
0x2c: {  	s7 =	sld [smem:$0x3FA4]  }
0x2d: {  	s3 =	simm.s32 $0x108;
	s8 =	sld [smem:$0x3FA5]  }
0x2e: {  	s3 =	simm.s32 @!p0 $0x1082;
	s9 =	sld [smem:$0x3FA6]  }
0x2f: {  	lr =	sadd.s32 s0, s3;
	s0 =	sld [smem:$0x3F9D]  }
0x30: {  	s3 =	sld [smem:$0x3FA0]  }
0x31: {  	[smem:$0x3FA9] =	sst s10  }
0x32: {  	s10 =	sld [smem:$0x3FA7];
	_ =	sdelay $0x3  }
0x33: {  	p0 =	seq.s32 s10, $0x1;
	s10 =	sld [smem:$0x3FA9];
	_ =	sdelay $0x3  }
0x34: {  	[smem:$0x3FA9] =	sst s10  }
0x35: {  	s10 =	sld [smem:$0x3FA8];
	_ =	sdelay $0x3  }
0x36: {  	p1 =	seq.s32 s10, $0x1;
	s10 =	sld [smem:$0x3FA9];
	_ =	sdelay $0x3  }
0x37: {  	[smem:$0x3FA9] =	sst s10  }
0x38: {  	s10 =	sld [smem:$0x3FAA]  }
0x39: {  	_ = 	snop;
	(pc) =	sbr.ind lr, $3  }
0x3a: {  	_ = 	snop  }
0x3b: {  	_ = 	snop  }
0x3c: {  	p2 =	seq.s32 s10, $0x1;
	s10 =	sld [smem:$0x3FA9]  }
0x3d: {  	_ =	shalt  }
0x3e: {  	_ =	shalt  }
0x3f: {  	_ =	shalt  }
0x40: {  	_ =	shalt  }
0x41: {  	_ =	shalt  }
0x42: {  	_ =	shalt  }
0x43: {  	_ =	shalt  }
0x44: {  	_ =	shalt  }
0x45: {  	_ =	shalt  }
0x46: {  	_ =	shalt  }
0x47: {  	_ =	shalt  }
0x48: {  	_ =	shalt  }
0x49: {  	_ =	shalt  }
0x4a: {  	_ =	shalt  }
0x4b: {  	_ =	shalt  }
0x4c: {  	_ =	shalt  }
0x4d: {  	_ =	shalt  }
0x4e: {  	_ =	shalt  }
0x4f: {  	_ =	shalt  }
0x50: {  	_ =	shalt  }
0x51: {  	_ =	shalt  }
0x52: {  	_ =	shalt  }
0x53: {  	_ =	shalt  }
0x54: {  	_ =	shalt  }
0x55: {  	_ =	shalt  }
0x56: {  	_ =	shalt  }
0x57: {  	_ =	shalt  }
0x58: {  	_ =	shalt  }
0x59: {  	_ =	shalt  }
0x5a: {  	_ =	shalt  }
0x5b: {  	_ =	shalt  }
0x5c: {  	_ =	shalt  }
0x5d: {  	_ =	shalt  }
0x5e: {  	_ =	shalt  }
0x5f: {  	_ =	shalt  }
0x60: {  	_ =	shalt  }
0x61: {  	_ =	shalt  }
0x62: {  	_ =	shalt  }
0x63: {  	_ =	shalt  }
0x64: {  	_ =	shalt  }
0x65: {  	_ =	shalt  }
0x66: {  	_ =	shalt  }
0x67: {  	_ =	shalt  }
0x68: {  	_ =	shalt  }
0x69: {  	_ =	shalt  }
0x6a: {  	_ =	shalt  }
0x6b: {  	_ =	shalt  }
0x6c: {  	_ =	shalt  }
0x6d: {  	_ =	shalt  }
0x6e: {  	_ =	shalt  }
0x6f: {  	_ =	shalt  }
0x70: {  	_ =	shalt  }
0x71: {  	_ =	shalt  }
0x72: {  	_ =	shalt  }
0x73: {  	_ =	shalt  }
0x74: {  	_ =	shalt  }
0x75: {  	_ =	shalt  }
0x76: {  	_ =	shalt  }
0x77: {  	_ =	shalt  }
0x78: {  	_ =	shalt  }
0x79: {  	_ =	shalt  }
0x7a: {  	_ =	shalt  }
0x7b: {  	_ =	shalt  }
0x7c: {  	_ =	shalt  }
0x7d: {  	_ =	shalt  }
0x7e: {  	_ =	shalt  }
0x7f: {  	_ =	shalt  }
0x80: {  	_ =	shalt  }
0x81: {  	_ =	shalt  }
0x82: {  	_ =	shalt  }
0x83: {  	_ =	shalt  }
0x84: {  	_ =	shalt  }
0x85: {  	_ =	shalt  }
0x86: {  	_ =	shalt  }
0x87: {  	_ =	shalt  }
.Lfunc_end0:
.L_simem_size_0:
called_computation_lowered:
.L_overlay_start_0:
0x88: {  	s2 =	sld [smem:$0x3FD9]  }
0x89: {  	s3 =	sld [smem:$0x3FFE];
	_ =	sdelay $0x1  }
0x8a: {  	s1 =	srdreg.scid  }
0x8b: {  	s0 =	sand.u32 $0x1, s1  }
0x8c: {  	s16 =	sshll.u32 s0, $0xA;
	s2 =	sadd.s32 s3, s2  }
0x8d: {  	s2 =	sadd.s32 s2, s16  }
0x8e: {  	[smem:$0x3FB5] =	sst s2  }
0x8f: {  	_ = 	snop  }
0x90: {  	(tm) =	ssettm $0x1  }
0x91: {  	s17 =	sld [smem:$0x3FFB];
	_ =	sdelay $0x3  }
0x92: {  	_ =	strace s17  }
0x93: {  	s2 =	sld [smem:$0x3FFC];
	_ =	sdelay $0x3  }
0x94: {  	_ =	strace s2  }
0x95: {  	s2 =	sld [smem:$0x3FFD];
	_ =	sdelay $0x3  }
0x96: {  	_ =	strace s2  }
0x97: {  	_ =	strace $0x8FFFFFFF  }
0x98: {  	s18 =	sld [smem:$0x3FDB];
	_ =	sdelay $0x1  }
0x99: {  	s19 =	simm.s32 $_scs_section_size  }
0x9a: {  	s4 =	simm.s32 $_size__tile_overlayer_lowered;
	s5 =	simm.s32 $_tile_overlayer_lowered  }
0x9b: {  	s22 =	simm.s32 $0x1BFF;
	s21 =	sshll.u32 s5, $0x1;
	s2 =	sadd.s32 s19, s18  }
0x9c: {  	s6 =	simm.s32 $0x0;
	s20 =	sshll.u32 s4, $0x1;
	s4 =	sadd.s32 s21, s2  }
0x9d: {  	[timem:s6], [sflag:s22] =	dma.local [hbm:s4], s20  }
0x9e: {  	_ =	swait.ge [sflag:s22], s20  }
0x9f: {  	s3 =	ssub.s32 $0x0, s20;
	[sflag:s22] =	ssyncset.done $0x0  }
0xa0: {  	[sflag:s22] =	ssyncadd.s32 s3;
	_ =	sdelay $0x1  }
0xa1: {  	s23 =	simm.s32 $0x1B8B  }
0xa2: {  	_ =	swait.ge [sflag:s23], $0x1  }
0xa3: {  	[sflag:s23] =	ssyncset.done $0x0  }
0xa4: {  	s25 =	simm.s32 $0x1B8E;
	s24 =	sld [smem:$0x3FFE];
	[sflag:s23] =	ssyncadd.s32 $0xFFFFFFFF  }
0xa5: {  	s26 =	simm.s32 $execute0_lowered;
	[smem:$0x3FD2] =	sst s25  }
0xa6: {  	s4 =	sshll.u32 s26, $0x1;
	_ =	strace $0x80000046;
	[dreg:$0x1] =	wrdreg $0xFFFFFFFF  }
0xa7: {  	s28 =	simm.s32 $_size_execute0_lowered;
	s2 =	sadd.s32 s2, s4;
	[dreg:$0x0] =	wrdreg $0x0  }
0xa8: {  	s4 =	sshll.u32 s28, $0x1;
	[dreg:$0x2] =	wrdreg s2  }
0xa9: {  	[dreg:$0x3] =	wrdreg s4  }
0xaa: {  	[dreg:$0x4] =	wrdreg $0xC0  }
0xab: {  	_ =	task [dreg:s6], $0x5FFFF  }
0xac: {  	[dreg:$0x1] =	wrdreg $0xFFFFFFFF  }
0xad: {  	[dreg:$0x0] =	wrdreg $0x60  }
0xae: {  	[dreg:$0x2] =	wrdreg s24  }
0xaf: {  	[dreg:$0x3] =	wrdreg $0x40800  }
0xb0: {  	[dreg:$0x4] =	wrdreg $0x9  }
0xb1: {  	_ =	task.clear_ibuf [dreg:s6], $0x5FFFF;
	_ =	strace $0x90000046  }
0xb2: {  	s29 =	simm.s32 $0x9;
	_ =	strace $0x80000048  }
0xb3: {  	_ =	swait.ge [sflag:s29], $0x1  }
0xb4: {  	[sflag:s29] =	ssyncadd.s32 $0xFFFFFFFF  }
0xb5: {  	_ =	strace $0x90000048  }
0xb6: {  	_ =	sfence  }
0xb7: {  	s30 =	sld [smem:$0x0];
	_ =	sdelay $0x2  }
0xb8: {  	s31 =	sshll.u32 s1, $0xD;
	s1 =	sshrl.u32 s1, $0x2  }
0xb9: {  	s3 =	sand.u32 $0x4000, s31;
	s1 =	sadd.s32 s1, s30  }
0xba: {  	s0 =	sor.u32 s3, s0;
	s1 =	sshll.u32 s1, $0x11  }
0xbb: {  	s0 =	sor.u32 s1, s0  }
0xbc: {  	s0 =	sadd.s32 $0x8F2B, s0  }
0xbd: {  	[sflag:s0] =	ssyncadd.remote.s32 $0x1  }
0xbe: {  	_ =	sfence.sel $0xFFFF  }
0xbf: {  	[dreg:$0x0] =	wrdreg $0xFFFFFFFF;
	(pc) =	sbr.abs _section_cstart, $3  }
0xc0: {  	[dreg:$0x1] =	wrdreg $0xFFFFFFFF  }
0xc1: {  	_ =	task.clear_ibuf [dreg:s6], $0x2FFFF;
	_ =	strace $0x9FFFFFFF  }
0xc2: {  	(tm) =	ssettm $0x7FFFFFFF  }
0xc3: {  	_ =	shalt  }
tec
execute0_lowered:
.L_overlay_start_1:
0x0: {  	(tag) =	ssettag $0x1  }
0x1: {  	s7 =	rddreg [dreg:$0x0]  }
0x2: {  	s1 =	rddreg [dreg:$0x1]  }
0x3: {  	s0 =	rddreg [dreg:$0x2]  }
0x4: {  	s2 =	simm.s32 $0x0;
	s3 =	srdreg.scid;
	s16 =	simm.s32 $0x80  }
0x5: {  	s17 =	simm.s32 $0x1;
	s19 =	simm.s32 $0x0;
	[smem:$0x7FF] =	sst s2  }
0x6: {  	s8 =	sand.u32 $0x1, s3;
	s4 =	sadd.s32 $0x6C00, s7;
	s3 =	stileid.u32  }
0x7: {  	s5 =	sadd.s32 $0x10C00, s7;
	s6 =	sadd.s32 $0x1AC00, s7;
	s11 =	smul.u32 $0x50000, s3  }
0x8: {  	s9 =	ssub.s32 $0x2, s8;
	p0 =	seq.s32 s8, $0x1;
	s8 =	smul.u32 $0x5000, s3  }
.Ltmp0:
0x9: {  	s7 =	sadd.s32 $0x42C00, s7;
	_ =	strace $0x80000047;
	(pc) =	sbr.rel .LBB2_1-.Ltmp0, $4  }
0xa: {  	s18 =	sshll.u32 s3, $0x6;
	s10 =	sshrl.u32 s9, $0x1;
	s31 =	sshrl.u32 s11, $0x2  }
0xb: {  	s18 =	sor.u32 $0x1C01, s18;
	s12 =	ssub.s32 s9, s10;
	s9 =	sadd.s32 s31, s1  }
0xc: {  	s10 =	smul.u32 $0x2800, s3;
	s11 =	smax.u32 s12, $0x1;
	s12 =	sadd.s32 $0x4000, s9  }
0xd: {  	v0 =	vimm.f32 $0.0e+00;
	v1 =	vimm.f32 $1.000000000e+00;
	s13 =	sadd.s32 $0x8000, s9;
	s14 =	sadd.s32 $0xC000, s9;
	s15 =	sadd.s32 $0x10000, s9  }
.LBB2_13:
0xe: {  	s20 =	sshrl.u32 s21, $0x3  }
0xf: {  	[sflag:s17] =	ssyncadd.s32 $0xFFFFF800;
	s20 =	sadd.s32 s5, s20  }
0x10: {  	[tilespmem:s2], [sflag:$0x1] =	stream.linear.gather [hbm4b:s20+s2], $0x80, $0x38;
	[tilespmem:$0x6880] =	vst v63  }
0x11: {  	_ =	swait.ge [sflag:s17], $0x80  }
0x12: {  	[sflag:s17] =	ssyncset.done $0x0  }
0x13: {  	[sflag:s17] =	ssyncadd.s32 $0xFFFFFF80  }
0x14: {  	[spmem:s1] =	stream.indirect.scatter.add.f32 [tilespmem:s16], [sflag:$0x1], $0x10, s2, s16, $0xb8;
	[tilespmem:$0x6880] =	vst v63  }
0x15: {  	_ =	swait.ge [sflag:s17], $0x800  }
0x16: {  	[sflag:s17] =	ssyncset.done $0x0  }
0x17: {  	s20 =	smov.u32 s7;
	[sflag:s17] =	ssyncadd.s32 $0xFFFFF800  }
.LBB2_14:
0x18: {  	s19 =	sadd.s32 $0x1, s19  }
0x19: {  	s20 =	sadd.s32 s20, s10;
	p1 =	sne.s32 s19, s11  }
.Ltmp1:
0x1a: {  	[bflag:$0x0] =	sbarrier.arrive $0xFFFF;
	s21 =	sshrl.u32 s9, $0x3;
	(pc) =	sbr.rel @!p1 .LBB2_15-.Ltmp1, $4  }
0x1b: {  	[hbm:s20], [sflag:s18] =	dma.local [spmem:s21], $0x2800  }
0x1c: {  	_ =	swait.ge [sflag:s17], $0x2800  }
0x1d: {  	[sflag:s17] =	ssyncset.done $0x0  }
0x1e: {  	[sflag:s17] =	ssyncadd.s32 $0xFFFFD800  }
.LBB2_1:
.Ltmp2:
0x1f: {  	(pc) =	sbr.rel @!p0 .LBB2_2-.Ltmp2, $2  }
0x20: {  	_ =	sdelay $0x2  }
0x21: {  	s20 =	simm.s32 $0x200;
	s21 =	simm.s32 $0x0  }
.LBB2_8:
0x22: {  	p1 =	seq.s32 s20, $0xFE00;
	[tilespmem:s21+$0x80] =	vst v0;
	s21 =	smov.u32 s20;
	s20 =	sadd.s32 $0x200, s20  }
.Ltmp3:
0x23: {  	(pc) =	sbr.rel @!p1 .LBB2_8-.Ltmp3, $2  }
0x24: {  	_ =	sdelay $0x2  }
0x25: {  	s21 =	sshra.s32 s21, $0x2  }
0x26: {  	[tilespmem:s21+$0x80] =	vst v0  }
0x27: {  	[spmem:s9] =	stream.linear.scatter [tilespmem:s16], [sflag:$0x1], $0x4000, $0x38;
	[tilespmem:$0x6880] =	vst v63  }
0x28: {  	_ =	swait.ge [sflag:s17], $0x4000  }
0x29: {  	[sflag:s17] =	ssyncset.done $0x0  }
0x2a: {  	[sflag:s17] =	ssyncadd.s32 $0xFFFFC000  }
0x2b: {  	[spmem:s12] =	stream.linear.scatter [tilespmem:s16], [sflag:$0x1], $0x4000, $0x38;
	[tilespmem:$0x6880] =	vst v63  }
0x2c: {  	_ =	swait.ge [sflag:s17], $0x4000  }
0x2d: {  	[sflag:s17] =	ssyncset.done $0x0  }
0x2e: {  	[sflag:s17] =	ssyncadd.s32 $0xFFFFC000  }
0x2f: {  	[spmem:s13] =	stream.linear.scatter [tilespmem:s16], [sflag:$0x1], $0x4000, $0x38;
	[tilespmem:$0x6880] =	vst v63  }
0x30: {  	_ =	swait.ge [sflag:s17], $0x4000  }
0x31: {  	[sflag:s17] =	ssyncset.done $0x0  }
0x32: {  	[sflag:s17] =	ssyncadd.s32 $0xFFFFC000  }
0x33: {  	[spmem:s14] =	stream.linear.scatter [tilespmem:s16], [sflag:$0x1], $0x4000, $0x38;
	[tilespmem:$0x6880] =	vst v63  }
0x34: {  	_ =	swait.ge [sflag:s17], $0x4000  }
0x35: {  	[sflag:s17] =	ssyncset.done $0x0  }
0x36: {  	[sflag:s17] =	ssyncadd.s32 $0xFFFFC000  }
0x37: {  	[spmem:s15] =	stream.linear.scatter [tilespmem:s16], [sflag:$0x1], $0x4000, $0x38;
	[tilespmem:$0x6880] =	vst v63  }
0x38: {  	_ =	swait.ge [sflag:s17], $0x4000  }
0x39: {  	[sflag:s17] =	ssyncset.done $0x0  }
0x3a: {  	s20 =	simm.s32 $0x200;
	s21 =	simm.s32 $0x0;
	[sflag:s17] =	ssyncadd.s32 $0xFFFFC000  }
.LBB2_10:
0x3b: {  	p1 =	sne.s32 s20, $0xFE00;
	[tilespmem:s21+$0x80] =	vst v1;
	s21 =	smov.u32 s20;
	s20 =	sadd.s32 $0x200, s20  }
.Ltmp4:
0x3c: {  	(pc) =	sbr.rel @p1 .LBB2_10-.Ltmp4, $2  }
0x3d: {  	_ =	sdelay $0x2  }
0x3e: {  	s21 =	sshra.s32 s21, $0x2  }
0x3f: {  	s20 =	simm.s32 $0x0  }
0x40: {  	s22 =	sand.u32 $0x7C00, s20  }
0x41: {  	s20 =	sand.u32 $0x380, s20;
	s22 =	sadd.s32 s8, s22  }
0x42: {  	s20 =	sor.u32 s20, s22  }
0x43: {  	[tilespmem:s21+$0x80] =	vst v1;
	s20 =	sshrl.u32 s20, $0x3  }
0x44: {  	[bflag:$0x0] =	sbarrier.arrive $0xFFFF;
	s20 =	sadd.s32 s5, s20  }
0x45: {  	[tilespmem:s2], [sflag:$0x1] =	stream.linear.gather [hbm4b:s20+s2], $0x80, $0x38;
	[tilespmem:$0x6880] =	vst v63  }
0x46: {  	_ =	swait.ge [sflag:s17], $0x80  }
0x47: {  	s29 =	simm.s32 $0x80;
	[sflag:s17] =	ssyncset.done $0x0  }
0x48: {  	s30 =	sand.u32 $0x7C00, s29;
	[sflag:s17] =	ssyncadd.s32 $0xFFFFFF80  }
0x49: {  	[spmem:s1] =	stream.indirect.scatter.add.f32 [tilespmem:s16], [sflag:$0x1], $0x10, s2, s16, $0xb8;
	[tilespmem:$0x6880] =	vst v63  }
0x4a: {  	s31 =	sand.u32 $0x380, s29;
	s21 =	sadd.s32 s8, s30;
	_ =	swait.ge [sflag:s17], $0x800  }
0x4b: {  	s21 =	sor.u32 s31, s21;
	s20 =	simm.s32 $0x100;
	[sflag:s17] =	ssyncset.done $0x0  }
.LBB2_12:
0x4c: {  	s21 =	sshrl.u32 s21, $0x3  }
0x4d: {  	[sflag:s17] =	ssyncadd.s32 $0xFFFFF800;
	s22 =	smov.u32 s20;
	s23 =	sadd.s32 $0x80, s20  }
0x4e: {  	p1 =	sne.s32 s20, $0x4E80;
	s20 =	sadd.s32 s5, s21  }
0x4f: {  	[tilespmem:s2], [sflag:$0x1] =	stream.linear.gather [hbm4b:s20+s2], $0x80, $0x38;
	[tilespmem:$0x6880] =	vst v63  }
0x50: {  	_ =	swait.ge [sflag:s17], $0x80  }
.Ltmp5:
0x51: {  	[sflag:s17] =	ssyncset.done $0x0;
	(pc) =	sbr.rel @p1 .LBB2_12-.Ltmp5, $4  }
0x52: {  	s20 =	sand.u32 $0x7C00, s22;
	[sflag:s17] =	ssyncadd.s32 $0xFFFFFF80  }
0x53: {  	[spmem:s1] =	stream.indirect.scatter.add.f32 [tilespmem:s16], [sflag:$0x1], $0x10, s2, s16, $0xb8;
	[tilespmem:$0x6880] =	vst v63  }
0x54: {  	s21 =	sand.u32 $0x380, s22;
	s20 =	sadd.s32 s8, s20;
	_ =	swait.ge [sflag:s17], $0x800  }
0x55: {  	s21 =	sor.u32 s21, s20;
	s20 =	smov.u32 s23;
	[sflag:s17] =	ssyncset.done $0x0  }
.Ltmp6:
0x56: {  	_ = 	snop;
	(pc) =	sbr.rel .LBB2_13-.Ltmp6, $1  }
0x57: {  	_ =	sdelay $0x3  }
.LBB2_2:
0x58: {  	p1 =	seq.s32 s20, $0xFE00;
	[tilespmem:s21+$0x80] =	vst v0;
	s21 =	smov.u32 s20;
	s20 =	sadd.s32 $0x200, s20  }
.Ltmp7:
0x59: {  	(pc) =	sbr.rel @!p1 .LBB2_2-.Ltmp7, $2  }
0x5a: {  	_ =	sdelay $0x2  }
0x5b: {  	s21 =	sshra.s32 s21, $0x2  }
0x5c: {  	[tilespmem:s21+$0x80] =	vst v0  }
0x5d: {  	[spmem:s9] =	stream.linear.scatter [tilespmem:s16], [sflag:$0x1], $0x4000, $0x38;
	[tilespmem:$0x6880] =	vst v63  }
0x5e: {  	_ =	swait.ge [sflag:s17], $0x4000  }
0x5f: {  	[sflag:s17] =	ssyncset.done $0x0  }
0x60: {  	[sflag:s17] =	ssyncadd.s32 $0xFFFFC000  }
0x61: {  	[spmem:s12] =	stream.linear.scatter [tilespmem:s16], [sflag:$0x1], $0x4000, $0x38;
	[tilespmem:$0x6880] =	vst v63  }
0x62: {  	_ =	swait.ge [sflag:s17], $0x4000  }
0x63: {  	[sflag:s17] =	ssyncset.done $0x0  }
0x64: {  	[sflag:s17] =	ssyncadd.s32 $0xFFFFC000  }
0x65: {  	[spmem:s13] =	stream.linear.scatter [tilespmem:s16], [sflag:$0x1], $0x4000, $0x38;
	[tilespmem:$0x6880] =	vst v63  }
0x66: {  	_ =	swait.ge [sflag:s17], $0x4000  }
0x67: {  	[sflag:s17] =	ssyncset.done $0x0  }
0x68: {  	[sflag:s17] =	ssyncadd.s32 $0xFFFFC000  }
0x69: {  	[spmem:s14] =	stream.linear.scatter [tilespmem:s16], [sflag:$0x1], $0x4000, $0x38;
	[tilespmem:$0x6880] =	vst v63  }
0x6a: {  	_ =	swait.ge [sflag:s17], $0x4000  }
0x6b: {  	[sflag:s17] =	ssyncset.done $0x0  }
0x6c: {  	[sflag:s17] =	ssyncadd.s32 $0xFFFFC000  }
0x6d: {  	[spmem:s15] =	stream.linear.scatter [tilespmem:s16], [sflag:$0x1], $0x4000, $0x38;
	[tilespmem:$0x6880] =	vst v63  }
0x6e: {  	_ =	swait.ge [sflag:s17], $0x4000  }
0x6f: {  	[sflag:s17] =	ssyncset.done $0x0  }
0x70: {  	s20 =	simm.s32 $0x200;
	s21 =	simm.s32 $0x0;
	[sflag:s17] =	ssyncadd.s32 $0xFFFFC000  }
.LBB2_4:
0x71: {  	p1 =	sne.s32 s20, $0xFE00;
	[tilespmem:s21+$0x80] =	vst v1;
	s21 =	smov.u32 s20;
	s20 =	sadd.s32 $0x200, s20  }
.Ltmp8:
0x72: {  	(pc) =	sbr.rel @p1 .LBB2_4-.Ltmp8, $2  }
0x73: {  	_ =	sdelay $0x2  }
0x74: {  	s21 =	sshra.s32 s21, $0x2  }
0x75: {  	s20 =	simm.s32 $0x0  }
0x76: {  	s22 =	sand.u32 $0x7C00, s20  }
0x77: {  	s20 =	sand.u32 $0x380, s20;
	s22 =	sadd.s32 s8, s22  }
0x78: {  	s20 =	sor.u32 s20, s22  }
0x79: {  	[tilespmem:s21+$0x80] =	vst v1;
	s20 =	sshrl.u32 s20, $0x3  }
0x7a: {  	[bflag:$0x0] =	sbarrier.arrive $0xFFFF;
	s20 =	sadd.s32 s4, s20  }
0x7b: {  	[tilespmem:s2], [sflag:$0x1] =	stream.linear.gather [hbm4b:s20+s2], $0x80, $0x38;
	[tilespmem:$0x6880] =	vst v63  }
0x7c: {  	_ =	swait.ge [sflag:s17], $0x80  }
0x7d: {  	s29 =	simm.s32 $0x80;
	[sflag:s17] =	ssyncset.done $0x0  }
0x7e: {  	s30 =	sand.u32 $0x7C00, s29;
	[sflag:s17] =	ssyncadd.s32 $0xFFFFFF80  }
0x7f: {  	[spmem:s1] =	stream.indirect.scatter.add.f32 [tilespmem:s16], [sflag:$0x1], $0x10, s2, s16, $0xb8;
	[tilespmem:$0x6880] =	vst v63  }
0x80: {  	s31 =	sand.u32 $0x380, s29;
	s21 =	sadd.s32 s8, s30;
	_ =	swait.ge [sflag:s17], $0x800  }
0x81: {  	s21 =	sor.u32 s31, s21;
	s20 =	simm.s32 $0x100;
	[sflag:s17] =	ssyncset.done $0x0  }
.LBB2_6:
0x82: {  	s21 =	sshrl.u32 s21, $0x3  }
0x83: {  	[sflag:s17] =	ssyncadd.s32 $0xFFFFF800;
	s22 =	smov.u32 s20;
	s23 =	sadd.s32 $0x80, s20  }
0x84: {  	p1 =	seq.s32 s20, $0x4E80;
	s20 =	sadd.s32 s4, s21  }
0x85: {  	[tilespmem:s2], [sflag:$0x1] =	stream.linear.gather [hbm4b:s20+s2], $0x80, $0x38;
	[tilespmem:$0x6880] =	vst v63  }
0x86: {  	_ =	swait.ge [sflag:s17], $0x80  }
.Ltmp9:
0x87: {  	[sflag:s17] =	ssyncset.done $0x0;
	(pc) =	sbr.rel @!p1 .LBB2_6-.Ltmp9, $4  }
0x88: {  	s20 =	sand.u32 $0x7C00, s22;
	[sflag:s17] =	ssyncadd.s32 $0xFFFFFF80  }
0x89: {  	[spmem:s1] =	stream.indirect.scatter.add.f32 [tilespmem:s16], [sflag:$0x1], $0x10, s2, s16, $0xb8;
	[tilespmem:$0x6880] =	vst v63  }
0x8a: {  	s21 =	sand.u32 $0x380, s22;
	s20 =	sadd.s32 s8, s20;
	_ =	swait.ge [sflag:s17], $0x800  }
0x8b: {  	s21 =	sor.u32 s21, s20;
	s20 =	smov.u32 s23;
	[sflag:s17] =	ssyncset.done $0x0  }
0x8c: {  	s20 =	sshrl.u32 s21, $0x3  }
0x8d: {  	[sflag:s17] =	ssyncadd.s32 $0xFFFFF800;
	s20 =	sadd.s32 s4, s20  }
0x8e: {  	[tilespmem:s2], [sflag:$0x1] =	stream.linear.gather [hbm4b:s20+s2], $0x80, $0x38;
	[tilespmem:$0x6880] =	vst v63  }
0x8f: {  	_ =	swait.ge [sflag:s17], $0x80  }
0x90: {  	[sflag:s17] =	ssyncset.done $0x0  }
.Ltmp10:
0x91: {  	[sflag:s17] =	ssyncadd.s32 $0xFFFFFF80;
	(pc) =	sbr.rel .LBB2_14-.Ltmp10, $4  }
0x92: {  	[spmem:s1] =	stream.indirect.scatter.add.f32 [tilespmem:s16], [sflag:$0x1], $0x10, s2, s16, $0xb8;
	[tilespmem:$0x6880] =	vst v63  }
0x93: {  	_ =	swait.ge [sflag:s17], $0x800  }
0x94: {  	[sflag:s17] =	ssyncset.done $0x0  }
0x95: {  	s20 =	smov.u32 s6;
	[sflag:s17] =	ssyncadd.s32 $0xFFFFF800  }
.LBB2_15:
0x96: {  	_ =	sfence.sel $0x180000  }
0x97: {  	[bflag:$0x0] =	sbarrier.arrive $0xFFFF  }
0x98: {  	p0 =	sne.s32 s3, $0x0;
	_ =	strace $0x90000047  }
0x99: {  	s0 =	sadd.s32 @!p0 $0x100000, s0;
	[bflag:$0x2] =	sbarrier.arrive $0xFFFF  }
0x9a: {  	[sflag:s0] =	ssyncadd.tile.s32 @!p0 $0x1;
	_ =	shalt  }
.Lfunc_end2:
_tile_overlayer_lowered:
.L_overlay_start_2:
0x9b: {  	(tag) =	ssettag $0x2  }
0x9c: {  	s0 =	rddreg [dreg:$0x0];
	s2 =	stileid.u32  }
0x9d: {  	s1 =	rddreg [dreg:$0x1];
	p0 =	sne.s32 s2, $0x0  }
0x9e: {  	s3 =	rddreg [dreg:$0x2];
	[bflag:$0x3] =	sbarrier.arrive $0xFFFF;
	s2 =	simm.s32 @!p0 $0x1C01  }
0x9f: {  	[timem:s3], [sflag:s2] =	dma.local @!p0 [hbm:s0], s1  }
0xa0: {  	s0 =	simm.s32 @!p0 $0x1  }
0xa1: {  	_ =	swait.ge @!p0 [sflag:s0], s1  }
0xa2: {  	s1 =	ssub.s32 @!p0 $0x0, s1;
	[sflag:s0] =	ssyncset.done @!p0 $0x0  }
0xa3: {  	[sflag:s0] =	ssyncadd.s32 @!p0 s1  }
0xa4: {  	[bflag:$0x3] =	sbarrier.arrive $0xFFFF  }
0xa5: {  	_ =	shalt  }

// kernel: kernel.13.cloned.1.call-start
scs
__scs_entry_jumppad:
0x0: {  	(pc) =	sbr.rel $0x88, $3  }
0x1: {  	(tag) =	ssettag $0x0;
	lr =	simm.s32 $0x1  }
0x2: {  	[smem:$0x3F8E] =	sst lr;
	_ =	strace $0xD0000000  }
0x3: {  	_ = 	snop  }
0x4: {  	_ = 	snop  }
0x5: {  	_ = 	snop  }
0x6: {  	_ = 	snop  }
0x7: {  	_ = 	snop  }
__scs_overlays_trampoline_lowered:
0x8: {  	[smem:$0x3F9D] =	sst s0  }
0x9: {  	[smem:$0x3F9E] =	sst s1  }
0xa: {  	[smem:$0x3F9F] =	sst s2  }
0xb: {  	[smem:$0x3FA0] =	sst s3  }
0xc: {  	[smem:$0x3FA1] =	sst s4  }
0xd: {  	[smem:$0x3FA2] =	sst s5  }
0xe: {  	[smem:$0x3FA3] =	sst s6  }
0xf: {  	[smem:$0x3FA4] =	sst s7  }
0x10: {  	[smem:$0x3FA5] =	sst s8  }
0x11: {  	[smem:$0x3FA6] =	sst s9;
	s0 =	simm.s32 @!p0 $0x0  }
0x12: {  	s1 =	sld [smem:$0x3F8C];
	s0 =	simm.s32 @p0 $0x1  }
0x13: {  	[smem:$0x3FA7] =	sst s0;
	s0 =	simm.s32 @!p1 $0x0  }
0x14: {  	s2 =	sld [smem:$0x3F8B];
	s0 =	simm.s32 @p1 $0x1  }
0x15: {  	[smem:$0x3FA8] =	sst s0;
	s0 =	simm.s32 @!p2 $0x0  }
0x16: {  	s3 =	sld [smem:$0x3FDB];
	s0 =	simm.s32 @p2 $0x1  }
0x17: {  	s4 =	simm.s32 $0x1BF5;
	[smem:$0x3FAA] =	sst s0  }
0x18: {  	s0 =	sld [smem:$0x3F8D];
	_ =	swait.ge [sflag:s4], $0x0  }
0x19: {  	s7 =	sld [smem:$0x3F8E]  }
0x1a: {  	s8 =	sadd.s32 $0xFFFFE003, lr  }
0x1b: {  	s9 =	sadd.s32 $0xFFFFFEF7, lr;
	s5 =	simm.s32 $0xFFFFFFFF;
	p2 =	slt.u32 s8, $0xFFFFF086  }
0x1c: {  	p1 =	slt.u32 s9, $0xF7A;
	s5 =	simm.s32 @!p2 $0x0  }
0x1d: {  	s5 =	simm.s32 @p1 $0x1;
	p0 =	seq.s32 s7, s2  }
0x1e: {  	s7 =	smul.u32 @!p0 $0xF7A, s2;
	p2 =	seq.s32 @!p0 s5, $0x0  }
0x1f: {  	s9 =	smul.u32 $0xF7A, s1;
	s8 =	simm.s32 @!p0 $0x1BF5;
	p2 =	por !p2, p0  }
0x20: {  	[sflag:s8] =	ssyncset.s32 @!p0 $0xFFFFF086;
	s6 =	sadd.s32 @!p0 s3, s7;
	s7 =	simm.s32 @!p0 $0x108  }
0x21: {  	s3 =	sadd.s32 s3, s9;
	s6 =	sadd.s32 @!p0 $0x88, s6;
	s7 =	simm.s32 @p2 $0x1082  }
0x22: {  	[simem:s7], [sflag:s8] =	dma.local @!p0 [hbm:s6], $0xF7A  }
0x23: {  	s9 =	sor.u32 $0xD0000000, s2;
	s6 =	simm.s32 $0x108;
	_ =	swait.ge @!p0 [sflag:s8], $0x0  }
0x24: {  	s3 =	sadd.s32 $0x88, s3;
	s6 =	simm.s32 @!p1 $0x1082;
	[sflag:s4] =	ssyncset.s32 $0xFFFFF086  }
0x25: {  	[simem:s6], [sflag:s4] =	dma.local [hbm:s3], $0xF7A  }
0x26: {  	[smem:$0x3F8E] =	sst s1;
	(tag) =	ssettag s2;
	_ =	strace s9  }
0x27: {  	s1 =	sld [smem:$0x3F9E]  }
0x28: {  	s2 =	sld [smem:$0x3F9F]  }
0x29: {  	s4 =	sld [smem:$0x3FA1]  }
0x2a: {  	p0 =	seq.s32 s5, $0x0;
	s5 =	sld [smem:$0x3FA2]  }
0x2b: {  	s6 =	sld [smem:$0x3FA3]  }
0x2c: {  	s7 =	sld [smem:$0x3FA4]  }
0x2d: {  	s3 =	simm.s32 $0x108;
	s8 =	sld [smem:$0x3FA5]  }
0x2e: {  	s3 =	simm.s32 @!p0 $0x1082;
	s9 =	sld [smem:$0x3FA6]  }
0x2f: {  	lr =	sadd.s32 s0, s3;
	s0 =	sld [smem:$0x3F9D]  }
0x30: {  	s3 =	sld [smem:$0x3FA0]  }
0x31: {  	[smem:$0x3FA9] =	sst s10  }
0x32: {  	s10 =	sld [smem:$0x3FA7];
	_ =	sdelay $0x3  }
0x33: {  	p0 =	seq.s32 s10, $0x1;
	s10 =	sld [smem:$0x3FA9];
	_ =	sdelay $0x3  }
0x34: {  	[smem:$0x3FA9] =	sst s10  }
0x35: {  	s10 =	sld [smem:$0x3FA8];
	_ =	sdelay $0x3  }
0x36: {  	p1 =	seq.s32 s10, $0x1;
	s10 =	sld [smem:$0x3FA9];
	_ =	sdelay $0x3  }
0x37: {  	[smem:$0x3FA9] =	sst s10  }
0x38: {  	s10 =	sld [smem:$0x3FAA]  }
0x39: {  	_ = 	snop;
	(pc) =	sbr.ind lr, $3  }
0x3a: {  	_ = 	snop  }
0x3b: {  	_ = 	snop  }
0x3c: {  	p2 =	seq.s32 s10, $0x1;
	s10 =	sld [smem:$0x3FA9]  }
0x3d: {  	_ =	shalt  }
0x3e: {  	_ =	shalt  }
0x3f: {  	_ =	shalt  }
0x40: {  	_ =	shalt  }
0x41: {  	_ =	shalt  }
0x42: {  	_ =	shalt  }
0x43: {  	_ =	shalt  }
0x44: {  	_ =	shalt  }
0x45: {  	_ =	shalt  }
0x46: {  	_ =	shalt  }
0x47: {  	_ =	shalt  }
0x48: {  	_ =	shalt  }
0x49: {  	_ =	shalt  }
0x4a: {  	_ =	shalt  }
0x4b: {  	_ =	shalt  }
0x4c: {  	_ =	shalt  }
0x4d: {  	_ =	shalt  }
0x4e: {  	_ =	shalt  }
0x4f: {  	_ =	shalt  }
0x50: {  	_ =	shalt  }
0x51: {  	_ =	shalt  }
0x52: {  	_ =	shalt  }
0x53: {  	_ =	shalt  }
0x54: {  	_ =	shalt  }
0x55: {  	_ =	shalt  }
0x56: {  	_ =	shalt  }
0x57: {  	_ =	shalt  }
0x58: {  	_ =	shalt  }
0x59: {  	_ =	shalt  }
0x5a: {  	_ =	shalt  }
0x5b: {  	_ =	shalt  }
0x5c: {  	_ =	shalt  }
0x5d: {  	_ =	shalt  }
0x5e: {  	_ =	shalt  }
0x5f: {  	_ =	shalt  }
0x60: {  	_ =	shalt  }
0x61: {  	_ =	shalt  }
0x62: {  	_ =	shalt  }
0x63: {  	_ =	shalt  }
0x64: {  	_ =	shalt  }
0x65: {  	_ =	shalt  }
0x66: {  	_ =	shalt  }
0x67: {  	_ =	shalt  }
0x68: {  	_ =	shalt  }
0x69: {  	_ =	shalt  }
0x6a: {  	_ =	shalt  }
0x6b: {  	_ =	shalt  }
0x6c: {  	_ =	shalt  }
0x6d: {  	_ =	shalt  }
0x6e: {  	_ =	shalt  }
0x6f: {  	_ =	shalt  }
0x70: {  	_ =	shalt  }
0x71: {  	_ =	shalt  }
0x72: {  	_ =	shalt  }
0x73: {  	_ =	shalt  }
0x74: {  	_ =	shalt  }
0x75: {  	_ =	shalt  }
0x76: {  	_ =	shalt  }
0x77: {  	_ =	shalt  }
0x78: {  	_ =	shalt  }
0x79: {  	_ =	shalt  }
0x7a: {  	_ =	shalt  }
0x7b: {  	_ =	shalt  }
0x7c: {  	_ =	shalt  }
0x7d: {  	_ =	shalt  }
0x7e: {  	_ =	shalt  }
0x7f: {  	_ =	shalt  }
0x80: {  	_ =	shalt  }
0x81: {  	_ =	shalt  }
0x82: {  	_ =	shalt  }
0x83: {  	_ =	shalt  }
0x84: {  	_ =	shalt  }
0x85: {  	_ =	shalt  }
0x86: {  	_ =	shalt  }
0x87: {  	_ =	shalt  }
.Lfunc_end0:
.L_simem_size_0:
called_computation.1_lowered:
.L_overlay_start_0:
0x88: {  	s2 =	sld [smem:$0x3FD9]  }
0x89: {  	s3 =	sld [smem:$0x3FFE];
	_ =	sdelay $0x1  }
0x8a: {  	s1 =	srdreg.scid  }
0x8b: {  	s0 =	sand.u32 $0x1, s1  }
0x8c: {  	s16 =	sshll.u32 s0, $0xA;
	s2 =	sadd.s32 s3, s2  }
0x8d: {  	s2 =	sadd.s32 s2, s16  }
0x8e: {  	[smem:$0x3FB5] =	sst s2  }
0x8f: {  	_ = 	snop  }
0x90: {  	(tm) =	ssettm $0x1  }
0x91: {  	s17 =	sld [smem:$0x3FFB];
	_ =	sdelay $0x3  }
0x92: {  	_ =	strace s17  }
0x93: {  	s2 =	sld [smem:$0x3FFC];
	_ =	sdelay $0x3  }
0x94: {  	_ =	strace s2  }
0x95: {  	s2 =	sld [smem:$0x3FFD];
	_ =	sdelay $0x3  }
0x96: {  	_ =	strace s2  }
0x97: {  	_ =	strace $0x8FFFFFFF  }
0x98: {  	s18 =	sld [smem:$0x3FDB];
	_ =	sdelay $0x1  }
0x99: {  	s19 =	simm.s32 $_scs_section_size  }
0x9a: {  	s4 =	simm.s32 $_size__tile_overlayer_lowered;
	s5 =	simm.s32 $_tile_overlayer_lowered  }
0x9b: {  	s22 =	simm.s32 $0x1BFF;
	s21 =	sshll.u32 s5, $0x1;
	s2 =	sadd.s32 s19, s18  }
0x9c: {  	s6 =	simm.s32 $0x0;
	s20 =	sshll.u32 s4, $0x1;
	s4 =	sadd.s32 s21, s2  }
0x9d: {  	[timem:s6], [sflag:s22] =	dma.local [hbm:s4], s20  }
0x9e: {  	_ =	swait.ge [sflag:s22], s20  }
0x9f: {  	s3 =	ssub.s32 $0x0, s20;
	[sflag:s22] =	ssyncset.done $0x0  }
0xa0: {  	[sflag:s22] =	ssyncadd.s32 s3;
	_ =	sdelay $0x1  }
0xa1: {  	s23 =	simm.s32 $0x1B8B  }
0xa2: {  	_ =	swait.ge [sflag:s23], $0x1  }
0xa3: {  	[sflag:s23] =	ssyncset.done $0x0  }
0xa4: {  	s25 =	simm.s32 $0x1B8E;
	s24 =	sld [smem:$0x3FFE];
	[sflag:s23] =	ssyncadd.s32 $0xFFFFFFFF  }
0xa5: {  	s26 =	simm.s32 $execute0_lowered;
	[smem:$0x3FD2] =	sst s25  }
0xa6: {  	s4 =	sshll.u32 s26, $0x1;
	_ =	strace $0x80000049;
	[dreg:$0x1] =	wrdreg $0xFFFFFFFF  }
0xa7: {  	s28 =	simm.s32 $_size_execute0_lowered;
	s2 =	sadd.s32 s2, s4;
	[dreg:$0x0] =	wrdreg $0x0  }
0xa8: {  	s4 =	sshll.u32 s28, $0x1;
	[dreg:$0x2] =	wrdreg s2  }
0xa9: {  	[dreg:$0x3] =	wrdreg s4  }
0xaa: {  	[dreg:$0x4] =	wrdreg $0xC0  }
0xab: {  	_ =	task [dreg:s6], $0x5FFFF  }
0xac: {  	[dreg:$0x1] =	wrdreg $0xFFFFFFFF  }
0xad: {  	[dreg:$0x0] =	wrdreg $0x60  }
0xae: {  	[dreg:$0x2] =	wrdreg s24  }
0xaf: {  	[dreg:$0x3] =	wrdreg $0x82000  }
0xb0: {  	[dreg:$0x4] =	wrdreg $0x9  }
0xb1: {  	_ =	task.clear_ibuf [dreg:s6], $0x5FFFF;
	_ =	strace $0x90000049  }
0xb2: {  	s29 =	simm.s32 $0x9;
	_ =	strace $0x8000004B  }
0xb3: {  	_ =	swait.ge [sflag:s29], $0x1  }
0xb4: {  	[sflag:s29] =	ssyncadd.s32 $0xFFFFFFFF  }
0xb5: {  	_ =	strace $0x9000004B  }
0xb6: {  	_ =	sfence  }
0xb7: {  	s30 =	sld [smem:$0x0];
	_ =	sdelay $0x2  }
0xb8: {  	s31 =	sshll.u32 s1, $0xD;
	s1 =	sshrl.u32 s1, $0x2  }
0xb9: {  	s3 =	sand.u32 $0x4000, s31;
	s1 =	sadd.s32 s1, s30  }
0xba: {  	s0 =	sor.u32 s3, s0;
	s1 =	sshll.u32 s1, $0x11  }
0xbb: {  	s0 =	sor.u32 s1, s0  }
0xbc: {  	s0 =	sadd.s32 $0x8F2B, s0  }
0xbd: {  	[sflag:s0] =	ssyncadd.remote.s32 $0x1  }
0xbe: {  	_ =	sfence.sel $0xFFFF  }
0xbf: {  	[dreg:$0x0] =	wrdreg $0xFFFFFFFF;
	(pc) =	sbr.abs _section_cstart, $3  }
0xc0: {  	[dreg:$0x1] =	wrdreg $0xFFFFFFFF  }
0xc1: {  	_ =	task.clear_ibuf [dreg:s6], $0x2FFFF;
	_ =	strace $0x9FFFFFFF  }
0xc2: {  	(tm) =	ssettm $0x7FFFFFFF  }
0xc3: {  	_ =	shalt  }
tec
execute0_lowered:
.L_overlay_start_1:
0x0: {  	(tag) =	ssettag $0x1  }
0x1: {  	s0 =	rddreg [dreg:$0x0]  }
0x2: {  	s1 =	rddreg [dreg:$0x1];
	s2 =	simm.s32 $0x0  }
0x3: {  	s3 =	srdreg.scid;
	s12 =	stileid.u32;
	s28 =	simm.s32 $0x4200  }
0x4: {  	s29 =	simm.s32 $0x1;
	s30 =	simm.s32 $0x3;
	s31 =	simm.s32 $0x2  }
0x5: {  	[smem:$0x7FF] =	sst s2;
	s4 =	sadd.s32 $0x1AC00, s0;
	s5 =	sadd.s32 $0x42C00, s0  }
0x6: {  	s6 =	sadd.s32 $0x6C00, s0;
	s3 =	sand.u32 $0x1, s3;
	s9 =	smul.u32 $0x50000, s12  }
0x7: {  	s7 =	sadd.s32 $0x10C00, s0;
	s8 =	smul.u32 $0x5000, s12;
	s11 =	sadd.s32 $0xBAC00, s0  }
0x8: {  	s0 =	sadd.s32 $0xE2C00, s0;
	_ =	strace $0x8000004A;
	[dreg:$0x3] =	wrdreg s11  }
0x9: {  	s16 =	smul.u32 $0x2800, s12;
	s10 =	ssub.s32 $0x2, s3;
	[dreg:$0x4] =	wrdreg s0  }
0xa: {  	p0 =	seq.s32 s3, $0x1;
	s21 =	sshrl.u32 s10, $0x1;
	s9 =	sshrl.u32 s9, $0x2  }
0xb: {  	s22 =	sshrl.u32 s8, $0x3;
	s0 =	ssub.s32 s10, s21;
	s11 =	sadd.s32 s9, s1  }
0xc: {  	s23 =	sor.u32 $0x10, s22;
	s24 =	sadd.s32 s7, s22;
	s25 =	sadd.s32 s6, s22  }
0xd: {  	s22 =	simm.s32 $0x200;
	s9 =	simm.s32 $0x0;
	[dreg:$0x5] =	wrdreg s24  }
.Ltmp0:
0xe: {  	[dreg:$0x6] =	wrdreg s25;
	s26 =	sadd.s32 s7, s23;
	(pc) =	sbr.rel .LBB2_1-.Ltmp0, $4  }
0xf: {  	s15 =	sadd.s32 s6, s23;
	s17 =	smax.u32 s0, $0x1;
	s18 =	sadd.s32 $0x4000, s11  }
0x10: {  	s19 =	sadd.s32 $0x8000, s11;
	s20 =	sadd.s32 $0xC000, s11;
	s21 =	sadd.s32 $0x10000, s11  }
0x11: {  	s23 =	simm.s32 $0x5;
	s24 =	simm.s32 $0x100;
	s25 =	simm.s32 $0x80  }
0x12: {  	v0 =	vimm.f32 $0.0e+00;
	s0 =	simm.s32 $0x180;
	[dreg:$0x7] =	wrdreg s26;
	s26 =	simm.s32 $0x4  }
.LBB2_9:
0x13: {  	[sflag:s29] =	ssyncadd.s32 $0xFFFFC000  }
0x14: {  	[spmem:s1] =	stream.indirect.scatter.add.f32 [tilespmem:s22], [sflag:$0x5], $0x80, s24, s25, $0xb8;
	[tilespmem:$0x1C200] =	vst v63  }
0x15: {  	_ =	swait.ge [sflag:s23], $0x4000  }
0x16: {  	s3 =	sshrl.u32 s13, $0x3;
	[sflag:s23] =	ssyncset.done $0x0  }
0x17: {  	s12 =	sadd.s32 s6, s3;
	[sflag:s23] =	ssyncadd.s32 $0xFFFFC000  }
0x18: {  	[tilespmem:s2], [sflag:$0x3] =	stream.linear.gather [hbm4b:s12+s2], $0x80, $0x38;
	[tilespmem:$0x1C200] =	vst v63  }
0x19: {  	s3 =	sadd.s32 s7, s3  }
0x1a: {  	[tilespmem:s24], [sflag:$0x3] =	stream.linear.gather [hbm4b:s3+s2], $0x80, $0x38;
	[tilespmem:$0x1C200] =	vst v63  }
0x1b: {  	_ =	swait.ge [sflag:s30], $0x80  }
0x1c: {  	[sflag:s30] =	ssyncset.done $0x0  }
0x1d: {  	[sflag:s30] =	ssyncadd.s32 $0xFFFFFF80  }
0x1e: {  	_ =	swait.ge [sflag:s30], $0x80  }
0x1f: {  	[sflag:s30] =	ssyncset.done $0x0  }
0x20: {  	[sflag:s30] =	ssyncadd.s32 $0xFFFFFF80  }
0x21: {  	[tilespmem:s22], [sflag:$0x1] =	stream.indirect.gather [hbm4b:s5+s25], $0x80, s2, s25, $0xb8;
	[tilespmem:$0x1C200] =	vst v63  }
0x22: {  	_ =	swait.ge [sflag:s31], $0x4000  }
0x23: {  	s12 =	sand.u32 $0xFC00, s10;
	[sflag:s31] =	ssyncset.done $0x0  }
0x24: {  	s13 =	sand.u32 $0x380, s10;
	s3 =	sadd.s32 s8, s12;
	[sflag:s31] =	ssyncadd.s32 $0xFFFFC000  }
0x25: {  	[spmem:s1] =	stream.indirect.scatter.add.f32 [tilespmem:s28], [sflag:$0x5], $0x80, s0, s25, $0xb8;
	[tilespmem:$0x1C200] =	vst v63  }
0x26: {  	s3 =	sor.u32 s13, s3;
	_ =	swait.ge [sflag:s23], $0x4000  }
0x27: {  	s3 =	sshrl.u32 s3, $0x3;
	[sflag:s23] =	ssyncset.done $0x0  }
0x28: {  	s14 =	sadd.s32 s6, s3;
	[sflag:s23] =	ssyncadd.s32 $0xFFFFC000  }
0x29: {  	[tilespmem:s25], [sflag:$0x4] =	stream.linear.gather [hbm4b:s14+s2], $0x80, $0x38;
	[tilespmem:$0x1C200] =	vst v63  }
0x2a: {  	s3 =	sadd.s32 s7, s3  }
0x2b: {  	[tilespmem:s0], [sflag:$0x4] =	stream.linear.gather [hbm4b:s3+s2], $0x80, $0x38;
	[tilespmem:$0x1C200] =	vst v63  }
0x2c: {  	_ =	swait.ge [sflag:s26], $0x80  }
0x2d: {  	[sflag:s26] =	ssyncset.done $0x0  }
0x2e: {  	[sflag:s26] =	ssyncadd.s32 $0xFFFFFF80  }
0x2f: {  	_ =	swait.ge [sflag:s26], $0x80  }
0x30: {  	[sflag:s26] =	ssyncset.done $0x0  }
0x31: {  	[sflag:s26] =	ssyncadd.s32 $0xFFFFFF80  }
0x32: {  	[tilespmem:s28], [sflag:$0x2] =	stream.indirect.gather [hbm4b:s5+s25], $0x80, s25, s25, $0xb8;
	[tilespmem:$0x1C200] =	vst v63  }
0x33: {  	_ =	swait.ge [sflag:s29], $0x4000  }
0x34: {  	[sflag:s29] =	ssyncset.done $0x0  }
0x35: {  	[sflag:s29] =	ssyncadd.s32 $0xFFFFC000  }
0x36: {  	[spmem:s1] =	stream.indirect.scatter.add.f32 [tilespmem:s22], [sflag:$0x5], $0x80, s24, s25, $0xb8;
	[tilespmem:$0x1C200] =	vst v63  }
0x37: {  	_ =	swait.ge [sflag:s23], $0x4000  }
0x38: {  	[sflag:s23] =	ssyncset.done $0x0  }
0x39: {  	s3 =	rddreg [dreg:$0x4];
	[sflag:s23] =	ssyncadd.s32 $0xFFFFC000  }
.LBB2_10:
0x3a: {  	_ =	swait.ge [sflag:s31], $0x4000  }
0x3b: {  	[sflag:s31] =	ssyncset.done $0x0  }
0x3c: {  	[sflag:s31] =	ssyncadd.s32 $0xFFFFC000  }
0x3d: {  	[spmem:s1] =	stream.indirect.scatter.add.f32 [tilespmem:s28], [sflag:$0x5], $0x80, s0, s25, $0xb8;
	[tilespmem:$0x1C200] =	vst v63  }
0x3e: {  	s3 =	sadd.s32 s3, s16;
	s10 =	stileid.u32;
	_ =	swait.ge [sflag:s23], $0x4000  }
0x3f: {  	s12 =	sshrl.u32 s11, $0x3;
	s9 =	sadd.s32 $0x1, s9;
	[sflag:s23] =	ssyncset.done $0x0  }
0x40: {  	s10 =	sshll.u32 s10, $0x6;
	p1 =	sne.s32 s9, s17;
	[sflag:s23] =	ssyncadd.s32 $0xFFFFC000  }
.Ltmp1:
0x41: {  	s10 =	sor.u32 $0x1C05, s10;
	[bflag:$0x0] =	sbarrier.arrive $0xFFFF;
	(pc) =	sbr.rel @!p1 .LBB2_11-.Ltmp1, $4  }
0x42: {  	[hbm:s3], [sflag:s10] =	dma.local [spmem:s12], $0x2800  }
0x43: {  	_ =	swait.ge [sflag:s23], $0x2800  }
0x44: {  	[sflag:s23] =	ssyncset.done $0x0  }
0x45: {  	[sflag:s23] =	ssyncadd.s32 $0xFFFFD800  }
.LBB2_1:
.Ltmp2:
0x46: {  	(pc) =	sbr.rel @!p0 .LBB2_2-.Ltmp2, $2  }
0x47: {  	_ =	sdelay $0x2  }
0x48: {  	s3 =	sshra.s32 s2, $0x2;
	s10 =	sadd.s32 $0x200, s2  }
.LBB2_6:
0x49: {  	p1 =	seq.s32 s10, $0xFE00;
	[tilespmem:s3+$0x270] =	vst v0  }
0x4a: {  	[tilespmem:s3+$0x200] =	vst v0  }
0x4b: {  	[tilespmem:s3+$0x210] =	vst v0  }
.Ltmp3:
0x4c: {  	[tilespmem:s3+$0x220] =	vst v0;
	(pc) =	sbr.rel @!p1 .LBB2_6-.Ltmp3, $4  }
0x4d: {  	[tilespmem:s3+$0x230] =	vst v0  }
0x4e: {  	[tilespmem:s3+$0x240] =	vst v0  }
0x4f: {  	[tilespmem:s3+$0x250] =	vst v0  }
0x50: {  	[tilespmem:s3+$0x260] =	vst v0;
	s3 =	sshra.s32 s10, $0x2;
	s10 =	sadd.s32 $0x200, s10  }
0x51: {  	[tilespmem:s3+$0x270] =	vst v0  }
0x52: {  	[tilespmem:s3+$0x200] =	vst v0  }
0x53: {  	[tilespmem:s3+$0x210] =	vst v0  }
0x54: {  	[tilespmem:s3+$0x220] =	vst v0  }
0x55: {  	[tilespmem:s3+$0x230] =	vst v0  }
0x56: {  	[tilespmem:s3+$0x240] =	vst v0  }
0x57: {  	[tilespmem:s3+$0x250] =	vst v0  }
0x58: {  	[tilespmem:s3+$0x260] =	vst v0  }
0x59: {  	[spmem:s11] =	stream.linear.scatter [tilespmem:s22], [sflag:$0x5], $0x4000, $0x38;
	[tilespmem:$0x1C200] =	vst v63  }
0x5a: {  	_ =	swait.ge [sflag:s23], $0x4000  }
0x5b: {  	[sflag:s23] =	ssyncset.done $0x0  }
0x5c: {  	[sflag:s23] =	ssyncadd.s32 $0xFFFFC000  }
0x5d: {  	[spmem:s18] =	stream.linear.scatter [tilespmem:s22], [sflag:$0x5], $0x4000, $0x38;
	[tilespmem:$0x1C200] =	vst v63  }
0x5e: {  	_ =	swait.ge [sflag:s23], $0x4000  }
0x5f: {  	[sflag:s23] =	ssyncset.done $0x0  }
0x60: {  	[sflag:s23] =	ssyncadd.s32 $0xFFFFC000  }
0x61: {  	[spmem:s19] =	stream.linear.scatter [tilespmem:s22], [sflag:$0x5], $0x4000, $0x38;
	[tilespmem:$0x1C200] =	vst v63  }
0x62: {  	_ =	swait.ge [sflag:s23], $0x4000  }
0x63: {  	[sflag:s23] =	ssyncset.done $0x0  }
0x64: {  	[sflag:s23] =	ssyncadd.s32 $0xFFFFC000  }
0x65: {  	[spmem:s20] =	stream.linear.scatter [tilespmem:s22], [sflag:$0x5], $0x4000, $0x38;
	[tilespmem:$0x1C200] =	vst v63  }
0x66: {  	_ =	swait.ge [sflag:s23], $0x4000  }
0x67: {  	[sflag:s23] =	ssyncset.done $0x0  }
0x68: {  	[sflag:s23] =	ssyncadd.s32 $0xFFFFC000  }
0x69: {  	[spmem:s21] =	stream.linear.scatter [tilespmem:s22], [sflag:$0x5], $0x4000, $0x38;
	[tilespmem:$0x1C200] =	vst v63  }
0x6a: {  	_ =	swait.ge [sflag:s23], $0x4000  }
0x6b: {  	[sflag:s23] =	ssyncset.done $0x0  }
0x6c: {  	[sflag:s23] =	ssyncadd.s32 $0xFFFFC000  }
0x6d: {  	[bflag:$0x0] =	sbarrier.arrive $0xFFFF  }
0x6e: {  	s10 =	rddreg [dreg:$0x6]  }
0x6f: {  	[tilespmem:s2], [sflag:$0x5] =	stream.linear.gather [hbm4b:s10+s2], $0x80, $0x38;
	[tilespmem:$0x1C200] =	vst v63  }
0x70: {  	_ =	swait.ge [sflag:s23], $0x80  }
0x71: {  	[sflag:s23] =	ssyncset.done $0x0  }
0x72: {  	s12 =	rddreg [dreg:$0x5];
	[sflag:s23] =	ssyncadd.s32 $0xFFFFFF80  }
0x73: {  	[tilespmem:s24], [sflag:$0x5] =	stream.linear.gather [hbm4b:s12+s2], $0x80, $0x38;
	[tilespmem:$0x1C200] =	vst v63  }
0x74: {  	_ =	swait.ge [sflag:s23], $0x80  }
0x75: {  	[sflag:s23] =	ssyncset.done $0x0  }
0x76: {  	[sflag:s23] =	ssyncadd.s32 $0xFFFFFF80  }
0x77: {  	[tilespmem:s22], [sflag:$0x1] =	stream.indirect.gather [hbm4b:s5+s25], $0x80, s2, s25, $0xb8;
	[tilespmem:$0x1C200] =	vst v63  }
0x78: {  	_ = 	snop  }
0x79: {  	[tilespmem:s25], [sflag:$0x4] =	stream.linear.gather [hbm4b:s15+s2], $0x80, $0x38;
	[tilespmem:$0x1C200] =	vst v63  }
0x7a: {  	s3 =	simm.s32 $0x180;
	s10 =	rddreg [dreg:$0x7]  }
0x7b: {  	[tilespmem:s3], [sflag:$0x4] =	stream.linear.gather [hbm4b:s10+s2], $0x80, $0x38;
	[tilespmem:$0x1C200] =	vst v63  }
0x7c: {  	_ =	swait.ge [sflag:s26], $0x80  }
0x7d: {  	[sflag:s26] =	ssyncset.done $0x0  }
0x7e: {  	[sflag:s26] =	ssyncadd.s32 $0xFFFFFF80  }
0x7f: {  	_ =	swait.ge [sflag:s26], $0x80  }
0x80: {  	[sflag:s26] =	ssyncset.done $0x0  }
0x81: {  	[sflag:s26] =	ssyncadd.s32 $0xFFFFFF80  }
0x82: {  	[tilespmem:s28], [sflag:$0x2] =	stream.indirect.gather [hbm4b:s5+s25], $0x80, s25, s25, $0xb8;
	[tilespmem:$0x1C200] =	vst v63  }
0x83: {  	s13 =	simm.s32 $0x100;
	_ =	swait.ge [sflag:s29], $0x4000  }
0x84: {  	s12 =	sand.u32 $0xFC00, s13;
	[sflag:s29] =	ssyncset.done $0x0  }
0x85: {  	s12 =	sadd.s32 s8, s12;
	s10 =	sand.u32 $0x300, s13;
	[sflag:s29] =	ssyncadd.s32 $0xFFFFC000  }
0x86: {  	[spmem:s1] =	stream.indirect.scatter.add.f32 [tilespmem:s22], [sflag:$0x5], $0x80, s24, s25, $0xb8;
	[tilespmem:$0x1C200] =	vst v63  }
0x87: {  	s10 =	sor.u32 s10, s12;
	_ =	swait.ge [sflag:s23], $0x4000  }
0x88: {  	s10 =	sshrl.u32 s10, $0x3;
	[sflag:s23] =	ssyncset.done $0x0  }
0x89: {  	s14 =	sadd.s32 s6, s10;
	[sflag:s23] =	ssyncadd.s32 $0xFFFFC000  }
0x8a: {  	[tilespmem:s2], [sflag:$0x3] =	stream.linear.gather [hbm4b:s14+s2], $0x80, $0x38;
	[tilespmem:$0x1C200] =	vst v63  }
0x8b: {  	s10 =	sadd.s32 s7, s10  }
0x8c: {  	[tilespmem:s24], [sflag:$0x3] =	stream.linear.gather [hbm4b:s10+s2], $0x80, $0x38;
	[tilespmem:$0x1C200] =	vst v63  }
0x8d: {  	_ =	swait.ge [sflag:s30], $0x80  }
0x8e: {  	[sflag:s30] =	ssyncset.done $0x0  }
0x8f: {  	[sflag:s30] =	ssyncadd.s32 $0xFFFFFF80  }
0x90: {  	_ =	swait.ge [sflag:s30], $0x80  }
0x91: {  	[sflag:s30] =	ssyncset.done $0x0  }
0x92: {  	[sflag:s30] =	ssyncadd.s32 $0xFFFFFF80  }
0x93: {  	[tilespmem:s22], [sflag:$0x1] =	stream.indirect.gather [hbm4b:s5+s25], $0x80, s2, s25, $0xb8;
	[tilespmem:$0x1C200] =	vst v63  }
0x94: {  	_ =	swait.ge [sflag:s31], $0x4000  }
0x95: {  	s12 =	sand.u32 $0xFC00, s3;
	[sflag:s31] =	ssyncset.done $0x0  }
0x96: {  	s3 =	sand.u32 $0x380, s3;
	s10 =	sadd.s32 s8, s12;
	[sflag:s31] =	ssyncadd.s32 $0xFFFFC000  }
0x97: {  	[spmem:s1] =	stream.indirect.scatter.add.f32 [tilespmem:s28], [sflag:$0x5], $0x80, s0, s25, $0xb8;
	[tilespmem:$0x1C200] =	vst v63  }
0x98: {  	s3 =	sor.u32 s3, s10;
	_ =	swait.ge [sflag:s23], $0x4000  }
0x99: {  	s3 =	sshrl.u32 s3, $0x3;
	[sflag:s23] =	ssyncset.done $0x0  }
0x9a: {  	s13 =	sadd.s32 s6, s3;
	[sflag:s23] =	ssyncadd.s32 $0xFFFFC000  }
0x9b: {  	[tilespmem:s25], [sflag:$0x4] =	stream.linear.gather [hbm4b:s13+s2], $0x80, $0x38;
	[tilespmem:$0x1C200] =	vst v63  }
0x9c: {  	s3 =	sadd.s32 s7, s3  }
0x9d: {  	[tilespmem:s0], [sflag:$0x4] =	stream.linear.gather [hbm4b:s3+s2], $0x80, $0x38;
	[tilespmem:$0x1C200] =	vst v63  }
0x9e: {  	_ =	swait.ge [sflag:s26], $0x80  }
0x9f: {  	[sflag:s26] =	ssyncset.done $0x0  }
0xa0: {  	[sflag:s26] =	ssyncadd.s32 $0xFFFFFF80  }
0xa1: {  	_ =	swait.ge [sflag:s26], $0x80  }
0xa2: {  	s3 =	simm.s32 $0x200;
	[sflag:s26] =	ssyncset.done $0x0  }
0xa3: {  	s12 =	simm.s32 $0x380;
	s14 =	sand.u32 $0xFC00, s3;
	[sflag:s26] =	ssyncadd.s32 $0xFFFFFF80  }
0xa4: {  	[tilespmem:s28], [sflag:$0x2] =	stream.indirect.gather [hbm4b:s5+s25], $0x80, s25, s25, $0xb8;
	[tilespmem:$0x1C200] =	vst v63  }
0xa5: {  	s3 =	sand.u32 $0x300, s3;
	s13 =	sadd.s32 s8, s14;
	_ =	swait.ge [sflag:s29], $0x4000  }
0xa6: {  	s10 =	simm.s32 $0x280;
	s13 =	sor.u32 s3, s13;
	[sflag:s29] =	ssyncset.done $0x0  }
.LBB2_8:
0xa7: {  	s13 =	sshrl.u32 s13, $0x3  }
0xa8: {  	[sflag:s29] =	ssyncadd.s32 $0xFFFFC000;
	s14 =	smov.u32 s12;
	s3 =	sadd.s32 $0x100, s12  }
0xa9: {  	[spmem:s1] =	stream.indirect.scatter.add.f32 [tilespmem:s22], [sflag:$0x5], $0x80, s24, s25, $0xb8;
	[tilespmem:$0x1C200] =	vst v63  }
0xaa: {  	p1 =	sne.s32 s12, $0x4E80;
	_ =	swait.ge [sflag:s23], $0x4000  }
0xab: {  	[sflag:s23] =	ssyncset.done $0x0  }
0xac: {  	s12 =	sadd.s32 s6, s13;
	[sflag:s23] =	ssyncadd.s32 $0xFFFFC000  }
0xad: {  	[tilespmem:s2], [sflag:$0x3] =	stream.linear.gather [hbm4b:s12+s2], $0x80, $0x38;
	[tilespmem:$0x1C200] =	vst v63  }
0xae: {  	s12 =	sadd.s32 s7, s13  }
0xaf: {  	[tilespmem:s24], [sflag:$0x3] =	stream.linear.gather [hbm4b:s12+s2], $0x80, $0x38;
	[tilespmem:$0x1C200] =	vst v63  }
0xb0: {  	_ =	swait.ge [sflag:s30], $0x80  }
0xb1: {  	[sflag:s30] =	ssyncset.done $0x0  }
0xb2: {  	[sflag:s30] =	ssyncadd.s32 $0xFFFFFF80  }
0xb3: {  	_ =	swait.ge [sflag:s30], $0x80  }
0xb4: {  	[sflag:s30] =	ssyncset.done $0x0  }
0xb5: {  	[sflag:s30] =	ssyncadd.s32 $0xFFFFFF80  }
0xb6: {  	[tilespmem:s22], [sflag:$0x1] =	stream.indirect.gather [hbm4b:s5+s25], $0x80, s2, s25, $0xb8;
	[tilespmem:$0x1C200] =	vst v63  }
0xb7: {  	_ =	swait.ge [sflag:s31], $0x4000  }
0xb8: {  	[sflag:s31] =	ssyncset.done $0x0  }
0xb9: {  	s12 =	sand.u32 $0xFC00, s10;
	[sflag:s31] =	ssyncadd.s32 $0xFFFFC000  }
0xba: {  	[spmem:s1] =	stream.indirect.scatter.add.f32 [tilespmem:s28], [sflag:$0x5], $0x80, s0, s25, $0xb8;
	[tilespmem:$0x1C200] =	vst v63  }
0xbb: {  	s10 =	sand.u32 $0x380, s10;
	s12 =	sadd.s32 s8, s12;
	_ =	swait.ge [sflag:s23], $0x4000  }
0xbc: {  	s12 =	sor.u32 s10, s12;
	s10 =	smov.u32 s14;
	[sflag:s23] =	ssyncset.done $0x0  }
0xbd: {  	s12 =	sshrl.u32 s12, $0x3;
	[sflag:s23] =	ssyncadd.s32 $0xFFFFC000  }
0xbe: {  	s13 =	sadd.s32 s6, s12  }
0xbf: {  	[tilespmem:s25], [sflag:$0x4] =	stream.linear.gather [hbm4b:s13+s2], $0x80, $0x38;
	[tilespmem:$0x1C200] =	vst v63  }
0xc0: {  	s12 =	sadd.s32 s7, s12  }
0xc1: {  	[tilespmem:s0], [sflag:$0x4] =	stream.linear.gather [hbm4b:s12+s2], $0x80, $0x38;
	[tilespmem:$0x1C200] =	vst v63  }
0xc2: {  	_ =	swait.ge [sflag:s26], $0x80  }
0xc3: {  	[sflag:s26] =	ssyncset.done $0x0  }
0xc4: {  	[sflag:s26] =	ssyncadd.s32 $0xFFFFFF80  }
0xc5: {  	_ =	swait.ge [sflag:s26], $0x80  }
.Ltmp4:
0xc6: {  	s12 =	sadd.s32 $0xFFFFFF80, s10;
	[sflag:s26] =	ssyncset.done $0x0;
	(pc) =	sbr.rel @p1 .LBB2_8-.Ltmp4, $4  }
0xc7: {  	s13 =	sand.u32 $0xFC00, s12;
	[sflag:s26] =	ssyncadd.s32 $0xFFFFFF80  }
0xc8: {  	[tilespmem:s28], [sflag:$0x2] =	stream.indirect.gather [hbm4b:s5+s25], $0x80, s25, s25, $0xb8;
	[tilespmem:$0x1C200] =	vst v63  }
0xc9: {  	s12 =	sand.u32 $0x300, s12;
	s13 =	sadd.s32 s8, s13;
	_ =	swait.ge [sflag:s29], $0x4000  }
0xca: {  	s13 =	sor.u32 s12, s13;
	s12 =	smov.u32 s3;
	[sflag:s29] =	ssyncset.done $0x0  }
.Ltmp5:
0xcb: {  	_ = 	snop;
	(pc) =	sbr.rel .LBB2_9-.Ltmp5, $1  }
0xcc: {  	_ =	sdelay $0x3  }
.LBB2_2:
0xcd: {  	p1 =	seq.s32 s10, $0xFE00;
	[tilespmem:s3+$0x270] =	vst v0  }
0xce: {  	[tilespmem:s3+$0x200] =	vst v0  }
0xcf: {  	[tilespmem:s3+$0x210] =	vst v0  }
.Ltmp6:
0xd0: {  	[tilespmem:s3+$0x220] =	vst v0;
	(pc) =	sbr.rel @!p1 .LBB2_2-.Ltmp6, $4  }
0xd1: {  	[tilespmem:s3+$0x230] =	vst v0  }
0xd2: {  	[tilespmem:s3+$0x240] =	vst v0  }
0xd3: {  	[tilespmem:s3+$0x250] =	vst v0  }
0xd4: {  	[tilespmem:s3+$0x260] =	vst v0;
	s3 =	sshra.s32 s10, $0x2;
	s10 =	sadd.s32 $0x200, s10  }
0xd5: {  	[tilespmem:s3+$0x270] =	vst v0  }
0xd6: {  	[tilespmem:s3+$0x200] =	vst v0  }
0xd7: {  	[tilespmem:s3+$0x210] =	vst v0  }
0xd8: {  	[tilespmem:s3+$0x220] =	vst v0  }
0xd9: {  	[tilespmem:s3+$0x230] =	vst v0  }
0xda: {  	[tilespmem:s3+$0x240] =	vst v0  }
0xdb: {  	[tilespmem:s3+$0x250] =	vst v0  }
0xdc: {  	[tilespmem:s3+$0x260] =	vst v0  }
0xdd: {  	[spmem:s11] =	stream.linear.scatter [tilespmem:s22], [sflag:$0x5], $0x4000, $0x38;
	[tilespmem:$0x1C200] =	vst v63  }
0xde: {  	_ =	swait.ge [sflag:s23], $0x4000  }
0xdf: {  	[sflag:s23] =	ssyncset.done $0x0  }
0xe0: {  	[sflag:s23] =	ssyncadd.s32 $0xFFFFC000  }
0xe1: {  	[spmem:s18] =	stream.linear.scatter [tilespmem:s22], [sflag:$0x5], $0x4000, $0x38;
	[tilespmem:$0x1C200] =	vst v63  }
0xe2: {  	_ =	swait.ge [sflag:s23], $0x4000  }
0xe3: {  	[sflag:s23] =	ssyncset.done $0x0  }
0xe4: {  	[sflag:s23] =	ssyncadd.s32 $0xFFFFC000  }
0xe5: {  	[spmem:s19] =	stream.linear.scatter [tilespmem:s22], [sflag:$0x5], $0x4000, $0x38;
	[tilespmem:$0x1C200] =	vst v63  }
0xe6: {  	_ =	swait.ge [sflag:s23], $0x4000  }
0xe7: {  	[sflag:s23] =	ssyncset.done $0x0  }
0xe8: {  	[sflag:s23] =	ssyncadd.s32 $0xFFFFC000  }
0xe9: {  	[spmem:s20] =	stream.linear.scatter [tilespmem:s22], [sflag:$0x5], $0x4000, $0x38;
	[tilespmem:$0x1C200] =	vst v63  }
0xea: {  	_ =	swait.ge [sflag:s23], $0x4000  }
0xeb: {  	[sflag:s23] =	ssyncset.done $0x0  }
0xec: {  	[sflag:s23] =	ssyncadd.s32 $0xFFFFC000  }
0xed: {  	[spmem:s21] =	stream.linear.scatter [tilespmem:s22], [sflag:$0x5], $0x4000, $0x38;
	[tilespmem:$0x1C200] =	vst v63  }
0xee: {  	_ =	swait.ge [sflag:s23], $0x4000  }
0xef: {  	[sflag:s23] =	ssyncset.done $0x0  }
0xf0: {  	[sflag:s23] =	ssyncadd.s32 $0xFFFFC000  }
0xf1: {  	[bflag:$0x0] =	sbarrier.arrive $0xFFFF  }
0xf2: {  	s14 =	rddreg [dreg:$0x5]  }
0xf3: {  	[tilespmem:s2], [sflag:$0x5] =	stream.linear.gather [hbm4b:s14+s2], $0x80, $0x38;
	[tilespmem:$0x1C200] =	vst v63  }
0xf4: {  	_ =	swait.ge [sflag:s23], $0x80  }
0xf5: {  	[sflag:s23] =	ssyncset.done $0x0  }
0xf6: {  	s10 =	rddreg [dreg:$0x6];
	[sflag:s23] =	ssyncadd.s32 $0xFFFFFF80  }
0xf7: {  	[tilespmem:s24], [sflag:$0x5] =	stream.linear.gather [hbm4b:s10+s2], $0x80, $0x38;
	[tilespmem:$0x1C200] =	vst v63  }
0xf8: {  	_ =	swait.ge [sflag:s23], $0x80  }
0xf9: {  	[sflag:s23] =	ssyncset.done $0x0  }
0xfa: {  	[sflag:s23] =	ssyncadd.s32 $0xFFFFFF80  }
0xfb: {  	[tilespmem:s22], [sflag:$0x1] =	stream.indirect.gather [hbm4b:s4+s25], $0x80, s2, s25, $0xb8;
	[tilespmem:$0x1C200] =	vst v63  }
0xfc: {  	s12 =	rddreg [dreg:$0x7]  }
0xfd: {  	[tilespmem:s25], [sflag:$0x4] =	stream.linear.gather [hbm4b:s12+s2], $0x80, $0x38;
	[tilespmem:$0x1C200] =	vst v63  }
0xfe: {  	s3 =	simm.s32 $0x180  }
0xff: {  	[tilespmem:s3], [sflag:$0x4] =	stream.linear.gather [hbm4b:s15+s2], $0x80, $0x38;
	[tilespmem:$0x1C200] =	vst v63  }
0x100: {  	_ =	swait.ge [sflag:s26], $0x80  }
0x101: {  	[sflag:s26] =	ssyncset.done $0x0  }
0x102: {  	[sflag:s26] =	ssyncadd.s32 $0xFFFFFF80  }
0x103: {  	_ =	swait.ge [sflag:s26], $0x80  }
0x104: {  	[sflag:s26] =	ssyncset.done $0x0  }
0x105: {  	[sflag:s26] =	ssyncadd.s32 $0xFFFFFF80  }
0x106: {  	[tilespmem:s28], [sflag:$0x2] =	stream.indirect.gather [hbm4b:s4+s25], $0x80, s25, s25, $0xb8;
	[tilespmem:$0x1C200] =	vst v63  }
0x107: {  	s10 =	simm.s32 $0x100;
	_ =	swait.ge [sflag:s29], $0x4000  }
0x108: {  	s12 =	sand.u32 $0xFC00, s10;
	[sflag:s29] =	ssyncset.done $0x0  }
0x109: {  	s10 =	sand.u32 $0x300, s10;
	s12 =	sadd.s32 s8, s12;
	[sflag:s29] =	ssyncadd.s32 $0xFFFFC000  }
0x10a: {  	[spmem:s1] =	stream.indirect.scatter.add.f32 [tilespmem:s22], [sflag:$0x5], $0x80, s24, s25, $0xb8;
	[tilespmem:$0x1C200] =	vst v63  }
0x10b: {  	s10 =	sor.u32 s10, s12;
	_ =	swait.ge [sflag:s23], $0x4000  }
0x10c: {  	s10 =	sshrl.u32 s10, $0x3;
	[sflag:s23] =	ssyncset.done $0x0  }
0x10d: {  	s13 =	sadd.s32 s7, s10;
	[sflag:s23] =	ssyncadd.s32 $0xFFFFC000  }
0x10e: {  	[tilespmem:s2], [sflag:$0x3] =	stream.linear.gather [hbm4b:s13+s2], $0x80, $0x38;
	[tilespmem:$0x1C200] =	vst v63  }
0x10f: {  	s10 =	sadd.s32 s6, s10  }
0x110: {  	[tilespmem:s24], [sflag:$0x3] =	stream.linear.gather [hbm4b:s10+s2], $0x80, $0x38;
	[tilespmem:$0x1C200] =	vst v63  }
0x111: {  	_ =	swait.ge [sflag:s30], $0x80  }
0x112: {  	[sflag:s30] =	ssyncset.done $0x0  }
0x113: {  	[sflag:s30] =	ssyncadd.s32 $0xFFFFFF80  }
0x114: {  	_ =	swait.ge [sflag:s30], $0x80  }
0x115: {  	[sflag:s30] =	ssyncset.done $0x0  }
0x116: {  	[sflag:s30] =	ssyncadd.s32 $0xFFFFFF80  }
0x117: {  	[tilespmem:s22], [sflag:$0x1] =	stream.indirect.gather [hbm4b:s4+s25], $0x80, s2, s25, $0xb8;
	[tilespmem:$0x1C200] =	vst v63  }
0x118: {  	_ =	swait.ge [sflag:s31], $0x4000  }
0x119: {  	s14 =	sand.u32 $0xFC00, s3;
	[sflag:s31] =	ssyncset.done $0x0  }
0x11a: {  	s3 =	sand.u32 $0x380, s3;
	s10 =	sadd.s32 s8, s14;
	[sflag:s31] =	ssyncadd.s32 $0xFFFFC000  }
0x11b: {  	[spmem:s1] =	stream.indirect.scatter.add.f32 [tilespmem:s28], [sflag:$0x5], $0x80, s0, s25, $0xb8;
	[tilespmem:$0x1C200] =	vst v63  }
0x11c: {  	s3 =	sor.u32 s3, s10;
	_ =	swait.ge [sflag:s23], $0x4000  }
0x11d: {  	s3 =	sshrl.u32 s3, $0x3;
	[sflag:s23] =	ssyncset.done $0x0  }
0x11e: {  	s12 =	sadd.s32 s7, s3;
	[sflag:s23] =	ssyncadd.s32 $0xFFFFC000  }
0x11f: {  	[tilespmem:s25], [sflag:$0x4] =	stream.linear.gather [hbm4b:s12+s2], $0x80, $0x38;
	[tilespmem:$0x1C200] =	vst v63  }
0x120: {  	s3 =	sadd.s32 s6, s3  }
0x121: {  	[tilespmem:s0], [sflag:$0x4] =	stream.linear.gather [hbm4b:s3+s2], $0x80, $0x38;
	[tilespmem:$0x1C200] =	vst v63  }
0x122: {  	_ =	swait.ge [sflag:s26], $0x80  }
0x123: {  	[sflag:s26] =	ssyncset.done $0x0  }
0x124: {  	[sflag:s26] =	ssyncadd.s32 $0xFFFFFF80  }
0x125: {  	_ =	swait.ge [sflag:s26], $0x80  }
0x126: {  	s13 =	simm.s32 $0x200;
	[sflag:s26] =	ssyncset.done $0x0  }
0x127: {  	s14 =	sand.u32 $0xFC00, s13;
	s13 =	sand.u32 $0x300, s13;
	[sflag:s26] =	ssyncadd.s32 $0xFFFFFF80  }
0x128: {  	[tilespmem:s28], [sflag:$0x2] =	stream.indirect.gather [hbm4b:s4+s25], $0x80, s25, s25, $0xb8;
	[tilespmem:$0x1C200] =	vst v63  }
0x129: {  	s10 =	simm.s32 $0x280;
	s12 =	sadd.s32 s8, s14;
	_ =	swait.ge [sflag:s29], $0x4000  }
0x12a: {  	s13 =	sor.u32 s13, s12;
	s3 =	simm.s32 $0x380;
	[sflag:s29] =	ssyncset.done $0x0  }
.LBB2_4:
0x12b: {  	s13 =	sshrl.u32 s13, $0x3  }
0x12c: {  	[sflag:s29] =	ssyncadd.s32 $0xFFFFC000;
	s14 =	smov.u32 s3;
	s12 =	sadd.s32 $0x100, s3  }
0x12d: {  	[spmem:s1] =	stream.indirect.scatter.add.f32 [tilespmem:s22], [sflag:$0x5], $0x80, s24, s25, $0xb8;
	[tilespmem:$0x1C200] =	vst v63  }
0x12e: {  	p1 =	seq.s32 s3, $0x4E80;
	_ =	swait.ge [sflag:s23], $0x4000  }
0x12f: {  	[sflag:s23] =	ssyncset.done $0x0  }
0x130: {  	s3 =	sadd.s32 s7, s13;
	[sflag:s23] =	ssyncadd.s32 $0xFFFFC000  }
0x131: {  	[tilespmem:s2], [sflag:$0x3] =	stream.linear.gather [hbm4b:s3+s2], $0x80, $0x38;
	[tilespmem:$0x1C200] =	vst v63  }
0x132: {  	s3 =	sadd.s32 s6, s13  }
0x133: {  	[tilespmem:s24], [sflag:$0x3] =	stream.linear.gather [hbm4b:s3+s2], $0x80, $0x38;
	[tilespmem:$0x1C200] =	vst v63  }
0x134: {  	_ =	swait.ge [sflag:s30], $0x80  }
0x135: {  	[sflag:s30] =	ssyncset.done $0x0  }
0x136: {  	[sflag:s30] =	ssyncadd.s32 $0xFFFFFF80  }
0x137: {  	_ =	swait.ge [sflag:s30], $0x80  }
0x138: {  	[sflag:s30] =	ssyncset.done $0x0  }
0x139: {  	[sflag:s30] =	ssyncadd.s32 $0xFFFFFF80  }
0x13a: {  	[tilespmem:s22], [sflag:$0x1] =	stream.indirect.gather [hbm4b:s4+s25], $0x80, s2, s25, $0xb8;
	[tilespmem:$0x1C200] =	vst v63  }
0x13b: {  	_ =	swait.ge [sflag:s31], $0x4000  }
0x13c: {  	[sflag:s31] =	ssyncset.done $0x0  }
0x13d: {  	s3 =	sand.u32 $0xFC00, s10;
	[sflag:s31] =	ssyncadd.s32 $0xFFFFC000  }
0x13e: {  	[spmem:s1] =	stream.indirect.scatter.add.f32 [tilespmem:s28], [sflag:$0x5], $0x80, s0, s25, $0xb8;
	[tilespmem:$0x1C200] =	vst v63  }
0x13f: {  	s10 =	sand.u32 $0x380, s10;
	s3 =	sadd.s32 s8, s3;
	_ =	swait.ge [sflag:s23], $0x4000  }
0x140: {  	s3 =	sor.u32 s10, s3;
	s10 =	smov.u32 s14;
	[sflag:s23] =	ssyncset.done $0x0  }
0x141: {  	s3 =	sshrl.u32 s3, $0x3;
	[sflag:s23] =	ssyncadd.s32 $0xFFFFC000  }
0x142: {  	s13 =	sadd.s32 s7, s3  }
0x143: {  	[tilespmem:s25], [sflag:$0x4] =	stream.linear.gather [hbm4b:s13+s2], $0x80, $0x38;
	[tilespmem:$0x1C200] =	vst v63  }
0x144: {  	s3 =	sadd.s32 s6, s3  }
0x145: {  	[tilespmem:s0], [sflag:$0x4] =	stream.linear.gather [hbm4b:s3+s2], $0x80, $0x38;
	[tilespmem:$0x1C200] =	vst v63  }
0x146: {  	_ =	swait.ge [sflag:s26], $0x80  }
0x147: {  	[sflag:s26] =	ssyncset.done $0x0  }
0x148: {  	[sflag:s26] =	ssyncadd.s32 $0xFFFFFF80  }
0x149: {  	_ =	swait.ge [sflag:s26], $0x80  }
.Ltmp7:
0x14a: {  	s3 =	sadd.s32 $0xFFFFFF80, s10;
	[sflag:s26] =	ssyncset.done $0x0;
	(pc) =	sbr.rel @!p1 .LBB2_4-.Ltmp7, $4  }
0x14b: {  	s13 =	sand.u32 $0xFC00, s3;
	[sflag:s26] =	ssyncadd.s32 $0xFFFFFF80  }
0x14c: {  	[tilespmem:s28], [sflag:$0x2] =	stream.indirect.gather [hbm4b:s4+s25], $0x80, s25, s25, $0xb8;
	[tilespmem:$0x1C200] =	vst v63  }
0x14d: {  	s3 =	sand.u32 $0x300, s3;
	s13 =	sadd.s32 s8, s13;
	_ =	swait.ge [sflag:s29], $0x4000  }
0x14e: {  	s13 =	sor.u32 s3, s13;
	s3 =	smov.u32 s12;
	[sflag:s29] =	ssyncset.done $0x0  }
0x14f: {  	[sflag:s29] =	ssyncadd.s32 $0xFFFFC000  }
0x150: {  	[spmem:s1] =	stream.indirect.scatter.add.f32 [tilespmem:s22], [sflag:$0x5], $0x80, s24, s25, $0xb8;
	[tilespmem:$0x1C200] =	vst v63  }
0x151: {  	_ =	swait.ge [sflag:s23], $0x4000  }
0x152: {  	s3 =	sshrl.u32 s13, $0x3;
	[sflag:s23] =	ssyncset.done $0x0  }
0x153: {  	s12 =	sadd.s32 s7, s3;
	[sflag:s23] =	ssyncadd.s32 $0xFFFFC000  }
0x154: {  	[tilespmem:s2], [sflag:$0x3] =	stream.linear.gather [hbm4b:s12+s2], $0x80, $0x38;
	[tilespmem:$0x1C200] =	vst v63  }
0x155: {  	s3 =	sadd.s32 s6, s3  }
0x156: {  	[tilespmem:s24], [sflag:$0x3] =	stream.linear.gather [hbm4b:s3+s2], $0x80, $0x38;
	[tilespmem:$0x1C200] =	vst v63  }
0x157: {  	_ =	swait.ge [sflag:s30], $0x80  }
0x158: {  	[sflag:s30] =	ssyncset.done $0x0  }
0x159: {  	[sflag:s30] =	ssyncadd.s32 $0xFFFFFF80  }
0x15a: {  	_ =	swait.ge [sflag:s30], $0x80  }
0x15b: {  	[sflag:s30] =	ssyncset.done $0x0  }
0x15c: {  	[sflag:s30] =	ssyncadd.s32 $0xFFFFFF80  }
0x15d: {  	[tilespmem:s22], [sflag:$0x1] =	stream.indirect.gather [hbm4b:s4+s25], $0x80, s2, s25, $0xb8;
	[tilespmem:$0x1C200] =	vst v63  }
0x15e: {  	_ =	swait.ge [sflag:s31], $0x4000  }
0x15f: {  	s12 =	sand.u32 $0xFC00, s10;
	[sflag:s31] =	ssyncset.done $0x0  }
0x160: {  	s13 =	sand.u32 $0x380, s10;
	s3 =	sadd.s32 s8, s12;
	[sflag:s31] =	ssyncadd.s32 $0xFFFFC000  }
0x161: {  	[spmem:s1] =	stream.indirect.scatter.add.f32 [tilespmem:s28], [sflag:$0x5], $0x80, s0, s25, $0xb8;
	[tilespmem:$0x1C200] =	vst v63  }
0x162: {  	s3 =	sor.u32 s13, s3;
	_ =	swait.ge [sflag:s23], $0x4000  }
0x163: {  	s3 =	sshrl.u32 s3, $0x3;
	[sflag:s23] =	ssyncset.done $0x0  }
0x164: {  	s14 =	sadd.s32 s7, s3;
	[sflag:s23] =	ssyncadd.s32 $0xFFFFC000  }
0x165: {  	[tilespmem:s25], [sflag:$0x4] =	stream.linear.gather [hbm4b:s14+s2], $0x80, $0x38;
	[tilespmem:$0x1C200] =	vst v63  }
0x166: {  	s3 =	sadd.s32 s6, s3  }
0x167: {  	[tilespmem:s0], [sflag:$0x4] =	stream.linear.gather [hbm4b:s3+s2], $0x80, $0x38;
	[tilespmem:$0x1C200] =	vst v63  }
0x168: {  	_ =	swait.ge [sflag:s26], $0x80  }
0x169: {  	[sflag:s26] =	ssyncset.done $0x0  }
0x16a: {  	[sflag:s26] =	ssyncadd.s32 $0xFFFFFF80  }
0x16b: {  	_ =	swait.ge [sflag:s26], $0x80  }
0x16c: {  	[sflag:s26] =	ssyncset.done $0x0  }
0x16d: {  	[sflag:s26] =	ssyncadd.s32 $0xFFFFFF80  }
0x16e: {  	[tilespmem:s28], [sflag:$0x2] =	stream.indirect.gather [hbm4b:s4+s25], $0x80, s25, s25, $0xb8;
	[tilespmem:$0x1C200] =	vst v63  }
0x16f: {  	_ =	swait.ge [sflag:s29], $0x4000  }
0x170: {  	[sflag:s29] =	ssyncset.done $0x0  }
.Ltmp8:
0x171: {  	[sflag:s29] =	ssyncadd.s32 $0xFFFFC000;
	(pc) =	sbr.rel .LBB2_10-.Ltmp8, $4  }
0x172: {  	[spmem:s1] =	stream.indirect.scatter.add.f32 [tilespmem:s22], [sflag:$0x5], $0x80, s24, s25, $0xb8;
	[tilespmem:$0x1C200] =	vst v63  }
0x173: {  	_ =	swait.ge [sflag:s23], $0x4000  }
0x174: {  	[sflag:s23] =	ssyncset.done $0x0  }
0x175: {  	s3 =	rddreg [dreg:$0x3];
	[sflag:s23] =	ssyncadd.s32 $0xFFFFC000  }
.LBB2_11:
0x176: {  	_ =	sfence.sel $0x180000  }
0x177: {  	[bflag:$0x0] =	sbarrier.arrive $0xFFFF  }
0x178: {  	_ =	strace $0x9000004A  }
0x179: {  	s0 =	stileid.u32;
	[bflag:$0x2] =	sbarrier.arrive $0xFFFF  }
0x17a: {  	p0 =	sne.s32 s0, $0x0;
	s0 =	rddreg [dreg:$0x2]  }
0x17b: {  	s0 =	sadd.s32 @!p0 $0x100000, s0  }
0x17c: {  	[sflag:s0] =	ssyncadd.tile.s32 @!p0 $0x1;
	_ =	shalt  }
.Lfunc_end2:
_tile_overlayer_lowered:
.L_overlay_start_2:
0x17d: {  	(tag) =	ssettag $0x2  }
0x17e: {  	s0 =	rddreg [dreg:$0x0];
	s2 =	stileid.u32  }
0x17f: {  	s1 =	rddreg [dreg:$0x1];
	p0 =	sne.s32 s2, $0x0  }
0x180: {  	s3 =	rddreg [dreg:$0x2];
	[bflag:$0x3] =	sbarrier.arrive $0xFFFF;
	s2 =	simm.s32 @!p0 $0x1C05  }
0x181: {  	[timem:s3], [sflag:s2] =	dma.local @!p0 [hbm:s0], s1  }
0x182: {  	s0 =	simm.s32 @!p0 $0x5  }
0x183: {  	_ =	swait.ge @!p0 [sflag:s0], s1  }
0x184: {  	s1 =	ssub.s32 @!p0 $0x0, s1;
	[sflag:s0] =	ssyncset.done @!p0 $0x0  }
0x185: {  	[sflag:s0] =	ssyncadd.s32 @!p0 s1  }
0x186: {  	[bflag:$0x3] =	sbarrier.arrive $0xFFFF  }
0x187: {  	_ =	shalt  }

// kernel: kernel.16.cloned.1.call-start
scs
__scs_entry_jumppad:
0x0: {  	(pc) =	sbr.rel $0x88, $3  }
0x1: {  	(tag) =	ssettag $0x0;
	lr =	simm.s32 $0x1  }
0x2: {  	[smem:$0x3F8E] =	sst lr;
	_ =	strace $0xD0000000  }
0x3: {  	_ = 	snop  }
0x4: {  	_ = 	snop  }
0x5: {  	_ = 	snop  }
0x6: {  	_ = 	snop  }
0x7: {  	_ = 	snop  }
__scs_overlays_trampoline_lowered:
0x8: {  	[smem:$0x3F9D] =	sst s0  }
0x9: {  	[smem:$0x3F9E] =	sst s1  }
0xa: {  	[smem:$0x3F9F] =	sst s2  }
0xb: {  	[smem:$0x3FA0] =	sst s3  }
0xc: {  	[smem:$0x3FA1] =	sst s4  }
0xd: {  	[smem:$0x3FA2] =	sst s5  }
0xe: {  	[smem:$0x3FA3] =	sst s6  }
0xf: {  	[smem:$0x3FA4] =	sst s7  }
0x10: {  	[smem:$0x3FA5] =	sst s8  }
0x11: {  	[smem:$0x3FA6] =	sst s9;
	s0 =	simm.s32 @!p0 $0x0  }
0x12: {  	s1 =	sld [smem:$0x3F8C];
	s0 =	simm.s32 @p0 $0x1  }
0x13: {  	[smem:$0x3FA7] =	sst s0;
	s0 =	simm.s32 @!p1 $0x0  }
0x14: {  	s2 =	sld [smem:$0x3F8B];
	s0 =	simm.s32 @p1 $0x1  }
0x15: {  	[smem:$0x3FA8] =	sst s0;
	s0 =	simm.s32 @!p2 $0x0  }
0x16: {  	s3 =	sld [smem:$0x3FDB];
	s0 =	simm.s32 @p2 $0x1  }
0x17: {  	s4 =	simm.s32 $0x1BF5;
	[smem:$0x3FAA] =	sst s0  }
0x18: {  	s0 =	sld [smem:$0x3F8D];
	_ =	swait.ge [sflag:s4], $0x0  }
0x19: {  	s7 =	sld [smem:$0x3F8E]  }
0x1a: {  	s8 =	sadd.s32 $0xFFFFE003, lr  }
0x1b: {  	s9 =	sadd.s32 $0xFFFFFEF7, lr;
	s5 =	simm.s32 $0xFFFFFFFF;
	p2 =	slt.u32 s8, $0xFFFFF086  }
0x1c: {  	p1 =	slt.u32 s9, $0xF7A;
	s5 =	simm.s32 @!p2 $0x0  }
0x1d: {  	s5 =	simm.s32 @p1 $0x1;
	p0 =	seq.s32 s7, s2  }
0x1e: {  	s7 =	smul.u32 @!p0 $0xF7A, s2;
	p2 =	seq.s32 @!p0 s5, $0x0  }
0x1f: {  	s9 =	smul.u32 $0xF7A, s1;
	s8 =	simm.s32 @!p0 $0x1BF5;
	p2 =	por !p2, p0  }
0x20: {  	[sflag:s8] =	ssyncset.s32 @!p0 $0xFFFFF086;
	s6 =	sadd.s32 @!p0 s3, s7;
	s7 =	simm.s32 @!p0 $0x108  }
0x21: {  	s3 =	sadd.s32 s3, s9;
	s6 =	sadd.s32 @!p0 $0x88, s6;
	s7 =	simm.s32 @p2 $0x1082  }
0x22: {  	[simem:s7], [sflag:s8] =	dma.local @!p0 [hbm:s6], $0xF7A  }
0x23: {  	s9 =	sor.u32 $0xD0000000, s2;
	s6 =	simm.s32 $0x108;
	_ =	swait.ge @!p0 [sflag:s8], $0x0  }
0x24: {  	s3 =	sadd.s32 $0x88, s3;
	s6 =	simm.s32 @!p1 $0x1082;
	[sflag:s4] =	ssyncset.s32 $0xFFFFF086  }
0x25: {  	[simem:s6], [sflag:s4] =	dma.local [hbm:s3], $0xF7A  }
0x26: {  	[smem:$0x3F8E] =	sst s1;
	(tag) =	ssettag s2;
	_ =	strace s9  }
0x27: {  	s1 =	sld [smem:$0x3F9E]  }
0x28: {  	s2 =	sld [smem:$0x3F9F]  }
0x29: {  	s4 =	sld [smem:$0x3FA1]  }
0x2a: {  	p0 =	seq.s32 s5, $0x0;
	s5 =	sld [smem:$0x3FA2]  }
0x2b: {  	s6 =	sld [smem:$0x3FA3]  }
0x2c: {  	s7 =	sld [smem:$0x3FA4]  }
0x2d: {  	s3 =	simm.s32 $0x108;
	s8 =	sld [smem:$0x3FA5]  }
0x2e: {  	s3 =	simm.s32 @!p0 $0x1082;
	s9 =	sld [smem:$0x3FA6]  }
0x2f: {  	lr =	sadd.s32 s0, s3;
	s0 =	sld [smem:$0x3F9D]  }
0x30: {  	s3 =	sld [smem:$0x3FA0]  }
0x31: {  	[smem:$0x3FA9] =	sst s10  }
0x32: {  	s10 =	sld [smem:$0x3FA7];
	_ =	sdelay $0x3  }
0x33: {  	p0 =	seq.s32 s10, $0x1;
	s10 =	sld [smem:$0x3FA9];
	_ =	sdelay $0x3  }
0x34: {  	[smem:$0x3FA9] =	sst s10  }
0x35: {  	s10 =	sld [smem:$0x3FA8];
	_ =	sdelay $0x3  }
0x36: {  	p1 =	seq.s32 s10, $0x1;
	s10 =	sld [smem:$0x3FA9];
	_ =	sdelay $0x3  }
0x37: {  	[smem:$0x3FA9] =	sst s10  }
0x38: {  	s10 =	sld [smem:$0x3FAA]  }
0x39: {  	_ = 	snop;
	(pc) =	sbr.ind lr, $3  }
0x3a: {  	_ = 	snop  }
0x3b: {  	_ = 	snop  }
0x3c: {  	p2 =	seq.s32 s10, $0x1;
	s10 =	sld [smem:$0x3FA9]  }
0x3d: {  	_ =	shalt  }
0x3e: {  	_ =	shalt  }
0x3f: {  	_ =	shalt  }
0x40: {  	_ =	shalt  }
0x41: {  	_ =	shalt  }
0x42: {  	_ =	shalt  }
0x43: {  	_ =	shalt  }
0x44: {  	_ =	shalt  }
0x45: {  	_ =	shalt  }
0x46: {  	_ =	shalt  }
0x47: {  	_ =	shalt  }
0x48: {  	_ =	shalt  }
0x49: {  	_ =	shalt  }
0x4a: {  	_ =	shalt  }
0x4b: {  	_ =	shalt  }
0x4c: {  	_ =	shalt  }
0x4d: {  	_ =	shalt  }
0x4e: {  	_ =	shalt  }
0x4f: {  	_ =	shalt  }
0x50: {  	_ =	shalt  }
0x51: {  	_ =	shalt  }
0x52: {  	_ =	shalt  }
0x53: {  	_ =	shalt  }
0x54: {  	_ =	shalt  }
0x55: {  	_ =	shalt  }
0x56: {  	_ =	shalt  }
0x57: {  	_ =	shalt  }
0x58: {  	_ =	shalt  }
0x59: {  	_ =	shalt  }
0x5a: {  	_ =	shalt  }
0x5b: {  	_ =	shalt  }
0x5c: {  	_ =	shalt  }
0x5d: {  	_ =	shalt  }
0x5e: {  	_ =	shalt  }
0x5f: {  	_ =	shalt  }
0x60: {  	_ =	shalt  }
0x61: {  	_ =	shalt  }
0x62: {  	_ =	shalt  }
0x63: {  	_ =	shalt  }
0x64: {  	_ =	shalt  }
0x65: {  	_ =	shalt  }
0x66: {  	_ =	shalt  }
0x67: {  	_ =	shalt  }
0x68: {  	_ =	shalt  }
0x69: {  	_ =	shalt  }
0x6a: {  	_ =	shalt  }
0x6b: {  	_ =	shalt  }
0x6c: {  	_ =	shalt  }
0x6d: {  	_ =	shalt  }
0x6e: {  	_ =	shalt  }
0x6f: {  	_ =	shalt  }
0x70: {  	_ =	shalt  }
0x71: {  	_ =	shalt  }
0x72: {  	_ =	shalt  }
0x73: {  	_ =	shalt  }
0x74: {  	_ =	shalt  }
0x75: {  	_ =	shalt  }
0x76: {  	_ =	shalt  }
0x77: {  	_ =	shalt  }
0x78: {  	_ =	shalt  }
0x79: {  	_ =	shalt  }
0x7a: {  	_ =	shalt  }
0x7b: {  	_ =	shalt  }
0x7c: {  	_ =	shalt  }
0x7d: {  	_ =	shalt  }
0x7e: {  	_ =	shalt  }
0x7f: {  	_ =	shalt  }
0x80: {  	_ =	shalt  }
0x81: {  	_ =	shalt  }
0x82: {  	_ =	shalt  }
0x83: {  	_ =	shalt  }
0x84: {  	_ =	shalt  }
0x85: {  	_ =	shalt  }
0x86: {  	_ =	shalt  }
0x87: {  	_ =	shalt  }
.Lfunc_end0:
.L_simem_size_0:
called_computation.2_lowered:
.L_overlay_start_0:
0x88: {  	s2 =	sld [smem:$0x3FD9]  }
0x89: {  	s3 =	sld [smem:$0x3FFE];
	_ =	sdelay $0x1  }
0x8a: {  	s1 =	srdreg.scid  }
0x8b: {  	s0 =	sand.u32 $0x1, s1  }
0x8c: {  	s16 =	sshll.u32 s0, $0xA;
	s2 =	sadd.s32 s3, s2  }
0x8d: {  	s2 =	sadd.s32 s2, s16  }
0x8e: {  	[smem:$0x3FB5] =	sst s2  }
0x8f: {  	_ = 	snop  }
0x90: {  	(tm) =	ssettm $0x1  }
0x91: {  	s17 =	sld [smem:$0x3FFB];
	_ =	sdelay $0x3  }
0x92: {  	_ =	strace s17  }
0x93: {  	s2 =	sld [smem:$0x3FFC];
	_ =	sdelay $0x3  }
0x94: {  	_ =	strace s2  }
0x95: {  	s2 =	sld [smem:$0x3FFD];
	_ =	sdelay $0x3  }
0x96: {  	_ =	strace s2  }
0x97: {  	_ =	strace $0x8FFFFFFF  }
0x98: {  	s18 =	sld [smem:$0x3FDB];
	_ =	sdelay $0x1  }
0x99: {  	s19 =	simm.s32 $_scs_section_size  }
0x9a: {  	s4 =	simm.s32 $_size__tile_overlayer_lowered;
	s5 =	simm.s32 $_tile_overlayer_lowered  }
0x9b: {  	s22 =	simm.s32 $0x1BFF;
	s21 =	sshll.u32 s5, $0x1;
	s2 =	sadd.s32 s19, s18  }
0x9c: {  	s6 =	simm.s32 $0x0;
	s20 =	sshll.u32 s4, $0x1;
	s4 =	sadd.s32 s21, s2  }
0x9d: {  	[timem:s6], [sflag:s22] =	dma.local [hbm:s4], s20  }
0x9e: {  	_ =	swait.ge [sflag:s22], s20  }
0x9f: {  	s3 =	ssub.s32 $0x0, s20;
	[sflag:s22] =	ssyncset.done $0x0  }
0xa0: {  	[sflag:s22] =	ssyncadd.s32 s3;
	_ =	sdelay $0x1  }
0xa1: {  	s23 =	simm.s32 $0x1B8B  }
0xa2: {  	_ =	swait.ge [sflag:s23], $0x1  }
0xa3: {  	[sflag:s23] =	ssyncset.done $0x0  }
0xa4: {  	s25 =	simm.s32 $0x1B8E;
	s24 =	sld [smem:$0x3FFE];
	[sflag:s23] =	ssyncadd.s32 $0xFFFFFFFF  }
0xa5: {  	s26 =	simm.s32 $execute0_lowered;
	[smem:$0x3FD2] =	sst s25  }
0xa6: {  	s4 =	sshll.u32 s26, $0x1;
	_ =	strace $0x8000004C;
	[dreg:$0x1] =	wrdreg $0xFFFFFFFF  }
0xa7: {  	s28 =	simm.s32 $_size_execute0_lowered;
	s2 =	sadd.s32 s2, s4;
	[dreg:$0x0] =	wrdreg $0x0  }
0xa8: {  	s4 =	sshll.u32 s28, $0x1;
	[dreg:$0x2] =	wrdreg s2  }
0xa9: {  	[dreg:$0x3] =	wrdreg s4  }
0xaa: {  	[dreg:$0x4] =	wrdreg $0xC0  }
0xab: {  	_ =	task [dreg:s6], $0x5FFFF  }
0xac: {  	[dreg:$0x1] =	wrdreg $0xFFFFFFFF  }
0xad: {  	[dreg:$0x0] =	wrdreg $0x60  }
0xae: {  	[dreg:$0x2] =	wrdreg s24  }
0xaf: {  	[dreg:$0x3] =	wrdreg $0x82000  }
0xb0: {  	[dreg:$0x4] =	wrdreg $0x9  }
0xb1: {  	_ =	task.clear_ibuf [dreg:s6], $0x5FFFF;
	_ =	strace $0x9000004C  }
0xb2: {  	s29 =	simm.s32 $0x9;
	_ =	strace $0x8000004E  }
0xb3: {  	_ =	swait.ge [sflag:s29], $0x1  }
0xb4: {  	[sflag:s29] =	ssyncadd.s32 $0xFFFFFFFF  }
0xb5: {  	_ =	strace $0x9000004E  }
0xb6: {  	_ =	sfence  }
0xb7: {  	s30 =	sld [smem:$0x0];
	_ =	sdelay $0x2  }
0xb8: {  	s31 =	sshll.u32 s1, $0xD;
	s1 =	sshrl.u32 s1, $0x2  }
0xb9: {  	s3 =	sand.u32 $0x4000, s31;
	s1 =	sadd.s32 s1, s30  }
0xba: {  	s0 =	sor.u32 s3, s0;
	s1 =	sshll.u32 s1, $0x11  }
0xbb: {  	s0 =	sor.u32 s1, s0  }
0xbc: {  	s0 =	sadd.s32 $0x8F2B, s0  }
0xbd: {  	[sflag:s0] =	ssyncadd.remote.s32 $0x1  }
0xbe: {  	_ =	sfence.sel $0xFFFF  }
0xbf: {  	[dreg:$0x0] =	wrdreg $0xFFFFFFFF;
	(pc) =	sbr.abs _section_cstart, $3  }
0xc0: {  	[dreg:$0x1] =	wrdreg $0xFFFFFFFF  }
0xc1: {  	_ =	task.clear_ibuf [dreg:s6], $0x2FFFF;
	_ =	strace $0x9FFFFFFF  }
0xc2: {  	(tm) =	ssettm $0x7FFFFFFF  }
0xc3: {  	_ =	shalt  }
tec
execute0_lowered:
.L_overlay_start_1:
0x0: {  	(tag) =	ssettag $0x1  }
0x1: {  	s0 =	rddreg [dreg:$0x0]  }
0x2: {  	s1 =	rddreg [dreg:$0x1];
	s2 =	simm.s32 $0x0  }
0x3: {  	s3 =	srdreg.scid;
	s12 =	stileid.u32;
	s28 =	simm.s32 $0x4200  }
0x4: {  	s29 =	simm.s32 $0x1;
	s30 =	simm.s32 $0x3;
	s31 =	simm.s32 $0x2  }
0x5: {  	[smem:$0x7FF] =	sst s2;
	s4 =	sadd.s32 $0x1AC00, s0;
	s5 =	sadd.s32 $0x42C00, s0  }
0x6: {  	s6 =	sadd.s32 $0x6C00, s0;
	s3 =	sand.u32 $0x1, s3;
	s9 =	smul.u32 $0x50000, s12  }
0x7: {  	s7 =	sadd.s32 $0x10C00, s0;
	s8 =	smul.u32 $0x5000, s12;
	s11 =	sadd.s32 $0xBAC00, s0  }
0x8: {  	s0 =	sadd.s32 $0xE2C00, s0;
	_ =	strace $0x8000004D;
	[dreg:$0x3] =	wrdreg s11  }
0x9: {  	s16 =	smul.u32 $0x2800, s12;
	s10 =	ssub.s32 $0x2, s3;
	[dreg:$0x4] =	wrdreg s0  }
0xa: {  	p0 =	seq.s32 s3, $0x1;
	s21 =	sshrl.u32 s10, $0x1;
	s9 =	sshrl.u32 s9, $0x2  }
0xb: {  	s22 =	sshrl.u32 s8, $0x3;
	s0 =	ssub.s32 s10, s21;
	s11 =	sadd.s32 s9, s1  }
0xc: {  	s23 =	sor.u32 $0x10, s22;
	s24 =	sadd.s32 s7, s22;
	s25 =	sadd.s32 s6, s22  }
0xd: {  	s22 =	simm.s32 $0x200;
	s9 =	simm.s32 $0x0;
	[dreg:$0x5] =	wrdreg s24  }
.Ltmp0:
0xe: {  	[dreg:$0x6] =	wrdreg s25;
	s26 =	sadd.s32 s7, s23;
	(pc) =	sbr.rel .LBB2_1-.Ltmp0, $4  }
0xf: {  	s15 =	sadd.s32 s6, s23;
	s17 =	smax.u32 s0, $0x1;
	s18 =	sadd.s32 $0x4000, s11  }
0x10: {  	s19 =	sadd.s32 $0x8000, s11;
	s20 =	sadd.s32 $0xC000, s11;
	s21 =	sadd.s32 $0x10000, s11  }
0x11: {  	s23 =	simm.s32 $0x5;
	s24 =	simm.s32 $0x100;
	s25 =	simm.s32 $0x80  }
0x12: {  	v0 =	vimm.f32 $0.0e+00;
	s0 =	simm.s32 $0x180;
	[dreg:$0x7] =	wrdreg s26;
	s26 =	simm.s32 $0x4  }
.LBB2_9:
0x13: {  	[sflag:s29] =	ssyncadd.s32 $0xFFFFC000  }
0x14: {  	[spmem:s1] =	stream.indirect.scatter.add.f32 [tilespmem:s22], [sflag:$0x5], $0x80, s24, s25, $0xb8;
	[tilespmem:$0x1C200] =	vst v63  }
0x15: {  	_ =	swait.ge [sflag:s23], $0x4000  }
0x16: {  	s3 =	sshrl.u32 s13, $0x3;
	[sflag:s23] =	ssyncset.done $0x0  }
0x17: {  	s12 =	sadd.s32 s6, s3;
	[sflag:s23] =	ssyncadd.s32 $0xFFFFC000  }
0x18: {  	[tilespmem:s2], [sflag:$0x3] =	stream.linear.gather [hbm4b:s12+s2], $0x80, $0x38;
	[tilespmem:$0x1C200] =	vst v63  }
0x19: {  	s3 =	sadd.s32 s7, s3  }
0x1a: {  	[tilespmem:s24], [sflag:$0x3] =	stream.linear.gather [hbm4b:s3+s2], $0x80, $0x38;
	[tilespmem:$0x1C200] =	vst v63  }
0x1b: {  	_ =	swait.ge [sflag:s30], $0x80  }
0x1c: {  	[sflag:s30] =	ssyncset.done $0x0  }
0x1d: {  	[sflag:s30] =	ssyncadd.s32 $0xFFFFFF80  }
0x1e: {  	_ =	swait.ge [sflag:s30], $0x80  }
0x1f: {  	[sflag:s30] =	ssyncset.done $0x0  }
0x20: {  	[sflag:s30] =	ssyncadd.s32 $0xFFFFFF80  }
0x21: {  	[tilespmem:s22], [sflag:$0x1] =	stream.indirect.gather [hbm4b:s5+s25], $0x80, s2, s25, $0xb8;
	[tilespmem:$0x1C200] =	vst v63  }
0x22: {  	_ =	swait.ge [sflag:s31], $0x4000  }
0x23: {  	s12 =	sand.u32 $0xFC00, s10;
	[sflag:s31] =	ssyncset.done $0x0  }
0x24: {  	s13 =	sand.u32 $0x380, s10;
	s3 =	sadd.s32 s8, s12;
	[sflag:s31] =	ssyncadd.s32 $0xFFFFC000  }
0x25: {  	[spmem:s1] =	stream.indirect.scatter.add.f32 [tilespmem:s28], [sflag:$0x5], $0x80, s0, s25, $0xb8;
	[tilespmem:$0x1C200] =	vst v63  }
0x26: {  	s3 =	sor.u32 s13, s3;
	_ =	swait.ge [sflag:s23], $0x4000  }
0x27: {  	s3 =	sshrl.u32 s3, $0x3;
	[sflag:s23] =	ssyncset.done $0x0  }
0x28: {  	s14 =	sadd.s32 s6, s3;
	[sflag:s23] =	ssyncadd.s32 $0xFFFFC000  }
0x29: {  	[tilespmem:s25], [sflag:$0x4] =	stream.linear.gather [hbm4b:s14+s2], $0x80, $0x38;
	[tilespmem:$0x1C200] =	vst v63  }
0x2a: {  	s3 =	sadd.s32 s7, s3  }
0x2b: {  	[tilespmem:s0], [sflag:$0x4] =	stream.linear.gather [hbm4b:s3+s2], $0x80, $0x38;
	[tilespmem:$0x1C200] =	vst v63  }
0x2c: {  	_ =	swait.ge [sflag:s26], $0x80  }
0x2d: {  	[sflag:s26] =	ssyncset.done $0x0  }
0x2e: {  	[sflag:s26] =	ssyncadd.s32 $0xFFFFFF80  }
0x2f: {  	_ =	swait.ge [sflag:s26], $0x80  }
0x30: {  	[sflag:s26] =	ssyncset.done $0x0  }
0x31: {  	[sflag:s26] =	ssyncadd.s32 $0xFFFFFF80  }
0x32: {  	[tilespmem:s28], [sflag:$0x2] =	stream.indirect.gather [hbm4b:s5+s25], $0x80, s25, s25, $0xb8;
	[tilespmem:$0x1C200] =	vst v63  }
0x33: {  	_ =	swait.ge [sflag:s29], $0x4000  }
0x34: {  	[sflag:s29] =	ssyncset.done $0x0  }
0x35: {  	[sflag:s29] =	ssyncadd.s32 $0xFFFFC000  }
0x36: {  	[spmem:s1] =	stream.indirect.scatter.add.f32 [tilespmem:s22], [sflag:$0x5], $0x80, s24, s25, $0xb8;
	[tilespmem:$0x1C200] =	vst v63  }
0x37: {  	_ =	swait.ge [sflag:s23], $0x4000  }
0x38: {  	[sflag:s23] =	ssyncset.done $0x0  }
0x39: {  	s3 =	rddreg [dreg:$0x4];
	[sflag:s23] =	ssyncadd.s32 $0xFFFFC000  }
.LBB2_10:
0x3a: {  	_ =	swait.ge [sflag:s31], $0x4000  }
0x3b: {  	[sflag:s31] =	ssyncset.done $0x0  }
0x3c: {  	[sflag:s31] =	ssyncadd.s32 $0xFFFFC000  }
0x3d: {  	[spmem:s1] =	stream.indirect.scatter.add.f32 [tilespmem:s28], [sflag:$0x5], $0x80, s0, s25, $0xb8;
	[tilespmem:$0x1C200] =	vst v63  }
0x3e: {  	s3 =	sadd.s32 s3, s16;
	s10 =	stileid.u32;
	_ =	swait.ge [sflag:s23], $0x4000  }
0x3f: {  	s12 =	sshrl.u32 s11, $0x3;
	s9 =	sadd.s32 $0x1, s9;
	[sflag:s23] =	ssyncset.done $0x0  }
0x40: {  	s10 =	sshll.u32 s10, $0x6;
	p1 =	sne.s32 s9, s17;
	[sflag:s23] =	ssyncadd.s32 $0xFFFFC000  }
.Ltmp1:
0x41: {  	s10 =	sor.u32 $0x1C05, s10;
	[bflag:$0x0] =	sbarrier.arrive $0xFFFF;
	(pc) =	sbr.rel @!p1 .LBB2_11-.Ltmp1, $4  }
0x42: {  	[hbm:s3], [sflag:s10] =	dma.local [spmem:s12], $0x2800  }
0x43: {  	_ =	swait.ge [sflag:s23], $0x2800  }
0x44: {  	[sflag:s23] =	ssyncset.done $0x0  }
0x45: {  	[sflag:s23] =	ssyncadd.s32 $0xFFFFD800  }
.LBB2_1:
.Ltmp2:
0x46: {  	(pc) =	sbr.rel @!p0 .LBB2_2-.Ltmp2, $2  }
0x47: {  	_ =	sdelay $0x2  }
0x48: {  	s3 =	sshra.s32 s2, $0x2;
	s10 =	sadd.s32 $0x200, s2  }
.LBB2_6:
0x49: {  	p1 =	seq.s32 s10, $0xFE00;
	[tilespmem:s3+$0x270] =	vst v0  }
0x4a: {  	[tilespmem:s3+$0x200] =	vst v0  }
0x4b: {  	[tilespmem:s3+$0x210] =	vst v0  }
.Ltmp3:
0x4c: {  	[tilespmem:s3+$0x220] =	vst v0;
	(pc) =	sbr.rel @!p1 .LBB2_6-.Ltmp3, $4  }
0x4d: {  	[tilespmem:s3+$0x230] =	vst v0  }
0x4e: {  	[tilespmem:s3+$0x240] =	vst v0  }
0x4f: {  	[tilespmem:s3+$0x250] =	vst v0  }
0x50: {  	[tilespmem:s3+$0x260] =	vst v0;
	s3 =	sshra.s32 s10, $0x2;
	s10 =	sadd.s32 $0x200, s10  }
0x51: {  	[tilespmem:s3+$0x270] =	vst v0  }
0x52: {  	[tilespmem:s3+$0x200] =	vst v0  }
0x53: {  	[tilespmem:s3+$0x210] =	vst v0  }
0x54: {  	[tilespmem:s3+$0x220] =	vst v0  }
0x55: {  	[tilespmem:s3+$0x230] =	vst v0  }
0x56: {  	[tilespmem:s3+$0x240] =	vst v0  }
0x57: {  	[tilespmem:s3+$0x250] =	vst v0  }
0x58: {  	[tilespmem:s3+$0x260] =	vst v0  }
0x59: {  	[spmem:s11] =	stream.linear.scatter [tilespmem:s22], [sflag:$0x5], $0x4000, $0x38;
	[tilespmem:$0x1C200] =	vst v63  }
0x5a: {  	_ =	swait.ge [sflag:s23], $0x4000  }
0x5b: {  	[sflag:s23] =	ssyncset.done $0x0  }
0x5c: {  	[sflag:s23] =	ssyncadd.s32 $0xFFFFC000  }
0x5d: {  	[spmem:s18] =	stream.linear.scatter [tilespmem:s22], [sflag:$0x5], $0x4000, $0x38;
	[tilespmem:$0x1C200] =	vst v63  }
0x5e: {  	_ =	swait.ge [sflag:s23], $0x4000  }
0x5f: {  	[sflag:s23] =	ssyncset.done $0x0  }
0x60: {  	[sflag:s23] =	ssyncadd.s32 $0xFFFFC000  }
0x61: {  	[spmem:s19] =	stream.linear.scatter [tilespmem:s22], [sflag:$0x5], $0x4000, $0x38;
	[tilespmem:$0x1C200] =	vst v63  }
0x62: {  	_ =	swait.ge [sflag:s23], $0x4000  }
0x63: {  	[sflag:s23] =	ssyncset.done $0x0  }
0x64: {  	[sflag:s23] =	ssyncadd.s32 $0xFFFFC000  }
0x65: {  	[spmem:s20] =	stream.linear.scatter [tilespmem:s22], [sflag:$0x5], $0x4000, $0x38;
	[tilespmem:$0x1C200] =	vst v63  }
0x66: {  	_ =	swait.ge [sflag:s23], $0x4000  }
0x67: {  	[sflag:s23] =	ssyncset.done $0x0  }
0x68: {  	[sflag:s23] =	ssyncadd.s32 $0xFFFFC000  }
0x69: {  	[spmem:s21] =	stream.linear.scatter [tilespmem:s22], [sflag:$0x5], $0x4000, $0x38;
	[tilespmem:$0x1C200] =	vst v63  }
0x6a: {  	_ =	swait.ge [sflag:s23], $0x4000  }
0x6b: {  	[sflag:s23] =	ssyncset.done $0x0  }
0x6c: {  	[sflag:s23] =	ssyncadd.s32 $0xFFFFC000  }
0x6d: {  	[bflag:$0x0] =	sbarrier.arrive $0xFFFF  }
0x6e: {  	s10 =	rddreg [dreg:$0x6]  }
0x6f: {  	[tilespmem:s2], [sflag:$0x5] =	stream.linear.gather [hbm4b:s10+s2], $0x80, $0x38;
	[tilespmem:$0x1C200] =	vst v63  }
0x70: {  	_ =	swait.ge [sflag:s23], $0x80  }
0x71: {  	[sflag:s23] =	ssyncset.done $0x0  }
0x72: {  	s12 =	rddreg [dreg:$0x5];
	[sflag:s23] =	ssyncadd.s32 $0xFFFFFF80  }
0x73: {  	[tilespmem:s24], [sflag:$0x5] =	stream.linear.gather [hbm4b:s12+s2], $0x80, $0x38;
	[tilespmem:$0x1C200] =	vst v63  }
0x74: {  	_ =	swait.ge [sflag:s23], $0x80  }
0x75: {  	[sflag:s23] =	ssyncset.done $0x0  }
0x76: {  	[sflag:s23] =	ssyncadd.s32 $0xFFFFFF80  }
0x77: {  	[tilespmem:s22], [sflag:$0x1] =	stream.indirect.gather [hbm4b:s5+s25], $0x80, s2, s25, $0xb8;
	[tilespmem:$0x1C200] =	vst v63  }
0x78: {  	_ = 	snop  }
0x79: {  	[tilespmem:s25], [sflag:$0x4] =	stream.linear.gather [hbm4b:s15+s2], $0x80, $0x38;
	[tilespmem:$0x1C200] =	vst v63  }
0x7a: {  	s3 =	simm.s32 $0x180;
	s10 =	rddreg [dreg:$0x7]  }
0x7b: {  	[tilespmem:s3], [sflag:$0x4] =	stream.linear.gather [hbm4b:s10+s2], $0x80, $0x38;
	[tilespmem:$0x1C200] =	vst v63  }
0x7c: {  	_ =	swait.ge [sflag:s26], $0x80  }
0x7d: {  	[sflag:s26] =	ssyncset.done $0x0  }
0x7e: {  	[sflag:s26] =	ssyncadd.s32 $0xFFFFFF80  }
0x7f: {  	_ =	swait.ge [sflag:s26], $0x80  }
0x80: {  	[sflag:s26] =	ssyncset.done $0x0  }
0x81: {  	[sflag:s26] =	ssyncadd.s32 $0xFFFFFF80  }
0x82: {  	[tilespmem:s28], [sflag:$0x2] =	stream.indirect.gather [hbm4b:s5+s25], $0x80, s25, s25, $0xb8;
	[tilespmem:$0x1C200] =	vst v63  }
0x83: {  	s13 =	simm.s32 $0x100;
	_ =	swait.ge [sflag:s29], $0x4000  }
0x84: {  	s12 =	sand.u32 $0xFC00, s13;
	[sflag:s29] =	ssyncset.done $0x0  }
0x85: {  	s12 =	sadd.s32 s8, s12;
	s10 =	sand.u32 $0x300, s13;
	[sflag:s29] =	ssyncadd.s32 $0xFFFFC000  }
0x86: {  	[spmem:s1] =	stream.indirect.scatter.add.f32 [tilespmem:s22], [sflag:$0x5], $0x80, s24, s25, $0xb8;
	[tilespmem:$0x1C200] =	vst v63  }
0x87: {  	s10 =	sor.u32 s10, s12;
	_ =	swait.ge [sflag:s23], $0x4000  }
0x88: {  	s10 =	sshrl.u32 s10, $0x3;
	[sflag:s23] =	ssyncset.done $0x0  }
0x89: {  	s14 =	sadd.s32 s6, s10;
	[sflag:s23] =	ssyncadd.s32 $0xFFFFC000  }
0x8a: {  	[tilespmem:s2], [sflag:$0x3] =	stream.linear.gather [hbm4b:s14+s2], $0x80, $0x38;
	[tilespmem:$0x1C200] =	vst v63  }
0x8b: {  	s10 =	sadd.s32 s7, s10  }
0x8c: {  	[tilespmem:s24], [sflag:$0x3] =	stream.linear.gather [hbm4b:s10+s2], $0x80, $0x38;
	[tilespmem:$0x1C200] =	vst v63  }
0x8d: {  	_ =	swait.ge [sflag:s30], $0x80  }
0x8e: {  	[sflag:s30] =	ssyncset.done $0x0  }
0x8f: {  	[sflag:s30] =	ssyncadd.s32 $0xFFFFFF80  }
0x90: {  	_ =	swait.ge [sflag:s30], $0x80  }
0x91: {  	[sflag:s30] =	ssyncset.done $0x0  }
0x92: {  	[sflag:s30] =	ssyncadd.s32 $0xFFFFFF80  }
0x93: {  	[tilespmem:s22], [sflag:$0x1] =	stream.indirect.gather [hbm4b:s5+s25], $0x80, s2, s25, $0xb8;
	[tilespmem:$0x1C200] =	vst v63  }
0x94: {  	_ =	swait.ge [sflag:s31], $0x4000  }
0x95: {  	s12 =	sand.u32 $0xFC00, s3;
	[sflag:s31] =	ssyncset.done $0x0  }
0x96: {  	s3 =	sand.u32 $0x380, s3;
	s10 =	sadd.s32 s8, s12;
	[sflag:s31] =	ssyncadd.s32 $0xFFFFC000  }
0x97: {  	[spmem:s1] =	stream.indirect.scatter.add.f32 [tilespmem:s28], [sflag:$0x5], $0x80, s0, s25, $0xb8;
	[tilespmem:$0x1C200] =	vst v63  }
0x98: {  	s3 =	sor.u32 s3, s10;
	_ =	swait.ge [sflag:s23], $0x4000  }
0x99: {  	s3 =	sshrl.u32 s3, $0x3;
	[sflag:s23] =	ssyncset.done $0x0  }
0x9a: {  	s13 =	sadd.s32 s6, s3;
	[sflag:s23] =	ssyncadd.s32 $0xFFFFC000  }
0x9b: {  	[tilespmem:s25], [sflag:$0x4] =	stream.linear.gather [hbm4b:s13+s2], $0x80, $0x38;
	[tilespmem:$0x1C200] =	vst v63  }
0x9c: {  	s3 =	sadd.s32 s7, s3  }
0x9d: {  	[tilespmem:s0], [sflag:$0x4] =	stream.linear.gather [hbm4b:s3+s2], $0x80, $0x38;
	[tilespmem:$0x1C200] =	vst v63  }
0x9e: {  	_ =	swait.ge [sflag:s26], $0x80  }
0x9f: {  	[sflag:s26] =	ssyncset.done $0x0  }
0xa0: {  	[sflag:s26] =	ssyncadd.s32 $0xFFFFFF80  }
0xa1: {  	_ =	swait.ge [sflag:s26], $0x80  }
0xa2: {  	s3 =	simm.s32 $0x200;
	[sflag:s26] =	ssyncset.done $0x0  }
0xa3: {  	s12 =	simm.s32 $0x380;
	s14 =	sand.u32 $0xFC00, s3;
	[sflag:s26] =	ssyncadd.s32 $0xFFFFFF80  }
0xa4: {  	[tilespmem:s28], [sflag:$0x2] =	stream.indirect.gather [hbm4b:s5+s25], $0x80, s25, s25, $0xb8;
	[tilespmem:$0x1C200] =	vst v63  }
0xa5: {  	s3 =	sand.u32 $0x300, s3;
	s13 =	sadd.s32 s8, s14;
	_ =	swait.ge [sflag:s29], $0x4000  }
0xa6: {  	s10 =	simm.s32 $0x280;
	s13 =	sor.u32 s3, s13;
	[sflag:s29] =	ssyncset.done $0x0  }
.LBB2_8:
0xa7: {  	s13 =	sshrl.u32 s13, $0x3  }
0xa8: {  	[sflag:s29] =	ssyncadd.s32 $0xFFFFC000;
	s14 =	smov.u32 s12;
	s3 =	sadd.s32 $0x100, s12  }
0xa9: {  	[spmem:s1] =	stream.indirect.scatter.add.f32 [tilespmem:s22], [sflag:$0x5], $0x80, s24, s25, $0xb8;
	[tilespmem:$0x1C200] =	vst v63  }
0xaa: {  	p1 =	sne.s32 s12, $0x4E80;
	_ =	swait.ge [sflag:s23], $0x4000  }
0xab: {  	[sflag:s23] =	ssyncset.done $0x0  }
0xac: {  	s12 =	sadd.s32 s6, s13;
	[sflag:s23] =	ssyncadd.s32 $0xFFFFC000  }
0xad: {  	[tilespmem:s2], [sflag:$0x3] =	stream.linear.gather [hbm4b:s12+s2], $0x80, $0x38;
	[tilespmem:$0x1C200] =	vst v63  }
0xae: {  	s12 =	sadd.s32 s7, s13  }
0xaf: {  	[tilespmem:s24], [sflag:$0x3] =	stream.linear.gather [hbm4b:s12+s2], $0x80, $0x38;
	[tilespmem:$0x1C200] =	vst v63  }
0xb0: {  	_ =	swait.ge [sflag:s30], $0x80  }
0xb1: {  	[sflag:s30] =	ssyncset.done $0x0  }
0xb2: {  	[sflag:s30] =	ssyncadd.s32 $0xFFFFFF80  }
0xb3: {  	_ =	swait.ge [sflag:s30], $0x80  }
0xb4: {  	[sflag:s30] =	ssyncset.done $0x0  }
0xb5: {  	[sflag:s30] =	ssyncadd.s32 $0xFFFFFF80  }
0xb6: {  	[tilespmem:s22], [sflag:$0x1] =	stream.indirect.gather [hbm4b:s5+s25], $0x80, s2, s25, $0xb8;
	[tilespmem:$0x1C200] =	vst v63  }
0xb7: {  	_ =	swait.ge [sflag:s31], $0x4000  }
0xb8: {  	[sflag:s31] =	ssyncset.done $0x0  }
0xb9: {  	s12 =	sand.u32 $0xFC00, s10;
	[sflag:s31] =	ssyncadd.s32 $0xFFFFC000  }
0xba: {  	[spmem:s1] =	stream.indirect.scatter.add.f32 [tilespmem:s28], [sflag:$0x5], $0x80, s0, s25, $0xb8;
	[tilespmem:$0x1C200] =	vst v63  }
0xbb: {  	s10 =	sand.u32 $0x380, s10;
	s12 =	sadd.s32 s8, s12;
	_ =	swait.ge [sflag:s23], $0x4000  }
0xbc: {  	s12 =	sor.u32 s10, s12;
	s10 =	smov.u32 s14;
	[sflag:s23] =	ssyncset.done $0x0  }
0xbd: {  	s12 =	sshrl.u32 s12, $0x3;
	[sflag:s23] =	ssyncadd.s32 $0xFFFFC000  }
0xbe: {  	s13 =	sadd.s32 s6, s12  }
0xbf: {  	[tilespmem:s25], [sflag:$0x4] =	stream.linear.gather [hbm4b:s13+s2], $0x80, $0x38;
	[tilespmem:$0x1C200] =	vst v63  }
0xc0: {  	s12 =	sadd.s32 s7, s12  }
0xc1: {  	[tilespmem:s0], [sflag:$0x4] =	stream.linear.gather [hbm4b:s12+s2], $0x80, $0x38;
	[tilespmem:$0x1C200] =	vst v63  }
0xc2: {  	_ =	swait.ge [sflag:s26], $0x80  }
0xc3: {  	[sflag:s26] =	ssyncset.done $0x0  }
0xc4: {  	[sflag:s26] =	ssyncadd.s32 $0xFFFFFF80  }
0xc5: {  	_ =	swait.ge [sflag:s26], $0x80  }
.Ltmp4:
0xc6: {  	s12 =	sadd.s32 $0xFFFFFF80, s10;
	[sflag:s26] =	ssyncset.done $0x0;
	(pc) =	sbr.rel @p1 .LBB2_8-.Ltmp4, $4  }
0xc7: {  	s13 =	sand.u32 $0xFC00, s12;
	[sflag:s26] =	ssyncadd.s32 $0xFFFFFF80  }
0xc8: {  	[tilespmem:s28], [sflag:$0x2] =	stream.indirect.gather [hbm4b:s5+s25], $0x80, s25, s25, $0xb8;
	[tilespmem:$0x1C200] =	vst v63  }
0xc9: {  	s12 =	sand.u32 $0x300, s12;
	s13 =	sadd.s32 s8, s13;
	_ =	swait.ge [sflag:s29], $0x4000  }
0xca: {  	s13 =	sor.u32 s12, s13;
	s12 =	smov.u32 s3;
	[sflag:s29] =	ssyncset.done $0x0  }
.Ltmp5:
0xcb: {  	_ = 	snop;
	(pc) =	sbr.rel .LBB2_9-.Ltmp5, $1  }
0xcc: {  	_ =	sdelay $0x3  }
.LBB2_2:
0xcd: {  	p1 =	seq.s32 s10, $0xFE00;
	[tilespmem:s3+$0x270] =	vst v0  }
0xce: {  	[tilespmem:s3+$0x200] =	vst v0  }
0xcf: {  	[tilespmem:s3+$0x210] =	vst v0  }
.Ltmp6:
0xd0: {  	[tilespmem:s3+$0x220] =	vst v0;
	(pc) =	sbr.rel @!p1 .LBB2_2-.Ltmp6, $4  }
0xd1: {  	[tilespmem:s3+$0x230] =	vst v0  }
0xd2: {  	[tilespmem:s3+$0x240] =	vst v0  }
0xd3: {  	[tilespmem:s3+$0x250] =	vst v0  }
0xd4: {  	[tilespmem:s3+$0x260] =	vst v0;
	s3 =	sshra.s32 s10, $0x2;
	s10 =	sadd.s32 $0x200, s10  }
0xd5: {  	[tilespmem:s3+$0x270] =	vst v0  }
0xd6: {  	[tilespmem:s3+$0x200] =	vst v0  }
0xd7: {  	[tilespmem:s3+$0x210] =	vst v0  }
0xd8: {  	[tilespmem:s3+$0x220] =	vst v0  }
0xd9: {  	[tilespmem:s3+$0x230] =	vst v0  }
0xda: {  	[tilespmem:s3+$0x240] =	vst v0  }
0xdb: {  	[tilespmem:s3+$0x250] =	vst v0  }
0xdc: {  	[tilespmem:s3+$0x260] =	vst v0  }
0xdd: {  	[spmem:s11] =	stream.linear.scatter [tilespmem:s22], [sflag:$0x5], $0x4000, $0x38;
	[tilespmem:$0x1C200] =	vst v63  }
0xde: {  	_ =	swait.ge [sflag:s23], $0x4000  }
0xdf: {  	[sflag:s23] =	ssyncset.done $0x0  }
0xe0: {  	[sflag:s23] =	ssyncadd.s32 $0xFFFFC000  }
0xe1: {  	[spmem:s18] =	stream.linear.scatter [tilespmem:s22], [sflag:$0x5], $0x4000, $0x38;
	[tilespmem:$0x1C200] =	vst v63  }
0xe2: {  	_ =	swait.ge [sflag:s23], $0x4000  }
0xe3: {  	[sflag:s23] =	ssyncset.done $0x0  }
0xe4: {  	[sflag:s23] =	ssyncadd.s32 $0xFFFFC000  }
0xe5: {  	[spmem:s19] =	stream.linear.scatter [tilespmem:s22], [sflag:$0x5], $0x4000, $0x38;
	[tilespmem:$0x1C200] =	vst v63  }
0xe6: {  	_ =	swait.ge [sflag:s23], $0x4000  }
0xe7: {  	[sflag:s23] =	ssyncset.done $0x0  }
0xe8: {  	[sflag:s23] =	ssyncadd.s32 $0xFFFFC000  }
0xe9: {  	[spmem:s20] =	stream.linear.scatter [tilespmem:s22], [sflag:$0x5], $0x4000, $0x38;
	[tilespmem:$0x1C200] =	vst v63  }
0xea: {  	_ =	swait.ge [sflag:s23], $0x4000  }
0xeb: {  	[sflag:s23] =	ssyncset.done $0x0  }
0xec: {  	[sflag:s23] =	ssyncadd.s32 $0xFFFFC000  }
0xed: {  	[spmem:s21] =	stream.linear.scatter [tilespmem:s22], [sflag:$0x5], $0x4000, $0x38;
	[tilespmem:$0x1C200] =	vst v63  }
0xee: {  	_ =	swait.ge [sflag:s23], $0x4000  }
0xef: {  	[sflag:s23] =	ssyncset.done $0x0  }
0xf0: {  	[sflag:s23] =	ssyncadd.s32 $0xFFFFC000  }
0xf1: {  	[bflag:$0x0] =	sbarrier.arrive $0xFFFF  }
0xf2: {  	s14 =	rddreg [dreg:$0x5]  }
0xf3: {  	[tilespmem:s2], [sflag:$0x5] =	stream.linear.gather [hbm4b:s14+s2], $0x80, $0x38;
	[tilespmem:$0x1C200] =	vst v63  }
0xf4: {  	_ =	swait.ge [sflag:s23], $0x80  }
0xf5: {  	[sflag:s23] =	ssyncset.done $0x0  }
0xf6: {  	s10 =	rddreg [dreg:$0x6];
	[sflag:s23] =	ssyncadd.s32 $0xFFFFFF80  }
0xf7: {  	[tilespmem:s24], [sflag:$0x5] =	stream.linear.gather [hbm4b:s10+s2], $0x80, $0x38;
	[tilespmem:$0x1C200] =	vst v63  }
0xf8: {  	_ =	swait.ge [sflag:s23], $0x80  }
0xf9: {  	[sflag:s23] =	ssyncset.done $0x0  }
0xfa: {  	[sflag:s23] =	ssyncadd.s32 $0xFFFFFF80  }
0xfb: {  	[tilespmem:s22], [sflag:$0x1] =	stream.indirect.gather [hbm4b:s4+s25], $0x80, s2, s25, $0xb8;
	[tilespmem:$0x1C200] =	vst v63  }
0xfc: {  	s12 =	rddreg [dreg:$0x7]  }
0xfd: {  	[tilespmem:s25], [sflag:$0x4] =	stream.linear.gather [hbm4b:s12+s2], $0x80, $0x38;
	[tilespmem:$0x1C200] =	vst v63  }
0xfe: {  	s3 =	simm.s32 $0x180  }
0xff: {  	[tilespmem:s3], [sflag:$0x4] =	stream.linear.gather [hbm4b:s15+s2], $0x80, $0x38;
	[tilespmem:$0x1C200] =	vst v63  }
0x100: {  	_ =	swait.ge [sflag:s26], $0x80  }
0x101: {  	[sflag:s26] =	ssyncset.done $0x0  }
0x102: {  	[sflag:s26] =	ssyncadd.s32 $0xFFFFFF80  }
0x103: {  	_ =	swait.ge [sflag:s26], $0x80  }
0x104: {  	[sflag:s26] =	ssyncset.done $0x0  }
0x105: {  	[sflag:s26] =	ssyncadd.s32 $0xFFFFFF80  }
0x106: {  	[tilespmem:s28], [sflag:$0x2] =	stream.indirect.gather [hbm4b:s4+s25], $0x80, s25, s25, $0xb8;
	[tilespmem:$0x1C200] =	vst v63  }
0x107: {  	s10 =	simm.s32 $0x100;
	_ =	swait.ge [sflag:s29], $0x4000  }
0x108: {  	s12 =	sand.u32 $0xFC00, s10;
	[sflag:s29] =	ssyncset.done $0x0  }
0x109: {  	s10 =	sand.u32 $0x300, s10;
	s12 =	sadd.s32 s8, s12;
	[sflag:s29] =	ssyncadd.s32 $0xFFFFC000  }
0x10a: {  	[spmem:s1] =	stream.indirect.scatter.add.f32 [tilespmem:s22], [sflag:$0x5], $0x80, s24, s25, $0xb8;
	[tilespmem:$0x1C200] =	vst v63  }
0x10b: {  	s10 =	sor.u32 s10, s12;
	_ =	swait.ge [sflag:s23], $0x4000  }
0x10c: {  	s10 =	sshrl.u32 s10, $0x3;
	[sflag:s23] =	ssyncset.done $0x0  }
0x10d: {  	s13 =	sadd.s32 s7, s10;
	[sflag:s23] =	ssyncadd.s32 $0xFFFFC000  }
0x10e: {  	[tilespmem:s2], [sflag:$0x3] =	stream.linear.gather [hbm4b:s13+s2], $0x80, $0x38;
	[tilespmem:$0x1C200] =	vst v63  }
0x10f: {  	s10 =	sadd.s32 s6, s10  }
0x110: {  	[tilespmem:s24], [sflag:$0x3] =	stream.linear.gather [hbm4b:s10+s2], $0x80, $0x38;
	[tilespmem:$0x1C200] =	vst v63  }
0x111: {  	_ =	swait.ge [sflag:s30], $0x80  }
0x112: {  	[sflag:s30] =	ssyncset.done $0x0  }
0x113: {  	[sflag:s30] =	ssyncadd.s32 $0xFFFFFF80  }
0x114: {  	_ =	swait.ge [sflag:s30], $0x80  }
0x115: {  	[sflag:s30] =	ssyncset.done $0x0  }
0x116: {  	[sflag:s30] =	ssyncadd.s32 $0xFFFFFF80  }
0x117: {  	[tilespmem:s22], [sflag:$0x1] =	stream.indirect.gather [hbm4b:s4+s25], $0x80, s2, s25, $0xb8;
	[tilespmem:$0x1C200] =	vst v63  }
0x118: {  	_ =	swait.ge [sflag:s31], $0x4000  }
0x119: {  	s14 =	sand.u32 $0xFC00, s3;
	[sflag:s31] =	ssyncset.done $0x0  }
0x11a: {  	s3 =	sand.u32 $0x380, s3;
	s10 =	sadd.s32 s8, s14;
	[sflag:s31] =	ssyncadd.s32 $0xFFFFC000  }
0x11b: {  	[spmem:s1] =	stream.indirect.scatter.add.f32 [tilespmem:s28], [sflag:$0x5], $0x80, s0, s25, $0xb8;
	[tilespmem:$0x1C200] =	vst v63  }
0x11c: {  	s3 =	sor.u32 s3, s10;
	_ =	swait.ge [sflag:s23], $0x4000  }
0x11d: {  	s3 =	sshrl.u32 s3, $0x3;
	[sflag:s23] =	ssyncset.done $0x0  }
0x11e: {  	s12 =	sadd.s32 s7, s3;
	[sflag:s23] =	ssyncadd.s32 $0xFFFFC000  }
0x11f: {  	[tilespmem:s25], [sflag:$0x4] =	stream.linear.gather [hbm4b:s12+s2], $0x80, $0x38;
	[tilespmem:$0x1C200] =	vst v63  }
0x120: {  	s3 =	sadd.s32 s6, s3  }
0x121: {  	[tilespmem:s0], [sflag:$0x4] =	stream.linear.gather [hbm4b:s3+s2], $0x80, $0x38;
	[tilespmem:$0x1C200] =	vst v63  }
0x122: {  	_ =	swait.ge [sflag:s26], $0x80  }
0x123: {  	[sflag:s26] =	ssyncset.done $0x0  }
0x124: {  	[sflag:s26] =	ssyncadd.s32 $0xFFFFFF80  }
0x125: {  	_ =	swait.ge [sflag:s26], $0x80  }
0x126: {  	s13 =	simm.s32 $0x200;
	[sflag:s26] =	ssyncset.done $0x0  }
0x127: {  	s14 =	sand.u32 $0xFC00, s13;
	s13 =	sand.u32 $0x300, s13;
	[sflag:s26] =	ssyncadd.s32 $0xFFFFFF80  }
0x128: {  	[tilespmem:s28], [sflag:$0x2] =	stream.indirect.gather [hbm4b:s4+s25], $0x80, s25, s25, $0xb8;
	[tilespmem:$0x1C200] =	vst v63  }
0x129: {  	s10 =	simm.s32 $0x280;
	s12 =	sadd.s32 s8, s14;
	_ =	swait.ge [sflag:s29], $0x4000  }
0x12a: {  	s13 =	sor.u32 s13, s12;
	s3 =	simm.s32 $0x380;
	[sflag:s29] =	ssyncset.done $0x0  }
.LBB2_4:
0x12b: {  	s13 =	sshrl.u32 s13, $0x3  }
0x12c: {  	[sflag:s29] =	ssyncadd.s32 $0xFFFFC000;
	s14 =	smov.u32 s3;
	s12 =	sadd.s32 $0x100, s3  }
0x12d: {  	[spmem:s1] =	stream.indirect.scatter.add.f32 [tilespmem:s22], [sflag:$0x5], $0x80, s24, s25, $0xb8;
	[tilespmem:$0x1C200] =	vst v63  }
0x12e: {  	p1 =	seq.s32 s3, $0x4E80;
	_ =	swait.ge [sflag:s23], $0x4000  }
0x12f: {  	[sflag:s23] =	ssyncset.done $0x0  }
0x130: {  	s3 =	sadd.s32 s7, s13;
	[sflag:s23] =	ssyncadd.s32 $0xFFFFC000  }
0x131: {  	[tilespmem:s2], [sflag:$0x3] =	stream.linear.gather [hbm4b:s3+s2], $0x80, $0x38;
	[tilespmem:$0x1C200] =	vst v63  }
0x132: {  	s3 =	sadd.s32 s6, s13  }
0x133: {  	[tilespmem:s24], [sflag:$0x3] =	stream.linear.gather [hbm4b:s3+s2], $0x80, $0x38;
	[tilespmem:$0x1C200] =	vst v63  }
0x134: {  	_ =	swait.ge [sflag:s30], $0x80  }
0x135: {  	[sflag:s30] =	ssyncset.done $0x0  }
0x136: {  	[sflag:s30] =	ssyncadd.s32 $0xFFFFFF80  }
0x137: {  	_ =	swait.ge [sflag:s30], $0x80  }
0x138: {  	[sflag:s30] =	ssyncset.done $0x0  }
0x139: {  	[sflag:s30] =	ssyncadd.s32 $0xFFFFFF80  }
0x13a: {  	[tilespmem:s22], [sflag:$0x1] =	stream.indirect.gather [hbm4b:s4+s25], $0x80, s2, s25, $0xb8;
	[tilespmem:$0x1C200] =	vst v63  }
0x13b: {  	_ =	swait.ge [sflag:s31], $0x4000  }
0x13c: {  	[sflag:s31] =	ssyncset.done $0x0  }
0x13d: {  	s3 =	sand.u32 $0xFC00, s10;
	[sflag:s31] =	ssyncadd.s32 $0xFFFFC000  }
0x13e: {  	[spmem:s1] =	stream.indirect.scatter.add.f32 [tilespmem:s28], [sflag:$0x5], $0x80, s0, s25, $0xb8;
	[tilespmem:$0x1C200] =	vst v63  }
0x13f: {  	s10 =	sand.u32 $0x380, s10;
	s3 =	sadd.s32 s8, s3;
	_ =	swait.ge [sflag:s23], $0x4000  }
0x140: {  	s3 =	sor.u32 s10, s3;
	s10 =	smov.u32 s14;
	[sflag:s23] =	ssyncset.done $0x0  }
0x141: {  	s3 =	sshrl.u32 s3, $0x3;
	[sflag:s23] =	ssyncadd.s32 $0xFFFFC000  }
0x142: {  	s13 =	sadd.s32 s7, s3  }
0x143: {  	[tilespmem:s25], [sflag:$0x4] =	stream.linear.gather [hbm4b:s13+s2], $0x80, $0x38;
	[tilespmem:$0x1C200] =	vst v63  }
0x144: {  	s3 =	sadd.s32 s6, s3  }
0x145: {  	[tilespmem:s0], [sflag:$0x4] =	stream.linear.gather [hbm4b:s3+s2], $0x80, $0x38;
	[tilespmem:$0x1C200] =	vst v63  }
0x146: {  	_ =	swait.ge [sflag:s26], $0x80  }
0x147: {  	[sflag:s26] =	ssyncset.done $0x0  }
0x148: {  	[sflag:s26] =	ssyncadd.s32 $0xFFFFFF80  }
0x149: {  	_ =	swait.ge [sflag:s26], $0x80  }
.Ltmp7:
0x14a: {  	s3 =	sadd.s32 $0xFFFFFF80, s10;
	[sflag:s26] =	ssyncset.done $0x0;
	(pc) =	sbr.rel @!p1 .LBB2_4-.Ltmp7, $4  }
0x14b: {  	s13 =	sand.u32 $0xFC00, s3;
	[sflag:s26] =	ssyncadd.s32 $0xFFFFFF80  }
0x14c: {  	[tilespmem:s28], [sflag:$0x2] =	stream.indirect.gather [hbm4b:s4+s25], $0x80, s25, s25, $0xb8;
	[tilespmem:$0x1C200] =	vst v63  }
0x14d: {  	s3 =	sand.u32 $0x300, s3;
	s13 =	sadd.s32 s8, s13;
	_ =	swait.ge [sflag:s29], $0x4000  }
0x14e: {  	s13 =	sor.u32 s3, s13;
	s3 =	smov.u32 s12;
	[sflag:s29] =	ssyncset.done $0x0  }
0x14f: {  	[sflag:s29] =	ssyncadd.s32 $0xFFFFC000  }
0x150: {  	[spmem:s1] =	stream.indirect.scatter.add.f32 [tilespmem:s22], [sflag:$0x5], $0x80, s24, s25, $0xb8;
	[tilespmem:$0x1C200] =	vst v63  }
0x151: {  	_ =	swait.ge [sflag:s23], $0x4000  }
0x152: {  	s3 =	sshrl.u32 s13, $0x3;
	[sflag:s23] =	ssyncset.done $0x0  }
0x153: {  	s12 =	sadd.s32 s7, s3;
	[sflag:s23] =	ssyncadd.s32 $0xFFFFC000  }
0x154: {  	[tilespmem:s2], [sflag:$0x3] =	stream.linear.gather [hbm4b:s12+s2], $0x80, $0x38;
	[tilespmem:$0x1C200] =	vst v63  }
0x155: {  	s3 =	sadd.s32 s6, s3  }
0x156: {  	[tilespmem:s24], [sflag:$0x3] =	stream.linear.gather [hbm4b:s3+s2], $0x80, $0x38;
	[tilespmem:$0x1C200] =	vst v63  }
0x157: {  	_ =	swait.ge [sflag:s30], $0x80  }
0x158: {  	[sflag:s30] =	ssyncset.done $0x0  }
0x159: {  	[sflag:s30] =	ssyncadd.s32 $0xFFFFFF80  }
0x15a: {  	_ =	swait.ge [sflag:s30], $0x80  }
0x15b: {  	[sflag:s30] =	ssyncset.done $0x0  }
0x15c: {  	[sflag:s30] =	ssyncadd.s32 $0xFFFFFF80  }
0x15d: {  	[tilespmem:s22], [sflag:$0x1] =	stream.indirect.gather [hbm4b:s4+s25], $0x80, s2, s25, $0xb8;
	[tilespmem:$0x1C200] =	vst v63  }
0x15e: {  	_ =	swait.ge [sflag:s31], $0x4000  }
0x15f: {  	s12 =	sand.u32 $0xFC00, s10;
	[sflag:s31] =	ssyncset.done $0x0  }
0x160: {  	s13 =	sand.u32 $0x380, s10;
	s3 =	sadd.s32 s8, s12;
	[sflag:s31] =	ssyncadd.s32 $0xFFFFC000  }
0x161: {  	[spmem:s1] =	stream.indirect.scatter.add.f32 [tilespmem:s28], [sflag:$0x5], $0x80, s0, s25, $0xb8;
	[tilespmem:$0x1C200] =	vst v63  }
0x162: {  	s3 =	sor.u32 s13, s3;
	_ =	swait.ge [sflag:s23], $0x4000  }
0x163: {  	s3 =	sshrl.u32 s3, $0x3;
	[sflag:s23] =	ssyncset.done $0x0  }
0x164: {  	s14 =	sadd.s32 s7, s3;
	[sflag:s23] =	ssyncadd.s32 $0xFFFFC000  }
0x165: {  	[tilespmem:s25], [sflag:$0x4] =	stream.linear.gather [hbm4b:s14+s2], $0x80, $0x38;
	[tilespmem:$0x1C200] =	vst v63  }
0x166: {  	s3 =	sadd.s32 s6, s3  }
0x167: {  	[tilespmem:s0], [sflag:$0x4] =	stream.linear.gather [hbm4b:s3+s2], $0x80, $0x38;
	[tilespmem:$0x1C200] =	vst v63  }
0x168: {  	_ =	swait.ge [sflag:s26], $0x80  }
0x169: {  	[sflag:s26] =	ssyncset.done $0x0  }
0x16a: {  	[sflag:s26] =	ssyncadd.s32 $0xFFFFFF80  }
0x16b: {  	_ =	swait.ge [sflag:s26], $0x80  }
0x16c: {  	[sflag:s26] =	ssyncset.done $0x0  }
0x16d: {  	[sflag:s26] =	ssyncadd.s32 $0xFFFFFF80  }
0x16e: {  	[tilespmem:s28], [sflag:$0x2] =	stream.indirect.gather [hbm4b:s4+s25], $0x80, s25, s25, $0xb8;
	[tilespmem:$0x1C200] =	vst v63  }
0x16f: {  	_ =	swait.ge [sflag:s29], $0x4000  }
0x170: {  	[sflag:s29] =	ssyncset.done $0x0  }
.Ltmp8:
0x171: {  	[sflag:s29] =	ssyncadd.s32 $0xFFFFC000;
	(pc) =	sbr.rel .LBB2_10-.Ltmp8, $4  }
0x172: {  	[spmem:s1] =	stream.indirect.scatter.add.f32 [tilespmem:s22], [sflag:$0x5], $0x80, s24, s25, $0xb8;
	[tilespmem:$0x1C200] =	vst v63  }
0x173: {  	_ =	swait.ge [sflag:s23], $0x4000  }
0x174: {  	[sflag:s23] =	ssyncset.done $0x0  }
0x175: {  	s3 =	rddreg [dreg:$0x3];
	[sflag:s23] =	ssyncadd.s32 $0xFFFFC000  }
.LBB2_11:
0x176: {  	_ =	sfence.sel $0x180000  }
0x177: {  	[bflag:$0x0] =	sbarrier.arrive $0xFFFF  }
0x178: {  	_ =	strace $0x9000004D  }
0x179: {  	s0 =	stileid.u32;
	[bflag:$0x2] =	sbarrier.arrive $0xFFFF  }
0x17a: {  	p0 =	sne.s32 s0, $0x0;
	s0 =	rddreg [dreg:$0x2]  }
0x17b: {  	s0 =	sadd.s32 @!p0 $0x100000, s0  }
0x17c: {  	[sflag:s0] =	ssyncadd.tile.s32 @!p0 $0x1;
	_ =	shalt  }
.Lfunc_end2:
_tile_overlayer_lowered:
.L_overlay_start_2:
0x17d: {  	(tag) =	ssettag $0x2  }
0x17e: {  	s0 =	rddreg [dreg:$0x0];
	s2 =	stileid.u32  }
0x17f: {  	s1 =	rddreg [dreg:$0x1];
	p0 =	sne.s32 s2, $0x0  }
0x180: {  	s3 =	rddreg [dreg:$0x2];
	[bflag:$0x3] =	sbarrier.arrive $0xFFFF;
	s2 =	simm.s32 @!p0 $0x1C05  }
0x181: {  	[timem:s3], [sflag:s2] =	dma.local @!p0 [hbm:s0], s1  }
0x182: {  	s0 =	simm.s32 @!p0 $0x5  }
0x183: {  	_ =	swait.ge @!p0 [sflag:s0], s1  }
0x184: {  	s1 =	ssub.s32 @!p0 $0x0, s1;
	[sflag:s0] =	ssyncset.done @!p0 $0x0  }
0x185: {  	[sflag:s0] =	ssyncadd.s32 @!p0 s1  }
0x186: {  	[bflag:$0x3] =	sbarrier.arrive $0xFFFF  }
0x187: {  	_ =	shalt  }

// kernel: kernel.19.cloned.1.call-start
scs
__scs_entry_jumppad:
0x0: {  	(pc) =	sbr.rel $0x88, $3  }
0x1: {  	(tag) =	ssettag $0x0;
	lr =	simm.s32 $0x1  }
0x2: {  	[smem:$0x3F8E] =	sst lr;
	_ =	strace $0xD0000000  }
0x3: {  	_ = 	snop  }
0x4: {  	_ = 	snop  }
0x5: {  	_ = 	snop  }
0x6: {  	_ = 	snop  }
0x7: {  	_ = 	snop  }
__scs_overlays_trampoline_lowered:
0x8: {  	[smem:$0x3F9D] =	sst s0  }
0x9: {  	[smem:$0x3F9E] =	sst s1  }
0xa: {  	[smem:$0x3F9F] =	sst s2  }
0xb: {  	[smem:$0x3FA0] =	sst s3  }
0xc: {  	[smem:$0x3FA1] =	sst s4  }
0xd: {  	[smem:$0x3FA2] =	sst s5  }
0xe: {  	[smem:$0x3FA3] =	sst s6  }
0xf: {  	[smem:$0x3FA4] =	sst s7  }
0x10: {  	[smem:$0x3FA5] =	sst s8  }
0x11: {  	[smem:$0x3FA6] =	sst s9;
	s0 =	simm.s32 @!p0 $0x0  }
0x12: {  	s1 =	sld [smem:$0x3F8C];
	s0 =	simm.s32 @p0 $0x1  }
0x13: {  	[smem:$0x3FA7] =	sst s0;
	s0 =	simm.s32 @!p1 $0x0  }
0x14: {  	s2 =	sld [smem:$0x3F8B];
	s0 =	simm.s32 @p1 $0x1  }
0x15: {  	[smem:$0x3FA8] =	sst s0;
	s0 =	simm.s32 @!p2 $0x0  }
0x16: {  	s3 =	sld [smem:$0x3FDB];
	s0 =	simm.s32 @p2 $0x1  }
0x17: {  	s4 =	simm.s32 $0x1BF5;
	[smem:$0x3FAA] =	sst s0  }
0x18: {  	s0 =	sld [smem:$0x3F8D];
	_ =	swait.ge [sflag:s4], $0x0  }
0x19: {  	s7 =	sld [smem:$0x3F8E]  }
0x1a: {  	s8 =	sadd.s32 $0xFFFFE003, lr  }
0x1b: {  	s9 =	sadd.s32 $0xFFFFFEF7, lr;
	s5 =	simm.s32 $0xFFFFFFFF;
	p2 =	slt.u32 s8, $0xFFFFF086  }
0x1c: {  	p1 =	slt.u32 s9, $0xF7A;
	s5 =	simm.s32 @!p2 $0x0  }
0x1d: {  	s5 =	simm.s32 @p1 $0x1;
	p0 =	seq.s32 s7, s2  }
0x1e: {  	s7 =	smul.u32 @!p0 $0xF7A, s2;
	p2 =	seq.s32 @!p0 s5, $0x0  }
0x1f: {  	s9 =	smul.u32 $0xF7A, s1;
	s8 =	simm.s32 @!p0 $0x1BF5;
	p2 =	por !p2, p0  }
0x20: {  	[sflag:s8] =	ssyncset.s32 @!p0 $0xFFFFF086;
	s6 =	sadd.s32 @!p0 s3, s7;
	s7 =	simm.s32 @!p0 $0x108  }
0x21: {  	s3 =	sadd.s32 s3, s9;
	s6 =	sadd.s32 @!p0 $0x88, s6;
	s7 =	simm.s32 @p2 $0x1082  }
0x22: {  	[simem:s7], [sflag:s8] =	dma.local @!p0 [hbm:s6], $0xF7A  }
0x23: {  	s9 =	sor.u32 $0xD0000000, s2;
	s6 =	simm.s32 $0x108;
	_ =	swait.ge @!p0 [sflag:s8], $0x0  }
0x24: {  	s3 =	sadd.s32 $0x88, s3;
	s6 =	simm.s32 @!p1 $0x1082;
	[sflag:s4] =	ssyncset.s32 $0xFFFFF086  }
0x25: {  	[simem:s6], [sflag:s4] =	dma.local [hbm:s3], $0xF7A  }
0x26: {  	[smem:$0x3F8E] =	sst s1;
	(tag) =	ssettag s2;
	_ =	strace s9  }
0x27: {  	s1 =	sld [smem:$0x3F9E]  }
0x28: {  	s2 =	sld [smem:$0x3F9F]  }
0x29: {  	s4 =	sld [smem:$0x3FA1]  }
0x2a: {  	p0 =	seq.s32 s5, $0x0;
	s5 =	sld [smem:$0x3FA2]  }
0x2b: {  	s6 =	sld [smem:$0x3FA3]  }
0x2c: {  	s7 =	sld [smem:$0x3FA4]  }
0x2d: {  	s3 =	simm.s32 $0x108;
	s8 =	sld [smem:$0x3FA5]  }
0x2e: {  	s3 =	simm.s32 @!p0 $0x1082;
	s9 =	sld [smem:$0x3FA6]  }
0x2f: {  	lr =	sadd.s32 s0, s3;
	s0 =	sld [smem:$0x3F9D]  }
0x30: {  	s3 =	sld [smem:$0x3FA0]  }
0x31: {  	[smem:$0x3FA9] =	sst s10  }
0x32: {  	s10 =	sld [smem:$0x3FA7];
	_ =	sdelay $0x3  }
0x33: {  	p0 =	seq.s32 s10, $0x1;
	s10 =	sld [smem:$0x3FA9];
	_ =	sdelay $0x3  }
0x34: {  	[smem:$0x3FA9] =	sst s10  }
0x35: {  	s10 =	sld [smem:$0x3FA8];
	_ =	sdelay $0x3  }
0x36: {  	p1 =	seq.s32 s10, $0x1;
	s10 =	sld [smem:$0x3FA9];
	_ =	sdelay $0x3  }
0x37: {  	[smem:$0x3FA9] =	sst s10  }
0x38: {  	s10 =	sld [smem:$0x3FAA]  }
0x39: {  	_ = 	snop;
	(pc) =	sbr.ind lr, $3  }
0x3a: {  	_ = 	snop  }
0x3b: {  	_ = 	snop  }
0x3c: {  	p2 =	seq.s32 s10, $0x1;
	s10 =	sld [smem:$0x3FA9]  }
0x3d: {  	_ =	shalt  }
0x3e: {  	_ =	shalt  }
0x3f: {  	_ =	shalt  }
0x40: {  	_ =	shalt  }
0x41: {  	_ =	shalt  }
0x42: {  	_ =	shalt  }
0x43: {  	_ =	shalt  }
0x44: {  	_ =	shalt  }
0x45: {  	_ =	shalt  }
0x46: {  	_ =	shalt  }
0x47: {  	_ =	shalt  }
0x48: {  	_ =	shalt  }
0x49: {  	_ =	shalt  }
0x4a: {  	_ =	shalt  }
0x4b: {  	_ =	shalt  }
0x4c: {  	_ =	shalt  }
0x4d: {  	_ =	shalt  }
0x4e: {  	_ =	shalt  }
0x4f: {  	_ =	shalt  }
0x50: {  	_ =	shalt  }
0x51: {  	_ =	shalt  }
0x52: {  	_ =	shalt  }
0x53: {  	_ =	shalt  }
0x54: {  	_ =	shalt  }
0x55: {  	_ =	shalt  }
0x56: {  	_ =	shalt  }
0x57: {  	_ =	shalt  }
0x58: {  	_ =	shalt  }
0x59: {  	_ =	shalt  }
0x5a: {  	_ =	shalt  }
0x5b: {  	_ =	shalt  }
0x5c: {  	_ =	shalt  }
0x5d: {  	_ =	shalt  }
0x5e: {  	_ =	shalt  }
0x5f: {  	_ =	shalt  }
0x60: {  	_ =	shalt  }
0x61: {  	_ =	shalt  }
0x62: {  	_ =	shalt  }
0x63: {  	_ =	shalt  }
0x64: {  	_ =	shalt  }
0x65: {  	_ =	shalt  }
0x66: {  	_ =	shalt  }
0x67: {  	_ =	shalt  }
0x68: {  	_ =	shalt  }
0x69: {  	_ =	shalt  }
0x6a: {  	_ =	shalt  }
0x6b: {  	_ =	shalt  }
0x6c: {  	_ =	shalt  }
0x6d: {  	_ =	shalt  }
0x6e: {  	_ =	shalt  }
0x6f: {  	_ =	shalt  }
0x70: {  	_ =	shalt  }
0x71: {  	_ =	shalt  }
0x72: {  	_ =	shalt  }
0x73: {  	_ =	shalt  }
0x74: {  	_ =	shalt  }
0x75: {  	_ =	shalt  }
0x76: {  	_ =	shalt  }
0x77: {  	_ =	shalt  }
0x78: {  	_ =	shalt  }
0x79: {  	_ =	shalt  }
0x7a: {  	_ =	shalt  }
0x7b: {  	_ =	shalt  }
0x7c: {  	_ =	shalt  }
0x7d: {  	_ =	shalt  }
0x7e: {  	_ =	shalt  }
0x7f: {  	_ =	shalt  }
0x80: {  	_ =	shalt  }
0x81: {  	_ =	shalt  }
0x82: {  	_ =	shalt  }
0x83: {  	_ =	shalt  }
0x84: {  	_ =	shalt  }
0x85: {  	_ =	shalt  }
0x86: {  	_ =	shalt  }
0x87: {  	_ =	shalt  }
.Lfunc_end0:
.L_simem_size_0:
called_computation.3_lowered:
.L_overlay_start_0:
0x88: {  	s2 =	sld [smem:$0x3FD9]  }
0x89: {  	s3 =	sld [smem:$0x3FFE];
	_ =	sdelay $0x1  }
0x8a: {  	s1 =	srdreg.scid  }
0x8b: {  	s0 =	sand.u32 $0x1, s1  }
0x8c: {  	s16 =	sshll.u32 s0, $0xA;
	s2 =	sadd.s32 s3, s2  }
0x8d: {  	s2 =	sadd.s32 s2, s16  }
0x8e: {  	[smem:$0x3FB5] =	sst s2  }
0x8f: {  	_ = 	snop  }
0x90: {  	(tm) =	ssettm $0x1  }
0x91: {  	s17 =	sld [smem:$0x3FFB];
	_ =	sdelay $0x3  }
0x92: {  	_ =	strace s17  }
0x93: {  	s2 =	sld [smem:$0x3FFC];
	_ =	sdelay $0x3  }
0x94: {  	_ =	strace s2  }
0x95: {  	s2 =	sld [smem:$0x3FFD];
	_ =	sdelay $0x3  }
0x96: {  	_ =	strace s2  }
0x97: {  	_ =	strace $0x8FFFFFFF  }
0x98: {  	s18 =	sld [smem:$0x3FDB];
	_ =	sdelay $0x1  }
0x99: {  	s19 =	simm.s32 $_scs_section_size  }
0x9a: {  	s4 =	simm.s32 $_size__tile_overlayer_lowered;
	s5 =	simm.s32 $_tile_overlayer_lowered  }
0x9b: {  	s22 =	simm.s32 $0x1BFF;
	s21 =	sshll.u32 s5, $0x1;
	s2 =	sadd.s32 s19, s18  }
0x9c: {  	s6 =	simm.s32 $0x0;
	s20 =	sshll.u32 s4, $0x1;
	s4 =	sadd.s32 s21, s2  }
0x9d: {  	[timem:s6], [sflag:s22] =	dma.local [hbm:s4], s20  }
0x9e: {  	_ =	swait.ge [sflag:s22], s20  }
0x9f: {  	s3 =	ssub.s32 $0x0, s20;
	[sflag:s22] =	ssyncset.done $0x0  }
0xa0: {  	[sflag:s22] =	ssyncadd.s32 s3;
	_ =	sdelay $0x1  }
0xa1: {  	s23 =	simm.s32 $0x1B8B  }
0xa2: {  	_ =	swait.ge [sflag:s23], $0x1  }
0xa3: {  	[sflag:s23] =	ssyncset.done $0x0  }
0xa4: {  	s25 =	simm.s32 $0x1B8E;
	s24 =	sld [smem:$0x3FFE];
	[sflag:s23] =	ssyncadd.s32 $0xFFFFFFFF  }
0xa5: {  	s26 =	simm.s32 $execute0_lowered;
	[smem:$0x3FD2] =	sst s25  }
0xa6: {  	s4 =	sshll.u32 s26, $0x1;
	_ =	strace $0x8000004F;
	[dreg:$0x1] =	wrdreg $0xFFFFFFFF  }
0xa7: {  	s28 =	simm.s32 $_size_execute0_lowered;
	s2 =	sadd.s32 s2, s4;
	[dreg:$0x0] =	wrdreg $0x0  }
0xa8: {  	s4 =	sshll.u32 s28, $0x1;
	[dreg:$0x2] =	wrdreg s2  }
0xa9: {  	[dreg:$0x3] =	wrdreg s4  }
0xaa: {  	[dreg:$0x4] =	wrdreg $0xC0  }
0xab: {  	_ =	task [dreg:s6], $0x5FFFF  }
0xac: {  	[dreg:$0x1] =	wrdreg $0xFFFFFFFF  }
0xad: {  	[dreg:$0x0] =	wrdreg $0x60  }
0xae: {  	[dreg:$0x2] =	wrdreg s24  }
0xaf: {  	[dreg:$0x3] =	wrdreg $0x82000  }
0xb0: {  	[dreg:$0x4] =	wrdreg $0x9  }
0xb1: {  	_ =	task.clear_ibuf [dreg:s6], $0x5FFFF;
	_ =	strace $0x9000004F  }
0xb2: {  	s29 =	simm.s32 $0x9;
	_ =	strace $0x80000051  }
0xb3: {  	_ =	swait.ge [sflag:s29], $0x1  }
0xb4: {  	[sflag:s29] =	ssyncadd.s32 $0xFFFFFFFF  }
0xb5: {  	_ =	strace $0x90000051  }
0xb6: {  	_ =	sfence  }
0xb7: {  	s30 =	sld [smem:$0x0];
	_ =	sdelay $0x2  }
0xb8: {  	s31 =	sshll.u32 s1, $0xD;
	s1 =	sshrl.u32 s1, $0x2  }
0xb9: {  	s3 =	sand.u32 $0x4000, s31;
	s1 =	sadd.s32 s1, s30  }
0xba: {  	s0 =	sor.u32 s3, s0;
	s1 =	sshll.u32 s1, $0x11  }
0xbb: {  	s0 =	sor.u32 s1, s0  }
0xbc: {  	s0 =	sadd.s32 $0x8F2B, s0  }
0xbd: {  	[sflag:s0] =	ssyncadd.remote.s32 $0x1  }
0xbe: {  	_ =	sfence.sel $0xFFFF  }
0xbf: {  	[dreg:$0x0] =	wrdreg $0xFFFFFFFF;
	(pc) =	sbr.abs _section_cstart, $3  }
0xc0: {  	[dreg:$0x1] =	wrdreg $0xFFFFFFFF  }
0xc1: {  	_ =	task.clear_ibuf [dreg:s6], $0x2FFFF;
	_ =	strace $0x9FFFFFFF  }
0xc2: {  	(tm) =	ssettm $0x7FFFFFFF  }
0xc3: {  	_ =	shalt  }
tec
execute0_lowered:
.L_overlay_start_1:
0x0: {  	(tag) =	ssettag $0x1  }
0x1: {  	s0 =	rddreg [dreg:$0x0]  }
0x2: {  	s1 =	rddreg [dreg:$0x1];
	s2 =	simm.s32 $0x0  }
0x3: {  	s3 =	srdreg.scid;
	s12 =	stileid.u32;
	s28 =	simm.s32 $0x4200  }
0x4: {  	s29 =	simm.s32 $0x1;
	s30 =	simm.s32 $0x3;
	s31 =	simm.s32 $0x2  }
0x5: {  	[smem:$0x7FF] =	sst s2;
	s4 =	sadd.s32 $0x1AC00, s0;
	s5 =	sadd.s32 $0x42C00, s0  }
0x6: {  	s6 =	sadd.s32 $0x6C00, s0;
	s3 =	sand.u32 $0x1, s3;
	s9 =	smul.u32 $0x50000, s12  }
0x7: {  	s7 =	sadd.s32 $0x10C00, s0;
	s8 =	smul.u32 $0x5000, s12;
	s11 =	sadd.s32 $0xBAC00, s0  }
0x8: {  	s0 =	sadd.s32 $0xE2C00, s0;
	_ =	strace $0x80000050;
	[dreg:$0x3] =	wrdreg s11  }
0x9: {  	s16 =	smul.u32 $0x2800, s12;
	s10 =	ssub.s32 $0x2, s3;
	[dreg:$0x4] =	wrdreg s0  }
0xa: {  	p0 =	seq.s32 s3, $0x1;
	s21 =	sshrl.u32 s10, $0x1;
	s9 =	sshrl.u32 s9, $0x2  }
0xb: {  	s22 =	sshrl.u32 s8, $0x3;
	s0 =	ssub.s32 s10, s21;
	s11 =	sadd.s32 s9, s1  }
0xc: {  	s23 =	sor.u32 $0x10, s22;
	s24 =	sadd.s32 s7, s22;
	s25 =	sadd.s32 s6, s22  }
0xd: {  	s22 =	simm.s32 $0x200;
	s9 =	simm.s32 $0x0;
	[dreg:$0x5] =	wrdreg s24  }
.Ltmp0:
0xe: {  	[dreg:$0x6] =	wrdreg s25;
	s26 =	sadd.s32 s7, s23;
	(pc) =	sbr.rel .LBB2_1-.Ltmp0, $4  }
0xf: {  	s15 =	sadd.s32 s6, s23;
	s17 =	smax.u32 s0, $0x1;
	s18 =	sadd.s32 $0x4000, s11  }
0x10: {  	s19 =	sadd.s32 $0x8000, s11;
	s20 =	sadd.s32 $0xC000, s11;
	s21 =	sadd.s32 $0x10000, s11  }
0x11: {  	s23 =	simm.s32 $0x5;
	s24 =	simm.s32 $0x100;
	s25 =	simm.s32 $0x80  }
0x12: {  	v0 =	vimm.f32 $0.0e+00;
	s0 =	simm.s32 $0x180;
	[dreg:$0x7] =	wrdreg s26;
	s26 =	simm.s32 $0x4  }
.LBB2_9:
0x13: {  	[sflag:s29] =	ssyncadd.s32 $0xFFFFC000  }
0x14: {  	[spmem:s1] =	stream.indirect.scatter.add.f32 [tilespmem:s22], [sflag:$0x5], $0x80, s24, s25, $0xb8;
	[tilespmem:$0x1C200] =	vst v63  }
0x15: {  	_ =	swait.ge [sflag:s23], $0x4000  }
0x16: {  	s3 =	sshrl.u32 s13, $0x3;
	[sflag:s23] =	ssyncset.done $0x0  }
0x17: {  	s12 =	sadd.s32 s6, s3;
	[sflag:s23] =	ssyncadd.s32 $0xFFFFC000  }
0x18: {  	[tilespmem:s2], [sflag:$0x3] =	stream.linear.gather [hbm4b:s12+s2], $0x80, $0x38;
	[tilespmem:$0x1C200] =	vst v63  }
0x19: {  	s3 =	sadd.s32 s7, s3  }
0x1a: {  	[tilespmem:s24], [sflag:$0x3] =	stream.linear.gather [hbm4b:s3+s2], $0x80, $0x38;
	[tilespmem:$0x1C200] =	vst v63  }
0x1b: {  	_ =	swait.ge [sflag:s30], $0x80  }
0x1c: {  	[sflag:s30] =	ssyncset.done $0x0  }
0x1d: {  	[sflag:s30] =	ssyncadd.s32 $0xFFFFFF80  }
0x1e: {  	_ =	swait.ge [sflag:s30], $0x80  }
0x1f: {  	[sflag:s30] =	ssyncset.done $0x0  }
0x20: {  	[sflag:s30] =	ssyncadd.s32 $0xFFFFFF80  }
0x21: {  	[tilespmem:s22], [sflag:$0x1] =	stream.indirect.gather [hbm4b:s5+s25], $0x80, s2, s25, $0xb8;
	[tilespmem:$0x1C200] =	vst v63  }
0x22: {  	_ =	swait.ge [sflag:s31], $0x4000  }
0x23: {  	s12 =	sand.u32 $0xFC00, s10;
	[sflag:s31] =	ssyncset.done $0x0  }
0x24: {  	s13 =	sand.u32 $0x380, s10;
	s3 =	sadd.s32 s8, s12;
	[sflag:s31] =	ssyncadd.s32 $0xFFFFC000  }
0x25: {  	[spmem:s1] =	stream.indirect.scatter.add.f32 [tilespmem:s28], [sflag:$0x5], $0x80, s0, s25, $0xb8;
	[tilespmem:$0x1C200] =	vst v63  }
0x26: {  	s3 =	sor.u32 s13, s3;
	_ =	swait.ge [sflag:s23], $0x4000  }
0x27: {  	s3 =	sshrl.u32 s3, $0x3;
	[sflag:s23] =	ssyncset.done $0x0  }
0x28: {  	s14 =	sadd.s32 s6, s3;
	[sflag:s23] =	ssyncadd.s32 $0xFFFFC000  }
0x29: {  	[tilespmem:s25], [sflag:$0x4] =	stream.linear.gather [hbm4b:s14+s2], $0x80, $0x38;
	[tilespmem:$0x1C200] =	vst v63  }
0x2a: {  	s3 =	sadd.s32 s7, s3  }
0x2b: {  	[tilespmem:s0], [sflag:$0x4] =	stream.linear.gather [hbm4b:s3+s2], $0x80, $0x38;
	[tilespmem:$0x1C200] =	vst v63  }
0x2c: {  	_ =	swait.ge [sflag:s26], $0x80  }
0x2d: {  	[sflag:s26] =	ssyncset.done $0x0  }
0x2e: {  	[sflag:s26] =	ssyncadd.s32 $0xFFFFFF80  }
0x2f: {  	_ =	swait.ge [sflag:s26], $0x80  }
0x30: {  	[sflag:s26] =	ssyncset.done $0x0  }
0x31: {  	[sflag:s26] =	ssyncadd.s32 $0xFFFFFF80  }
0x32: {  	[tilespmem:s28], [sflag:$0x2] =	stream.indirect.gather [hbm4b:s5+s25], $0x80, s25, s25, $0xb8;
	[tilespmem:$0x1C200] =	vst v63  }
0x33: {  	_ =	swait.ge [sflag:s29], $0x4000  }
0x34: {  	[sflag:s29] =	ssyncset.done $0x0  }
0x35: {  	[sflag:s29] =	ssyncadd.s32 $0xFFFFC000  }
0x36: {  	[spmem:s1] =	stream.indirect.scatter.add.f32 [tilespmem:s22], [sflag:$0x5], $0x80, s24, s25, $0xb8;
	[tilespmem:$0x1C200] =	vst v63  }
0x37: {  	_ =	swait.ge [sflag:s23], $0x4000  }
0x38: {  	[sflag:s23] =	ssyncset.done $0x0  }
0x39: {  	s3 =	rddreg [dreg:$0x4];
	[sflag:s23] =	ssyncadd.s32 $0xFFFFC000  }
.LBB2_10:
0x3a: {  	_ =	swait.ge [sflag:s31], $0x4000  }
0x3b: {  	[sflag:s31] =	ssyncset.done $0x0  }
0x3c: {  	[sflag:s31] =	ssyncadd.s32 $0xFFFFC000  }
0x3d: {  	[spmem:s1] =	stream.indirect.scatter.add.f32 [tilespmem:s28], [sflag:$0x5], $0x80, s0, s25, $0xb8;
	[tilespmem:$0x1C200] =	vst v63  }
0x3e: {  	s3 =	sadd.s32 s3, s16;
	s10 =	stileid.u32;
	_ =	swait.ge [sflag:s23], $0x4000  }
0x3f: {  	s12 =	sshrl.u32 s11, $0x3;
	s9 =	sadd.s32 $0x1, s9;
	[sflag:s23] =	ssyncset.done $0x0  }
0x40: {  	s10 =	sshll.u32 s10, $0x6;
	p1 =	sne.s32 s9, s17;
	[sflag:s23] =	ssyncadd.s32 $0xFFFFC000  }
.Ltmp1:
0x41: {  	s10 =	sor.u32 $0x1C05, s10;
	[bflag:$0x0] =	sbarrier.arrive $0xFFFF;
	(pc) =	sbr.rel @!p1 .LBB2_11-.Ltmp1, $4  }
0x42: {  	[hbm:s3], [sflag:s10] =	dma.local [spmem:s12], $0x2800  }
0x43: {  	_ =	swait.ge [sflag:s23], $0x2800  }
0x44: {  	[sflag:s23] =	ssyncset.done $0x0  }
0x45: {  	[sflag:s23] =	ssyncadd.s32 $0xFFFFD800  }
.LBB2_1:
.Ltmp2:
0x46: {  	(pc) =	sbr.rel @!p0 .LBB2_2-.Ltmp2, $2  }
0x47: {  	_ =	sdelay $0x2  }
0x48: {  	s3 =	sshra.s32 s2, $0x2;
	s10 =	sadd.s32 $0x200, s2  }
.LBB2_6:
0x49: {  	p1 =	seq.s32 s10, $0xFE00;
	[tilespmem:s3+$0x270] =	vst v0  }
0x4a: {  	[tilespmem:s3+$0x200] =	vst v0  }
0x4b: {  	[tilespmem:s3+$0x210] =	vst v0  }
.Ltmp3:
0x4c: {  	[tilespmem:s3+$0x220] =	vst v0;
	(pc) =	sbr.rel @!p1 .LBB2_6-.Ltmp3, $4  }
0x4d: {  	[tilespmem:s3+$0x230] =	vst v0  }
0x4e: {  	[tilespmem:s3+$0x240] =	vst v0  }
0x4f: {  	[tilespmem:s3+$0x250] =	vst v0  }
0x50: {  	[tilespmem:s3+$0x260] =	vst v0;
	s3 =	sshra.s32 s10, $0x2;
	s10 =	sadd.s32 $0x200, s10  }
0x51: {  	[tilespmem:s3+$0x270] =	vst v0  }
0x52: {  	[tilespmem:s3+$0x200] =	vst v0  }
0x53: {  	[tilespmem:s3+$0x210] =	vst v0  }
0x54: {  	[tilespmem:s3+$0x220] =	vst v0  }
0x55: {  	[tilespmem:s3+$0x230] =	vst v0  }
0x56: {  	[tilespmem:s3+$0x240] =	vst v0  }
0x57: {  	[tilespmem:s3+$0x250] =	vst v0  }
0x58: {  	[tilespmem:s3+$0x260] =	vst v0  }
0x59: {  	[spmem:s11] =	stream.linear.scatter [tilespmem:s22], [sflag:$0x5], $0x4000, $0x38;
	[tilespmem:$0x1C200] =	vst v63  }
0x5a: {  	_ =	swait.ge [sflag:s23], $0x4000  }
0x5b: {  	[sflag:s23] =	ssyncset.done $0x0  }
0x5c: {  	[sflag:s23] =	ssyncadd.s32 $0xFFFFC000  }
0x5d: {  	[spmem:s18] =	stream.linear.scatter [tilespmem:s22], [sflag:$0x5], $0x4000, $0x38;
	[tilespmem:$0x1C200] =	vst v63  }
0x5e: {  	_ =	swait.ge [sflag:s23], $0x4000  }
0x5f: {  	[sflag:s23] =	ssyncset.done $0x0  }
0x60: {  	[sflag:s23] =	ssyncadd.s32 $0xFFFFC000  }
0x61: {  	[spmem:s19] =	stream.linear.scatter [tilespmem:s22], [sflag:$0x5], $0x4000, $0x38;
	[tilespmem:$0x1C200] =	vst v63  }
0x62: {  	_ =	swait.ge [sflag:s23], $0x4000  }
0x63: {  	[sflag:s23] =	ssyncset.done $0x0  }
0x64: {  	[sflag:s23] =	ssyncadd.s32 $0xFFFFC000  }
0x65: {  	[spmem:s20] =	stream.linear.scatter [tilespmem:s22], [sflag:$0x5], $0x4000, $0x38;
	[tilespmem:$0x1C200] =	vst v63  }
0x66: {  	_ =	swait.ge [sflag:s23], $0x4000  }
0x67: {  	[sflag:s23] =	ssyncset.done $0x0  }
0x68: {  	[sflag:s23] =	ssyncadd.s32 $0xFFFFC000  }
0x69: {  	[spmem:s21] =	stream.linear.scatter [tilespmem:s22], [sflag:$0x5], $0x4000, $0x38;
	[tilespmem:$0x1C200] =	vst v63  }
0x6a: {  	_ =	swait.ge [sflag:s23], $0x4000  }
0x6b: {  	[sflag:s23] =	ssyncset.done $0x0  }
0x6c: {  	[sflag:s23] =	ssyncadd.s32 $0xFFFFC000  }
0x6d: {  	[bflag:$0x0] =	sbarrier.arrive $0xFFFF  }
0x6e: {  	s10 =	rddreg [dreg:$0x6]  }
0x6f: {  	[tilespmem:s2], [sflag:$0x5] =	stream.linear.gather [hbm4b:s10+s2], $0x80, $0x38;
	[tilespmem:$0x1C200] =	vst v63  }
0x70: {  	_ =	swait.ge [sflag:s23], $0x80  }
0x71: {  	[sflag:s23] =	ssyncset.done $0x0  }
0x72: {  	s12 =	rddreg [dreg:$0x5];
	[sflag:s23] =	ssyncadd.s32 $0xFFFFFF80  }
0x73: {  	[tilespmem:s24], [sflag:$0x5] =	stream.linear.gather [hbm4b:s12+s2], $0x80, $0x38;
	[tilespmem:$0x1C200] =	vst v63  }
0x74: {  	_ =	swait.ge [sflag:s23], $0x80  }
0x75: {  	[sflag:s23] =	ssyncset.done $0x0  }
0x76: {  	[sflag:s23] =	ssyncadd.s32 $0xFFFFFF80  }
0x77: {  	[tilespmem:s22], [sflag:$0x1] =	stream.indirect.gather [hbm4b:s5+s25], $0x80, s2, s25, $0xb8;
	[tilespmem:$0x1C200] =	vst v63  }
0x78: {  	_ = 	snop  }
0x79: {  	[tilespmem:s25], [sflag:$0x4] =	stream.linear.gather [hbm4b:s15+s2], $0x80, $0x38;
	[tilespmem:$0x1C200] =	vst v63  }
0x7a: {  	s3 =	simm.s32 $0x180;
	s10 =	rddreg [dreg:$0x7]  }
0x7b: {  	[tilespmem:s3], [sflag:$0x4] =	stream.linear.gather [hbm4b:s10+s2], $0x80, $0x38;
	[tilespmem:$0x1C200] =	vst v63  }
0x7c: {  	_ =	swait.ge [sflag:s26], $0x80  }
0x7d: {  	[sflag:s26] =	ssyncset.done $0x0  }
0x7e: {  	[sflag:s26] =	ssyncadd.s32 $0xFFFFFF80  }
0x7f: {  	_ =	swait.ge [sflag:s26], $0x80  }
0x80: {  	[sflag:s26] =	ssyncset.done $0x0  }
0x81: {  	[sflag:s26] =	ssyncadd.s32 $0xFFFFFF80  }
0x82: {  	[tilespmem:s28], [sflag:$0x2] =	stream.indirect.gather [hbm4b:s5+s25], $0x80, s25, s25, $0xb8;
	[tilespmem:$0x1C200] =	vst v63  }
0x83: {  	s13 =	simm.s32 $0x100;
	_ =	swait.ge [sflag:s29], $0x4000  }
0x84: {  	s12 =	sand.u32 $0xFC00, s13;
	[sflag:s29] =	ssyncset.done $0x0  }
0x85: {  	s12 =	sadd.s32 s8, s12;
	s10 =	sand.u32 $0x300, s13;
	[sflag:s29] =	ssyncadd.s32 $0xFFFFC000  }
0x86: {  	[spmem:s1] =	stream.indirect.scatter.add.f32 [tilespmem:s22], [sflag:$0x5], $0x80, s24, s25, $0xb8;
	[tilespmem:$0x1C200] =	vst v63  }
0x87: {  	s10 =	sor.u32 s10, s12;
	_ =	swait.ge [sflag:s23], $0x4000  }
0x88: {  	s10 =	sshrl.u32 s10, $0x3;
	[sflag:s23] =	ssyncset.done $0x0  }
0x89: {  	s14 =	sadd.s32 s6, s10;
	[sflag:s23] =	ssyncadd.s32 $0xFFFFC000  }
0x8a: {  	[tilespmem:s2], [sflag:$0x3] =	stream.linear.gather [hbm4b:s14+s2], $0x80, $0x38;
	[tilespmem:$0x1C200] =	vst v63  }
0x8b: {  	s10 =	sadd.s32 s7, s10  }
0x8c: {  	[tilespmem:s24], [sflag:$0x3] =	stream.linear.gather [hbm4b:s10+s2], $0x80, $0x38;
	[tilespmem:$0x1C200] =	vst v63  }
0x8d: {  	_ =	swait.ge [sflag:s30], $0x80  }
0x8e: {  	[sflag:s30] =	ssyncset.done $0x0  }
0x8f: {  	[sflag:s30] =	ssyncadd.s32 $0xFFFFFF80  }
0x90: {  	_ =	swait.ge [sflag:s30], $0x80  }
0x91: {  	[sflag:s30] =	ssyncset.done $0x0  }
0x92: {  	[sflag:s30] =	ssyncadd.s32 $0xFFFFFF80  }
0x93: {  	[tilespmem:s22], [sflag:$0x1] =	stream.indirect.gather [hbm4b:s5+s25], $0x80, s2, s25, $0xb8;
	[tilespmem:$0x1C200] =	vst v63  }
0x94: {  	_ =	swait.ge [sflag:s31], $0x4000  }
0x95: {  	s12 =	sand.u32 $0xFC00, s3;
	[sflag:s31] =	ssyncset.done $0x0  }
0x96: {  	s3 =	sand.u32 $0x380, s3;
	s10 =	sadd.s32 s8, s12;
	[sflag:s31] =	ssyncadd.s32 $0xFFFFC000  }
0x97: {  	[spmem:s1] =	stream.indirect.scatter.add.f32 [tilespmem:s28], [sflag:$0x5], $0x80, s0, s25, $0xb8;
	[tilespmem:$0x1C200] =	vst v63  }
0x98: {  	s3 =	sor.u32 s3, s10;
	_ =	swait.ge [sflag:s23], $0x4000  }
0x99: {  	s3 =	sshrl.u32 s3, $0x3;
	[sflag:s23] =	ssyncset.done $0x0  }
0x9a: {  	s13 =	sadd.s32 s6, s3;
	[sflag:s23] =	ssyncadd.s32 $0xFFFFC000  }
0x9b: {  	[tilespmem:s25], [sflag:$0x4] =	stream.linear.gather [hbm4b:s13+s2], $0x80, $0x38;
	[tilespmem:$0x1C200] =	vst v63  }
0x9c: {  	s3 =	sadd.s32 s7, s3  }
0x9d: {  	[tilespmem:s0], [sflag:$0x4] =	stream.linear.gather [hbm4b:s3+s2], $0x80, $0x38;
	[tilespmem:$0x1C200] =	vst v63  }
0x9e: {  	_ =	swait.ge [sflag:s26], $0x80  }
0x9f: {  	[sflag:s26] =	ssyncset.done $0x0  }
0xa0: {  	[sflag:s26] =	ssyncadd.s32 $0xFFFFFF80  }
0xa1: {  	_ =	swait.ge [sflag:s26], $0x80  }
0xa2: {  	s3 =	simm.s32 $0x200;
	[sflag:s26] =	ssyncset.done $0x0  }
0xa3: {  	s12 =	simm.s32 $0x380;
	s14 =	sand.u32 $0xFC00, s3;
	[sflag:s26] =	ssyncadd.s32 $0xFFFFFF80  }
0xa4: {  	[tilespmem:s28], [sflag:$0x2] =	stream.indirect.gather [hbm4b:s5+s25], $0x80, s25, s25, $0xb8;
	[tilespmem:$0x1C200] =	vst v63  }
0xa5: {  	s3 =	sand.u32 $0x300, s3;
	s13 =	sadd.s32 s8, s14;
	_ =	swait.ge [sflag:s29], $0x4000  }
0xa6: {  	s10 =	simm.s32 $0x280;
	s13 =	sor.u32 s3, s13;
	[sflag:s29] =	ssyncset.done $0x0  }
.LBB2_8:
0xa7: {  	s13 =	sshrl.u32 s13, $0x3  }
0xa8: {  	[sflag:s29] =	ssyncadd.s32 $0xFFFFC000;
	s14 =	smov.u32 s12;
	s3 =	sadd.s32 $0x100, s12  }
0xa9: {  	[spmem:s1] =	stream.indirect.scatter.add.f32 [tilespmem:s22], [sflag:$0x5], $0x80, s24, s25, $0xb8;
	[tilespmem:$0x1C200] =	vst v63  }
0xaa: {  	p1 =	sne.s32 s12, $0x4E80;
	_ =	swait.ge [sflag:s23], $0x4000  }
0xab: {  	[sflag:s23] =	ssyncset.done $0x0  }
0xac: {  	s12 =	sadd.s32 s6, s13;
	[sflag:s23] =	ssyncadd.s32 $0xFFFFC000  }
0xad: {  	[tilespmem:s2], [sflag:$0x3] =	stream.linear.gather [hbm4b:s12+s2], $0x80, $0x38;
	[tilespmem:$0x1C200] =	vst v63  }
0xae: {  	s12 =	sadd.s32 s7, s13  }
0xaf: {  	[tilespmem:s24], [sflag:$0x3] =	stream.linear.gather [hbm4b:s12+s2], $0x80, $0x38;
	[tilespmem:$0x1C200] =	vst v63  }
0xb0: {  	_ =	swait.ge [sflag:s30], $0x80  }
0xb1: {  	[sflag:s30] =	ssyncset.done $0x0  }
0xb2: {  	[sflag:s30] =	ssyncadd.s32 $0xFFFFFF80  }
0xb3: {  	_ =	swait.ge [sflag:s30], $0x80  }
0xb4: {  	[sflag:s30] =	ssyncset.done $0x0  }
0xb5: {  	[sflag:s30] =	ssyncadd.s32 $0xFFFFFF80  }
0xb6: {  	[tilespmem:s22], [sflag:$0x1] =	stream.indirect.gather [hbm4b:s5+s25], $0x80, s2, s25, $0xb8;
	[tilespmem:$0x1C200] =	vst v63  }
0xb7: {  	_ =	swait.ge [sflag:s31], $0x4000  }
0xb8: {  	[sflag:s31] =	ssyncset.done $0x0  }
0xb9: {  	s12 =	sand.u32 $0xFC00, s10;
	[sflag:s31] =	ssyncadd.s32 $0xFFFFC000  }
0xba: {  	[spmem:s1] =	stream.indirect.scatter.add.f32 [tilespmem:s28], [sflag:$0x5], $0x80, s0, s25, $0xb8;
	[tilespmem:$0x1C200] =	vst v63  }
0xbb: {  	s10 =	sand.u32 $0x380, s10;
	s12 =	sadd.s32 s8, s12;
	_ =	swait.ge [sflag:s23], $0x4000  }
0xbc: {  	s12 =	sor.u32 s10, s12;
	s10 =	smov.u32 s14;
	[sflag:s23] =	ssyncset.done $0x0  }
0xbd: {  	s12 =	sshrl.u32 s12, $0x3;
	[sflag:s23] =	ssyncadd.s32 $0xFFFFC000  }
0xbe: {  	s13 =	sadd.s32 s6, s12  }
0xbf: {  	[tilespmem:s25], [sflag:$0x4] =	stream.linear.gather [hbm4b:s13+s2], $0x80, $0x38;
	[tilespmem:$0x1C200] =	vst v63  }
0xc0: {  	s12 =	sadd.s32 s7, s12  }
0xc1: {  	[tilespmem:s0], [sflag:$0x4] =	stream.linear.gather [hbm4b:s12+s2], $0x80, $0x38;
	[tilespmem:$0x1C200] =	vst v63  }
0xc2: {  	_ =	swait.ge [sflag:s26], $0x80  }
0xc3: {  	[sflag:s26] =	ssyncset.done $0x0  }
0xc4: {  	[sflag:s26] =	ssyncadd.s32 $0xFFFFFF80  }
0xc5: {  	_ =	swait.ge [sflag:s26], $0x80  }
.Ltmp4:
0xc6: {  	s12 =	sadd.s32 $0xFFFFFF80, s10;
	[sflag:s26] =	ssyncset.done $0x0;
	(pc) =	sbr.rel @p1 .LBB2_8-.Ltmp4, $4  }
0xc7: {  	s13 =	sand.u32 $0xFC00, s12;
	[sflag:s26] =	ssyncadd.s32 $0xFFFFFF80  }
0xc8: {  	[tilespmem:s28], [sflag:$0x2] =	stream.indirect.gather [hbm4b:s5+s25], $0x80, s25, s25, $0xb8;
	[tilespmem:$0x1C200] =	vst v63  }
0xc9: {  	s12 =	sand.u32 $0x300, s12;
	s13 =	sadd.s32 s8, s13;
	_ =	swait.ge [sflag:s29], $0x4000  }
0xca: {  	s13 =	sor.u32 s12, s13;
	s12 =	smov.u32 s3;
	[sflag:s29] =	ssyncset.done $0x0  }
.Ltmp5:
0xcb: {  	_ = 	snop;
	(pc) =	sbr.rel .LBB2_9-.Ltmp5, $1  }
0xcc: {  	_ =	sdelay $0x3  }
.LBB2_2:
0xcd: {  	p1 =	seq.s32 s10, $0xFE00;
	[tilespmem:s3+$0x270] =	vst v0  }
0xce: {  	[tilespmem:s3+$0x200] =	vst v0  }
0xcf: {  	[tilespmem:s3+$0x210] =	vst v0  }
.Ltmp6:
0xd0: {  	[tilespmem:s3+$0x220] =	vst v0;
	(pc) =	sbr.rel @!p1 .LBB2_2-.Ltmp6, $4  }
0xd1: {  	[tilespmem:s3+$0x230] =	vst v0  }
0xd2: {  	[tilespmem:s3+$0x240] =	vst v0  }
0xd3: {  	[tilespmem:s3+$0x250] =	vst v0  }
0xd4: {  	[tilespmem:s3+$0x260] =	vst v0;
	s3 =	sshra.s32 s10, $0x2;
	s10 =	sadd.s32 $0x200, s10  }
0xd5: {  	[tilespmem:s3+$0x270] =	vst v0  }
0xd6: {  	[tilespmem:s3+$0x200] =	vst v0  }
0xd7: {  	[tilespmem:s3+$0x210] =	vst v0  }
0xd8: {  	[tilespmem:s3+$0x220] =	vst v0  }
0xd9: {  	[tilespmem:s3+$0x230] =	vst v0  }
0xda: {  	[tilespmem:s3+$0x240] =	vst v0  }
0xdb: {  	[tilespmem:s3+$0x250] =	vst v0  }
0xdc: {  	[tilespmem:s3+$0x260] =	vst v0  }
0xdd: {  	[spmem:s11] =	stream.linear.scatter [tilespmem:s22], [sflag:$0x5], $0x4000, $0x38;
	[tilespmem:$0x1C200] =	vst v63  }
0xde: {  	_ =	swait.ge [sflag:s23], $0x4000  }
0xdf: {  	[sflag:s23] =	ssyncset.done $0x0  }
0xe0: {  	[sflag:s23] =	ssyncadd.s32 $0xFFFFC000  }
0xe1: {  	[spmem:s18] =	stream.linear.scatter [tilespmem:s22], [sflag:$0x5], $0x4000, $0x38;
	[tilespmem:$0x1C200] =	vst v63  }
0xe2: {  	_ =	swait.ge [sflag:s23], $0x4000  }
0xe3: {  	[sflag:s23] =	ssyncset.done $0x0  }
0xe4: {  	[sflag:s23] =	ssyncadd.s32 $0xFFFFC000  }
0xe5: {  	[spmem:s19] =	stream.linear.scatter [tilespmem:s22], [sflag:$0x5], $0x4000, $0x38;
	[tilespmem:$0x1C200] =	vst v63  }
0xe6: {  	_ =	swait.ge [sflag:s23], $0x4000  }
0xe7: {  	[sflag:s23] =	ssyncset.done $0x0  }
0xe8: {  	[sflag:s23] =	ssyncadd.s32 $0xFFFFC000  }
0xe9: {  	[spmem:s20] =	stream.linear.scatter [tilespmem:s22], [sflag:$0x5], $0x4000, $0x38;
	[tilespmem:$0x1C200] =	vst v63  }
0xea: {  	_ =	swait.ge [sflag:s23], $0x4000  }
0xeb: {  	[sflag:s23] =	ssyncset.done $0x0  }
0xec: {  	[sflag:s23] =	ssyncadd.s32 $0xFFFFC000  }
0xed: {  	[spmem:s21] =	stream.linear.scatter [tilespmem:s22], [sflag:$0x5], $0x4000, $0x38;
	[tilespmem:$0x1C200] =	vst v63  }
0xee: {  	_ =	swait.ge [sflag:s23], $0x4000  }
0xef: {  	[sflag:s23] =	ssyncset.done $0x0  }
0xf0: {  	[sflag:s23] =	ssyncadd.s32 $0xFFFFC000  }
0xf1: {  	[bflag:$0x0] =	sbarrier.arrive $0xFFFF  }
0xf2: {  	s14 =	rddreg [dreg:$0x5]  }
0xf3: {  	[tilespmem:s2], [sflag:$0x5] =	stream.linear.gather [hbm4b:s14+s2], $0x80, $0x38;
	[tilespmem:$0x1C200] =	vst v63  }
0xf4: {  	_ =	swait.ge [sflag:s23], $0x80  }
0xf5: {  	[sflag:s23] =	ssyncset.done $0x0  }
0xf6: {  	s10 =	rddreg [dreg:$0x6];
	[sflag:s23] =	ssyncadd.s32 $0xFFFFFF80  }
0xf7: {  	[tilespmem:s24], [sflag:$0x5] =	stream.linear.gather [hbm4b:s10+s2], $0x80, $0x38;
	[tilespmem:$0x1C200] =	vst v63  }
0xf8: {  	_ =	swait.ge [sflag:s23], $0x80  }
0xf9: {  	[sflag:s23] =	ssyncset.done $0x0  }
0xfa: {  	[sflag:s23] =	ssyncadd.s32 $0xFFFFFF80  }
0xfb: {  	[tilespmem:s22], [sflag:$0x1] =	stream.indirect.gather [hbm4b:s4+s25], $0x80, s2, s25, $0xb8;
	[tilespmem:$0x1C200] =	vst v63  }
0xfc: {  	s12 =	rddreg [dreg:$0x7]  }
0xfd: {  	[tilespmem:s25], [sflag:$0x4] =	stream.linear.gather [hbm4b:s12+s2], $0x80, $0x38;
	[tilespmem:$0x1C200] =	vst v63  }
0xfe: {  	s3 =	simm.s32 $0x180  }
0xff: {  	[tilespmem:s3], [sflag:$0x4] =	stream.linear.gather [hbm4b:s15+s2], $0x80, $0x38;
	[tilespmem:$0x1C200] =	vst v63  }
0x100: {  	_ =	swait.ge [sflag:s26], $0x80  }
0x101: {  	[sflag:s26] =	ssyncset.done $0x0  }
0x102: {  	[sflag:s26] =	ssyncadd.s32 $0xFFFFFF80  }
0x103: {  	_ =	swait.ge [sflag:s26], $0x80  }
0x104: {  	[sflag:s26] =	ssyncset.done $0x0  }
0x105: {  	[sflag:s26] =	ssyncadd.s32 $0xFFFFFF80  }
0x106: {  	[tilespmem:s28], [sflag:$0x2] =	stream.indirect.gather [hbm4b:s4+s25], $0x80, s25, s25, $0xb8;
	[tilespmem:$0x1C200] =	vst v63  }
0x107: {  	s10 =	simm.s32 $0x100;
	_ =	swait.ge [sflag:s29], $0x4000  }
0x108: {  	s12 =	sand.u32 $0xFC00, s10;
	[sflag:s29] =	ssyncset.done $0x0  }
0x109: {  	s10 =	sand.u32 $0x300, s10;
	s12 =	sadd.s32 s8, s12;
	[sflag:s29] =	ssyncadd.s32 $0xFFFFC000  }
0x10a: {  	[spmem:s1] =	stream.indirect.scatter.add.f32 [tilespmem:s22], [sflag:$0x5], $0x80, s24, s25, $0xb8;
	[tilespmem:$0x1C200] =	vst v63  }
0x10b: {  	s10 =	sor.u32 s10, s12;
	_ =	swait.ge [sflag:s23], $0x4000  }
0x10c: {  	s10 =	sshrl.u32 s10, $0x3;
	[sflag:s23] =	ssyncset.done $0x0  }
0x10d: {  	s13 =	sadd.s32 s7, s10;
	[sflag:s23] =	ssyncadd.s32 $0xFFFFC000  }
0x10e: {  	[tilespmem:s2], [sflag:$0x3] =	stream.linear.gather [hbm4b:s13+s2], $0x80, $0x38;
	[tilespmem:$0x1C200] =	vst v63  }
0x10f: {  	s10 =	sadd.s32 s6, s10  }
0x110: {  	[tilespmem:s24], [sflag:$0x3] =	stream.linear.gather [hbm4b:s10+s2], $0x80, $0x38;
	[tilespmem:$0x1C200] =	vst v63  }
0x111: {  	_ =	swait.ge [sflag:s30], $0x80  }
0x112: {  	[sflag:s30] =	ssyncset.done $0x0  }
0x113: {  	[sflag:s30] =	ssyncadd.s32 $0xFFFFFF80  }
0x114: {  	_ =	swait.ge [sflag:s30], $0x80  }
0x115: {  	[sflag:s30] =	ssyncset.done $0x0  }
0x116: {  	[sflag:s30] =	ssyncadd.s32 $0xFFFFFF80  }
0x117: {  	[tilespmem:s22], [sflag:$0x1] =	stream.indirect.gather [hbm4b:s4+s25], $0x80, s2, s25, $0xb8;
	[tilespmem:$0x1C200] =	vst v63  }
0x118: {  	_ =	swait.ge [sflag:s31], $0x4000  }
0x119: {  	s14 =	sand.u32 $0xFC00, s3;
	[sflag:s31] =	ssyncset.done $0x0  }
0x11a: {  	s3 =	sand.u32 $0x380, s3;
	s10 =	sadd.s32 s8, s14;
	[sflag:s31] =	ssyncadd.s32 $0xFFFFC000  }
0x11b: {  	[spmem:s1] =	stream.indirect.scatter.add.f32 [tilespmem:s28], [sflag:$0x5], $0x80, s0, s25, $0xb8;
	[tilespmem:$0x1C200] =	vst v63  }
0x11c: {  	s3 =	sor.u32 s3, s10;
	_ =	swait.ge [sflag:s23], $0x4000  }
0x11d: {  	s3 =	sshrl.u32 s3, $0x3;
	[sflag:s23] =	ssyncset.done $0x0  }
0x11e: {  	s12 =	sadd.s32 s7, s3;
	[sflag:s23] =	ssyncadd.s32 $0xFFFFC000  }
0x11f: {  	[tilespmem:s25], [sflag:$0x4] =	stream.linear.gather [hbm4b:s12+s2], $0x80, $0x38;
	[tilespmem:$0x1C200] =	vst v63  }
0x120: {  	s3 =	sadd.s32 s6, s3  }
0x121: {  	[tilespmem:s0], [sflag:$0x4] =	stream.linear.gather [hbm4b:s3+s2], $0x80, $0x38;
	[tilespmem:$0x1C200] =	vst v63  }
0x122: {  	_ =	swait.ge [sflag:s26], $0x80  }
0x123: {  	[sflag:s26] =	ssyncset.done $0x0  }
0x124: {  	[sflag:s26] =	ssyncadd.s32 $0xFFFFFF80  }
0x125: {  	_ =	swait.ge [sflag:s26], $0x80  }
0x126: {  	s13 =	simm.s32 $0x200;
	[sflag:s26] =	ssyncset.done $0x0  }
0x127: {  	s14 =	sand.u32 $0xFC00, s13;
	s13 =	sand.u32 $0x300, s13;
	[sflag:s26] =	ssyncadd.s32 $0xFFFFFF80  }
0x128: {  	[tilespmem:s28], [sflag:$0x2] =	stream.indirect.gather [hbm4b:s4+s25], $0x80, s25, s25, $0xb8;
	[tilespmem:$0x1C200] =	vst v63  }
0x129: {  	s10 =	simm.s32 $0x280;
	s12 =	sadd.s32 s8, s14;
	_ =	swait.ge [sflag:s29], $0x4000  }
0x12a: {  	s13 =	sor.u32 s13, s12;
	s3 =	simm.s32 $0x380;
	[sflag:s29] =	ssyncset.done $0x0  }
.LBB2_4:
0x12b: {  	s13 =	sshrl.u32 s13, $0x3  }
0x12c: {  	[sflag:s29] =	ssyncadd.s32 $0xFFFFC000;
	s14 =	smov.u32 s3;
	s12 =	sadd.s32 $0x100, s3  }
0x12d: {  	[spmem:s1] =	stream.indirect.scatter.add.f32 [tilespmem:s22], [sflag:$0x5], $0x80, s24, s25, $0xb8;
	[tilespmem:$0x1C200] =	vst v63  }
0x12e: {  	p1 =	seq.s32 s3, $0x4E80;
	_ =	swait.ge [sflag:s23], $0x4000  }
0x12f: {  	[sflag:s23] =	ssyncset.done $0x0  }
0x130: {  	s3 =	sadd.s32 s7, s13;
	[sflag:s23] =	ssyncadd.s32 $0xFFFFC000  }
0x131: {  	[tilespmem:s2], [sflag:$0x3] =	stream.linear.gather [hbm4b:s3+s2], $0x80, $0x38;
	[tilespmem:$0x1C200] =	vst v63  }
0x132: {  	s3 =	sadd.s32 s6, s13  }
0x133: {  	[tilespmem:s24], [sflag:$0x3] =	stream.linear.gather [hbm4b:s3+s2], $0x80, $0x38;
	[tilespmem:$0x1C200] =	vst v63  }
0x134: {  	_ =	swait.ge [sflag:s30], $0x80  }
0x135: {  	[sflag:s30] =	ssyncset.done $0x0  }
0x136: {  	[sflag:s30] =	ssyncadd.s32 $0xFFFFFF80  }
0x137: {  	_ =	swait.ge [sflag:s30], $0x80  }
0x138: {  	[sflag:s30] =	ssyncset.done $0x0  }
0x139: {  	[sflag:s30] =	ssyncadd.s32 $0xFFFFFF80  }
0x13a: {  	[tilespmem:s22], [sflag:$0x1] =	stream.indirect.gather [hbm4b:s4+s25], $0x80, s2, s25, $0xb8;
	[tilespmem:$0x1C200] =	vst v63  }
0x13b: {  	_ =	swait.ge [sflag:s31], $0x4000  }
0x13c: {  	[sflag:s31] =	ssyncset.done $0x0  }
0x13d: {  	s3 =	sand.u32 $0xFC00, s10;
	[sflag:s31] =	ssyncadd.s32 $0xFFFFC000  }
0x13e: {  	[spmem:s1] =	stream.indirect.scatter.add.f32 [tilespmem:s28], [sflag:$0x5], $0x80, s0, s25, $0xb8;
	[tilespmem:$0x1C200] =	vst v63  }
0x13f: {  	s10 =	sand.u32 $0x380, s10;
	s3 =	sadd.s32 s8, s3;
	_ =	swait.ge [sflag:s23], $0x4000  }
0x140: {  	s3 =	sor.u32 s10, s3;
	s10 =	smov.u32 s14;
	[sflag:s23] =	ssyncset.done $0x0  }
0x141: {  	s3 =	sshrl.u32 s3, $0x3;
	[sflag:s23] =	ssyncadd.s32 $0xFFFFC000  }
0x142: {  	s13 =	sadd.s32 s7, s3  }
0x143: {  	[tilespmem:s25], [sflag:$0x4] =	stream.linear.gather [hbm4b:s13+s2], $0x80, $0x38;
	[tilespmem:$0x1C200] =	vst v63  }
0x144: {  	s3 =	sadd.s32 s6, s3  }
0x145: {  	[tilespmem:s0], [sflag:$0x4] =	stream.linear.gather [hbm4b:s3+s2], $0x80, $0x38;
	[tilespmem:$0x1C200] =	vst v63  }
0x146: {  	_ =	swait.ge [sflag:s26], $0x80  }
0x147: {  	[sflag:s26] =	ssyncset.done $0x0  }
0x148: {  	[sflag:s26] =	ssyncadd.s32 $0xFFFFFF80  }
0x149: {  	_ =	swait.ge [sflag:s26], $0x80  }
.Ltmp7:
0x14a: {  	s3 =	sadd.s32 $0xFFFFFF80, s10;
	[sflag:s26] =	ssyncset.done $0x0;
	(pc) =	sbr.rel @!p1 .LBB2_4-.Ltmp7, $4  }
0x14b: {  	s13 =	sand.u32 $0xFC00, s3;
	[sflag:s26] =	ssyncadd.s32 $0xFFFFFF80  }
0x14c: {  	[tilespmem:s28], [sflag:$0x2] =	stream.indirect.gather [hbm4b:s4+s25], $0x80, s25, s25, $0xb8;
	[tilespmem:$0x1C200] =	vst v63  }
0x14d: {  	s3 =	sand.u32 $0x300, s3;
	s13 =	sadd.s32 s8, s13;
	_ =	swait.ge [sflag:s29], $0x4000  }
0x14e: {  	s13 =	sor.u32 s3, s13;
	s3 =	smov.u32 s12;
	[sflag:s29] =	ssyncset.done $0x0  }
0x14f: {  	[sflag:s29] =	ssyncadd.s32 $0xFFFFC000  }
0x150: {  	[spmem:s1] =	stream.indirect.scatter.add.f32 [tilespmem:s22], [sflag:$0x5], $0x80, s24, s25, $0xb8;
	[tilespmem:$0x1C200] =	vst v63  }
0x151: {  	_ =	swait.ge [sflag:s23], $0x4000  }
0x152: {  	s3 =	sshrl.u32 s13, $0x3;
	[sflag:s23] =	ssyncset.done $0x0  }
0x153: {  	s12 =	sadd.s32 s7, s3;
	[sflag:s23] =	ssyncadd.s32 $0xFFFFC000  }
0x154: {  	[tilespmem:s2], [sflag:$0x3] =	stream.linear.gather [hbm4b:s12+s2], $0x80, $0x38;
	[tilespmem:$0x1C200] =	vst v63  }
0x155: {  	s3 =	sadd.s32 s6, s3  }
0x156: {  	[tilespmem:s24], [sflag:$0x3] =	stream.linear.gather [hbm4b:s3+s2], $0x80, $0x38;
	[tilespmem:$0x1C200] =	vst v63  }
0x157: {  	_ =	swait.ge [sflag:s30], $0x80  }
0x158: {  	[sflag:s30] =	ssyncset.done $0x0  }
0x159: {  	[sflag:s30] =	ssyncadd.s32 $0xFFFFFF80  }
0x15a: {  	_ =	swait.ge [sflag:s30], $0x80  }
0x15b: {  	[sflag:s30] =	ssyncset.done $0x0  }
0x15c: {  	[sflag:s30] =	ssyncadd.s32 $0xFFFFFF80  }
0x15d: {  	[tilespmem:s22], [sflag:$0x1] =	stream.indirect.gather [hbm4b:s4+s25], $0x80, s2, s25, $0xb8;
	[tilespmem:$0x1C200] =	vst v63  }
0x15e: {  	_ =	swait.ge [sflag:s31], $0x4000  }
0x15f: {  	s12 =	sand.u32 $0xFC00, s10;
	[sflag:s31] =	ssyncset.done $0x0  }
0x160: {  	s13 =	sand.u32 $0x380, s10;
	s3 =	sadd.s32 s8, s12;
	[sflag:s31] =	ssyncadd.s32 $0xFFFFC000  }
0x161: {  	[spmem:s1] =	stream.indirect.scatter.add.f32 [tilespmem:s28], [sflag:$0x5], $0x80, s0, s25, $0xb8;
	[tilespmem:$0x1C200] =	vst v63  }
0x162: {  	s3 =	sor.u32 s13, s3;
	_ =	swait.ge [sflag:s23], $0x4000  }
0x163: {  	s3 =	sshrl.u32 s3, $0x3;
	[sflag:s23] =	ssyncset.done $0x0  }
0x164: {  	s14 =	sadd.s32 s7, s3;
	[sflag:s23] =	ssyncadd.s32 $0xFFFFC000  }
0x165: {  	[tilespmem:s25], [sflag:$0x4] =	stream.linear.gather [hbm4b:s14+s2], $0x80, $0x38;
	[tilespmem:$0x1C200] =	vst v63  }
0x166: {  	s3 =	sadd.s32 s6, s3  }
0x167: {  	[tilespmem:s0], [sflag:$0x4] =	stream.linear.gather [hbm4b:s3+s2], $0x80, $0x38;
	[tilespmem:$0x1C200] =	vst v63  }
0x168: {  	_ =	swait.ge [sflag:s26], $0x80  }
0x169: {  	[sflag:s26] =	ssyncset.done $0x0  }
0x16a: {  	[sflag:s26] =	ssyncadd.s32 $0xFFFFFF80  }
0x16b: {  	_ =	swait.ge [sflag:s26], $0x80  }
0x16c: {  	[sflag:s26] =	ssyncset.done $0x0  }
0x16d: {  	[sflag:s26] =	ssyncadd.s32 $0xFFFFFF80  }
0x16e: {  	[tilespmem:s28], [sflag:$0x2] =	stream.indirect.gather [hbm4b:s4+s25], $0x80, s25, s25, $0xb8;
	[tilespmem:$0x1C200] =	vst v63  }
0x16f: {  	_ =	swait.ge [sflag:s29], $0x4000  }
0x170: {  	[sflag:s29] =	ssyncset.done $0x0  }
.Ltmp8:
0x171: {  	[sflag:s29] =	ssyncadd.s32 $0xFFFFC000;
	(pc) =	sbr.rel .LBB2_10-.Ltmp8, $4  }
0x172: {  	[spmem:s1] =	stream.indirect.scatter.add.f32 [tilespmem:s22], [sflag:$0x5], $0x80, s24, s25, $0xb8;
	[tilespmem:$0x1C200] =	vst v63  }
0x173: {  	_ =	swait.ge [sflag:s23], $0x4000  }
0x174: {  	[sflag:s23] =	ssyncset.done $0x0  }
0x175: {  	s3 =	rddreg [dreg:$0x3];
	[sflag:s23] =	ssyncadd.s32 $0xFFFFC000  }
.LBB2_11:
0x176: {  	_ =	sfence.sel $0x180000  }
0x177: {  	[bflag:$0x0] =	sbarrier.arrive $0xFFFF  }
0x178: {  	_ =	strace $0x90000050  }
0x179: {  	s0 =	stileid.u32;
	[bflag:$0x2] =	sbarrier.arrive $0xFFFF  }
0x17a: {  	p0 =	sne.s32 s0, $0x0;
	s0 =	rddreg [dreg:$0x2]  }
0x17b: {  	s0 =	sadd.s32 @!p0 $0x100000, s0  }
0x17c: {  	[sflag:s0] =	ssyncadd.tile.s32 @!p0 $0x1;
	_ =	shalt  }
.Lfunc_end2:
_tile_overlayer_lowered:
.L_overlay_start_2:
0x17d: {  	(tag) =	ssettag $0x2  }
0x17e: {  	s0 =	rddreg [dreg:$0x0];
	s2 =	stileid.u32  }
0x17f: {  	s1 =	rddreg [dreg:$0x1];
	p0 =	sne.s32 s2, $0x0  }
0x180: {  	s3 =	rddreg [dreg:$0x2];
	[bflag:$0x3] =	sbarrier.arrive $0xFFFF;
	s2 =	simm.s32 @!p0 $0x1C05  }
0x181: {  	[timem:s3], [sflag:s2] =	dma.local @!p0 [hbm:s0], s1  }
0x182: {  	s0 =	simm.s32 @!p0 $0x5  }
0x183: {  	_ =	swait.ge @!p0 [sflag:s0], s1  }
0x184: {  	s1 =	ssub.s32 @!p0 $0x0, s1;
	[sflag:s0] =	ssyncset.done @!p0 $0x0  }
0x185: {  	[sflag:s0] =	ssyncadd.s32 @!p0 s1  }
0x186: {  	[bflag:$0x3] =	sbarrier.arrive $0xFFFF  }
0x187: {  	_ =	shalt  }

</sc_bundles>
